<compile_context>
chip_gen: v7x
topology: tpu7x:2x2x1
jax: 0.10.2.dev20260603
libtpu: 0.0.44.dev20260713+nightly
codegen_flags: <defaults>
</compile_context>

<pallas_src>
import functools

import jax
import jax.numpy as jnp
from jax import lax
from jax.experimental import pallas as pl
from jax.experimental.pallas import tpu as pltpu
from jax.experimental.pallas import tpu_sc as plsc

N = 10000
E = 320000
RP = 10240
DUMMY = N
NC = 2
NT = 16
CH = 128
EPT = E // (NC * NT)
KE = ((EPT + CH - 1) // CH + 7) // 8 * 8
RPT = RP // NT
BN = 1000

_MESH = dict(core_axis_name="c", subcore_axis_name="s", num_cores=NC,
             num_subcores=NT)


def _fill(ref, rows, value):
    width = ref.shape[1]
    vals = jnp.full((16,), value, jnp.float32)

    def body(i, _):
        for j in range(width // 16):
            ref[i, pl.ds(j * 16, 16)] = vals
        return 0

    lax.fori_loop(0, rows, body, 0)



def _deg_body(dst_hbm, out_hbm, acc, dc0, dc1, dc2, dc3, di0, di1, di2, di3):
    c = lax.axis_index("c")
    s = lax.axis_index("s")

    def scoped(dst0, dst1, dst2, dst3, ones_v, zbuf):
        dstb = (dst0, dst1, dst2, dst3)
        sc = (dc0, dc1, dc2, dc3)
        si = (di0, di1, di2, di3)
        _fill(ones_v, CH, 1.0)
        _fill(zbuf, RPT // 8, 0.0)
        for kz in range(8):
            pltpu.sync_copy(zbuf, acc.at[pl.ds(s * RPT + kz * (RPT // 8),
                                               RPT // 8)])
        plsc.subcore_barrier()

        def issue_idx(j, b):
            pltpu.async_copy(dst_hbm.at[c, s, j], dstb[b], si[b])

        def wait_idx(j, b):
            pltpu.make_async_copy(dst_hbm.at[c, s, j], dstb[b], si[b]).wait()

        def issue_scatter(b):
            pltpu.async_copy(ones_v, acc.at[dstb[b]], sc[b], add=True)

        def wait_scatter(b):
            pltpu.make_async_copy(ones_v, acc.at[dstb[b]], sc[b]).wait()

        issue_idx(0, 0)
        issue_idx(1, 1)

        def quad(t, _):
            for bb in range(4):
                j = 4 * t + bb

                @pl.when(j >= 2)
                def _():
                    wait_scatter((bb + 2) % 4)

                wait_idx(j, bb)
                issue_scatter(bb)

                @pl.when(j + 2 < KE)
                def _():
                    issue_idx(j + 2, (bb + 2) % 4)
            return 0

        lax.fori_loop(0, KE // 4, quad, 0)
        for j in range(KE - 2, KE):
            wait_scatter(j % 4)
        plsc.subcore_barrier()
        pltpu.sync_copy(acc.at[pl.ds(s * RPT, RPT)],
                        out_hbm.at[c, pl.ds(s * RPT, RPT)])

    pl.run_scoped(scoped,
                  pltpu.VMEM((CH,), jnp.int32),
                  pltpu.VMEM((CH,), jnp.int32),
                  pltpu.VMEM((CH,), jnp.int32),
                  pltpu.VMEM((CH,), jnp.int32),
                  pltpu.VMEM((CH, 128), jnp.float32),
                  pltpu.VMEM((RPT // 8, 128), jnp.float32))


@functools.cache
def _make_deg():
    return pl.kernel(
        _deg_body,
        out_type=jax.ShapeDtypeStruct((NC, RP, 128), jnp.float32),
        scratch_types=[pltpu.VMEM_SHARED((RP, 128), jnp.float32)]
        + [pltpu.SemaphoreType.DMA] * 8,
        mesh=plsc.VectorSubcoreMesh(**_MESH),
    )


def _prop_body(g_hbm, src_hbm, dst_hbm, out_hbm, acc,
               sg0, sg1, ss0, ss1, sd0, sd1):
    c = lax.axis_index("c")
    s = lax.axis_index("s")

    def scoped(src0, src1, dst0, dst1, rows0, rows1, zbuf):
        _fill(zbuf, RPT // 8, 0.0)
        for kz in range(8):
            pltpu.sync_copy(zbuf, acc.at[pl.ds(s * RPT + kz * (RPT // 8),
                                               RPT // 8)])
        plsc.subcore_barrier()

        srcb = (src0, src1)
        dstb = (dst0, dst1)
        rowsb = (rows0, rows1)
        sg = (sg0, sg1)
        ssrc = (ss0, ss1)
        sdst = (sd0, sd1)

        def issue_idx(j, b):
            pltpu.async_copy(src_hbm.at[c, s, j], srcb[b], ssrc[b])
            pltpu.async_copy(dst_hbm.at[c, s, j], dstb[b], sdst[b])

        def wait_idx(j, b):
            pltpu.make_async_copy(src_hbm.at[c, s, j], srcb[b],
                                  ssrc[b]).wait()
            pltpu.make_async_copy(dst_hbm.at[c, s, j], dstb[b],
                                  sdst[b]).wait()

        def issue_gather(b):
            pltpu.async_copy(g_hbm.at[srcb[b]], rowsb[b], sg[b])

        def wait_gather(b):
            pltpu.make_async_copy(g_hbm.at[srcb[b]], rowsb[b], sg[b]).wait()

        issue_idx(0, 0)
        issue_idx(1, 1)
        wait_idx(0, 0)
        issue_gather(0)

        def pair(t, _):
            for bb in range(2):
                j = 2 * t + bb
                nb = 1 - bb

                @pl.when(j + 1 < KE)
                def _():
                    wait_idx(j + 1, nb)
                    issue_gather(nb)

                wait_gather(bb)
                pltpu.sync_copy(rowsb[bb], acc.at[dstb[bb]], add=True)

                @pl.when(j + 2 < KE)
                def _():
                    issue_idx(j + 2, bb)
            return 0

        lax.fori_loop(0, KE // 2, pair, 0)
        plsc.subcore_barrier()
        pltpu.sync_copy(acc.at[pl.ds(s * RPT, RPT)],
                        out_hbm.at[c, pl.ds(s * RPT, RPT)])

    pl.run_scoped(scoped,
                  pltpu.VMEM((CH,), jnp.int32),
                  pltpu.VMEM((CH,), jnp.int32),
                  pltpu.VMEM((CH,), jnp.int32),
                  pltpu.VMEM((CH,), jnp.int32),
                  pltpu.VMEM((CH, 128), jnp.float32),
                  pltpu.VMEM((CH, 128), jnp.float32),
                  pltpu.VMEM((RPT // 8, 128), jnp.float32))


@functools.cache
def _make_prop():
    return pl.kernel(
        _prop_body,
        out_type=jax.ShapeDtypeStruct((NC, RP, 128), jnp.float32),
        scratch_types=[pltpu.VMEM_SHARED((RP, 128), jnp.float32)]
        + [pltpu.SemaphoreType.DMA] * 6,
        mesh=plsc.VectorSubcoreMesh(**_MESH),
    )



def _m1_body(x_ref, w_ref, dinv_ref, o_ref):
    g = jnp.dot(x_ref[...], w_ref[...], preferred_element_type=jnp.float32)
    o_ref[...] = g * dinv_ref[...]


_m1 = pl.pallas_call(
    _m1_body,
    grid=(N // BN,),
    in_specs=[
        pl.BlockSpec((BN, 128), lambda i: (i, 0)),
        pl.BlockSpec((128, 128), lambda i: (0, 0)),
        pl.BlockSpec((BN, 1), lambda i: (i, 0)),
    ],
    out_specs=pl.BlockSpec((BN, 128), lambda i: (i, 0)),
    out_shape=jax.ShapeDtypeStruct((N, 128), jnp.float32),
)


def _m2_body(s_ref, g_ref, dinv_ref, b_ref, w_ref, o_ref):
    h = (s_ref[0] + s_ref[1] + g_ref[...]) * dinv_ref[...] + b_ref[...]
    t = jnp.maximum(h, 0.0)
    g2 = jnp.dot(t, w_ref[...], preferred_element_type=jnp.float32)
    o_ref[...] = g2 * dinv_ref[...]


_m2 = pl.pallas_call(
    _m2_body,
    grid=(N // BN,),
    in_specs=[
        pl.BlockSpec((NC, BN, 128), lambda i: (0, i, 0)),
        pl.BlockSpec((BN, 128), lambda i: (i, 0)),
        pl.BlockSpec((BN, 1), lambda i: (i, 0)),
        pl.BlockSpec((1, 128), lambda i: (0, 0)),
        pl.BlockSpec((128, 128), lambda i: (0, 0)),
    ],
    out_specs=pl.BlockSpec((BN, 128), lambda i: (i, 0)),
    out_shape=jax.ShapeDtypeStruct((N, 128), jnp.float32),
)


def _m3_body(s_ref, g_ref, dinv_ref, b_ref, o_ref):
    h = (s_ref[0] + s_ref[1] + g_ref[...]) * dinv_ref[...] + b_ref[...]
    o_ref[...] = jnp.maximum(h, 0.0) * dinv_ref[...]


_m3 = pl.pallas_call(
    _m3_body,
    grid=(N // BN,),
    in_specs=[
        pl.BlockSpec((NC, BN, 128), lambda i: (0, i, 0)),
        pl.BlockSpec((BN, 128), lambda i: (i, 0)),
        pl.BlockSpec((BN, 1), lambda i: (i, 0)),
        pl.BlockSpec((1, 128), lambda i: (0, 0)),
    ],
    out_specs=pl.BlockSpec((BN, 128), lambda i: (i, 0)),
    out_shape=jax.ShapeDtypeStruct((N, 128), jnp.float32),
)


def _m4_body(s_ref, g_ref, dinv_ref, b_ref, w_ref, o_ref):
    h = (s_ref[0] + s_ref[1] + g_ref[...]) * dinv_ref[...]
    o_ref[...] = (jnp.dot(h, w_ref[...], preferred_element_type=jnp.float32)
                  + b_ref[...])


_m4 = pl.pallas_call(
    _m4_body,
    grid=(N // BN,),
    in_specs=[
        pl.BlockSpec((NC, BN, 128), lambda i: (0, i, 0)),
        pl.BlockSpec((BN, 128), lambda i: (i, 0)),
        pl.BlockSpec((BN, 1), lambda i: (i, 0)),
        pl.BlockSpec((1, 64), lambda i: (0, 0)),
        pl.BlockSpec((128, 64), lambda i: (0, 0)),
    ],
    out_specs=pl.BlockSpec((BN, 64), lambda i: (i, 0)),
    out_shape=jax.ShapeDtypeStruct((N, 64), jnp.float32),
)



def kernel(x, edge_index, W1, b1, W2, b2, W3, b3):
    src = edge_index[0].astype(jnp.int32)
    dst = edge_index[1].astype(jnp.int32)

    pade = KE * CH - EPT
    srce = jnp.concatenate(
        [src.reshape(NC, NT, EPT),
         jnp.zeros((NC, NT, pade), jnp.int32)], axis=2).reshape(NC, NT, KE, CH)
    dste = jnp.concatenate(
        [dst.reshape(NC, NT, EPT),
         jnp.full((NC, NT, pade), DUMMY, jnp.int32)], axis=2).reshape(
             NC, NT, KE, CH)

    prop = _make_prop()
    degp = _make_deg()(dste)
    deg = degp[0, :N, 0] + degp[1, :N, 0] + 1.0
    dinv = lax.rsqrt(deg).reshape(N, 1)

    g1 = _m1(x, W1, dinv)
    s1 = prop(g1, srce, dste)
    g2 = _m2(s1, g1, dinv, b1.reshape(1, 128), W2)
    s2 = prop(g2, srce, dste)
    g3 = _m3(s2, g2, dinv, b2.reshape(1, 128))
    s3 = prop(g3, srce, dste)
    return _m4(s3, g3, dinv, b3.reshape(1, 64), W3)

# --- scband reference (transcript-rebuilt; emitter-appended) ---
"""Pipeline reference for scband-gcn-31207232372931 (READ-ONLY COPY).

The authoritative reference and input builder live on the scoring server;
editing this copy changes nothing except your own understanding.
"""

import jax, jax.numpy as jnp
import numpy as np

N_NODES = 10000
N_EDGES = 320000
D_FEAT = 128
HIDDEN = 128
N_CLASSES = 64


def gcn_conv(x, edge_index, W, b):
    # Faithful to PyG GCNConv: x' = D^{-1/2} (A + I) D^{-1/2} (X W) + b
    N = x.shape[0]
    src = edge_index[0]
    dst = edge_index[1]
    loop = jnp.arange(N, dtype=src.dtype)
    src = jnp.concatenate([src, loop])
    dst = jnp.concatenate([dst, loop])
    h = x @ W
    deg = jnp.zeros((N,), dtype=h.dtype).at[dst].add(1.0)
    deg_inv_sqrt = jnp.where(deg > 0, jax.lax.rsqrt(deg), 0.0)
    norm = deg_inv_sqrt[src] * deg_inv_sqrt[dst]
    msg = h[src] * norm[:, None]
    out = jnp.zeros_like(h).at[dst].add(msg)
    return out + b


def setup_inputs(seed: int = 0) -> dict:
    key = jax.random.key(seed)
    k_x, k_e, k1, k2, k3 = jax.random.split(key, 5)
    x = jax.random.normal(k_x, (N_NODES, D_FEAT), dtype=jnp.float32)
    edge_index = jax.random.randint(k_e, (2, N_EDGES), 0, N_NODES, dtype=jnp.int64 if jax.config.jax_enable_x64 else jnp.int32)
    s1 = 1.0 / np.sqrt(D_FEAT)
    s2 = 1.0 / np.sqrt(HIDDEN)
    W1 = jax.random.uniform(k1, (D_FEAT, HIDDEN), dtype=jnp.float32, minval=-s1, maxval=s1)
    b1 = jnp.zeros((HIDDEN,), dtype=jnp.float32)
    W2 = jax.random.uniform(k2, (HIDDEN, HIDDEN), dtype=jnp.float32, minval=-s2, maxval=s2)
    b2 = jnp.zeros((HIDDEN,), dtype=jnp.float32)
    W3 = jax.random.uniform(k3, (HIDDEN, N_CLASSES), dtype=jnp.float32, minval=-s2, maxval=s2)
    b3 = jnp.zeros((N_CLASSES,), dtype=jnp.float32)
    return {"x": x, "edge_index": edge_index, "W1": W1, "b1": b1, "W2": W2, "b2": b2, "W3": W3, "b3": b3}


def reference(x, edge_index, W1, b1, W2, b2, W3, b3):
    # dropout(p=0.5) is identity in eval mode
    h = gcn_conv(x, edge_index, W1, b1)
    h = jax.nn.relu(h)
    h = gcn_conv(h, edge_index, W2, b2)
    h = jax.nn.relu(h)
    out = gcn_conv(h, edge_index, W3, b3)
    return out

if __name__ == "__main__":
    import jax
    _d = setup_inputs()
    print(jax.jit(kernel)(*tuple(_d.values())))

</pallas_src>

<mosaic_0001>
#map = affine_map<(d0, d1) -> (0, 0, 0, 0)>
#map1 = affine_map<(d0, d1) -> (0, 0, 0)>
module attributes {stable_mosaic.version = 14 : i64} {
  func.func @_deg_body(%arg0: i32, %arg1: i32, %arg2: memref<2x16x80x128xi32, #tpu.memory_space<hbm>>, %arg3: memref<2x10240x128xf32, #tpu.memory_space<hbm>>, %arg4: memref<10240x128xf32, #tpu.memory_space<vmem_shared>>, %arg5: memref<!tpu.dma_semaphore, #tpu.memory_space<semaphore_mem>>, %arg6: memref<!tpu.dma_semaphore, #tpu.memory_space<semaphore_mem>>, %arg7: memref<!tpu.dma_semaphore, #tpu.memory_space<semaphore_mem>>, %arg8: memref<!tpu.dma_semaphore, #tpu.memory_space<semaphore_mem>>, %arg9: memref<!tpu.dma_semaphore, #tpu.memory_space<semaphore_mem>>, %arg10: memref<!tpu.dma_semaphore, #tpu.memory_space<semaphore_mem>>, %arg11: memref<!tpu.dma_semaphore, #tpu.memory_space<semaphore_mem>>, %arg12: memref<!tpu.dma_semaphore, #tpu.memory_space<semaphore_mem>>) attributes {dimension_semantics = [#tpu.dimension_semantics<core_parallel>, #tpu.dimension_semantics<subcore_parallel>], iteration_bounds = array<i64: 2, 16>, scalar_prefetch = 0 : i64, scratch_operands = 9 : i64, tpu.core_type = #tpu.core_type<sc_vector_subcore>, window_params = [{transform_indices = #map}, {transform_indices = #map1}]} {
    "tpu.region"() ({
      %run_scoped3A = memref.alloca() : memref<128xi32, #tpu.memory_space<vmem>>
      %run_scoped3A_0 = memref.alloca() : memref<128xi32, #tpu.memory_space<vmem>>
      %run_scoped3A_1 = memref.alloca() : memref<128xi32, #tpu.memory_space<vmem>>
      %run_scoped3A_2 = memref.alloca() : memref<128xi32, #tpu.memory_space<vmem>>
      %run_scoped3A_3 = memref.alloca() : memref<128x128xf32, #tpu.memory_space<vmem>>
      %run_scoped3A_4 = memref.alloca() : memref<80x128xf32, #tpu.memory_space<vmem>>
      %broadcast_in_dim3A = arith.constant 1.000000e+00 : f32
      %broadcast_in_dim3A_5 = vector.broadcast %broadcast_in_dim3A : f32 to vector<16xf32>
      %scan3A = arith.constant 0 : i32
      %scan3A_6 = arith.constant 0 : i32
      %scan3A_7 = arith.constant 128 : i32
      %scan3A_8 = arith.addi %scan3A_6, %scan3A_7 : i32
      %scan3A_9 = arith.constant 1 : i32
      %scan3A_10 = scf.for %scan3A_81 = %scan3A_6 to %scan3A_8 step %scan3A_9 iter_args(%scan3A_82 = %scan3A) -> (i32)  : i32 {
        %swap3A = arith.index_cast %scan3A_81 : i32 to index
        %swap3A_83 = arith.constant 0 : index
        %swap3A_84 = tpu.vector_load %run_scoped3A_3[%swap3A, %swap3A_83] {strides = array<i32>} : memref<128x128xf32, #tpu.memory_space<vmem>>, vector<1x16xf32>,
        %swap3A_85 = vector.shape_cast %swap3A_84 : vector<1x16xf32> to vector<16xf32>
        %swap3A_86 = vector.shape_cast %broadcast_in_dim3A_5 : vector<16xf32> to vector<1x16xf32>
        tpu.vector_store %run_scoped3A_3[%swap3A, %swap3A_83], %swap3A_86 {strides = array<i32>} : memref<128x128xf32, #tpu.memory_space<vmem>>, vector<1x16xf32>,
        %swap3A_87 = arith.index_cast %scan3A_81 : i32 to index
        %swap3A_88 = arith.constant 16 : index
        %swap3A_89 = tpu.vector_load %run_scoped3A_3[%swap3A_87, %swap3A_88] {strides = array<i32>} : memref<128x128xf32, #tpu.memory_space<vmem>>, vector<1x16xf32>,
        %swap3A_90 = vector.shape_cast %swap3A_89 : vector<1x16xf32> to vector<16xf32>
        %swap3A_91 = vector.shape_cast %broadcast_in_dim3A_5 : vector<16xf32> to vector<1x16xf32>
        tpu.vector_store %run_scoped3A_3[%swap3A_87, %swap3A_88], %swap3A_91 {strides = array<i32>} : memref<128x128xf32, #tpu.memory_space<vmem>>, vector<1x16xf32>,
        %swap3A_92 = arith.index_cast %scan3A_81 : i32 to index
        %swap3A_93 = arith.constant 32 : index
        %swap3A_94 = tpu.vector_load %run_scoped3A_3[%swap3A_92, %swap3A_93] {strides = array<i32>} : memref<128x128xf32, #tpu.memory_space<vmem>>, vector<1x16xf32>,
        %swap3A_95 = vector.shape_cast %swap3A_94 : vector<1x16xf32> to vector<16xf32>
        %swap3A_96 = vector.shape_cast %broadcast_in_dim3A_5 : vector<16xf32> to vector<1x16xf32>
        tpu.vector_store %run_scoped3A_3[%swap3A_92, %swap3A_93], %swap3A_96 {strides = array<i32>} : memref<128x128xf32, #tpu.memory_space<vmem>>, vector<1x16xf32>,
        %swap3A_97 = arith.index_cast %scan3A_81 : i32 to index
        %swap3A_98 = arith.constant 48 : index
        %swap3A_99 = tpu.vector_load %run_scoped3A_3[%swap3A_97, %swap3A_98] {strides = array<i32>} : memref<128x128xf32, #tpu.memory_space<vmem>>, vector<1x16xf32>,
        %swap3A_100 = vector.shape_cast %swap3A_99 : vector<1x16xf32> to vector<16xf32>
        %swap3A_101 = vector.shape_cast %broadcast_in_dim3A_5 : vector<16xf32> to vector<1x16xf32>
        tpu.vector_store %run_scoped3A_3[%swap3A_97, %swap3A_98], %swap3A_101 {strides = array<i32>} : memref<128x128xf32, #tpu.memory_space<vmem>>, vector<1x16xf32>,
        %swap3A_102 = arith.index_cast %scan3A_81 : i32 to index
        %swap3A_103 = arith.constant 64 : index
        %swap3A_104 = tpu.vector_load %run_scoped3A_3[%swap3A_102, %swap3A_103] {strides = array<i32>} : memref<128x128xf32, #tpu.memory_space<vmem>>, vector<1x16xf32>,
        %swap3A_105 = vector.shape_cast %swap3A_104 : vector<1x16xf32> to vector<16xf32>
        %swap3A_106 = vector.shape_cast %broadcast_in_dim3A_5 : vector<16xf32> to vector<1x16xf32>
        tpu.vector_store %run_scoped3A_3[%swap3A_102, %swap3A_103], %swap3A_106 {strides = array<i32>} : memref<128x128xf32, #tpu.memory_space<vmem>>, vector<1x16xf32>,
        %swap3A_107 = arith.index_cast %scan3A_81 : i32 to index
        %swap3A_108 = arith.constant 80 : index
        %swap3A_109 = tpu.vector_load %run_scoped3A_3[%swap3A_107, %swap3A_108] {strides = array<i32>} : memref<128x128xf32, #tpu.memory_space<vmem>>, vector<1x16xf32>,
        %swap3A_110 = vector.shape_cast %swap3A_109 : vector<1x16xf32> to vector<16xf32>
        %swap3A_111 = vector.shape_cast %broadcast_in_dim3A_5 : vector<16xf32> to vector<1x16xf32>
        tpu.vector_store %run_scoped3A_3[%swap3A_107, %swap3A_108], %swap3A_111 {strides = array<i32>} : memref<128x128xf32, #tpu.memory_space<vmem>>, vector<1x16xf32>,
        %swap3A_112 = arith.index_cast %scan3A_81 : i32 to index
        %swap3A_113 = arith.constant 96 : index
        %swap3A_114 = tpu.vector_load %run_scoped3A_3[%swap3A_112, %swap3A_113] {strides = array<i32>} : memref<128x128xf32, #tpu.memory_space<vmem>>, vector<1x16xf32>,
        %swap3A_115 = vector.shape_cast %swap3A_114 : vector<1x16xf32> to vector<16xf32>
        %swap3A_116 = vector.shape_cast %broadcast_in_dim3A_5 : vector<16xf32> to vector<1x16xf32>
        tpu.vector_store %run_scoped3A_3[%swap3A_112, %swap3A_113], %swap3A_116 {strides = array<i32>} : memref<128x128xf32, #tpu.memory_space<vmem>>, vector<1x16xf32>,
        %swap3A_117 = arith.index_cast %scan3A_81 : i32 to index
        %swap3A_118 = arith.constant 112 : index
        %swap3A_119 = tpu.vector_load %run_scoped3A_3[%swap3A_117, %swap3A_118] {strides = array<i32>} : memref<128x128xf32, #tpu.memory_space<vmem>>, vector<1x16xf32>,
        %swap3A_120 = vector.shape_cast %swap3A_119 : vector<1x16xf32> to vector<16xf32>
        %swap3A_121 = vector.shape_cast %broadcast_in_dim3A_5 : vector<16xf32> to vector<1x16xf32>
        tpu.vector_store %run_scoped3A_3[%swap3A_117, %swap3A_118], %swap3A_121 {strides = array<i32>} : memref<128x128xf32, #tpu.memory_space<vmem>>, vector<1x16xf32>,
        %scan3A_122 = arith.constant 0 : i32
        scf.yield %scan3A_122 : i32
      }
      %scan3A_11 = arith.constant 128 : i32
      %broadcast_in_dim3A_12 = arith.constant 0.000000e+00 : f32
      %broadcast_in_dim3A_13 = vector.broadcast %broadcast_in_dim3A_12 : f32 to vector<16xf32>
      %scan3A_14 = arith.constant 0 : i32
      %scan3A_15 = arith.constant 0 : i32
      %scan3A_16 = arith.constant 80 : i32
      %scan3A_17 = arith.addi %scan3A_15, %scan3A_16 : i32
      %scan3A_18 = arith.constant 1 : i32
      %scan3A_19 = scf.for %scan3A_81 = %scan3A_15 to %scan3A_17 step %scan3A_18 iter_args(%scan3A_82 = %scan3A_14) -> (i32)  : i32 {
        %swap3A = arith.index_cast %scan3A_81 : i32 to index
        %swap3A_83 = arith.constant 0 : index
        %swap3A_84 = tpu.vector_load %run_scoped3A_4[%swap3A, %swap3A_83] {strides = array<i32>} : memref<80x128xf32, #tpu.memory_space<vmem>>, vector<1x16xf32>,
        %swap3A_85 = vector.shape_cast %swap3A_84 : vector<1x16xf32> to vector<16xf32>
        %swap3A_86 = vector.shape_cast %broadcast_in_dim3A_13 : vector<16xf32> to vector<1x16xf32>
        tpu.vector_store %run_scoped3A_4[%swap3A, %swap3A_83], %swap3A_86 {strides = array<i32>} : memref<80x128xf32, #tpu.memory_space<vmem>>, vector<1x16xf32>,
        %swap3A_87 = arith.index_cast %scan3A_81 : i32 to index
        %swap3A_88 = arith.constant 16 : index
        %swap3A_89 = tpu.vector_load %run_scoped3A_4[%swap3A_87, %swap3A_88] {strides = array<i32>} : memref<80x128xf32, #tpu.memory_space<vmem>>, vector<1x16xf32>,
        %swap3A_90 = vector.shape_cast %swap3A_89 : vector<1x16xf32> to vector<16xf32>
        %swap3A_91 = vector.shape_cast %broadcast_in_dim3A_13 : vector<16xf32> to vector<1x16xf32>
        tpu.vector_store %run_scoped3A_4[%swap3A_87, %swap3A_88], %swap3A_91 {strides = array<i32>} : memref<80x128xf32, #tpu.memory_space<vmem>>, vector<1x16xf32>,
        %swap3A_92 = arith.index_cast %scan3A_81 : i32 to index
        %swap3A_93 = arith.constant 32 : index
        %swap3A_94 = tpu.vector_load %run_scoped3A_4[%swap3A_92, %swap3A_93] {strides = array<i32>} : memref<80x128xf32, #tpu.memory_space<vmem>>, vector<1x16xf32>,
        %swap3A_95 = vector.shape_cast %swap3A_94 : vector<1x16xf32> to vector<16xf32>
        %swap3A_96 = vector.shape_cast %broadcast_in_dim3A_13 : vector<16xf32> to vector<1x16xf32>
        tpu.vector_store %run_scoped3A_4[%swap3A_92, %swap3A_93], %swap3A_96 {strides = array<i32>} : memref<80x128xf32, #tpu.memory_space<vmem>>, vector<1x16xf32>,
        %swap3A_97 = arith.index_cast %scan3A_81 : i32 to index
        %swap3A_98 = arith.constant 48 : index
        %swap3A_99 = tpu.vector_load %run_scoped3A_4[%swap3A_97, %swap3A_98] {strides = array<i32>} : memref<80x128xf32, #tpu.memory_space<vmem>>, vector<1x16xf32>,
        %swap3A_100 = vector.shape_cast %swap3A_99 : vector<1x16xf32> to vector<16xf32>
        %swap3A_101 = vector.shape_cast %broadcast_in_dim3A_13 : vector<16xf32> to vector<1x16xf32>
        tpu.vector_store %run_scoped3A_4[%swap3A_97, %swap3A_98], %swap3A_101 {strides = array<i32>} : memref<80x128xf32, #tpu.memory_space<vmem>>, vector<1x16xf32>,
        %swap3A_102 = arith.index_cast %scan3A_81 : i32 to index
        %swap3A_103 = arith.constant 64 : index
        %swap3A_104 = tpu.vector_load %run_scoped3A_4[%swap3A_102, %swap3A_103] {strides = array<i32>} : memref<80x128xf32, #tpu.memory_space<vmem>>, vector<1x16xf32>,
        %swap3A_105 = vector.shape_cast %swap3A_104 : vector<1x16xf32> to vector<16xf32>
        %swap3A_106 = vector.shape_cast %broadcast_in_dim3A_13 : vector<16xf32> to vector<1x16xf32>
        tpu.vector_store %run_scoped3A_4[%swap3A_102, %swap3A_103], %swap3A_106 {strides = array<i32>} : memref<80x128xf32, #tpu.memory_space<vmem>>, vector<1x16xf32>,
        %swap3A_107 = arith.index_cast %scan3A_81 : i32 to index
        %swap3A_108 = arith.constant 80 : index
        %swap3A_109 = tpu.vector_load %run_scoped3A_4[%swap3A_107, %swap3A_108] {strides = array<i32>} : memref<80x128xf32, #tpu.memory_space<vmem>>, vector<1x16xf32>,
        %swap3A_110 = vector.shape_cast %swap3A_109 : vector<1x16xf32> to vector<16xf32>
        %swap3A_111 = vector.shape_cast %broadcast_in_dim3A_13 : vector<16xf32> to vector<1x16xf32>
        tpu.vector_store %run_scoped3A_4[%swap3A_107, %swap3A_108], %swap3A_111 {strides = array<i32>} : memref<80x128xf32, #tpu.memory_space<vmem>>, vector<1x16xf32>,
        %swap3A_112 = arith.index_cast %scan3A_81 : i32 to index
        %swap3A_113 = arith.constant 96 : index
        %swap3A_114 = tpu.vector_load %run_scoped3A_4[%swap3A_112, %swap3A_113] {strides = array<i32>} : memref<80x128xf32, #tpu.memory_space<vmem>>, vector<1x16xf32>,
        %swap3A_115 = vector.shape_cast %swap3A_114 : vector<1x16xf32> to vector<16xf32>
        %swap3A_116 = vector.shape_cast %broadcast_in_dim3A_13 : vector<16xf32> to vector<1x16xf32>
        tpu.vector_store %run_scoped3A_4[%swap3A_112, %swap3A_113], %swap3A_116 {strides = array<i32>} : memref<80x128xf32, #tpu.memory_space<vmem>>, vector<1x16xf32>,
        %swap3A_117 = arith.index_cast %scan3A_81 : i32 to index
        %swap3A_118 = arith.constant 112 : index
        %swap3A_119 = tpu.vector_load %run_scoped3A_4[%swap3A_117, %swap3A_118] {strides = array<i32>} : memref<80x128xf32, #tpu.memory_space<vmem>>, vector<1x16xf32>,
        %swap3A_120 = vector.shape_cast %swap3A_119 : vector<1x16xf32> to vector<16xf32>
        %swap3A_121 = vector.shape_cast %broadcast_in_dim3A_13 : vector<16xf32> to vector<1x16xf32>
        tpu.vector_store %run_scoped3A_4[%swap3A_117, %swap3A_118], %swap3A_121 {strides = array<i32>} : memref<80x128xf32, #tpu.memory_space<vmem>>, vector<1x16xf32>,
        %scan3A_122 = arith.constant 0 : i32
        scf.yield %scan3A_122 : i32
      }
      %scan3A_20 = arith.constant 80 : i32
      %mul3A = arith.constant 640 : i32
      %mul3A_21 = arith.muli %arg1, %mul3A : i32
      %add3A = arith.constant 0 : i32
      %add3A_22 = arith.addi %mul3A_21, %add3A : i32
      "tpu.region"() ({
        %run_scoped3A_81 = tpu.sem_alloc : memref<!tpu.dma_semaphore, #tpu.memory_space<semaphore_mem>>
        %dma_start3A_82 = arith.constant 0 : i32
        %dma_start3A_83 = tpu.memref_slice %arg4[%add3A_22, %dma_start3A_82] : memref<10240x128xf32, #tpu.memory_space<vmem_shared>> -> memref<80x128xf32, #tpu.memory_space<vmem_shared>>
        %dma_start3A_84 = arith.constant 0 : i32
        %dma_start3A_85 = tpu.memref_slice %arg4[%add3A_22, %dma_start3A_84] : memref<10240x128xf32, #tpu.memory_space<vmem_shared>> -> memref<80x128xf32, #tpu.memory_space<vmem_shared>>
        tpu.enqueue_dma source(%run_scoped3A_4 : memref<80x128xf32, #tpu.memory_space<vmem>>) target(%dma_start3A_85 : memref<80x128xf32, #tpu.memory_space<vmem_shared>>) target_semaphore(%run_scoped3A_81 : memref<!tpu.dma_semaphore, #tpu.memory_space<semaphore_mem>>)
        %dma_wait3A_86 = arith.constant 0 : i32
        %dma_wait3A_87 = tpu.memref_slice %arg4[%add3A_22, %dma_wait3A_86] : memref<10240x128xf32, #tpu.memory_space<vmem_shared>> -> memref<80x128xf32, #tpu.memory_space<vmem_shared>>
        %dma_wait3A_88 = arith.constant 0 : i32
        %dma_wait3A_89 = tpu.memref_slice %arg4[%add3A_22, %dma_wait3A_88] : memref<10240x128xf32, #tpu.memory_space<vmem_shared>> -> memref<80x128xf32, #tpu.memory_space<vmem_shared>>
        tpu.wait_dma2 semaphore(%run_scoped3A_81 : memref<!tpu.dma_semaphore, #tpu.memory_space<semaphore_mem>>) src(%run_scoped3A_4 : memref<80x128xf32, #tpu.memory_space<vmem>>) dst(%dma_wait3A_89 : memref<80x128xf32, #tpu.memory_space<vmem_shared>>)
        tpu.yield
      }) : () -> ()
      %mul3A_23 = arith.constant 640 : i32
      %mul3A_24 = arith.muli %arg1, %mul3A_23 : i32
      %add3A_25 = arith.constant 80 : i32
      %add3A_26 = arith.addi %mul3A_24, %add3A_25 : i32
      "tpu.region"() ({
        %run_scoped3A_81 = tpu.sem_alloc : memref<!tpu.dma_semaphore, #tpu.memory_space<semaphore_mem>>
        %dma_start3A_82 = arith.constant 0 : i32
        %dma_start3A_83 = tpu.memref_slice %arg4[%add3A_26, %dma_start3A_82] : memref<10240x128xf32, #tpu.memory_space<vmem_shared>> -> memref<80x128xf32, #tpu.memory_space<vmem_shared>>
        %dma_start3A_84 = arith.constant 0 : i32
        %dma_start3A_85 = tpu.memref_slice %arg4[%add3A_26, %dma_start3A_84] : memref<10240x128xf32, #tpu.memory_space<vmem_shared>> -> memref<80x128xf32, #tpu.memory_space<vmem_shared>>
        tpu.enqueue_dma source(%run_scoped3A_4 : memref<80x128xf32, #tpu.memory_space<vmem>>) target(%dma_start3A_85 : memref<80x128xf32, #tpu.memory_space<vmem_shared>>) target_semaphore(%run_scoped3A_81 : memref<!tpu.dma_semaphore, #tpu.memory_space<semaphore_mem>>)
        %dma_wait3A_86 = arith.constant 0 : i32
        %dma_wait3A_87 = tpu.memref_slice %arg4[%add3A_26, %dma_wait3A_86] : memref<10240x128xf32, #tpu.memory_space<vmem_shared>> -> memref<80x128xf32, #tpu.memory_space<vmem_shared>>
        %dma_wait3A_88 = arith.constant 0 : i32
        %dma_wait3A_89 = tpu.memref_slice %arg4[%add3A_26, %dma_wait3A_88] : memref<10240x128xf32, #tpu.memory_space<vmem_shared>> -> memref<80x128xf32, #tpu.memory_space<vmem_shared>>
        tpu.wait_dma2 semaphore(%run_scoped3A_81 : memref<!tpu.dma_semaphore, #tpu.memory_space<semaphore_mem>>) src(%run_scoped3A_4 : memref<80x128xf32, #tpu.memory_space<vmem>>) dst(%dma_wait3A_89 : memref<80x128xf32, #tpu.memory_space<vmem_shared>>)
        tpu.yield
      }) : () -> ()
      %mul3A_27 = arith.constant 640 : i32
      %mul3A_28 = arith.muli %arg1, %mul3A_27 : i32
      %add3A_29 = arith.constant 160 : i32
      %add3A_30 = arith.addi %mul3A_28, %add3A_29 : i32
      "tpu.region"() ({
        %run_scoped3A_81 = tpu.sem_alloc : memref<!tpu.dma_semaphore, #tpu.memory_space<semaphore_mem>>
        %dma_start3A_82 = arith.constant 0 : i32
        %dma_start3A_83 = tpu.memref_slice %arg4[%add3A_30, %dma_start3A_82] : memref<10240x128xf32, #tpu.memory_space<vmem_shared>> -> memref<80x128xf32, #tpu.memory_space<vmem_shared>>
        %dma_start3A_84 = arith.constant 0 : i32
        %dma_start3A_85 = tpu.memref_slice %arg4[%add3A_30, %dma_start3A_84] : memref<10240x128xf32, #tpu.memory_space<vmem_shared>> -> memref<80x128xf32, #tpu.memory_space<vmem_shared>>
        tpu.enqueue_dma source(%run_scoped3A_4 : memref<80x128xf32, #tpu.memory_space<vmem>>) target(%dma_start3A_85 : memref<80x128xf32, #tpu.memory_space<vmem_shared>>) target_semaphore(%run_scoped3A_81 : memref<!tpu.dma_semaphore, #tpu.memory_space<semaphore_mem>>)
        %dma_wait3A_86 = arith.constant 0 : i32
        %dma_wait3A_87 = tpu.memref_slice %arg4[%add3A_30, %dma_wait3A_86] : memref<10240x128xf32, #tpu.memory_space<vmem_shared>> -> memref<80x128xf32, #tpu.memory_space<vmem_shared>>
        %dma_wait3A_88 = arith.constant 0 : i32
        %dma_wait3A_89 = tpu.memref_slice %arg4[%add3A_30, %dma_wait3A_88] : memref<10240x128xf32, #tpu.memory_space<vmem_shared>> -> memref<80x128xf32, #tpu.memory_space<vmem_shared>>
        tpu.wait_dma2 semaphore(%run_scoped3A_81 : memref<!tpu.dma_semaphore, #tpu.memory_space<semaphore_mem>>) src(%run_scoped3A_4 : memref<80x128xf32, #tpu.memory_space<vmem>>) dst(%dma_wait3A_89 : memref<80x128xf32, #tpu.memory_space<vmem_shared>>)
        tpu.yield
      }) : () -> ()
      %mul3A_31 = arith.constant 640 : i32
      %mul3A_32 = arith.muli %arg1, %mul3A_31 : i32
      %add3A_33 = arith.constant 240 : i32
      %add3A_34 = arith.addi %mul3A_32, %add3A_33 : i32
      "tpu.region"() ({
        %run_scoped3A_81 = tpu.sem_alloc : memref<!tpu.dma_semaphore, #tpu.memory_space<semaphore_mem>>
        %dma_start3A_82 = arith.constant 0 : i32
        %dma_start3A_83 = tpu.memref_slice %arg4[%add3A_34, %dma_start3A_82] : memref<10240x128xf32, #tpu.memory_space<vmem_shared>> -> memref<80x128xf32, #tpu.memory_space<vmem_shared>>
        %dma_start3A_84 = arith.constant 0 : i32
        %dma_start3A_85 = tpu.memref_slice %arg4[%add3A_34, %dma_start3A_84] : memref<10240x128xf32, #tpu.memory_space<vmem_shared>> -> memref<80x128xf32, #tpu.memory_space<vmem_shared>>
        tpu.enqueue_dma source(%run_scoped3A_4 : memref<80x128xf32, #tpu.memory_space<vmem>>) target(%dma_start3A_85 : memref<80x128xf32, #tpu.memory_space<vmem_shared>>) target_semaphore(%run_scoped3A_81 : memref<!tpu.dma_semaphore, #tpu.memory_space<semaphore_mem>>)
        %dma_wait3A_86 = arith.constant 0 : i32
        %dma_wait3A_87 = tpu.memref_slice %arg4[%add3A_34, %dma_wait3A_86] : memref<10240x128xf32, #tpu.memory_space<vmem_shared>> -> memref<80x128xf32, #tpu.memory_space<vmem_shared>>
        %dma_wait3A_88 = arith.constant 0 : i32
        %dma_wait3A_89 = tpu.memref_slice %arg4[%add3A_34, %dma_wait3A_88] : memref<10240x128xf32, #tpu.memory_space<vmem_shared>> -> memref<80x128xf32, #tpu.memory_space<vmem_shared>>
        tpu.wait_dma2 semaphore(%run_scoped3A_81 : memref<!tpu.dma_semaphore, #tpu.memory_space<semaphore_mem>>) src(%run_scoped3A_4 : memref<80x128xf32, #tpu.memory_space<vmem>>) dst(%dma_wait3A_89 : memref<80x128xf32, #tpu.memory_space<vmem_shared>>)
        tpu.yield
      }) : () -> ()
      %mul3A_35 = arith.constant 640 : i32
      %mul3A_36 = arith.muli %arg1, %mul3A_35 : i32
      %add3A_37 = arith.constant 320 : i32
      %add3A_38 = arith.addi %mul3A_36, %add3A_37 : i32
      "tpu.region"() ({
        %run_scoped3A_81 = tpu.sem_alloc : memref<!tpu.dma_semaphore, #tpu.memory_space<semaphore_mem>>
        %dma_start3A_82 = arith.constant 0 : i32
        %dma_start3A_83 = tpu.memref_slice %arg4[%add3A_38, %dma_start3A_82] : memref<10240x128xf32, #tpu.memory_space<vmem_shared>> -> memref<80x128xf32, #tpu.memory_space<vmem_shared>>
        %dma_start3A_84 = arith.constant 0 : i32
        %dma_start3A_85 = tpu.memref_slice %arg4[%add3A_38, %dma_start3A_84] : memref<10240x128xf32, #tpu.memory_space<vmem_shared>> -> memref<80x128xf32, #tpu.memory_space<vmem_shared>>
        tpu.enqueue_dma source(%run_scoped3A_4 : memref<80x128xf32, #tpu.memory_space<vmem>>) target(%dma_start3A_85 : memref<80x128xf32, #tpu.memory_space<vmem_shared>>) target_semaphore(%run_scoped3A_81 : memref<!tpu.dma_semaphore, #tpu.memory_space<semaphore_mem>>)
        %dma_wait3A_86 = arith.constant 0 : i32
        %dma_wait3A_87 = tpu.memref_slice %arg4[%add3A_38, %dma_wait3A_86] : memref<10240x128xf32, #tpu.memory_space<vmem_shared>> -> memref<80x128xf32, #tpu.memory_space<vmem_shared>>
        %dma_wait3A_88 = arith.constant 0 : i32
        %dma_wait3A_89 = tpu.memref_slice %arg4[%add3A_38, %dma_wait3A_88] : memref<10240x128xf32, #tpu.memory_space<vmem_shared>> -> memref<80x128xf32, #tpu.memory_space<vmem_shared>>
        tpu.wait_dma2 semaphore(%run_scoped3A_81 : memref<!tpu.dma_semaphore, #tpu.memory_space<semaphore_mem>>) src(%run_scoped3A_4 : memref<80x128xf32, #tpu.memory_space<vmem>>) dst(%dma_wait3A_89 : memref<80x128xf32, #tpu.memory_space<vmem_shared>>)
        tpu.yield
      }) : () -> ()
      %mul3A_39 = arith.constant 640 : i32
      %mul3A_40 = arith.muli %arg1, %mul3A_39 : i32
      %add3A_41 = arith.constant 400 : i32
      %add3A_42 = arith.addi %mul3A_40, %add3A_41 : i32
      "tpu.region"() ({
        %run_scoped3A_81 = tpu.sem_alloc : memref<!tpu.dma_semaphore, #tpu.memory_space<semaphore_mem>>
        %dma_start3A_82 = arith.constant 0 : i32
        %dma_start3A_83 = tpu.memref_slice %arg4[%add3A_42, %dma_start3A_82] : memref<10240x128xf32, #tpu.memory_space<vmem_shared>> -> memref<80x128xf32, #tpu.memory_space<vmem_shared>>
        %dma_start3A_84 = arith.constant 0 : i32
        %dma_start3A_85 = tpu.memref_slice %arg4[%add3A_42, %dma_start3A_84] : memref<10240x128xf32, #tpu.memory_space<vmem_shared>> -> memref<80x128xf32, #tpu.memory_space<vmem_shared>>
        tpu.enqueue_dma source(%run_scoped3A_4 : memref<80x128xf32, #tpu.memory_space<vmem>>) target(%dma_start3A_85 : memref<80x128xf32, #tpu.memory_space<vmem_shared>>) target_semaphore(%run_scoped3A_81 : memref<!tpu.dma_semaphore, #tpu.memory_space<semaphore_mem>>)
        %dma_wait3A_86 = arith.constant 0 : i32
        %dma_wait3A_87 = tpu.memref_slice %arg4[%add3A_42, %dma_wait3A_86] : memref<10240x128xf32, #tpu.memory_space<vmem_shared>> -> memref<80x128xf32, #tpu.memory_space<vmem_shared>>
        %dma_wait3A_88 = arith.constant 0 : i32
        %dma_wait3A_89 = tpu.memref_slice %arg4[%add3A_42, %dma_wait3A_88] : memref<10240x128xf32, #tpu.memory_space<vmem_shared>> -> memref<80x128xf32, #tpu.memory_space<vmem_shared>>
        tpu.wait_dma2 semaphore(%run_scoped3A_81 : memref<!tpu.dma_semaphore, #tpu.memory_space<semaphore_mem>>) src(%run_scoped3A_4 : memref<80x128xf32, #tpu.memory_space<vmem>>) dst(%dma_wait3A_89 : memref<80x128xf32, #tpu.memory_space<vmem_shared>>)
        tpu.yield
      }) : () -> ()
      %mul3A_43 = arith.constant 640 : i32
      %mul3A_44 = arith.muli %arg1, %mul3A_43 : i32
      %add3A_45 = arith.constant 480 : i32
      %add3A_46 = arith.addi %mul3A_44, %add3A_45 : i32
      "tpu.region"() ({
        %run_scoped3A_81 = tpu.sem_alloc : memref<!tpu.dma_semaphore, #tpu.memory_space<semaphore_mem>>
        %dma_start3A_82 = arith.constant 0 : i32
        %dma_start3A_83 = tpu.memref_slice %arg4[%add3A_46, %dma_start3A_82] : memref<10240x128xf32, #tpu.memory_space<vmem_shared>> -> memref<80x128xf32, #tpu.memory_space<vmem_shared>>
        %dma_start3A_84 = arith.constant 0 : i32
        %dma_start3A_85 = tpu.memref_slice %arg4[%add3A_46, %dma_start3A_84] : memref<10240x128xf32, #tpu.memory_space<vmem_shared>> -> memref<80x128xf32, #tpu.memory_space<vmem_shared>>
        tpu.enqueue_dma source(%run_scoped3A_4 : memref<80x128xf32, #tpu.memory_space<vmem>>) target(%dma_start3A_85 : memref<80x128xf32, #tpu.memory_space<vmem_shared>>) target_semaphore(%run_scoped3A_81 : memref<!tpu.dma_semaphore, #tpu.memory_space<semaphore_mem>>)
        %dma_wait3A_86 = arith.constant 0 : i32
        %dma_wait3A_87 = tpu.memref_slice %arg4[%add3A_46, %dma_wait3A_86] : memref<10240x128xf32, #tpu.memory_space<vmem_shared>> -> memref<80x128xf32, #tpu.memory_space<vmem_shared>>
        %dma_wait3A_88 = arith.constant 0 : i32
        %dma_wait3A_89 = tpu.memref_slice %arg4[%add3A_46, %dma_wait3A_88] : memref<10240x128xf32, #tpu.memory_space<vmem_shared>> -> memref<80x128xf32, #tpu.memory_space<vmem_shared>>
        tpu.wait_dma2 semaphore(%run_scoped3A_81 : memref<!tpu.dma_semaphore, #tpu.memory_space<semaphore_mem>>) src(%run_scoped3A_4 : memref<80x128xf32, #tpu.memory_space<vmem>>) dst(%dma_wait3A_89 : memref<80x128xf32, #tpu.memory_space<vmem_shared>>)
        tpu.yield
      }) : () -> ()
      %mul3A_47 = arith.constant 640 : i32
      %mul3A_48 = arith.muli %arg1, %mul3A_47 : i32
      %add3A_49 = arith.constant 560 : i32
      %add3A_50 = arith.addi %mul3A_48, %add3A_49 : i32
      "tpu.region"() ({
        %run_scoped3A_81 = tpu.sem_alloc : memref<!tpu.dma_semaphore, #tpu.memory_space<semaphore_mem>>
        %dma_start3A_82 = arith.constant 0 : i32
        %dma_start3A_83 = tpu.memref_slice %arg4[%add3A_50, %dma_start3A_82] : memref<10240x128xf32, #tpu.memory_space<vmem_shared>> -> memref<80x128xf32, #tpu.memory_space<vmem_shared>>
        %dma_start3A_84 = arith.constant 0 : i32
        %dma_start3A_85 = tpu.memref_slice %arg4[%add3A_50, %dma_start3A_84] : memref<10240x128xf32, #tpu.memory_space<vmem_shared>> -> memref<80x128xf32, #tpu.memory_space<vmem_shared>>
        tpu.enqueue_dma source(%run_scoped3A_4 : memref<80x128xf32, #tpu.memory_space<vmem>>) target(%dma_start3A_85 : memref<80x128xf32, #tpu.memory_space<vmem_shared>>) target_semaphore(%run_scoped3A_81 : memref<!tpu.dma_semaphore, #tpu.memory_space<semaphore_mem>>)
        %dma_wait3A_86 = arith.constant 0 : i32
        %dma_wait3A_87 = tpu.memref_slice %arg4[%add3A_50, %dma_wait3A_86] : memref<10240x128xf32, #tpu.memory_space<vmem_shared>> -> memref<80x128xf32, #tpu.memory_space<vmem_shared>>
        %dma_wait3A_88 = arith.constant 0 : i32
        %dma_wait3A_89 = tpu.memref_slice %arg4[%add3A_50, %dma_wait3A_88] : memref<10240x128xf32, #tpu.memory_space<vmem_shared>> -> memref<80x128xf32, #tpu.memory_space<vmem_shared>>
        tpu.wait_dma2 semaphore(%run_scoped3A_81 : memref<!tpu.dma_semaphore, #tpu.memory_space<semaphore_mem>>) src(%run_scoped3A_4 : memref<80x128xf32, #tpu.memory_space<vmem>>) dst(%dma_wait3A_89 : memref<80x128xf32, #tpu.memory_space<vmem_shared>>)
        tpu.yield
      }) : () -> ()
      %barrier3A = arith.constant 0 : index
      tpu.barrier barrier_id(%barrier3A)
      %dma_start3A = arith.constant 0 : i32
      %dma_start3A_51 = arith.constant 0 : i32
      %dma_start3A_52 = tpu.memref_slice %arg2[%arg0, %arg1, %dma_start3A, %dma_start3A_51] : memref<2x16x80x128xi32, #tpu.memory_space<hbm>> -> memref<1x1x1x128xi32, #tpu.memory_space<hbm>>
      %dma_start3A_53 = tpu.memref_squeeze %dma_start3A_52 : memref<1x1x1x128xi32, #tpu.memory_space<hbm>> -> memref<128xi32, #tpu.memory_space<hbm>>
      %dma_start3A_54 = arith.constant 0 : i32
      %dma_start3A_55 = tpu.memref_slice %arg2[%arg0, %arg1, %dma_start3A, %dma_start3A_54] : memref<2x16x80x128xi32, #tpu.memory_space<hbm>> -> memref<1x1x1x128xi32, #tpu.memory_space<hbm>>
      %dma_start3A_56 = tpu.memref_squeeze %dma_start3A_55 : memref<1x1x1x128xi32, #tpu.memory_space<hbm>> -> memref<128xi32, #tpu.memory_space<hbm>>
      tpu.enqueue_dma source(%dma_start3A_56 : memref<128xi32, #tpu.memory_space<hbm>>) target(%run_scoped3A : memref<128xi32, #tpu.memory_space<vmem>>) target_semaphore(%arg9 : memref<!tpu.dma_semaphore, #tpu.memory_space<semaphore_mem>>)
      %dma_start3A_57 = arith.constant 1 : i32
      %dma_start3A_58 = arith.constant 0 : i32
      %dma_start3A_59 = tpu.memref_slice %arg2[%arg0, %arg1, %dma_start3A_57, %dma_start3A_58] : memref<2x16x80x128xi32, #tpu.memory_space<hbm>> -> memref<1x1x1x128xi32, #tpu.memory_space<hbm>>
      %dma_start3A_60 = tpu.memref_squeeze %dma_start3A_59 : memref<1x1x1x128xi32, #tpu.memory_space<hbm>> -> memref<128xi32, #tpu.memory_space<hbm>>
      %dma_start3A_61 = arith.constant 0 : i32
      %dma_start3A_62 = tpu.memref_slice %arg2[%arg0, %arg1, %dma_start3A_57, %dma_start3A_61] : memref<2x16x80x128xi32, #tpu.memory_space<hbm>> -> memref<1x1x1x128xi32, #tpu.memory_space<hbm>>
      %dma_start3A_63 = tpu.memref_squeeze %dma_start3A_62 : memref<1x1x1x128xi32, #tpu.memory_space<hbm>> -> memref<128xi32, #tpu.memory_space<hbm>>
      tpu.enqueue_dma source(%dma_start3A_63 : memref<128xi32, #tpu.memory_space<hbm>>) target(%run_scoped3A_0 : memref<128xi32, #tpu.memory_space<vmem>>) target_semaphore(%arg10 : memref<!tpu.dma_semaphore, #tpu.memory_space<semaphore_mem>>)
      %scan3A_64 = arith.constant 0 : i32
      %scan3A_65 = arith.constant 0 : i32
      %scan3A_66 = arith.constant 20 : i32
      %scan3A_67 = arith.addi %scan3A_65, %scan3A_66 : i32
      %scan3A_68 = arith.constant 1 : i32
      %scan3A_69 = scf.for %scan3A_81 = %scan3A_65 to %scan3A_67 step %scan3A_68 iter_args(%scan3A_82 = %scan3A_64) -> (i32)  : i32 {
        %mul3A_83 = arith.constant 4 : i32
        %mul3A_84 = arith.muli %mul3A_83, %scan3A_81 : i32
        %add3A_85 = arith.constant 0 : i32
        %add3A_86 = arith.addi %mul3A_84, %add3A_85 : i32
        %ge3A = arith.constant 2 : i32
        %ge3A_87 = arith.cmpi sge, %add3A_86, %ge3A : i32
        %convert_element_type3A = arith.extui %ge3A_87 : i1 to i32
        %cond3A = arith.constant 0 : i32
        %cond3A_88 = arith.cmpi ne, %convert_element_type3A, %cond3A : i32
        scf.if %cond3A_88 {
          %dma_wait3A_180 = arith.constant 0 : i32
          %dma_wait3A_181 = arith.constant 0 : i32
          %dma_wait3A_182 = tpu.memref_slice %arg4[%dma_wait3A_180, %dma_wait3A_181] : memref<10240x128xf32, #tpu.memory_space<vmem_shared>> -> memref<10240x128xf32, #tpu.memory_space<vmem_shared>>
          tpu.wait_indirect_dma semaphore(%arg7 : memref<!tpu.dma_semaphore, #tpu.memory_space<semaphore_mem>>) src(%run_scoped3A_3 : memref<128x128xf32, #tpu.memory_space<vmem>>) dst(%dma_wait3A_182 : memref<10240x128xf32, #tpu.memory_space<vmem_shared>>)
        } else {
        }
        %dma_wait3A_89 = arith.constant 0 : i32
        %dma_wait3A_90 = tpu.memref_slice %arg2[%arg0, %arg1, %add3A_86, %dma_wait3A_89] : memref<2x16x80x128xi32, #tpu.memory_space<hbm>> -> memref<1x1x1x128xi32, #tpu.memory_space<hbm>>
        %dma_wait3A_91 = tpu.memref_squeeze %dma_wait3A_90 : memref<1x1x1x128xi32, #tpu.memory_space<hbm>> -> memref<128xi32, #tpu.memory_space<hbm>>
        %dma_wait3A_92 = arith.constant 0 : i32
        %dma_wait3A_93 = tpu.memref_slice %arg2[%arg0, %arg1, %add3A_86, %dma_wait3A_92] : memref<2x16x80x128xi32, #tpu.memory_space<hbm>> -> memref<1x1x1x128xi32, #tpu.memory_space<hbm>>
        %dma_wait3A_94 = tpu.memref_squeeze %dma_wait3A_93 : memref<1x1x1x128xi32, #tpu.memory_space<hbm>> -> memref<128xi32, #tpu.memory_space<hbm>>
        tpu.wait_dma2 semaphore(%arg9 : memref<!tpu.dma_semaphore, #tpu.memory_space<semaphore_mem>>) src(%dma_wait3A_94 : memref<128xi32, #tpu.memory_space<hbm>>) dst(%run_scoped3A : memref<128xi32, #tpu.memory_space<vmem>>)
        %dma_start3A_95 = arith.constant 0 : i32
        %dma_start3A_96 = arith.constant 0 : i32
        %dma_start3A_97 = tpu.memref_slice %arg4[%dma_start3A_95, %dma_start3A_96] : memref<10240x128xf32, #tpu.memory_space<vmem_shared>> -> memref<10240x128xf32, #tpu.memory_space<vmem_shared>>
        tpu.enqueue_indirect_dma source(%run_scoped3A_3 : memref<128x128xf32, #tpu.memory_space<vmem>>) target(%dma_start3A_97 : memref<10240x128xf32, #tpu.memory_space<vmem_shared>>) offsets(%run_scoped3A : memref<128xi32, #tpu.memory_space<vmem>>) semaphore(%arg5 : memref<!tpu.dma_semaphore, #tpu.memory_space<semaphore_mem>>) {add = true}
        %add3A_98 = arith.constant 2 : i32
        %add3A_99 = arith.addi %add3A_86, %add3A_98 : i32
        %lt3A = arith.constant 80 : i32
        %lt3A_100 = arith.cmpi slt, %add3A_99, %lt3A : i32
        %convert_element_type3A_101 = arith.extui %lt3A_100 : i1 to i32
        %cond3A_102 = arith.constant 0 : i32
        %cond3A_103 = arith.cmpi ne, %convert_element_type3A_101, %cond3A_102 : i32
        scf.if %cond3A_103 {
          %add3A_180 = arith.constant 2 : i32
          %add3A_181 = arith.addi %add3A_86, %add3A_180 : i32
          %dma_start3A_182 = arith.constant 0 : i32
          %dma_start3A_183 = tpu.memref_slice %arg2[%arg0, %arg1, %add3A_181, %dma_start3A_182] : memref<2x16x80x128xi32, #tpu.memory_space<hbm>> -> memref<1x1x1x128xi32, #tpu.memory_space<hbm>>
          %dma_start3A_184 = tpu.memref_squeeze %dma_start3A_183 : memref<1x1x1x128xi32, #tpu.memory_space<hbm>> -> memref<128xi32, #tpu.memory_space<hbm>>
          %dma_start3A_185 = arith.constant 0 : i32
          %dma_start3A_186 = tpu.memref_slice %arg2[%arg0, %arg1, %add3A_181, %dma_start3A_185] : memref<2x16x80x128xi32, #tpu.memory_space<hbm>> -> memref<1x1x1x128xi32, #tpu.memory_space<hbm>>
          %dma_start3A_187 = tpu.memref_squeeze %dma_start3A_186 : memref<1x1x1x128xi32, #tpu.memory_space<hbm>> -> memref<128xi32, #tpu.memory_space<hbm>>
          tpu.enqueue_dma source(%dma_start3A_187 : memref<128xi32, #tpu.memory_space<hbm>>) target(%run_scoped3A_1 : memref<128xi32, #tpu.memory_space<vmem>>) target_semaphore(%arg11 : memref<!tpu.dma_semaphore, #tpu.memory_space<semaphore_mem>>)
        } else {
        }
        %mul3A_104 = arith.constant 4 : i32
        %mul3A_105 = arith.muli %mul3A_104, %scan3A_81 : i32
        %add3A_106 = arith.constant 1 : i32
        %add3A_107 = arith.addi %mul3A_105, %add3A_106 : i32
        %ge3A_108 = arith.constant 2 : i32
        %ge3A_109 = arith.cmpi sge, %add3A_107, %ge3A_108 : i32
        %convert_element_type3A_110 = arith.extui %ge3A_109 : i1 to i32
        %cond3A_111 = arith.constant 0 : i32
        %cond3A_112 = arith.cmpi ne, %convert_element_type3A_110, %cond3A_111 : i32
        scf.if %cond3A_112 {
          %dma_wait3A_180 = arith.constant 0 : i32
          %dma_wait3A_181 = arith.constant 0 : i32
          %dma_wait3A_182 = tpu.memref_slice %arg4[%dma_wait3A_180, %dma_wait3A_181] : memref<10240x128xf32, #tpu.memory_space<vmem_shared>> -> memref<10240x128xf32, #tpu.memory_space<vmem_shared>>
          tpu.wait_indirect_dma semaphore(%arg8 : memref<!tpu.dma_semaphore, #tpu.memory_space<semaphore_mem>>) src(%run_scoped3A_3 : memref<128x128xf32, #tpu.memory_space<vmem>>) dst(%dma_wait3A_182 : memref<10240x128xf32, #tpu.memory_space<vmem_shared>>)
        } else {
        }
        %dma_wait3A_113 = arith.constant 0 : i32
        %dma_wait3A_114 = tpu.memref_slice %arg2[%arg0, %arg1, %add3A_107, %dma_wait3A_113] : memref<2x16x80x128xi32, #tpu.memory_space<hbm>> -> memref<1x1x1x128xi32, #tpu.memory_space<hbm>>
        %dma_wait3A_115 = tpu.memref_squeeze %dma_wait3A_114 : memref<1x1x1x128xi32, #tpu.memory_space<hbm>> -> memref<128xi32, #tpu.memory_space<hbm>>
        %dma_wait3A_116 = arith.constant 0 : i32
        %dma_wait3A_117 = tpu.memref_slice %arg2[%arg0, %arg1, %add3A_107, %dma_wait3A_116] : memref<2x16x80x128xi32, #tpu.memory_space<hbm>> -> memref<1x1x1x128xi32, #tpu.memory_space<hbm>>
        %dma_wait3A_118 = tpu.memref_squeeze %dma_wait3A_117 : memref<1x1x1x128xi32, #tpu.memory_space<hbm>> -> memref<128xi32, #tpu.memory_space<hbm>>
        tpu.wait_dma2 semaphore(%arg10 : memref<!tpu.dma_semaphore, #tpu.memory_space<semaphore_mem>>) src(%dma_wait3A_118 : memref<128xi32, #tpu.memory_space<hbm>>) dst(%run_scoped3A_0 : memref<128xi32, #tpu.memory_space<vmem>>)
        %dma_start3A_119 = arith.constant 0 : i32
        %dma_start3A_120 = arith.constant 0 : i32
        %dma_start3A_121 = tpu.memref_slice %arg4[%dma_start3A_119, %dma_start3A_120] : memref<10240x128xf32, #tpu.memory_space<vmem_shared>> -> memref<10240x128xf32, #tpu.memory_space<vmem_shared>>
        tpu.enqueue_indirect_dma source(%run_scoped3A_3 : memref<128x128xf32, #tpu.memory_space<vmem>>) target(%dma_start3A_121 : memref<10240x128xf32, #tpu.memory_space<vmem_shared>>) offsets(%run_scoped3A_0 : memref<128xi32, #tpu.memory_space<vmem>>) semaphore(%arg6 : memref<!tpu.dma_semaphore, #tpu.memory_space<semaphore_mem>>) {add = true}
        %add3A_122 = arith.constant 2 : i32
        %add3A_123 = arith.addi %add3A_107, %add3A_122 : i32
        %lt3A_124 = arith.constant 80 : i32
        %lt3A_125 = arith.cmpi slt, %add3A_123, %lt3A_124 : i32
        %convert_element_type3A_126 = arith.extui %lt3A_125 : i1 to i32
        %cond3A_127 = arith.constant 0 : i32
        %cond3A_128 = arith.cmpi ne, %convert_element_type3A_126, %cond3A_127 : i32
        scf.if %cond3A_128 {
          %add3A_180 = arith.constant 2 : i32
          %add3A_181 = arith.addi %add3A_107, %add3A_180 : i32
          %dma_start3A_182 = arith.constant 0 : i32
          %dma_start3A_183 = tpu.memref_slice %arg2[%arg0, %arg1, %add3A_181, %dma_start3A_182] : memref<2x16x80x128xi32, #tpu.memory_space<hbm>> -> memref<1x1x1x128xi32, #tpu.memory_space<hbm>>
          %dma_start3A_184 = tpu.memref_squeeze %dma_start3A_183 : memref<1x1x1x128xi32, #tpu.memory_space<hbm>> -> memref<128xi32, #tpu.memory_space<hbm>>
          %dma_start3A_185 = arith.constant 0 : i32
          %dma_start3A_186 = tpu.memref_slice %arg2[%arg0, %arg1, %add3A_181, %dma_start3A_185] : memref<2x16x80x128xi32, #tpu.memory_space<hbm>> -> memref<1x1x1x128xi32, #tpu.memory_space<hbm>>
          %dma_start3A_187 = tpu.memref_squeeze %dma_start3A_186 : memref<1x1x1x128xi32, #tpu.memory_space<hbm>> -> memref<128xi32, #tpu.memory_space<hbm>>
          tpu.enqueue_dma source(%dma_start3A_187 : memref<128xi32, #tpu.memory_space<hbm>>) target(%run_scoped3A_2 : memref<128xi32, #tpu.memory_space<vmem>>) target_semaphore(%arg12 : memref<!tpu.dma_semaphore, #tpu.memory_space<semaphore_mem>>)
        } else {
        }
        %mul3A_129 = arith.constant 4 : i32
        %mul3A_130 = arith.muli %mul3A_129, %scan3A_81 : i32
        %add3A_131 = arith.constant 2 : i32
        %add3A_132 = arith.addi %mul3A_130, %add3A_131 : i32
        %ge3A_133 = arith.constant 2 : i32
        %ge3A_134 = arith.cmpi sge, %add3A_132, %ge3A_133 : i32
        %convert_element_type3A_135 = arith.extui %ge3A_134 : i1 to i32
        %cond3A_136 = arith.constant 0 : i32
        %cond3A_137 = arith.cmpi ne, %convert_element_type3A_135, %cond3A_136 : i32
        scf.if %cond3A_137 {
          %dma_wait3A_180 = arith.constant 0 : i32
          %dma_wait3A_181 = arith.constant 0 : i32
          %dma_wait3A_182 = tpu.memref_slice %arg4[%dma_wait3A_180, %dma_wait3A_181] : memref<10240x128xf32, #tpu.memory_space<vmem_shared>> -> memref<10240x128xf32, #tpu.memory_space<vmem_shared>>
          tpu.wait_indirect_dma semaphore(%arg5 : memref<!tpu.dma_semaphore, #tpu.memory_space<semaphore_mem>>) src(%run_scoped3A_3 : memref<128x128xf32, #tpu.memory_space<vmem>>) dst(%dma_wait3A_182 : memref<10240x128xf32, #tpu.memory_space<vmem_shared>>)
        } else {
        }
        %dma_wait3A_138 = arith.constant 0 : i32
        %dma_wait3A_139 = tpu.memref_slice %arg2[%arg0, %arg1, %add3A_132, %dma_wait3A_138] : memref<2x16x80x128xi32, #tpu.memory_space<hbm>> -> memref<1x1x1x128xi32, #tpu.memory_space<hbm>>
        %dma_wait3A_140 = tpu.memref_squeeze %dma_wait3A_139 : memref<1x1x1x128xi32, #tpu.memory_space<hbm>> -> memref<128xi32, #tpu.memory_space<hbm>>
        %dma_wait3A_141 = arith.constant 0 : i32
        %dma_wait3A_142 = tpu.memref_slice %arg2[%arg0, %arg1, %add3A_132, %dma_wait3A_141] : memref<2x16x80x128xi32, #tpu.memory_space<hbm>> -> memref<1x1x1x128xi32, #tpu.memory_space<hbm>>
        %dma_wait3A_143 = tpu.memref_squeeze %dma_wait3A_142 : memref<1x1x1x128xi32, #tpu.memory_space<hbm>> -> memref<128xi32, #tpu.memory_space<hbm>>
        tpu.wait_dma2 semaphore(%arg11 : memref<!tpu.dma_semaphore, #tpu.memory_space<semaphore_mem>>) src(%dma_wait3A_143 : memref<128xi32, #tpu.memory_space<hbm>>) dst(%run_scoped3A_1 : memref<128xi32, #tpu.memory_space<vmem>>)
        %dma_start3A_144 = arith.constant 0 : i32
        %dma_start3A_145 = arith.constant 0 : i32
        %dma_start3A_146 = tpu.memref_slice %arg4[%dma_start3A_144, %dma_start3A_145] : memref<10240x128xf32, #tpu.memory_space<vmem_shared>> -> memref<10240x128xf32, #tpu.memory_space<vmem_shared>>
        tpu.enqueue_indirect_dma source(%run_scoped3A_3 : memref<128x128xf32, #tpu.memory_space<vmem>>) target(%dma_start3A_146 : memref<10240x128xf32, #tpu.memory_space<vmem_shared>>) offsets(%run_scoped3A_1 : memref<128xi32, #tpu.memory_space<vmem>>) semaphore(%arg7 : memref<!tpu.dma_semaphore, #tpu.memory_space<semaphore_mem>>) {add = true}
        %add3A_147 = arith.constant 2 : i32
        %add3A_148 = arith.addi %add3A_132, %add3A_147 : i32
        %lt3A_149 = arith.constant 80 : i32
        %lt3A_150 = arith.cmpi slt, %add3A_148, %lt3A_149 : i32
        %convert_element_type3A_151 = arith.extui %lt3A_150 : i1 to i32
        %cond3A_152 = arith.constant 0 : i32
        %cond3A_153 = arith.cmpi ne, %convert_element_type3A_151, %cond3A_152 : i32
        scf.if %cond3A_153 {
          %add3A_180 = arith.constant 2 : i32
          %add3A_181 = arith.addi %add3A_132, %add3A_180 : i32
          %dma_start3A_182 = arith.constant 0 : i32
          %dma_start3A_183 = tpu.memref_slice %arg2[%arg0, %arg1, %add3A_181, %dma_start3A_182] : memref<2x16x80x128xi32, #tpu.memory_space<hbm>> -> memref<1x1x1x128xi32, #tpu.memory_space<hbm>>
          %dma_start3A_184 = tpu.memref_squeeze %dma_start3A_183 : memref<1x1x1x128xi32, #tpu.memory_space<hbm>> -> memref<128xi32, #tpu.memory_space<hbm>>
          %dma_start3A_185 = arith.constant 0 : i32
          %dma_start3A_186 = tpu.memref_slice %arg2[%arg0, %arg1, %add3A_181, %dma_start3A_185] : memref<2x16x80x128xi32, #tpu.memory_space<hbm>> -> memref<1x1x1x128xi32, #tpu.memory_space<hbm>>
          %dma_start3A_187 = tpu.memref_squeeze %dma_start3A_186 : memref<1x1x1x128xi32, #tpu.memory_space<hbm>> -> memref<128xi32, #tpu.memory_space<hbm>>
          tpu.enqueue_dma source(%dma_start3A_187 : memref<128xi32, #tpu.memory_space<hbm>>) target(%run_scoped3A : memref<128xi32, #tpu.memory_space<vmem>>) target_semaphore(%arg9 : memref<!tpu.dma_semaphore, #tpu.memory_space<semaphore_mem>>)
        } else {
        }
        %mul3A_154 = arith.constant 4 : i32
        %mul3A_155 = arith.muli %mul3A_154, %scan3A_81 : i32
        %add3A_156 = arith.constant 3 : i32
        %add3A_157 = arith.addi %mul3A_155, %add3A_156 : i32
        %ge3A_158 = arith.constant 2 : i32
        %ge3A_159 = arith.cmpi sge, %add3A_157, %ge3A_158 : i32
        %convert_element_type3A_160 = arith.extui %ge3A_159 : i1 to i32
        %cond3A_161 = arith.constant 0 : i32
        %cond3A_162 = arith.cmpi ne, %convert_element_type3A_160, %cond3A_161 : i32
        scf.if %cond3A_162 {
          %dma_wait3A_180 = arith.constant 0 : i32
          %dma_wait3A_181 = arith.constant 0 : i32
          %dma_wait3A_182 = tpu.memref_slice %arg4[%dma_wait3A_180, %dma_wait3A_181] : memref<10240x128xf32, #tpu.memory_space<vmem_shared>> -> memref<10240x128xf32, #tpu.memory_space<vmem_shared>>
          tpu.wait_indirect_dma semaphore(%arg6 : memref<!tpu.dma_semaphore, #tpu.memory_space<semaphore_mem>>) src(%run_scoped3A_3 : memref<128x128xf32, #tpu.memory_space<vmem>>) dst(%dma_wait3A_182 : memref<10240x128xf32, #tpu.memory_space<vmem_shared>>)
        } else {
        }
        %dma_wait3A_163 = arith.constant 0 : i32
        %dma_wait3A_164 = tpu.memref_slice %arg2[%arg0, %arg1, %add3A_157, %dma_wait3A_163] : memref<2x16x80x128xi32, #tpu.memory_space<hbm>> -> memref<1x1x1x128xi32, #tpu.memory_space<hbm>>
        %dma_wait3A_165 = tpu.memref_squeeze %dma_wait3A_164 : memref<1x1x1x128xi32, #tpu.memory_space<hbm>> -> memref<128xi32, #tpu.memory_space<hbm>>
        %dma_wait3A_166 = arith.constant 0 : i32
        %dma_wait3A_167 = tpu.memref_slice %arg2[%arg0, %arg1, %add3A_157, %dma_wait3A_166] : memref<2x16x80x128xi32, #tpu.memory_space<hbm>> -> memref<1x1x1x128xi32, #tpu.memory_space<hbm>>
        %dma_wait3A_168 = tpu.memref_squeeze %dma_wait3A_167 : memref<1x1x1x128xi32, #tpu.memory_space<hbm>> -> memref<128xi32, #tpu.memory_space<hbm>>
        tpu.wait_dma2 semaphore(%arg12 : memref<!tpu.dma_semaphore, #tpu.memory_space<semaphore_mem>>) src(%dma_wait3A_168 : memref<128xi32, #tpu.memory_space<hbm>>) dst(%run_scoped3A_2 : memref<128xi32, #tpu.memory_space<vmem>>)
        %dma_start3A_169 = arith.constant 0 : i32
        %dma_start3A_170 = arith.constant 0 : i32
        %dma_start3A_171 = tpu.memref_slice %arg4[%dma_start3A_169, %dma_start3A_170] : memref<10240x128xf32, #tpu.memory_space<vmem_shared>> -> memref<10240x128xf32, #tpu.memory_space<vmem_shared>>
        tpu.enqueue_indirect_dma source(%run_scoped3A_3 : memref<128x128xf32, #tpu.memory_space<vmem>>) target(%dma_start3A_171 : memref<10240x128xf32, #tpu.memory_space<vmem_shared>>) offsets(%run_scoped3A_2 : memref<128xi32, #tpu.memory_space<vmem>>) semaphore(%arg8 : memref<!tpu.dma_semaphore, #tpu.memory_space<semaphore_mem>>) {add = true}
        %add3A_172 = arith.constant 2 : i32
        %add3A_173 = arith.addi %add3A_157, %add3A_172 : i32
        %lt3A_174 = arith.constant 80 : i32
        %lt3A_175 = arith.cmpi slt, %add3A_173, %lt3A_174 : i32
        %convert_element_type3A_176 = arith.extui %lt3A_175 : i1 to i32
        %cond3A_177 = arith.constant 0 : i32
        %cond3A_178 = arith.cmpi ne, %convert_element_type3A_176, %cond3A_177 : i32
        scf.if %cond3A_178 {
          %add3A_180 = arith.constant 2 : i32
          %add3A_181 = arith.addi %add3A_157, %add3A_180 : i32
          %dma_start3A_182 = arith.constant 0 : i32
          %dma_start3A_183 = tpu.memref_slice %arg2[%arg0, %arg1, %add3A_181, %dma_start3A_182] : memref<2x16x80x128xi32, #tpu.memory_space<hbm>> -> memref<1x1x1x128xi32, #tpu.memory_space<hbm>>
          %dma_start3A_184 = tpu.memref_squeeze %dma_start3A_183 : memref<1x1x1x128xi32, #tpu.memory_space<hbm>> -> memref<128xi32, #tpu.memory_space<hbm>>
          %dma_start3A_185 = arith.constant 0 : i32
          %dma_start3A_186 = tpu.memref_slice %arg2[%arg0, %arg1, %add3A_181, %dma_start3A_185] : memref<2x16x80x128xi32, #tpu.memory_space<hbm>> -> memref<1x1x1x128xi32, #tpu.memory_space<hbm>>
          %dma_start3A_187 = tpu.memref_squeeze %dma_start3A_186 : memref<1x1x1x128xi32, #tpu.memory_space<hbm>> -> memref<128xi32, #tpu.memory_space<hbm>>
          tpu.enqueue_dma source(%dma_start3A_187 : memref<128xi32, #tpu.memory_space<hbm>>) target(%run_scoped3A_0 : memref<128xi32, #tpu.memory_space<vmem>>) target_semaphore(%arg10 : memref<!tpu.dma_semaphore, #tpu.memory_space<semaphore_mem>>)
        } else {
        }
        %scan3A_179 = arith.constant 0 : i32
        scf.yield %scan3A_179 : i32
      }
      %scan3A_70 = arith.constant 20 : i32
      %dma_wait3A = arith.constant 0 : i32
      %dma_wait3A_71 = arith.constant 0 : i32
      %dma_wait3A_72 = tpu.memref_slice %arg4[%dma_wait3A, %dma_wait3A_71] : memref<10240x128xf32, #tpu.memory_space<vmem_shared>> -> memref<10240x128xf32, #tpu.memory_space<vmem_shared>>
      tpu.wait_indirect_dma semaphore(%arg7 : memref<!tpu.dma_semaphore, #tpu.memory_space<semaphore_mem>>) src(%run_scoped3A_3 : memref<128x128xf32, #tpu.memory_space<vmem>>) dst(%dma_wait3A_72 : memref<10240x128xf32, #tpu.memory_space<vmem_shared>>)
      %dma_wait3A_73 = arith.constant 0 : i32
      %dma_wait3A_74 = arith.constant 0 : i32
      %dma_wait3A_75 = tpu.memref_slice %arg4[%dma_wait3A_73, %dma_wait3A_74] : memref<10240x128xf32, #tpu.memory_space<vmem_shared>> -> memref<10240x128xf32, #tpu.memory_space<vmem_shared>>
      tpu.wait_indirect_dma semaphore(%arg8 : memref<!tpu.dma_semaphore, #tpu.memory_space<semaphore_mem>>) src(%run_scoped3A_3 : memref<128x128xf32, #tpu.memory_space<vmem>>) dst(%dma_wait3A_75 : memref<10240x128xf32, #tpu.memory_space<vmem_shared>>)
      %barrier3A_76 = arith.constant 0 : index
      tpu.barrier barrier_id(%barrier3A_76)
      %mul3A_77 = arith.constant 640 : i32
      %mul3A_78 = arith.muli %arg1, %mul3A_77 : i32
      %mul3A_79 = arith.constant 640 : i32
      %mul3A_80 = arith.muli %arg1, %mul3A_79 : i32
      "tpu.region"() ({
        %run_scoped3A_81 = tpu.sem_alloc : memref<!tpu.dma_semaphore, #tpu.memory_space<semaphore_mem>>
        %dma_start3A_82 = arith.constant 0 : i32
        %dma_start3A_83 = tpu.memref_slice %arg3[%arg0, %mul3A_80, %dma_start3A_82] : memref<2x10240x128xf32, #tpu.memory_space<hbm>> -> memref<1x640x128xf32, #tpu.memory_space<hbm>>
        %dma_start3A_84 = tpu.memref_squeeze %dma_start3A_83 : memref<1x640x128xf32, #tpu.memory_space<hbm>> -> memref<640x128xf32, #tpu.memory_space<hbm>>
        %dma_start3A_85 = arith.constant 0 : i32
        %dma_start3A_86 = tpu.memref_slice %arg4[%mul3A_78, %dma_start3A_85] : memref<10240x128xf32, #tpu.memory_space<vmem_shared>> -> memref<640x128xf32, #tpu.memory_space<vmem_shared>>
        tpu.enqueue_dma source(%dma_start3A_86 : memref<640x128xf32, #tpu.memory_space<vmem_shared>>) target(%dma_start3A_84 : memref<640x128xf32, #tpu.memory_space<hbm>>) target_semaphore(%run_scoped3A_81 : memref<!tpu.dma_semaphore, #tpu.memory_space<semaphore_mem>>)
        %dma_wait3A_87 = arith.constant 0 : i32
        %dma_wait3A_88 = tpu.memref_slice %arg3[%arg0, %mul3A_80, %dma_wait3A_87] : memref<2x10240x128xf32, #tpu.memory_space<hbm>> -> memref<1x640x128xf32, #tpu.memory_space<hbm>>
        %dma_wait3A_89 = tpu.memref_squeeze %dma_wait3A_88 : memref<1x640x128xf32, #tpu.memory_space<hbm>> -> memref<640x128xf32, #tpu.memory_space<hbm>>
        %dma_wait3A_90 = arith.constant 0 : i32
        %dma_wait3A_91 = tpu.memref_slice %arg4[%mul3A_78, %dma_wait3A_90] : memref<10240x128xf32, #tpu.memory_space<vmem_shared>> -> memref<640x128xf32, #tpu.memory_space<vmem_shared>>
        tpu.wait_dma2 semaphore(%run_scoped3A_81 : memref<!tpu.dma_semaphore, #tpu.memory_space<semaphore_mem>>) src(%dma_wait3A_91 : memref<640x128xf32, #tpu.memory_space<vmem_shared>>) dst(%dma_wait3A_89 : memref<640x128xf32, #tpu.memory_space<hbm>>)
        tpu.yield
      }) : () -> ()
      tpu.yield
    }) : () -> ()
    return
  }
}

#map = affine_map<(d0, d1) -> (0, 0)>
#map1 = affine_map<(d0, d1) -> (0, 0, 0, 0)>
#map2 = affine_map<(d0, d1) -> (0, 0, 0)>
module attributes {stable_mosaic.version = 14 : i64} {
  func.func @_prop_body(%arg0: i32, %arg1: i32, %arg2: memref<10000x128xf32, #tpu.memory_space<hbm>>, %arg3: memref<2x16x80x128xi32, #tpu.memory_space<hbm>>, %arg4: memref<2x16x80x128xi32, #tpu.memory_space<hbm>>, %arg5: memref<2x10240x128xf32, #tpu.memory_space<hbm>>, %arg6: memref<10240x128xf32, #tpu.memory_space<vmem_shared>>, %arg7: memref<!tpu.dma_semaphore, #tpu.memory_space<semaphore_mem>>, %arg8: memref<!tpu.dma_semaphore, #tpu.memory_space<semaphore_mem>>, %arg9: memref<!tpu.dma_semaphore, #tpu.memory_space<semaphore_mem>>, %arg10: memref<!tpu.dma_semaphore, #tpu.memory_space<semaphore_mem>>, %arg11: memref<!tpu.dma_semaphore, #tpu.memory_space<semaphore_mem>>, %arg12: memref<!tpu.dma_semaphore, #tpu.memory_space<semaphore_mem>>) attributes {dimension_semantics = [#tpu.dimension_semantics<core_parallel>, #tpu.dimension_semantics<subcore_parallel>], iteration_bounds = array<i64: 2, 16>, scalar_prefetch = 0 : i64, scratch_operands = 7 : i64, tpu.core_type = #tpu.core_type<sc_vector_subcore>, window_params = [{transform_indices = #map}, {transform_indices = #map1}, {transform_indices = #map1}, {transform_indices = #map2}]} {
    "tpu.region"() ({
      %run_scoped3A = memref.alloca() : memref<128xi32, #tpu.memory_space<vmem>>
      %run_scoped3A_0 = memref.alloca() : memref<128xi32, #tpu.memory_space<vmem>>
      %run_scoped3A_1 = memref.alloca() : memref<128xi32, #tpu.memory_space<vmem>>
      %run_scoped3A_2 = memref.alloca() : memref<128xi32, #tpu.memory_space<vmem>>
      %run_scoped3A_3 = memref.alloca() : memref<128x128xf32, #tpu.memory_space<vmem>>
      %run_scoped3A_4 = memref.alloca() : memref<128x128xf32, #tpu.memory_space<vmem>>
      %run_scoped3A_5 = memref.alloca() : memref<80x128xf32, #tpu.memory_space<vmem>>
      %broadcast_in_dim3A = arith.constant 0.000000e+00 : f32
      %broadcast_in_dim3A_6 = vector.broadcast %broadcast_in_dim3A : f32 to vector<16xf32>
      %scan3A = arith.constant 0 : i32
      %scan3A_7 = arith.constant 0 : i32
      %scan3A_8 = arith.constant 80 : i32
      %scan3A_9 = arith.addi %scan3A_7, %scan3A_8 : i32
      %scan3A_10 = arith.constant 1 : i32
      %scan3A_11 = scf.for %scan3A_98 = %scan3A_7 to %scan3A_9 step %scan3A_10 iter_args(%scan3A_99 = %scan3A) -> (i32)  : i32 {
        %swap3A = arith.index_cast %scan3A_98 : i32 to index
        %swap3A_100 = arith.constant 0 : index
        %swap3A_101 = tpu.vector_load %run_scoped3A_5[%swap3A, %swap3A_100] {strides = array<i32>} : memref<80x128xf32, #tpu.memory_space<vmem>>, vector<1x16xf32>,
        %swap3A_102 = vector.shape_cast %swap3A_101 : vector<1x16xf32> to vector<16xf32>
        %swap3A_103 = vector.shape_cast %broadcast_in_dim3A_6 : vector<16xf32> to vector<1x16xf32>
        tpu.vector_store %run_scoped3A_5[%swap3A, %swap3A_100], %swap3A_103 {strides = array<i32>} : memref<80x128xf32, #tpu.memory_space<vmem>>, vector<1x16xf32>,
        %swap3A_104 = arith.index_cast %scan3A_98 : i32 to index
        %swap3A_105 = arith.constant 16 : index
        %swap3A_106 = tpu.vector_load %run_scoped3A_5[%swap3A_104, %swap3A_105] {strides = array<i32>} : memref<80x128xf32, #tpu.memory_space<vmem>>, vector<1x16xf32>,
        %swap3A_107 = vector.shape_cast %swap3A_106 : vector<1x16xf32> to vector<16xf32>
        %swap3A_108 = vector.shape_cast %broadcast_in_dim3A_6 : vector<16xf32> to vector<1x16xf32>
        tpu.vector_store %run_scoped3A_5[%swap3A_104, %swap3A_105], %swap3A_108 {strides = array<i32>} : memref<80x128xf32, #tpu.memory_space<vmem>>, vector<1x16xf32>,
        %swap3A_109 = arith.index_cast %scan3A_98 : i32 to index
        %swap3A_110 = arith.constant 32 : index
        %swap3A_111 = tpu.vector_load %run_scoped3A_5[%swap3A_109, %swap3A_110] {strides = array<i32>} : memref<80x128xf32, #tpu.memory_space<vmem>>, vector<1x16xf32>,
        %swap3A_112 = vector.shape_cast %swap3A_111 : vector<1x16xf32> to vector<16xf32>
        %swap3A_113 = vector.shape_cast %broadcast_in_dim3A_6 : vector<16xf32> to vector<1x16xf32>
        tpu.vector_store %run_scoped3A_5[%swap3A_109, %swap3A_110], %swap3A_113 {strides = array<i32>} : memref<80x128xf32, #tpu.memory_space<vmem>>, vector<1x16xf32>,
        %swap3A_114 = arith.index_cast %scan3A_98 : i32 to index
        %swap3A_115 = arith.constant 48 : index
        %swap3A_116 = tpu.vector_load %run_scoped3A_5[%swap3A_114, %swap3A_115] {strides = array<i32>} : memref<80x128xf32, #tpu.memory_space<vmem>>, vector<1x16xf32>,
        %swap3A_117 = vector.shape_cast %swap3A_116 : vector<1x16xf32> to vector<16xf32>
        %swap3A_118 = vector.shape_cast %broadcast_in_dim3A_6 : vector<16xf32> to vector<1x16xf32>
        tpu.vector_store %run_scoped3A_5[%swap3A_114, %swap3A_115], %swap3A_118 {strides = array<i32>} : memref<80x128xf32, #tpu.memory_space<vmem>>, vector<1x16xf32>,
        %swap3A_119 = arith.index_cast %scan3A_98 : i32 to index
        %swap3A_120 = arith.constant 64 : index
        %swap3A_121 = tpu.vector_load %run_scoped3A_5[%swap3A_119, %swap3A_120] {strides = array<i32>} : memref<80x128xf32, #tpu.memory_space<vmem>>, vector<1x16xf32>,
        %swap3A_122 = vector.shape_cast %swap3A_121 : vector<1x16xf32> to vector<16xf32>
        %swap3A_123 = vector.shape_cast %broadcast_in_dim3A_6 : vector<16xf32> to vector<1x16xf32>
        tpu.vector_store %run_scoped3A_5[%swap3A_119, %swap3A_120], %swap3A_123 {strides = array<i32>} : memref<80x128xf32, #tpu.memory_space<vmem>>, vector<1x16xf32>,
        %swap3A_124 = arith.index_cast %scan3A_98 : i32 to index
        %swap3A_125 = arith.constant 80 : index
        %swap3A_126 = tpu.vector_load %run_scoped3A_5[%swap3A_124, %swap3A_125] {strides = array<i32>} : memref<80x128xf32, #tpu.memory_space<vmem>>, vector<1x16xf32>,
        %swap3A_127 = vector.shape_cast %swap3A_126 : vector<1x16xf32> to vector<16xf32>
        %swap3A_128 = vector.shape_cast %broadcast_in_dim3A_6 : vector<16xf32> to vector<1x16xf32>
        tpu.vector_store %run_scoped3A_5[%swap3A_124, %swap3A_125], %swap3A_128 {strides = array<i32>} : memref<80x128xf32, #tpu.memory_space<vmem>>, vector<1x16xf32>,
        %swap3A_129 = arith.index_cast %scan3A_98 : i32 to index
        %swap3A_130 = arith.constant 96 : index
        %swap3A_131 = tpu.vector_load %run_scoped3A_5[%swap3A_129, %swap3A_130] {strides = array<i32>} : memref<80x128xf32, #tpu.memory_space<vmem>>, vector<1x16xf32>,
        %swap3A_132 = vector.shape_cast %swap3A_131 : vector<1x16xf32> to vector<16xf32>
        %swap3A_133 = vector.shape_cast %broadcast_in_dim3A_6 : vector<16xf32> to vector<1x16xf32>
        tpu.vector_store %run_scoped3A_5[%swap3A_129, %swap3A_130], %swap3A_133 {strides = array<i32>} : memref<80x128xf32, #tpu.memory_space<vmem>>, vector<1x16xf32>,
        %swap3A_134 = arith.index_cast %scan3A_98 : i32 to index
        %swap3A_135 = arith.constant 112 : index
        %swap3A_136 = tpu.vector_load %run_scoped3A_5[%swap3A_134, %swap3A_135] {strides = array<i32>} : memref<80x128xf32, #tpu.memory_space<vmem>>, vector<1x16xf32>,
        %swap3A_137 = vector.shape_cast %swap3A_136 : vector<1x16xf32> to vector<16xf32>
        %swap3A_138 = vector.shape_cast %broadcast_in_dim3A_6 : vector<16xf32> to vector<1x16xf32>
        tpu.vector_store %run_scoped3A_5[%swap3A_134, %swap3A_135], %swap3A_138 {strides = array<i32>} : memref<80x128xf32, #tpu.memory_space<vmem>>, vector<1x16xf32>,
        %scan3A_139 = arith.constant 0 : i32
        scf.yield %scan3A_139 : i32
      }
      %scan3A_12 = arith.constant 80 : i32
      %mul3A = arith.constant 640 : i32
      %mul3A_13 = arith.muli %arg1, %mul3A : i32
      %add3A = arith.constant 0 : i32
      %add3A_14 = arith.addi %mul3A_13, %add3A : i32
      "tpu.region"() ({
        %run_scoped3A_98 = tpu.sem_alloc : memref<!tpu.dma_semaphore, #tpu.memory_space<semaphore_mem>>
        %dma_start3A_99 = arith.constant 0 : i32
        %dma_start3A_100 = tpu.memref_slice %arg6[%add3A_14, %dma_start3A_99] : memref<10240x128xf32, #tpu.memory_space<vmem_shared>> -> memref<80x128xf32, #tpu.memory_space<vmem_shared>>
        %dma_start3A_101 = arith.constant 0 : i32
        %dma_start3A_102 = tpu.memref_slice %arg6[%add3A_14, %dma_start3A_101] : memref<10240x128xf32, #tpu.memory_space<vmem_shared>> -> memref<80x128xf32, #tpu.memory_space<vmem_shared>>
        tpu.enqueue_dma source(%run_scoped3A_5 : memref<80x128xf32, #tpu.memory_space<vmem>>) target(%dma_start3A_102 : memref<80x128xf32, #tpu.memory_space<vmem_shared>>) target_semaphore(%run_scoped3A_98 : memref<!tpu.dma_semaphore, #tpu.memory_space<semaphore_mem>>)
        %dma_wait3A_103 = arith.constant 0 : i32
        %dma_wait3A_104 = tpu.memref_slice %arg6[%add3A_14, %dma_wait3A_103] : memref<10240x128xf32, #tpu.memory_space<vmem_shared>> -> memref<80x128xf32, #tpu.memory_space<vmem_shared>>
        %dma_wait3A_105 = arith.constant 0 : i32
        %dma_wait3A_106 = tpu.memref_slice %arg6[%add3A_14, %dma_wait3A_105] : memref<10240x128xf32, #tpu.memory_space<vmem_shared>> -> memref<80x128xf32, #tpu.memory_space<vmem_shared>>
        tpu.wait_dma2 semaphore(%run_scoped3A_98 : memref<!tpu.dma_semaphore, #tpu.memory_space<semaphore_mem>>) src(%run_scoped3A_5 : memref<80x128xf32, #tpu.memory_space<vmem>>) dst(%dma_wait3A_106 : memref<80x128xf32, #tpu.memory_space<vmem_shared>>)
        tpu.yield
      }) : () -> ()
      %mul3A_15 = arith.constant 640 : i32
      %mul3A_16 = arith.muli %arg1, %mul3A_15 : i32
      %add3A_17 = arith.constant 80 : i32
      %add3A_18 = arith.addi %mul3A_16, %add3A_17 : i32
      "tpu.region"() ({
        %run_scoped3A_98 = tpu.sem_alloc : memref<!tpu.dma_semaphore, #tpu.memory_space<semaphore_mem>>
        %dma_start3A_99 = arith.constant 0 : i32
        %dma_start3A_100 = tpu.memref_slice %arg6[%add3A_18, %dma_start3A_99] : memref<10240x128xf32, #tpu.memory_space<vmem_shared>> -> memref<80x128xf32, #tpu.memory_space<vmem_shared>>
        %dma_start3A_101 = arith.constant 0 : i32
        %dma_start3A_102 = tpu.memref_slice %arg6[%add3A_18, %dma_start3A_101] : memref<10240x128xf32, #tpu.memory_space<vmem_shared>> -> memref<80x128xf32, #tpu.memory_space<vmem_shared>>
        tpu.enqueue_dma source(%run_scoped3A_5 : memref<80x128xf32, #tpu.memory_space<vmem>>) target(%dma_start3A_102 : memref<80x128xf32, #tpu.memory_space<vmem_shared>>) target_semaphore(%run_scoped3A_98 : memref<!tpu.dma_semaphore, #tpu.memory_space<semaphore_mem>>)
        %dma_wait3A_103 = arith.constant 0 : i32
        %dma_wait3A_104 = tpu.memref_slice %arg6[%add3A_18, %dma_wait3A_103] : memref<10240x128xf32, #tpu.memory_space<vmem_shared>> -> memref<80x128xf32, #tpu.memory_space<vmem_shared>>
        %dma_wait3A_105 = arith.constant 0 : i32
        %dma_wait3A_106 = tpu.memref_slice %arg6[%add3A_18, %dma_wait3A_105] : memref<10240x128xf32, #tpu.memory_space<vmem_shared>> -> memref<80x128xf32, #tpu.memory_space<vmem_shared>>
        tpu.wait_dma2 semaphore(%run_scoped3A_98 : memref<!tpu.dma_semaphore, #tpu.memory_space<semaphore_mem>>) src(%run_scoped3A_5 : memref<80x128xf32, #tpu.memory_space<vmem>>) dst(%dma_wait3A_106 : memref<80x128xf32, #tpu.memory_space<vmem_shared>>)
        tpu.yield
      }) : () -> ()
      %mul3A_19 = arith.constant 640 : i32
      %mul3A_20 = arith.muli %arg1, %mul3A_19 : i32
      %add3A_21 = arith.constant 160 : i32
      %add3A_22 = arith.addi %mul3A_20, %add3A_21 : i32
      "tpu.region"() ({
        %run_scoped3A_98 = tpu.sem_alloc : memref<!tpu.dma_semaphore, #tpu.memory_space<semaphore_mem>>
        %dma_start3A_99 = arith.constant 0 : i32
        %dma_start3A_100 = tpu.memref_slice %arg6[%add3A_22, %dma_start3A_99] : memref<10240x128xf32, #tpu.memory_space<vmem_shared>> -> memref<80x128xf32, #tpu.memory_space<vmem_shared>>
        %dma_start3A_101 = arith.constant 0 : i32
        %dma_start3A_102 = tpu.memref_slice %arg6[%add3A_22, %dma_start3A_101] : memref<10240x128xf32, #tpu.memory_space<vmem_shared>> -> memref<80x128xf32, #tpu.memory_space<vmem_shared>>
        tpu.enqueue_dma source(%run_scoped3A_5 : memref<80x128xf32, #tpu.memory_space<vmem>>) target(%dma_start3A_102 : memref<80x128xf32, #tpu.memory_space<vmem_shared>>) target_semaphore(%run_scoped3A_98 : memref<!tpu.dma_semaphore, #tpu.memory_space<semaphore_mem>>)
        %dma_wait3A_103 = arith.constant 0 : i32
        %dma_wait3A_104 = tpu.memref_slice %arg6[%add3A_22, %dma_wait3A_103] : memref<10240x128xf32, #tpu.memory_space<vmem_shared>> -> memref<80x128xf32, #tpu.memory_space<vmem_shared>>
        %dma_wait3A_105 = arith.constant 0 : i32
        %dma_wait3A_106 = tpu.memref_slice %arg6[%add3A_22, %dma_wait3A_105] : memref<10240x128xf32, #tpu.memory_space<vmem_shared>> -> memref<80x128xf32, #tpu.memory_space<vmem_shared>>
        tpu.wait_dma2 semaphore(%run_scoped3A_98 : memref<!tpu.dma_semaphore, #tpu.memory_space<semaphore_mem>>) src(%run_scoped3A_5 : memref<80x128xf32, #tpu.memory_space<vmem>>) dst(%dma_wait3A_106 : memref<80x128xf32, #tpu.memory_space<vmem_shared>>)
        tpu.yield
      }) : () -> ()
      %mul3A_23 = arith.constant 640 : i32
      %mul3A_24 = arith.muli %arg1, %mul3A_23 : i32
      %add3A_25 = arith.constant 240 : i32
      %add3A_26 = arith.addi %mul3A_24, %add3A_25 : i32
      "tpu.region"() ({
        %run_scoped3A_98 = tpu.sem_alloc : memref<!tpu.dma_semaphore, #tpu.memory_space<semaphore_mem>>
        %dma_start3A_99 = arith.constant 0 : i32
        %dma_start3A_100 = tpu.memref_slice %arg6[%add3A_26, %dma_start3A_99] : memref<10240x128xf32, #tpu.memory_space<vmem_shared>> -> memref<80x128xf32, #tpu.memory_space<vmem_shared>>
        %dma_start3A_101 = arith.constant 0 : i32
        %dma_start3A_102 = tpu.memref_slice %arg6[%add3A_26, %dma_start3A_101] : memref<10240x128xf32, #tpu.memory_space<vmem_shared>> -> memref<80x128xf32, #tpu.memory_space<vmem_shared>>
        tpu.enqueue_dma source(%run_scoped3A_5 : memref<80x128xf32, #tpu.memory_space<vmem>>) target(%dma_start3A_102 : memref<80x128xf32, #tpu.memory_space<vmem_shared>>) target_semaphore(%run_scoped3A_98 : memref<!tpu.dma_semaphore, #tpu.memory_space<semaphore_mem>>)
        %dma_wait3A_103 = arith.constant 0 : i32
        %dma_wait3A_104 = tpu.memref_slice %arg6[%add3A_26, %dma_wait3A_103] : memref<10240x128xf32, #tpu.memory_space<vmem_shared>> -> memref<80x128xf32, #tpu.memory_space<vmem_shared>>
        %dma_wait3A_105 = arith.constant 0 : i32
        %dma_wait3A_106 = tpu.memref_slice %arg6[%add3A_26, %dma_wait3A_105] : memref<10240x128xf32, #tpu.memory_space<vmem_shared>> -> memref<80x128xf32, #tpu.memory_space<vmem_shared>>
        tpu.wait_dma2 semaphore(%run_scoped3A_98 : memref<!tpu.dma_semaphore, #tpu.memory_space<semaphore_mem>>) src(%run_scoped3A_5 : memref<80x128xf32, #tpu.memory_space<vmem>>) dst(%dma_wait3A_106 : memref<80x128xf32, #tpu.memory_space<vmem_shared>>)
        tpu.yield
      }) : () -> ()
      %mul3A_27 = arith.constant 640 : i32
      %mul3A_28 = arith.muli %arg1, %mul3A_27 : i32
      %add3A_29 = arith.constant 320 : i32
      %add3A_30 = arith.addi %mul3A_28, %add3A_29 : i32
      "tpu.region"() ({
        %run_scoped3A_98 = tpu.sem_alloc : memref<!tpu.dma_semaphore, #tpu.memory_space<semaphore_mem>>
        %dma_start3A_99 = arith.constant 0 : i32
        %dma_start3A_100 = tpu.memref_slice %arg6[%add3A_30, %dma_start3A_99] : memref<10240x128xf32, #tpu.memory_space<vmem_shared>> -> memref<80x128xf32, #tpu.memory_space<vmem_shared>>
        %dma_start3A_101 = arith.constant 0 : i32
        %dma_start3A_102 = tpu.memref_slice %arg6[%add3A_30, %dma_start3A_101] : memref<10240x128xf32, #tpu.memory_space<vmem_shared>> -> memref<80x128xf32, #tpu.memory_space<vmem_shared>>
        tpu.enqueue_dma source(%run_scoped3A_5 : memref<80x128xf32, #tpu.memory_space<vmem>>) target(%dma_start3A_102 : memref<80x128xf32, #tpu.memory_space<vmem_shared>>) target_semaphore(%run_scoped3A_98 : memref<!tpu.dma_semaphore, #tpu.memory_space<semaphore_mem>>)
        %dma_wait3A_103 = arith.constant 0 : i32
        %dma_wait3A_104 = tpu.memref_slice %arg6[%add3A_30, %dma_wait3A_103] : memref<10240x128xf32, #tpu.memory_space<vmem_shared>> -> memref<80x128xf32, #tpu.memory_space<vmem_shared>>
        %dma_wait3A_105 = arith.constant 0 : i32
        %dma_wait3A_106 = tpu.memref_slice %arg6[%add3A_30, %dma_wait3A_105] : memref<10240x128xf32, #tpu.memory_space<vmem_shared>> -> memref<80x128xf32, #tpu.memory_space<vmem_shared>>
        tpu.wait_dma2 semaphore(%run_scoped3A_98 : memref<!tpu.dma_semaphore, #tpu.memory_space<semaphore_mem>>) src(%run_scoped3A_5 : memref<80x128xf32, #tpu.memory_space<vmem>>) dst(%dma_wait3A_106 : memref<80x128xf32, #tpu.memory_space<vmem_shared>>)
        tpu.yield
      }) : () -> ()
      %mul3A_31 = arith.constant 640 : i32
      %mul3A_32 = arith.muli %arg1, %mul3A_31 : i32
      %add3A_33 = arith.constant 400 : i32
      %add3A_34 = arith.addi %mul3A_32, %add3A_33 : i32
      "tpu.region"() ({
        %run_scoped3A_98 = tpu.sem_alloc : memref<!tpu.dma_semaphore, #tpu.memory_space<semaphore_mem>>
        %dma_start3A_99 = arith.constant 0 : i32
        %dma_start3A_100 = tpu.memref_slice %arg6[%add3A_34, %dma_start3A_99] : memref<10240x128xf32, #tpu.memory_space<vmem_shared>> -> memref<80x128xf32, #tpu.memory_space<vmem_shared>>
        %dma_start3A_101 = arith.constant 0 : i32
        %dma_start3A_102 = tpu.memref_slice %arg6[%add3A_34, %dma_start3A_101] : memref<10240x128xf32, #tpu.memory_space<vmem_shared>> -> memref<80x128xf32, #tpu.memory_space<vmem_shared>>
        tpu.enqueue_dma source(%run_scoped3A_5 : memref<80x128xf32, #tpu.memory_space<vmem>>) target(%dma_start3A_102 : memref<80x128xf32, #tpu.memory_space<vmem_shared>>) target_semaphore(%run_scoped3A_98 : memref<!tpu.dma_semaphore, #tpu.memory_space<semaphore_mem>>)
        %dma_wait3A_103 = arith.constant 0 : i32
        %dma_wait3A_104 = tpu.memref_slice %arg6[%add3A_34, %dma_wait3A_103] : memref<10240x128xf32, #tpu.memory_space<vmem_shared>> -> memref<80x128xf32, #tpu.memory_space<vmem_shared>>
        %dma_wait3A_105 = arith.constant 0 : i32
        %dma_wait3A_106 = tpu.memref_slice %arg6[%add3A_34, %dma_wait3A_105] : memref<10240x128xf32, #tpu.memory_space<vmem_shared>> -> memref<80x128xf32, #tpu.memory_space<vmem_shared>>
        tpu.wait_dma2 semaphore(%run_scoped3A_98 : memref<!tpu.dma_semaphore, #tpu.memory_space<semaphore_mem>>) src(%run_scoped3A_5 : memref<80x128xf32, #tpu.memory_space<vmem>>) dst(%dma_wait3A_106 : memref<80x128xf32, #tpu.memory_space<vmem_shared>>)
        tpu.yield
      }) : () -> ()
      %mul3A_35 = arith.constant 640 : i32
      %mul3A_36 = arith.muli %arg1, %mul3A_35 : i32
      %add3A_37 = arith.constant 480 : i32
      %add3A_38 = arith.addi %mul3A_36, %add3A_37 : i32
      "tpu.region"() ({
        %run_scoped3A_98 = tpu.sem_alloc : memref<!tpu.dma_semaphore, #tpu.memory_space<semaphore_mem>>
        %dma_start3A_99 = arith.constant 0 : i32
        %dma_start3A_100 = tpu.memref_slice %arg6[%add3A_38, %dma_start3A_99] : memref<10240x128xf32, #tpu.memory_space<vmem_shared>> -> memref<80x128xf32, #tpu.memory_space<vmem_shared>>
        %dma_start3A_101 = arith.constant 0 : i32
        %dma_start3A_102 = tpu.memref_slice %arg6[%add3A_38, %dma_start3A_101] : memref<10240x128xf32, #tpu.memory_space<vmem_shared>> -> memref<80x128xf32, #tpu.memory_space<vmem_shared>>
        tpu.enqueue_dma source(%run_scoped3A_5 : memref<80x128xf32, #tpu.memory_space<vmem>>) target(%dma_start3A_102 : memref<80x128xf32, #tpu.memory_space<vmem_shared>>) target_semaphore(%run_scoped3A_98 : memref<!tpu.dma_semaphore, #tpu.memory_space<semaphore_mem>>)
        %dma_wait3A_103 = arith.constant 0 : i32
        %dma_wait3A_104 = tpu.memref_slice %arg6[%add3A_38, %dma_wait3A_103] : memref<10240x128xf32, #tpu.memory_space<vmem_shared>> -> memref<80x128xf32, #tpu.memory_space<vmem_shared>>
        %dma_wait3A_105 = arith.constant 0 : i32
        %dma_wait3A_106 = tpu.memref_slice %arg6[%add3A_38, %dma_wait3A_105] : memref<10240x128xf32, #tpu.memory_space<vmem_shared>> -> memref<80x128xf32, #tpu.memory_space<vmem_shared>>
        tpu.wait_dma2 semaphore(%run_scoped3A_98 : memref<!tpu.dma_semaphore, #tpu.memory_space<semaphore_mem>>) src(%run_scoped3A_5 : memref<80x128xf32, #tpu.memory_space<vmem>>) dst(%dma_wait3A_106 : memref<80x128xf32, #tpu.memory_space<vmem_shared>>)
        tpu.yield
      }) : () -> ()
      %mul3A_39 = arith.constant 640 : i32
      %mul3A_40 = arith.muli %arg1, %mul3A_39 : i32
      %add3A_41 = arith.constant 560 : i32
      %add3A_42 = arith.addi %mul3A_40, %add3A_41 : i32
      "tpu.region"() ({
        %run_scoped3A_98 = tpu.sem_alloc : memref<!tpu.dma_semaphore, #tpu.memory_space<semaphore_mem>>
        %dma_start3A_99 = arith.constant 0 : i32
        %dma_start3A_100 = tpu.memref_slice %arg6[%add3A_42, %dma_start3A_99] : memref<10240x128xf32, #tpu.memory_space<vmem_shared>> -> memref<80x128xf32, #tpu.memory_space<vmem_shared>>
        %dma_start3A_101 = arith.constant 0 : i32
        %dma_start3A_102 = tpu.memref_slice %arg6[%add3A_42, %dma_start3A_101] : memref<10240x128xf32, #tpu.memory_space<vmem_shared>> -> memref<80x128xf32, #tpu.memory_space<vmem_shared>>
        tpu.enqueue_dma source(%run_scoped3A_5 : memref<80x128xf32, #tpu.memory_space<vmem>>) target(%dma_start3A_102 : memref<80x128xf32, #tpu.memory_space<vmem_shared>>) target_semaphore(%run_scoped3A_98 : memref<!tpu.dma_semaphore, #tpu.memory_space<semaphore_mem>>)
        %dma_wait3A_103 = arith.constant 0 : i32
        %dma_wait3A_104 = tpu.memref_slice %arg6[%add3A_42, %dma_wait3A_103] : memref<10240x128xf32, #tpu.memory_space<vmem_shared>> -> memref<80x128xf32, #tpu.memory_space<vmem_shared>>
        %dma_wait3A_105 = arith.constant 0 : i32
        %dma_wait3A_106 = tpu.memref_slice %arg6[%add3A_42, %dma_wait3A_105] : memref<10240x128xf32, #tpu.memory_space<vmem_shared>> -> memref<80x128xf32, #tpu.memory_space<vmem_shared>>
        tpu.wait_dma2 semaphore(%run_scoped3A_98 : memref<!tpu.dma_semaphore, #tpu.memory_space<semaphore_mem>>) src(%run_scoped3A_5 : memref<80x128xf32, #tpu.memory_space<vmem>>) dst(%dma_wait3A_106 : memref<80x128xf32, #tpu.memory_space<vmem_shared>>)
        tpu.yield
      }) : () -> ()
      %barrier3A = arith.constant 0 : index
      tpu.barrier barrier_id(%barrier3A)
      %dma_start3A = arith.constant 0 : i32
      %dma_start3A_43 = arith.constant 0 : i32
      %dma_start3A_44 = tpu.memref_slice %arg3[%arg0, %arg1, %dma_start3A, %dma_start3A_43] : memref<2x16x80x128xi32, #tpu.memory_space<hbm>> -> memref<1x1x1x128xi32, #tpu.memory_space<hbm>>
      %dma_start3A_45 = tpu.memref_squeeze %dma_start3A_44 : memref<1x1x1x128xi32, #tpu.memory_space<hbm>> -> memref<128xi32, #tpu.memory_space<hbm>>
      %dma_start3A_46 = arith.constant 0 : i32
      %dma_start3A_47 = tpu.memref_slice %arg3[%arg0, %arg1, %dma_start3A, %dma_start3A_46] : memref<2x16x80x128xi32, #tpu.memory_space<hbm>> -> memref<1x1x1x128xi32, #tpu.memory_space<hbm>>
      %dma_start3A_48 = tpu.memref_squeeze %dma_start3A_47 : memref<1x1x1x128xi32, #tpu.memory_space<hbm>> -> memref<128xi32, #tpu.memory_space<hbm>>
      tpu.enqueue_dma source(%dma_start3A_48 : memref<128xi32, #tpu.memory_space<hbm>>) target(%run_scoped3A : memref<128xi32, #tpu.memory_space<vmem>>) target_semaphore(%arg9 : memref<!tpu.dma_semaphore, #tpu.memory_space<semaphore_mem>>)
      %dma_start3A_49 = arith.constant 0 : i32
      %dma_start3A_50 = arith.constant 0 : i32
      %dma_start3A_51 = tpu.memref_slice %arg4[%arg0, %arg1, %dma_start3A_49, %dma_start3A_50] : memref<2x16x80x128xi32, #tpu.memory_space<hbm>> -> memref<1x1x1x128xi32, #tpu.memory_space<hbm>>
      %dma_start3A_52 = tpu.memref_squeeze %dma_start3A_51 : memref<1x1x1x128xi32, #tpu.memory_space<hbm>> -> memref<128xi32, #tpu.memory_space<hbm>>
      %dma_start3A_53 = arith.constant 0 : i32
      %dma_start3A_54 = tpu.memref_slice %arg4[%arg0, %arg1, %dma_start3A_49, %dma_start3A_53] : memref<2x16x80x128xi32, #tpu.memory_space<hbm>> -> memref<1x1x1x128xi32, #tpu.memory_space<hbm>>
      %dma_start3A_55 = tpu.memref_squeeze %dma_start3A_54 : memref<1x1x1x128xi32, #tpu.memory_space<hbm>> -> memref<128xi32, #tpu.memory_space<hbm>>
      tpu.enqueue_dma source(%dma_start3A_55 : memref<128xi32, #tpu.memory_space<hbm>>) target(%run_scoped3A_1 : memref<128xi32, #tpu.memory_space<vmem>>) target_semaphore(%arg11 : memref<!tpu.dma_semaphore, #tpu.memory_space<semaphore_mem>>)
      %dma_start3A_56 = arith.constant 1 : i32
      %dma_start3A_57 = arith.constant 0 : i32
      %dma_start3A_58 = tpu.memref_slice %arg3[%arg0, %arg1, %dma_start3A_56, %dma_start3A_57] : memref<2x16x80x128xi32, #tpu.memory_space<hbm>> -> memref<1x1x1x128xi32, #tpu.memory_space<hbm>>
      %dma_start3A_59 = tpu.memref_squeeze %dma_start3A_58 : memref<1x1x1x128xi32, #tpu.memory_space<hbm>> -> memref<128xi32, #tpu.memory_space<hbm>>
      %dma_start3A_60 = arith.constant 0 : i32
      %dma_start3A_61 = tpu.memref_slice %arg3[%arg0, %arg1, %dma_start3A_56, %dma_start3A_60] : memref<2x16x80x128xi32, #tpu.memory_space<hbm>> -> memref<1x1x1x128xi32, #tpu.memory_space<hbm>>
      %dma_start3A_62 = tpu.memref_squeeze %dma_start3A_61 : memref<1x1x1x128xi32, #tpu.memory_space<hbm>> -> memref<128xi32, #tpu.memory_space<hbm>>
      tpu.enqueue_dma source(%dma_start3A_62 : memref<128xi32, #tpu.memory_space<hbm>>) target(%run_scoped3A_0 : memref<128xi32, #tpu.memory_space<vmem>>) target_semaphore(%arg10 : memref<!tpu.dma_semaphore, #tpu.memory_space<semaphore_mem>>)
      %dma_start3A_63 = arith.constant 1 : i32
      %dma_start3A_64 = arith.constant 0 : i32
      %dma_start3A_65 = tpu.memref_slice %arg4[%arg0, %arg1, %dma_start3A_63, %dma_start3A_64] : memref<2x16x80x128xi32, #tpu.memory_space<hbm>> -> memref<1x1x1x128xi32, #tpu.memory_space<hbm>>
      %dma_start3A_66 = tpu.memref_squeeze %dma_start3A_65 : memref<1x1x1x128xi32, #tpu.memory_space<hbm>> -> memref<128xi32, #tpu.memory_space<hbm>>
      %dma_start3A_67 = arith.constant 0 : i32
      %dma_start3A_68 = tpu.memref_slice %arg4[%arg0, %arg1, %dma_start3A_63, %dma_start3A_67] : memref<2x16x80x128xi32, #tpu.memory_space<hbm>> -> memref<1x1x1x128xi32, #tpu.memory_space<hbm>>
      %dma_start3A_69 = tpu.memref_squeeze %dma_start3A_68 : memref<1x1x1x128xi32, #tpu.memory_space<hbm>> -> memref<128xi32, #tpu.memory_space<hbm>>
      tpu.enqueue_dma source(%dma_start3A_69 : memref<128xi32, #tpu.memory_space<hbm>>) target(%run_scoped3A_2 : memref<128xi32, #tpu.memory_space<vmem>>) target_semaphore(%arg12 : memref<!tpu.dma_semaphore, #tpu.memory_space<semaphore_mem>>)
      %dma_wait3A = arith.constant 0 : i32
      %dma_wait3A_70 = arith.constant 0 : i32
      %dma_wait3A_71 = tpu.memref_slice %arg3[%arg0, %arg1, %dma_wait3A, %dma_wait3A_70] : memref<2x16x80x128xi32, #tpu.memory_space<hbm>> -> memref<1x1x1x128xi32, #tpu.memory_space<hbm>>
      %dma_wait3A_72 = tpu.memref_squeeze %dma_wait3A_71 : memref<1x1x1x128xi32, #tpu.memory_space<hbm>> -> memref<128xi32, #tpu.memory_space<hbm>>
      %dma_wait3A_73 = arith.constant 0 : i32
      %dma_wait3A_74 = tpu.memref_slice %arg3[%arg0, %arg1, %dma_wait3A, %dma_wait3A_73] : memref<2x16x80x128xi32, #tpu.memory_space<hbm>> -> memref<1x1x1x128xi32, #tpu.memory_space<hbm>>
      %dma_wait3A_75 = tpu.memref_squeeze %dma_wait3A_74 : memref<1x1x1x128xi32, #tpu.memory_space<hbm>> -> memref<128xi32, #tpu.memory_space<hbm>>
      tpu.wait_dma2 semaphore(%arg9 : memref<!tpu.dma_semaphore, #tpu.memory_space<semaphore_mem>>) src(%dma_wait3A_75 : memref<128xi32, #tpu.memory_space<hbm>>) dst(%run_scoped3A : memref<128xi32, #tpu.memory_space<vmem>>)
      %dma_wait3A_76 = arith.constant 0 : i32
      %dma_wait3A_77 = arith.constant 0 : i32
      %dma_wait3A_78 = tpu.memref_slice %arg4[%arg0, %arg1, %dma_wait3A_76, %dma_wait3A_77] : memref<2x16x80x128xi32, #tpu.memory_space<hbm>> -> memref<1x1x1x128xi32, #tpu.memory_space<hbm>>
      %dma_wait3A_79 = tpu.memref_squeeze %dma_wait3A_78 : memref<1x1x1x128xi32, #tpu.memory_space<hbm>> -> memref<128xi32, #tpu.memory_space<hbm>>
      %dma_wait3A_80 = arith.constant 0 : i32
      %dma_wait3A_81 = tpu.memref_slice %arg4[%arg0, %arg1, %dma_wait3A_76, %dma_wait3A_80] : memref<2x16x80x128xi32, #tpu.memory_space<hbm>> -> memref<1x1x1x128xi32, #tpu.memory_space<hbm>>
      %dma_wait3A_82 = tpu.memref_squeeze %dma_wait3A_81 : memref<1x1x1x128xi32, #tpu.memory_space<hbm>> -> memref<128xi32, #tpu.memory_space<hbm>>
      tpu.wait_dma2 semaphore(%arg11 : memref<!tpu.dma_semaphore, #tpu.memory_space<semaphore_mem>>) src(%dma_wait3A_82 : memref<128xi32, #tpu.memory_space<hbm>>) dst(%run_scoped3A_1 : memref<128xi32, #tpu.memory_space<vmem>>)
      %dma_start3A_83 = arith.constant 0 : i32
      %dma_start3A_84 = arith.constant 0 : i32
      %dma_start3A_85 = tpu.memref_slice %arg2[%dma_start3A_83, %dma_start3A_84] : memref<10000x128xf32, #tpu.memory_space<hbm>> -> memref<10000x128xf32, #tpu.memory_space<hbm>>
      tpu.enqueue_indirect_dma source(%dma_start3A_85 : memref<10000x128xf32, #tpu.memory_space<hbm>>) target(%run_scoped3A_3 : memref<128x128xf32, #tpu.memory_space<vmem>>) offsets(%run_scoped3A : memref<128xi32, #tpu.memory_space<vmem>>) semaphore(%arg7 : memref<!tpu.dma_semaphore, #tpu.memory_space<semaphore_mem>>)
      %scan3A_86 = arith.constant 0 : i32
      %scan3A_87 = arith.constant 0 : i32
      %scan3A_88 = arith.constant 40 : i32
      %scan3A_89 = arith.addi %scan3A_87, %scan3A_88 : i32
      %scan3A_90 = arith.constant 1 : i32
      %scan3A_91 = scf.for %scan3A_98 = %scan3A_87 to %scan3A_89 step %scan3A_90 iter_args(%scan3A_99 = %scan3A_86) -> (i32)  : i32 {
        %mul3A_100 = arith.constant 2 : i32
        %mul3A_101 = arith.muli %mul3A_100, %scan3A_98 : i32
        %add3A_102 = arith.constant 0 : i32
        %add3A_103 = arith.addi %mul3A_101, %add3A_102 : i32
        %add3A_104 = arith.constant 1 : i32
        %add3A_105 = arith.addi %add3A_103, %add3A_104 : i32
        %lt3A = arith.constant 80 : i32
        %lt3A_106 = arith.cmpi slt, %add3A_105, %lt3A : i32
        %convert_element_type3A = arith.extui %lt3A_106 : i1 to i32
        %cond3A = arith.constant 0 : i32
        %cond3A_107 = arith.cmpi ne, %convert_element_type3A, %cond3A : i32
        scf.if %cond3A_107 {
          %add3A_140 = arith.constant 1 : i32
          %add3A_141 = arith.addi %add3A_103, %add3A_140 : i32
          %dma_wait3A_142 = arith.constant 0 : i32
          %dma_wait3A_143 = tpu.memref_slice %arg3[%arg0, %arg1, %add3A_141, %dma_wait3A_142] : memref<2x16x80x128xi32, #tpu.memory_space<hbm>> -> memref<1x1x1x128xi32, #tpu.memory_space<hbm>>
          %dma_wait3A_144 = tpu.memref_squeeze %dma_wait3A_143 : memref<1x1x1x128xi32, #tpu.memory_space<hbm>> -> memref<128xi32, #tpu.memory_space<hbm>>
          %dma_wait3A_145 = arith.constant 0 : i32
          %dma_wait3A_146 = tpu.memref_slice %arg3[%arg0, %arg1, %add3A_141, %dma_wait3A_145] : memref<2x16x80x128xi32, #tpu.memory_space<hbm>> -> memref<1x1x1x128xi32, #tpu.memory_space<hbm>>
          %dma_wait3A_147 = tpu.memref_squeeze %dma_wait3A_146 : memref<1x1x1x128xi32, #tpu.memory_space<hbm>> -> memref<128xi32, #tpu.memory_space<hbm>>
          tpu.wait_dma2 semaphore(%arg10 : memref<!tpu.dma_semaphore, #tpu.memory_space<semaphore_mem>>) src(%dma_wait3A_147 : memref<128xi32, #tpu.memory_space<hbm>>) dst(%run_scoped3A_0 : memref<128xi32, #tpu.memory_space<vmem>>)
          %dma_wait3A_148 = arith.constant 0 : i32
          %dma_wait3A_149 = tpu.memref_slice %arg4[%arg0, %arg1, %add3A_141, %dma_wait3A_148] : memref<2x16x80x128xi32, #tpu.memory_space<hbm>> -> memref<1x1x1x128xi32, #tpu.memory_space<hbm>>
          %dma_wait3A_150 = tpu.memref_squeeze %dma_wait3A_149 : memref<1x1x1x128xi32, #tpu.memory_space<hbm>> -> memref<128xi32, #tpu.memory_space<hbm>>
          %dma_wait3A_151 = arith.constant 0 : i32
          %dma_wait3A_152 = tpu.memref_slice %arg4[%arg0, %arg1, %add3A_141, %dma_wait3A_151] : memref<2x16x80x128xi32, #tpu.memory_space<hbm>> -> memref<1x1x1x128xi32, #tpu.memory_space<hbm>>
          %dma_wait3A_153 = tpu.memref_squeeze %dma_wait3A_152 : memref<1x1x1x128xi32, #tpu.memory_space<hbm>> -> memref<128xi32, #tpu.memory_space<hbm>>
          tpu.wait_dma2 semaphore(%arg12 : memref<!tpu.dma_semaphore, #tpu.memory_space<semaphore_mem>>) src(%dma_wait3A_153 : memref<128xi32, #tpu.memory_space<hbm>>) dst(%run_scoped3A_2 : memref<128xi32, #tpu.memory_space<vmem>>)
          %dma_start3A_154 = arith.constant 0 : i32
          %dma_start3A_155 = arith.constant 0 : i32
          %dma_start3A_156 = tpu.memref_slice %arg2[%dma_start3A_154, %dma_start3A_155] : memref<10000x128xf32, #tpu.memory_space<hbm>> -> memref<10000x128xf32, #tpu.memory_space<hbm>>
          tpu.enqueue_indirect_dma source(%dma_start3A_156 : memref<10000x128xf32, #tpu.memory_space<hbm>>) target(%run_scoped3A_4 : memref<128x128xf32, #tpu.memory_space<vmem>>) offsets(%run_scoped3A_0 : memref<128xi32, #tpu.memory_space<vmem>>) semaphore(%arg8 : memref<!tpu.dma_semaphore, #tpu.memory_space<semaphore_mem>>)
        } else {
        }
        %dma_wait3A_108 = arith.constant 0 : i32
        %dma_wait3A_109 = arith.constant 0 : i32
        %dma_wait3A_110 = tpu.memref_slice %arg2[%dma_wait3A_108, %dma_wait3A_109] : memref<10000x128xf32, #tpu.memory_space<hbm>> -> memref<10000x128xf32, #tpu.memory_space<hbm>>
        tpu.wait_indirect_dma semaphore(%arg7 : memref<!tpu.dma_semaphore, #tpu.memory_space<semaphore_mem>>) src(%dma_wait3A_110 : memref<10000x128xf32, #tpu.memory_space<hbm>>) dst(%run_scoped3A_3 : memref<128x128xf32, #tpu.memory_space<vmem>>)
        "tpu.region"() ({
          %run_scoped3A_140 = tpu.sem_alloc : memref<!tpu.dma_semaphore, #tpu.memory_space<semaphore_mem>>
          %dma_start3A_141 = arith.constant 0 : i32
          %dma_start3A_142 = arith.constant 0 : i32
          %dma_start3A_143 = tpu.memref_slice %arg6[%dma_start3A_141, %dma_start3A_142] : memref<10240x128xf32, #tpu.memory_space<vmem_shared>> -> memref<10240x128xf32, #tpu.memory_space<vmem_shared>>
          tpu.enqueue_indirect_dma source(%run_scoped3A_3 : memref<128x128xf32, #tpu.memory_space<vmem>>) target(%dma_start3A_143 : memref<10240x128xf32, #tpu.memory_space<vmem_shared>>) offsets(%run_scoped3A_1 : memref<128xi32, #tpu.memory_space<vmem>>) semaphore(%run_scoped3A_140 : memref<!tpu.dma_semaphore, #tpu.memory_space<semaphore_mem>>) {add = true}
          %dma_wait3A_144 = arith.constant 0 : i32
          %dma_wait3A_145 = arith.constant 0 : i32
          %dma_wait3A_146 = tpu.memref_slice %arg6[%dma_wait3A_144, %dma_wait3A_145] : memref<10240x128xf32, #tpu.memory_space<vmem_shared>> -> memref<10240x128xf32, #tpu.memory_space<vmem_shared>>
          tpu.wait_indirect_dma semaphore(%run_scoped3A_140 : memref<!tpu.dma_semaphore, #tpu.memory_space<semaphore_mem>>) src(%run_scoped3A_3 : memref<128x128xf32, #tpu.memory_space<vmem>>) dst(%dma_wait3A_146 : memref<10240x128xf32, #tpu.memory_space<vmem_shared>>)
          tpu.yield
        }) : () -> ()
        %add3A_111 = arith.constant 2 : i32
        %add3A_112 = arith.addi %add3A_103, %add3A_111 : i32
        %lt3A_113 = arith.constant 80 : i32
        %lt3A_114 = arith.cmpi slt, %add3A_112, %lt3A_113 : i32
        %convert_element_type3A_115 = arith.extui %lt3A_114 : i1 to i32
        %cond3A_116 = arith.constant 0 : i32
        %cond3A_117 = arith.cmpi ne, %convert_element_type3A_115, %cond3A_116 : i32
        scf.if %cond3A_117 {
          %add3A_140 = arith.constant 2 : i32
          %add3A_141 = arith.addi %add3A_103, %add3A_140 : i32
          %dma_start3A_142 = arith.constant 0 : i32
          %dma_start3A_143 = tpu.memref_slice %arg3[%arg0, %arg1, %add3A_141, %dma_start3A_142] : memref<2x16x80x128xi32, #tpu.memory_space<hbm>> -> memref<1x1x1x128xi32, #tpu.memory_space<hbm>>
          %dma_start3A_144 = tpu.memref_squeeze %dma_start3A_143 : memref<1x1x1x128xi32, #tpu.memory_space<hbm>> -> memref<128xi32, #tpu.memory_space<hbm>>
          %dma_start3A_145 = arith.constant 0 : i32
          %dma_start3A_146 = tpu.memref_slice %arg3[%arg0, %arg1, %add3A_141, %dma_start3A_145] : memref<2x16x80x128xi32, #tpu.memory_space<hbm>> -> memref<1x1x1x128xi32, #tpu.memory_space<hbm>>
          %dma_start3A_147 = tpu.memref_squeeze %dma_start3A_146 : memref<1x1x1x128xi32, #tpu.memory_space<hbm>> -> memref<128xi32, #tpu.memory_space<hbm>>
          tpu.enqueue_dma source(%dma_start3A_147 : memref<128xi32, #tpu.memory_space<hbm>>) target(%run_scoped3A : memref<128xi32, #tpu.memory_space<vmem>>) target_semaphore(%arg9 : memref<!tpu.dma_semaphore, #tpu.memory_space<semaphore_mem>>)
          %dma_start3A_148 = arith.constant 0 : i32
          %dma_start3A_149 = tpu.memref_slice %arg4[%arg0, %arg1, %add3A_141, %dma_start3A_148] : memref<2x16x80x128xi32, #tpu.memory_space<hbm>> -> memref<1x1x1x128xi32, #tpu.memory_space<hbm>>
          %dma_start3A_150 = tpu.memref_squeeze %dma_start3A_149 : memref<1x1x1x128xi32, #tpu.memory_space<hbm>> -> memref<128xi32, #tpu.memory_space<hbm>>
          %dma_start3A_151 = arith.constant 0 : i32
          %dma_start3A_152 = tpu.memref_slice %arg4[%arg0, %arg1, %add3A_141, %dma_start3A_151] : memref<2x16x80x128xi32, #tpu.memory_space<hbm>> -> memref<1x1x1x128xi32, #tpu.memory_space<hbm>>
          %dma_start3A_153 = tpu.memref_squeeze %dma_start3A_152 : memref<1x1x1x128xi32, #tpu.memory_space<hbm>> -> memref<128xi32, #tpu.memory_space<hbm>>
          tpu.enqueue_dma source(%dma_start3A_153 : memref<128xi32, #tpu.memory_space<hbm>>) target(%run_scoped3A_1 : memref<128xi32, #tpu.memory_space<vmem>>) target_semaphore(%arg11 : memref<!tpu.dma_semaphore, #tpu.memory_space<semaphore_mem>>)
        } else {
        }
        %mul3A_118 = arith.constant 2 : i32
        %mul3A_119 = arith.muli %mul3A_118, %scan3A_98 : i32
        %add3A_120 = arith.constant 1 : i32
        %add3A_121 = arith.addi %mul3A_119, %add3A_120 : i32
        %add3A_122 = arith.constant 1 : i32
        %add3A_123 = arith.addi %add3A_121, %add3A_122 : i32
        %lt3A_124 = arith.constant 80 : i32
        %lt3A_125 = arith.cmpi slt, %add3A_123, %lt3A_124 : i32
        %convert_element_type3A_126 = arith.extui %lt3A_125 : i1 to i32
        %cond3A_127 = arith.constant 0 : i32
        %cond3A_128 = arith.cmpi ne, %convert_element_type3A_126, %cond3A_127 : i32
        scf.if %cond3A_128 {
          %add3A_140 = arith.constant 1 : i32
          %add3A_141 = arith.addi %add3A_121, %add3A_140 : i32
          %dma_wait3A_142 = arith.constant 0 : i32
          %dma_wait3A_143 = tpu.memref_slice %arg3[%arg0, %arg1, %add3A_141, %dma_wait3A_142] : memref<2x16x80x128xi32, #tpu.memory_space<hbm>> -> memref<1x1x1x128xi32, #tpu.memory_space<hbm>>
          %dma_wait3A_144 = tpu.memref_squeeze %dma_wait3A_143 : memref<1x1x1x128xi32, #tpu.memory_space<hbm>> -> memref<128xi32, #tpu.memory_space<hbm>>
          %dma_wait3A_145 = arith.constant 0 : i32
          %dma_wait3A_146 = tpu.memref_slice %arg3[%arg0, %arg1, %add3A_141, %dma_wait3A_145] : memref<2x16x80x128xi32, #tpu.memory_space<hbm>> -> memref<1x1x1x128xi32, #tpu.memory_space<hbm>>
          %dma_wait3A_147 = tpu.memref_squeeze %dma_wait3A_146 : memref<1x1x1x128xi32, #tpu.memory_space<hbm>> -> memref<128xi32, #tpu.memory_space<hbm>>
          tpu.wait_dma2 semaphore(%arg9 : memref<!tpu.dma_semaphore, #tpu.memory_space<semaphore_mem>>) src(%dma_wait3A_147 : memref<128xi32, #tpu.memory_space<hbm>>) dst(%run_scoped3A : memref<128xi32, #tpu.memory_space<vmem>>)
          %dma_wait3A_148 = arith.constant 0 : i32
          %dma_wait3A_149 = tpu.memref_slice %arg4[%arg0, %arg1, %add3A_141, %dma_wait3A_148] : memref<2x16x80x128xi32, #tpu.memory_space<hbm>> -> memref<1x1x1x128xi32, #tpu.memory_space<hbm>>
          %dma_wait3A_150 = tpu.memref_squeeze %dma_wait3A_149 : memref<1x1x1x128xi32, #tpu.memory_space<hbm>> -> memref<128xi32, #tpu.memory_space<hbm>>
          %dma_wait3A_151 = arith.constant 0 : i32
          %dma_wait3A_152 = tpu.memref_slice %arg4[%arg0, %arg1, %add3A_141, %dma_wait3A_151] : memref<2x16x80x128xi32, #tpu.memory_space<hbm>> -> memref<1x1x1x128xi32, #tpu.memory_space<hbm>>
          %dma_wait3A_153 = tpu.memref_squeeze %dma_wait3A_152 : memref<1x1x1x128xi32, #tpu.memory_space<hbm>> -> memref<128xi32, #tpu.memory_space<hbm>>
          tpu.wait_dma2 semaphore(%arg11 : memref<!tpu.dma_semaphore, #tpu.memory_space<semaphore_mem>>) src(%dma_wait3A_153 : memref<128xi32, #tpu.memory_space<hbm>>) dst(%run_scoped3A_1 : memref<128xi32, #tpu.memory_space<vmem>>)
          %dma_start3A_154 = arith.constant 0 : i32
          %dma_start3A_155 = arith.constant 0 : i32
          %dma_start3A_156 = tpu.memref_slice %arg2[%dma_start3A_154, %dma_start3A_155] : memref<10000x128xf32, #tpu.memory_space<hbm>> -> memref<10000x128xf32, #tpu.memory_space<hbm>>
          tpu.enqueue_indirect_dma source(%dma_start3A_156 : memref<10000x128xf32, #tpu.memory_space<hbm>>) target(%run_scoped3A_3 : memref<128x128xf32, #tpu.memory_space<vmem>>) offsets(%run_scoped3A : memref<128xi32, #tpu.memory_space<vmem>>) semaphore(%arg7 : memref<!tpu.dma_semaphore, #tpu.memory_space<semaphore_mem>>)
        } else {
        }
        %dma_wait3A_129 = arith.constant 0 : i32
        %dma_wait3A_130 = arith.constant 0 : i32
        %dma_wait3A_131 = tpu.memref_slice %arg2[%dma_wait3A_129, %dma_wait3A_130] : memref<10000x128xf32, #tpu.memory_space<hbm>> -> memref<10000x128xf32, #tpu.memory_space<hbm>>
        tpu.wait_indirect_dma semaphore(%arg8 : memref<!tpu.dma_semaphore, #tpu.memory_space<semaphore_mem>>) src(%dma_wait3A_131 : memref<10000x128xf32, #tpu.memory_space<hbm>>) dst(%run_scoped3A_4 : memref<128x128xf32, #tpu.memory_space<vmem>>)
        "tpu.region"() ({
          %run_scoped3A_140 = tpu.sem_alloc : memref<!tpu.dma_semaphore, #tpu.memory_space<semaphore_mem>>
          %dma_start3A_141 = arith.constant 0 : i32
          %dma_start3A_142 = arith.constant 0 : i32
          %dma_start3A_143 = tpu.memref_slice %arg6[%dma_start3A_141, %dma_start3A_142] : memref<10240x128xf32, #tpu.memory_space<vmem_shared>> -> memref<10240x128xf32, #tpu.memory_space<vmem_shared>>
          tpu.enqueue_indirect_dma source(%run_scoped3A_4 : memref<128x128xf32, #tpu.memory_space<vmem>>) target(%dma_start3A_143 : memref<10240x128xf32, #tpu.memory_space<vmem_shared>>) offsets(%run_scoped3A_2 : memref<128xi32, #tpu.memory_space<vmem>>) semaphore(%run_scoped3A_140 : memref<!tpu.dma_semaphore, #tpu.memory_space<semaphore_mem>>) {add = true}
          %dma_wait3A_144 = arith.constant 0 : i32
          %dma_wait3A_145 = arith.constant 0 : i32
          %dma_wait3A_146 = tpu.memref_slice %arg6[%dma_wait3A_144, %dma_wait3A_145] : memref<10240x128xf32, #tpu.memory_space<vmem_shared>> -> memref<10240x128xf32, #tpu.memory_space<vmem_shared>>
          tpu.wait_indirect_dma semaphore(%run_scoped3A_140 : memref<!tpu.dma_semaphore, #tpu.memory_space<semaphore_mem>>) src(%run_scoped3A_4 : memref<128x128xf32, #tpu.memory_space<vmem>>) dst(%dma_wait3A_146 : memref<10240x128xf32, #tpu.memory_space<vmem_shared>>)
          tpu.yield
        }) : () -> ()
        %add3A_132 = arith.constant 2 : i32
        %add3A_133 = arith.addi %add3A_121, %add3A_132 : i32
        %lt3A_134 = arith.constant 80 : i32
        %lt3A_135 = arith.cmpi slt, %add3A_133, %lt3A_134 : i32
        %convert_element_type3A_136 = arith.extui %lt3A_135 : i1 to i32
        %cond3A_137 = arith.constant 0 : i32
        %cond3A_138 = arith.cmpi ne, %convert_element_type3A_136, %cond3A_137 : i32
        scf.if %cond3A_138 {
          %add3A_140 = arith.constant 2 : i32
          %add3A_141 = arith.addi %add3A_121, %add3A_140 : i32
          %dma_start3A_142 = arith.constant 0 : i32
          %dma_start3A_143 = tpu.memref_slice %arg3[%arg0, %arg1, %add3A_141, %dma_start3A_142] : memref<2x16x80x128xi32, #tpu.memory_space<hbm>> -> memref<1x1x1x128xi32, #tpu.memory_space<hbm>>
          %dma_start3A_144 = tpu.memref_squeeze %dma_start3A_143 : memref<1x1x1x128xi32, #tpu.memory_space<hbm>> -> memref<128xi32, #tpu.memory_space<hbm>>
          %dma_start3A_145 = arith.constant 0 : i32
          %dma_start3A_146 = tpu.memref_slice %arg3[%arg0, %arg1, %add3A_141, %dma_start3A_145] : memref<2x16x80x128xi32, #tpu.memory_space<hbm>> -> memref<1x1x1x128xi32, #tpu.memory_space<hbm>>
          %dma_start3A_147 = tpu.memref_squeeze %dma_start3A_146 : memref<1x1x1x128xi32, #tpu.memory_space<hbm>> -> memref<128xi32, #tpu.memory_space<hbm>>
          tpu.enqueue_dma source(%dma_start3A_147 : memref<128xi32, #tpu.memory_space<hbm>>) target(%run_scoped3A_0 : memref<128xi32, #tpu.memory_space<vmem>>) target_semaphore(%arg10 : memref<!tpu.dma_semaphore, #tpu.memory_space<semaphore_mem>>)
          %dma_start3A_148 = arith.constant 0 : i32
          %dma_start3A_149 = tpu.memref_slice %arg4[%arg0, %arg1, %add3A_141, %dma_start3A_148] : memref<2x16x80x128xi32, #tpu.memory_space<hbm>> -> memref<1x1x1x128xi32, #tpu.memory_space<hbm>>
          %dma_start3A_150 = tpu.memref_squeeze %dma_start3A_149 : memref<1x1x1x128xi32, #tpu.memory_space<hbm>> -> memref<128xi32, #tpu.memory_space<hbm>>
          %dma_start3A_151 = arith.constant 0 : i32
          %dma_start3A_152 = tpu.memref_slice %arg4[%arg0, %arg1, %add3A_141, %dma_start3A_151] : memref<2x16x80x128xi32, #tpu.memory_space<hbm>> -> memref<1x1x1x128xi32, #tpu.memory_space<hbm>>
          %dma_start3A_153 = tpu.memref_squeeze %dma_start3A_152 : memref<1x1x1x128xi32, #tpu.memory_space<hbm>> -> memref<128xi32, #tpu.memory_space<hbm>>
          tpu.enqueue_dma source(%dma_start3A_153 : memref<128xi32, #tpu.memory_space<hbm>>) target(%run_scoped3A_2 : memref<128xi32, #tpu.memory_space<vmem>>) target_semaphore(%arg12 : memref<!tpu.dma_semaphore, #tpu.memory_space<semaphore_mem>>)
        } else {
        }
        %scan3A_139 = arith.constant 0 : i32
        scf.yield %scan3A_139 : i32
      }
      %scan3A_92 = arith.constant 40 : i32
      %barrier3A_93 = arith.constant 0 : index
      tpu.barrier barrier_id(%barrier3A_93)
      %mul3A_94 = arith.constant 640 : i32
      %mul3A_95 = arith.muli %arg1, %mul3A_94 : i32
      %mul3A_96 = arith.constant 640 : i32
      %mul3A_97 = arith.muli %arg1, %mul3A_96 : i32
      "tpu.region"() ({
        %run_scoped3A_98 = tpu.sem_alloc : memref<!tpu.dma_semaphore, #tpu.memory_space<semaphore_mem>>
        %dma_start3A_99 = arith.constant 0 : i32
        %dma_start3A_100 = tpu.memref_slice %arg5[%arg0, %mul3A_97, %dma_start3A_99] : memref<2x10240x128xf32, #tpu.memory_space<hbm>> -> memref<1x640x128xf32, #tpu.memory_space<hbm>>
        %dma_start3A_101 = tpu.memref_squeeze %dma_start3A_100 : memref<1x640x128xf32, #tpu.memory_space<hbm>> -> memref<640x128xf32, #tpu.memory_space<hbm>>
        %dma_start3A_102 = arith.constant 0 : i32
        %dma_start3A_103 = tpu.memref_slice %arg6[%mul3A_95, %dma_start3A_102] : memref<10240x128xf32, #tpu.memory_space<vmem_shared>> -> memref<640x128xf32, #tpu.memory_space<vmem_shared>>
        tpu.enqueue_dma source(%dma_start3A_103 : memref<640x128xf32, #tpu.memory_space<vmem_shared>>) target(%dma_start3A_101 : memref<640x128xf32, #tpu.memory_space<hbm>>) target_semaphore(%run_scoped3A_98 : memref<!tpu.dma_semaphore, #tpu.memory_space<semaphore_mem>>)
        %dma_wait3A_104 = arith.constant 0 : i32
        %dma_wait3A_105 = tpu.memref_slice %arg5[%arg0, %mul3A_97, %dma_wait3A_104] : memref<2x10240x128xf32, #tpu.memory_space<hbm>> -> memref<1x640x128xf32, #tpu.memory_space<hbm>>
        %dma_wait3A_106 = tpu.memref_squeeze %dma_wait3A_105 : memref<1x640x128xf32, #tpu.memory_space<hbm>> -> memref<640x128xf32, #tpu.memory_space<hbm>>
        %dma_wait3A_107 = arith.constant 0 : i32
        %dma_wait3A_108 = tpu.memref_slice %arg6[%mul3A_95, %dma_wait3A_107] : memref<10240x128xf32, #tpu.memory_space<vmem_shared>> -> memref<640x128xf32, #tpu.memory_space<vmem_shared>>
        tpu.wait_dma2 semaphore(%run_scoped3A_98 : memref<!tpu.dma_semaphore, #tpu.memory_space<semaphore_mem>>) src(%dma_wait3A_108 : memref<640x128xf32, #tpu.memory_space<vmem_shared>>) dst(%dma_wait3A_106 : memref<640x128xf32, #tpu.memory_space<hbm>>)
        tpu.yield
      }) : () -> ()
      tpu.yield
    }) : () -> ()
    return
  }
}

#map = affine_map<(d0, d1) -> (0, 0)>
#map1 = affine_map<(d0, d1) -> (0, 0, 0, 0)>
#map2 = affine_map<(d0, d1) -> (0, 0, 0)>
module attributes {stable_mosaic.version = 14 : i64} {
  func.func @_prop_body(%arg0: i32, %arg1: i32, %arg2: memref<10000x128xf32, #tpu.memory_space<hbm>>, %arg3: memref<2x16x80x128xi32, #tpu.memory_space<hbm>>, %arg4: memref<2x16x80x128xi32, #tpu.memory_space<hbm>>, %arg5: memref<2x10240x128xf32, #tpu.memory_space<hbm>>, %arg6: memref<10240x128xf32, #tpu.memory_space<vmem_shared>>, %arg7: memref<!tpu.dma_semaphore, #tpu.memory_space<semaphore_mem>>, %arg8: memref<!tpu.dma_semaphore, #tpu.memory_space<semaphore_mem>>, %arg9: memref<!tpu.dma_semaphore, #tpu.memory_space<semaphore_mem>>, %arg10: memref<!tpu.dma_semaphore, #tpu.memory_space<semaphore_mem>>, %arg11: memref<!tpu.dma_semaphore, #tpu.memory_space<semaphore_mem>>, %arg12: memref<!tpu.dma_semaphore, #tpu.memory_space<semaphore_mem>>) attributes {dimension_semantics = [#tpu.dimension_semantics<core_parallel>, #tpu.dimension_semantics<subcore_parallel>], iteration_bounds = array<i64: 2, 16>, scalar_prefetch = 0 : i64, scratch_operands = 7 : i64, tpu.core_type = #tpu.core_type<sc_vector_subcore>, window_params = [{transform_indices = #map}, {transform_indices = #map1}, {transform_indices = #map1}, {transform_indices = #map2}]} {
    "tpu.region"() ({
      %run_scoped3A = memref.alloca() : memref<128xi32, #tpu.memory_space<vmem>>
      %run_scoped3A_0 = memref.alloca() : memref<128xi32, #tpu.memory_space<vmem>>
      %run_scoped3A_1 = memref.alloca() : memref<128xi32, #tpu.memory_space<vmem>>
      %run_scoped3A_2 = memref.alloca() : memref<128xi32, #tpu.memory_space<vmem>>
      %run_scoped3A_3 = memref.alloca() : memref<128x128xf32, #tpu.memory_space<vmem>>
      %run_scoped3A_4 = memref.alloca() : memref<128x128xf32, #tpu.memory_space<vmem>>
      %run_scoped3A_5 = memref.alloca() : memref<80x128xf32, #tpu.memory_space<vmem>>
      %broadcast_in_dim3A = arith.constant 0.000000e+00 : f32
      %broadcast_in_dim3A_6 = vector.broadcast %broadcast_in_dim3A : f32 to vector<16xf32>
      %scan3A = arith.constant 0 : i32
      %scan3A_7 = arith.constant 0 : i32
      %scan3A_8 = arith.constant 80 : i32
      %scan3A_9 = arith.addi %scan3A_7, %scan3A_8 : i32
      %scan3A_10 = arith.constant 1 : i32
      %scan3A_11 = scf.for %scan3A_98 = %scan3A_7 to %scan3A_9 step %scan3A_10 iter_args(%scan3A_99 = %scan3A) -> (i32)  : i32 {
        %swap3A = arith.index_cast %scan3A_98 : i32 to index
        %swap3A_100 = arith.constant 0 : index
        %swap3A_101 = tpu.vector_load %run_scoped3A_5[%swap3A, %swap3A_100] {strides = array<i32>} : memref<80x128xf32, #tpu.memory_space<vmem>>, vector<1x16xf32>,
        %swap3A_102 = vector.shape_cast %swap3A_101 : vector<1x16xf32> to vector<16xf32>
        %swap3A_103 = vector.shape_cast %broadcast_in_dim3A_6 : vector<16xf32> to vector<1x16xf32>
        tpu.vector_store %run_scoped3A_5[%swap3A, %swap3A_100], %swap3A_103 {strides = array<i32>} : memref<80x128xf32, #tpu.memory_space<vmem>>, vector<1x16xf32>,
        %swap3A_104 = arith.index_cast %scan3A_98 : i32 to index
        %swap3A_105 = arith.constant 16 : index
        %swap3A_106 = tpu.vector_load %run_scoped3A_5[%swap3A_104, %swap3A_105] {strides = array<i32>} : memref<80x128xf32, #tpu.memory_space<vmem>>, vector<1x16xf32>,
        %swap3A_107 = vector.shape_cast %swap3A_106 : vector<1x16xf32> to vector<16xf32>
        %swap3A_108 = vector.shape_cast %broadcast_in_dim3A_6 : vector<16xf32> to vector<1x16xf32>
        tpu.vector_store %run_scoped3A_5[%swap3A_104, %swap3A_105], %swap3A_108 {strides = array<i32>} : memref<80x128xf32, #tpu.memory_space<vmem>>, vector<1x16xf32>,
        %swap3A_109 = arith.index_cast %scan3A_98 : i32 to index
        %swap3A_110 = arith.constant 32 : index
        %swap3A_111 = tpu.vector_load %run_scoped3A_5[%swap3A_109, %swap3A_110] {strides = array<i32>} : memref<80x128xf32, #tpu.memory_space<vmem>>, vector<1x16xf32>,
        %swap3A_112 = vector.shape_cast %swap3A_111 : vector<1x16xf32> to vector<16xf32>
        %swap3A_113 = vector.shape_cast %broadcast_in_dim3A_6 : vector<16xf32> to vector<1x16xf32>
        tpu.vector_store %run_scoped3A_5[%swap3A_109, %swap3A_110], %swap3A_113 {strides = array<i32>} : memref<80x128xf32, #tpu.memory_space<vmem>>, vector<1x16xf32>,
        %swap3A_114 = arith.index_cast %scan3A_98 : i32 to index
        %swap3A_115 = arith.constant 48 : index
        %swap3A_116 = tpu.vector_load %run_scoped3A_5[%swap3A_114, %swap3A_115] {strides = array<i32>} : memref<80x128xf32, #tpu.memory_space<vmem>>, vector<1x16xf32>,
        %swap3A_117 = vector.shape_cast %swap3A_116 : vector<1x16xf32> to vector<16xf32>
        %swap3A_118 = vector.shape_cast %broadcast_in_dim3A_6 : vector<16xf32> to vector<1x16xf32>
        tpu.vector_store %run_scoped3A_5[%swap3A_114, %swap3A_115], %swap3A_118 {strides = array<i32>} : memref<80x128xf32, #tpu.memory_space<vmem>>, vector<1x16xf32>,
        %swap3A_119 = arith.index_cast %scan3A_98 : i32 to index
        %swap3A_120 = arith.constant 64 : index
        %swap3A_121 = tpu.vector_load %run_scoped3A_5[%swap3A_119, %swap3A_120] {strides = array<i32>} : memref<80x128xf32, #tpu.memory_space<vmem>>, vector<1x16xf32>,
        %swap3A_122 = vector.shape_cast %swap3A_121 : vector<1x16xf32> to vector<16xf32>
        %swap3A_123 = vector.shape_cast %broadcast_in_dim3A_6 : vector<16xf32> to vector<1x16xf32>
        tpu.vector_store %run_scoped3A_5[%swap3A_119, %swap3A_120], %swap3A_123 {strides = array<i32>} : memref<80x128xf32, #tpu.memory_space<vmem>>, vector<1x16xf32>,
        %swap3A_124 = arith.index_cast %scan3A_98 : i32 to index
        %swap3A_125 = arith.constant 80 : index
        %swap3A_126 = tpu.vector_load %run_scoped3A_5[%swap3A_124, %swap3A_125] {strides = array<i32>} : memref<80x128xf32, #tpu.memory_space<vmem>>, vector<1x16xf32>,
        %swap3A_127 = vector.shape_cast %swap3A_126 : vector<1x16xf32> to vector<16xf32>
        %swap3A_128 = vector.shape_cast %broadcast_in_dim3A_6 : vector<16xf32> to vector<1x16xf32>
        tpu.vector_store %run_scoped3A_5[%swap3A_124, %swap3A_125], %swap3A_128 {strides = array<i32>} : memref<80x128xf32, #tpu.memory_space<vmem>>, vector<1x16xf32>,
        %swap3A_129 = arith.index_cast %scan3A_98 : i32 to index
        %swap3A_130 = arith.constant 96 : index
        %swap3A_131 = tpu.vector_load %run_scoped3A_5[%swap3A_129, %swap3A_130] {strides = array<i32>} : memref<80x128xf32, #tpu.memory_space<vmem>>, vector<1x16xf32>,
        %swap3A_132 = vector.shape_cast %swap3A_131 : vector<1x16xf32> to vector<16xf32>
        %swap3A_133 = vector.shape_cast %broadcast_in_dim3A_6 : vector<16xf32> to vector<1x16xf32>
        tpu.vector_store %run_scoped3A_5[%swap3A_129, %swap3A_130], %swap3A_133 {strides = array<i32>} : memref<80x128xf32, #tpu.memory_space<vmem>>, vector<1x16xf32>,
        %swap3A_134 = arith.index_cast %scan3A_98 : i32 to index
        %swap3A_135 = arith.constant 112 : index
        %swap3A_136 = tpu.vector_load %run_scoped3A_5[%swap3A_134, %swap3A_135] {strides = array<i32>} : memref<80x128xf32, #tpu.memory_space<vmem>>, vector<1x16xf32>,
        %swap3A_137 = vector.shape_cast %swap3A_136 : vector<1x16xf32> to vector<16xf32>
        %swap3A_138 = vector.shape_cast %broadcast_in_dim3A_6 : vector<16xf32> to vector<1x16xf32>
        tpu.vector_store %run_scoped3A_5[%swap3A_134, %swap3A_135], %swap3A_138 {strides = array<i32>} : memref<80x128xf32, #tpu.memory_space<vmem>>, vector<1x16xf32>,
        %scan3A_139 = arith.constant 0 : i32
        scf.yield %scan3A_139 : i32
      }
      %scan3A_12 = arith.constant 80 : i32
      %mul3A = arith.constant 640 : i32
      %mul3A_13 = arith.muli %arg1, %mul3A : i32
      %add3A = arith.constant 0 : i32
      %add3A_14 = arith.addi %mul3A_13, %add3A : i32
      "tpu.region"() ({
        %run_scoped3A_98 = tpu.sem_alloc : memref<!tpu.dma_semaphore, #tpu.memory_space<semaphore_mem>>
        %dma_start3A_99 = arith.constant 0 : i32
        %dma_start3A_100 = tpu.memref_slice %arg6[%add3A_14, %dma_start3A_99] : memref<10240x128xf32, #tpu.memory_space<vmem_shared>> -> memref<80x128xf32, #tpu.memory_space<vmem_shared>>
        %dma_start3A_101 = arith.constant 0 : i32
        %dma_start3A_102 = tpu.memref_slice %arg6[%add3A_14, %dma_start3A_101] : memref<10240x128xf32, #tpu.memory_space<vmem_shared>> -> memref<80x128xf32, #tpu.memory_space<vmem_shared>>
        tpu.enqueue_dma source(%run_scoped3A_5 : memref<80x128xf32, #tpu.memory_space<vmem>>) target(%dma_start3A_102 : memref<80x128xf32, #tpu.memory_space<vmem_shared>>) target_semaphore(%run_scoped3A_98 : memref<!tpu.dma_semaphore, #tpu.memory_space<semaphore_mem>>)
        %dma_wait3A_103 = arith.constant 0 : i32
        %dma_wait3A_104 = tpu.memref_slice %arg6[%add3A_14, %dma_wait3A_103] : memref<10240x128xf32, #tpu.memory_space<vmem_shared>> -> memref<80x128xf32, #tpu.memory_space<vmem_shared>>
        %dma_wait3A_105 = arith.constant 0 : i32
        %dma_wait3A_106 = tpu.memref_slice %arg6[%add3A_14, %dma_wait3A_105] : memref<10240x128xf32, #tpu.memory_space<vmem_shared>> -> memref<80x128xf32, #tpu.memory_space<vmem_shared>>
        tpu.wait_dma2 semaphore(%run_scoped3A_98 : memref<!tpu.dma_semaphore, #tpu.memory_space<semaphore_mem>>) src(%run_scoped3A_5 : memref<80x128xf32, #tpu.memory_space<vmem>>) dst(%dma_wait3A_106 : memref<80x128xf32, #tpu.memory_space<vmem_shared>>)
        tpu.yield
      }) : () -> ()
      %mul3A_15 = arith.constant 640 : i32
      %mul3A_16 = arith.muli %arg1, %mul3A_15 : i32
      %add3A_17 = arith.constant 80 : i32
      %add3A_18 = arith.addi %mul3A_16, %add3A_17 : i32
      "tpu.region"() ({
        %run_scoped3A_98 = tpu.sem_alloc : memref<!tpu.dma_semaphore, #tpu.memory_space<semaphore_mem>>
        %dma_start3A_99 = arith.constant 0 : i32
        %dma_start3A_100 = tpu.memref_slice %arg6[%add3A_18, %dma_start3A_99] : memref<10240x128xf32, #tpu.memory_space<vmem_shared>> -> memref<80x128xf32, #tpu.memory_space<vmem_shared>>
        %dma_start3A_101 = arith.constant 0 : i32
        %dma_start3A_102 = tpu.memref_slice %arg6[%add3A_18, %dma_start3A_101] : memref<10240x128xf32, #tpu.memory_space<vmem_shared>> -> memref<80x128xf32, #tpu.memory_space<vmem_shared>>
        tpu.enqueue_dma source(%run_scoped3A_5 : memref<80x128xf32, #tpu.memory_space<vmem>>) target(%dma_start3A_102 : memref<80x128xf32, #tpu.memory_space<vmem_shared>>) target_semaphore(%run_scoped3A_98 : memref<!tpu.dma_semaphore, #tpu.memory_space<semaphore_mem>>)
        %dma_wait3A_103 = arith.constant 0 : i32
        %dma_wait3A_104 = tpu.memref_slice %arg6[%add3A_18, %dma_wait3A_103] : memref<10240x128xf32, #tpu.memory_space<vmem_shared>> -> memref<80x128xf32, #tpu.memory_space<vmem_shared>>
        %dma_wait3A_105 = arith.constant 0 : i32
        %dma_wait3A_106 = tpu.memref_slice %arg6[%add3A_18, %dma_wait3A_105] : memref<10240x128xf32, #tpu.memory_space<vmem_shared>> -> memref<80x128xf32, #tpu.memory_space<vmem_shared>>
        tpu.wait_dma2 semaphore(%run_scoped3A_98 : memref<!tpu.dma_semaphore, #tpu.memory_space<semaphore_mem>>) src(%run_scoped3A_5 : memref<80x128xf32, #tpu.memory_space<vmem>>) dst(%dma_wait3A_106 : memref<80x128xf32, #tpu.memory_space<vmem_shared>>)
        tpu.yield
      }) : () -> ()
      %mul3A_19 = arith.constant 640 : i32
      %mul3A_20 = arith.muli %arg1, %mul3A_19 : i32
      %add3A_21 = arith.constant 160 : i32
      %add3A_22 = arith.addi %mul3A_20, %add3A_21 : i32
      "tpu.region"() ({
        %run_scoped3A_98 = tpu.sem_alloc : memref<!tpu.dma_semaphore, #tpu.memory_space<semaphore_mem>>
        %dma_start3A_99 = arith.constant 0 : i32
        %dma_start3A_100 = tpu.memref_slice %arg6[%add3A_22, %dma_start3A_99] : memref<10240x128xf32, #tpu.memory_space<vmem_shared>> -> memref<80x128xf32, #tpu.memory_space<vmem_shared>>
        %dma_start3A_101 = arith.constant 0 : i32
        %dma_start3A_102 = tpu.memref_slice %arg6[%add3A_22, %dma_start3A_101] : memref<10240x128xf32, #tpu.memory_space<vmem_shared>> -> memref<80x128xf32, #tpu.memory_space<vmem_shared>>
        tpu.enqueue_dma source(%run_scoped3A_5 : memref<80x128xf32, #tpu.memory_space<vmem>>) target(%dma_start3A_102 : memref<80x128xf32, #tpu.memory_space<vmem_shared>>) target_semaphore(%run_scoped3A_98 : memref<!tpu.dma_semaphore, #tpu.memory_space<semaphore_mem>>)
        %dma_wait3A_103 = arith.constant 0 : i32
        %dma_wait3A_104 = tpu.memref_slice %arg6[%add3A_22, %dma_wait3A_103] : memref<10240x128xf32, #tpu.memory_space<vmem_shared>> -> memref<80x128xf32, #tpu.memory_space<vmem_shared>>
        %dma_wait3A_105 = arith.constant 0 : i32
        %dma_wait3A_106 = tpu.memref_slice %arg6[%add3A_22, %dma_wait3A_105] : memref<10240x128xf32, #tpu.memory_space<vmem_shared>> -> memref<80x128xf32, #tpu.memory_space<vmem_shared>>
        tpu.wait_dma2 semaphore(%run_scoped3A_98 : memref<!tpu.dma_semaphore, #tpu.memory_space<semaphore_mem>>) src(%run_scoped3A_5 : memref<80x128xf32, #tpu.memory_space<vmem>>) dst(%dma_wait3A_106 : memref<80x128xf32, #tpu.memory_space<vmem_shared>>)
        tpu.yield
      }) : () -> ()
      %mul3A_23 = arith.constant 640 : i32
      %mul3A_24 = arith.muli %arg1, %mul3A_23 : i32
      %add3A_25 = arith.constant 240 : i32
      %add3A_26 = arith.addi %mul3A_24, %add3A_25 : i32
      "tpu.region"() ({
        %run_scoped3A_98 = tpu.sem_alloc : memref<!tpu.dma_semaphore, #tpu.memory_space<semaphore_mem>>
        %dma_start3A_99 = arith.constant 0 : i32
        %dma_start3A_100 = tpu.memref_slice %arg6[%add3A_26, %dma_start3A_99] : memref<10240x128xf32, #tpu.memory_space<vmem_shared>> -> memref<80x128xf32, #tpu.memory_space<vmem_shared>>
        %dma_start3A_101 = arith.constant 0 : i32
        %dma_start3A_102 = tpu.memref_slice %arg6[%add3A_26, %dma_start3A_101] : memref<10240x128xf32, #tpu.memory_space<vmem_shared>> -> memref<80x128xf32, #tpu.memory_space<vmem_shared>>
        tpu.enqueue_dma source(%run_scoped3A_5 : memref<80x128xf32, #tpu.memory_space<vmem>>) target(%dma_start3A_102 : memref<80x128xf32, #tpu.memory_space<vmem_shared>>) target_semaphore(%run_scoped3A_98 : memref<!tpu.dma_semaphore, #tpu.memory_space<semaphore_mem>>)
        %dma_wait3A_103 = arith.constant 0 : i32
        %dma_wait3A_104 = tpu.memref_slice %arg6[%add3A_26, %dma_wait3A_103] : memref<10240x128xf32, #tpu.memory_space<vmem_shared>> -> memref<80x128xf32, #tpu.memory_space<vmem_shared>>
        %dma_wait3A_105 = arith.constant 0 : i32
        %dma_wait3A_106 = tpu.memref_slice %arg6[%add3A_26, %dma_wait3A_105] : memref<10240x128xf32, #tpu.memory_space<vmem_shared>> -> memref<80x128xf32, #tpu.memory_space<vmem_shared>>
        tpu.wait_dma2 semaphore(%run_scoped3A_98 : memref<!tpu.dma_semaphore, #tpu.memory_space<semaphore_mem>>) src(%run_scoped3A_5 : memref<80x128xf32, #tpu.memory_space<vmem>>) dst(%dma_wait3A_106 : memref<80x128xf32, #tpu.memory_space<vmem_shared>>)
        tpu.yield
      }) : () -> ()
      %mul3A_27 = arith.constant 640 : i32
      %mul3A_28 = arith.muli %arg1, %mul3A_27 : i32
      %add3A_29 = arith.constant 320 : i32
      %add3A_30 = arith.addi %mul3A_28, %add3A_29 : i32
      "tpu.region"() ({
        %run_scoped3A_98 = tpu.sem_alloc : memref<!tpu.dma_semaphore, #tpu.memory_space<semaphore_mem>>
        %dma_start3A_99 = arith.constant 0 : i32
        %dma_start3A_100 = tpu.memref_slice %arg6[%add3A_30, %dma_start3A_99] : memref<10240x128xf32, #tpu.memory_space<vmem_shared>> -> memref<80x128xf32, #tpu.memory_space<vmem_shared>>
        %dma_start3A_101 = arith.constant 0 : i32
        %dma_start3A_102 = tpu.memref_slice %arg6[%add3A_30, %dma_start3A_101] : memref<10240x128xf32, #tpu.memory_space<vmem_shared>> -> memref<80x128xf32, #tpu.memory_space<vmem_shared>>
        tpu.enqueue_dma source(%run_scoped3A_5 : memref<80x128xf32, #tpu.memory_space<vmem>>) target(%dma_start3A_102 : memref<80x128xf32, #tpu.memory_space<vmem_shared>>) target_semaphore(%run_scoped3A_98 : memref<!tpu.dma_semaphore, #tpu.memory_space<semaphore_mem>>)
        %dma_wait3A_103 = arith.constant 0 : i32
        %dma_wait3A_104 = tpu.memref_slice %arg6[%add3A_30, %dma_wait3A_103] : memref<10240x128xf32, #tpu.memory_space<vmem_shared>> -> memref<80x128xf32, #tpu.memory_space<vmem_shared>>
        %dma_wait3A_105 = arith.constant 0 : i32
        %dma_wait3A_106 = tpu.memref_slice %arg6[%add3A_30, %dma_wait3A_105] : memref<10240x128xf32, #tpu.memory_space<vmem_shared>> -> memref<80x128xf32, #tpu.memory_space<vmem_shared>>
        tpu.wait_dma2 semaphore(%run_scoped3A_98 : memref<!tpu.dma_semaphore, #tpu.memory_space<semaphore_mem>>) src(%run_scoped3A_5 : memref<80x128xf32, #tpu.memory_space<vmem>>) dst(%dma_wait3A_106 : memref<80x128xf32, #tpu.memory_space<vmem_shared>>)
        tpu.yield
      }) : () -> ()
      %mul3A_31 = arith.constant 640 : i32
      %mul3A_32 = arith.muli %arg1, %mul3A_31 : i32
      %add3A_33 = arith.constant 400 : i32
      %add3A_34 = arith.addi %mul3A_32, %add3A_33 : i32
      "tpu.region"() ({
        %run_scoped3A_98 = tpu.sem_alloc : memref<!tpu.dma_semaphore, #tpu.memory_space<semaphore_mem>>
        %dma_start3A_99 = arith.constant 0 : i32
        %dma_start3A_100 = tpu.memref_slice %arg6[%add3A_34, %dma_start3A_99] : memref<10240x128xf32, #tpu.memory_space<vmem_shared>> -> memref<80x128xf32, #tpu.memory_space<vmem_shared>>
        %dma_start3A_101 = arith.constant 0 : i32
        %dma_start3A_102 = tpu.memref_slice %arg6[%add3A_34, %dma_start3A_101] : memref<10240x128xf32, #tpu.memory_space<vmem_shared>> -> memref<80x128xf32, #tpu.memory_space<vmem_shared>>
        tpu.enqueue_dma source(%run_scoped3A_5 : memref<80x128xf32, #tpu.memory_space<vmem>>) target(%dma_start3A_102 : memref<80x128xf32, #tpu.memory_space<vmem_shared>>) target_semaphore(%run_scoped3A_98 : memref<!tpu.dma_semaphore, #tpu.memory_space<semaphore_mem>>)
        %dma_wait3A_103 = arith.constant 0 : i32
        %dma_wait3A_104 = tpu.memref_slice %arg6[%add3A_34, %dma_wait3A_103] : memref<10240x128xf32, #tpu.memory_space<vmem_shared>> -> memref<80x128xf32, #tpu.memory_space<vmem_shared>>
        %dma_wait3A_105 = arith.constant 0 : i32
        %dma_wait3A_106 = tpu.memref_slice %arg6[%add3A_34, %dma_wait3A_105] : memref<10240x128xf32, #tpu.memory_space<vmem_shared>> -> memref<80x128xf32, #tpu.memory_space<vmem_shared>>
        tpu.wait_dma2 semaphore(%run_scoped3A_98 : memref<!tpu.dma_semaphore, #tpu.memory_space<semaphore_mem>>) src(%run_scoped3A_5 : memref<80x128xf32, #tpu.memory_space<vmem>>) dst(%dma_wait3A_106 : memref<80x128xf32, #tpu.memory_space<vmem_shared>>)
        tpu.yield
      }) : () -> ()
      %mul3A_35 = arith.constant 640 : i32
      %mul3A_36 = arith.muli %arg1, %mul3A_35 : i32
      %add3A_37 = arith.constant 480 : i32
      %add3A_38 = arith.addi %mul3A_36, %add3A_37 : i32
      "tpu.region"() ({
        %run_scoped3A_98 = tpu.sem_alloc : memref<!tpu.dma_semaphore, #tpu.memory_space<semaphore_mem>>
        %dma_start3A_99 = arith.constant 0 : i32
        %dma_start3A_100 = tpu.memref_slice %arg6[%add3A_38, %dma_start3A_99] : memref<10240x128xf32, #tpu.memory_space<vmem_shared>> -> memref<80x128xf32, #tpu.memory_space<vmem_shared>>
        %dma_start3A_101 = arith.constant 0 : i32
        %dma_start3A_102 = tpu.memref_slice %arg6[%add3A_38, %dma_start3A_101] : memref<10240x128xf32, #tpu.memory_space<vmem_shared>> -> memref<80x128xf32, #tpu.memory_space<vmem_shared>>
        tpu.enqueue_dma source(%run_scoped3A_5 : memref<80x128xf32, #tpu.memory_space<vmem>>) target(%dma_start3A_102 : memref<80x128xf32, #tpu.memory_space<vmem_shared>>) target_semaphore(%run_scoped3A_98 : memref<!tpu.dma_semaphore, #tpu.memory_space<semaphore_mem>>)
        %dma_wait3A_103 = arith.constant 0 : i32
        %dma_wait3A_104 = tpu.memref_slice %arg6[%add3A_38, %dma_wait3A_103] : memref<10240x128xf32, #tpu.memory_space<vmem_shared>> -> memref<80x128xf32, #tpu.memory_space<vmem_shared>>
        %dma_wait3A_105 = arith.constant 0 : i32
        %dma_wait3A_106 = tpu.memref_slice %arg6[%add3A_38, %dma_wait3A_105] : memref<10240x128xf32, #tpu.memory_space<vmem_shared>> -> memref<80x128xf32, #tpu.memory_space<vmem_shared>>
        tpu.wait_dma2 semaphore(%run_scoped3A_98 : memref<!tpu.dma_semaphore, #tpu.memory_space<semaphore_mem>>) src(%run_scoped3A_5 : memref<80x128xf32, #tpu.memory_space<vmem>>) dst(%dma_wait3A_106 : memref<80x128xf32, #tpu.memory_space<vmem_shared>>)
        tpu.yield
      }) : () -> ()
      %mul3A_39 = arith.constant 640 : i32
      %mul3A_40 = arith.muli %arg1, %mul3A_39 : i32
      %add3A_41 = arith.constant 560 : i32
      %add3A_42 = arith.addi %mul3A_40, %add3A_41 : i32
      "tpu.region"() ({
        %run_scoped3A_98 = tpu.sem_alloc : memref<!tpu.dma_semaphore, #tpu.memory_space<semaphore_mem>>
        %dma_start3A_99 = arith.constant 0 : i32
        %dma_start3A_100 = tpu.memref_slice %arg6[%add3A_42, %dma_start3A_99] : memref<10240x128xf32, #tpu.memory_space<vmem_shared>> -> memref<80x128xf32, #tpu.memory_space<vmem_shared>>
        %dma_start3A_101 = arith.constant 0 : i32
        %dma_start3A_102 = tpu.memref_slice %arg6[%add3A_42, %dma_start3A_101] : memref<10240x128xf32, #tpu.memory_space<vmem_shared>> -> memref<80x128xf32, #tpu.memory_space<vmem_shared>>
        tpu.enqueue_dma source(%run_scoped3A_5 : memref<80x128xf32, #tpu.memory_space<vmem>>) target(%dma_start3A_102 : memref<80x128xf32, #tpu.memory_space<vmem_shared>>) target_semaphore(%run_scoped3A_98 : memref<!tpu.dma_semaphore, #tpu.memory_space<semaphore_mem>>)
        %dma_wait3A_103 = arith.constant 0 : i32
        %dma_wait3A_104 = tpu.memref_slice %arg6[%add3A_42, %dma_wait3A_103] : memref<10240x128xf32, #tpu.memory_space<vmem_shared>> -> memref<80x128xf32, #tpu.memory_space<vmem_shared>>
        %dma_wait3A_105 = arith.constant 0 : i32
        %dma_wait3A_106 = tpu.memref_slice %arg6[%add3A_42, %dma_wait3A_105] : memref<10240x128xf32, #tpu.memory_space<vmem_shared>> -> memref<80x128xf32, #tpu.memory_space<vmem_shared>>
        tpu.wait_dma2 semaphore(%run_scoped3A_98 : memref<!tpu.dma_semaphore, #tpu.memory_space<semaphore_mem>>) src(%run_scoped3A_5 : memref<80x128xf32, #tpu.memory_space<vmem>>) dst(%dma_wait3A_106 : memref<80x128xf32, #tpu.memory_space<vmem_shared>>)
        tpu.yield
      }) : () -> ()
      %barrier3A = arith.constant 0 : index
      tpu.barrier barrier_id(%barrier3A)
      %dma_start3A = arith.constant 0 : i32
      %dma_start3A_43 = arith.constant 0 : i32
      %dma_start3A_44 = tpu.memref_slice %arg3[%arg0, %arg1, %dma_start3A, %dma_start3A_43] : memref<2x16x80x128xi32, #tpu.memory_space<hbm>> -> memref<1x1x1x128xi32, #tpu.memory_space<hbm>>
      %dma_start3A_45 = tpu.memref_squeeze %dma_start3A_44 : memref<1x1x1x128xi32, #tpu.memory_space<hbm>> -> memref<128xi32, #tpu.memory_space<hbm>>
      %dma_start3A_46 = arith.constant 0 : i32
      %dma_start3A_47 = tpu.memref_slice %arg3[%arg0, %arg1, %dma_start3A, %dma_start3A_46] : memref<2x16x80x128xi32, #tpu.memory_space<hbm>> -> memref<1x1x1x128xi32, #tpu.memory_space<hbm>>
      %dma_start3A_48 = tpu.memref_squeeze %dma_start3A_47 : memref<1x1x1x128xi32, #tpu.memory_space<hbm>> -> memref<128xi32, #tpu.memory_space<hbm>>
      tpu.enqueue_dma source(%dma_start3A_48 : memref<128xi32, #tpu.memory_space<hbm>>) target(%run_scoped3A : memref<128xi32, #tpu.memory_space<vmem>>) target_semaphore(%arg9 : memref<!tpu.dma_semaphore, #tpu.memory_space<semaphore_mem>>)
      %dma_start3A_49 = arith.constant 0 : i32
      %dma_start3A_50 = arith.constant 0 : i32
      %dma_start3A_51 = tpu.memref_slice %arg4[%arg0, %arg1, %dma_start3A_49, %dma_start3A_50] : memref<2x16x80x128xi32, #tpu.memory_space<hbm>> -> memref<1x1x1x128xi32, #tpu.memory_space<hbm>>
      %dma_start3A_52 = tpu.memref_squeeze %dma_start3A_51 : memref<1x1x1x128xi32, #tpu.memory_space<hbm>> -> memref<128xi32, #tpu.memory_space<hbm>>
      %dma_start3A_53 = arith.constant 0 : i32
      %dma_start3A_54 = tpu.memref_slice %arg4[%arg0, %arg1, %dma_start3A_49, %dma_start3A_53] : memref<2x16x80x128xi32, #tpu.memory_space<hbm>> -> memref<1x1x1x128xi32, #tpu.memory_space<hbm>>
      %dma_start3A_55 = tpu.memref_squeeze %dma_start3A_54 : memref<1x1x1x128xi32, #tpu.memory_space<hbm>> -> memref<128xi32, #tpu.memory_space<hbm>>
      tpu.enqueue_dma source(%dma_start3A_55 : memref<128xi32, #tpu.memory_space<hbm>>) target(%run_scoped3A_1 : memref<128xi32, #tpu.memory_space<vmem>>) target_semaphore(%arg11 : memref<!tpu.dma_semaphore, #tpu.memory_space<semaphore_mem>>)
      %dma_start3A_56 = arith.constant 1 : i32
      %dma_start3A_57 = arith.constant 0 : i32
      %dma_start3A_58 = tpu.memref_slice %arg3[%arg0, %arg1, %dma_start3A_56, %dma_start3A_57] : memref<2x16x80x128xi32, #tpu.memory_space<hbm>> -> memref<1x1x1x128xi32, #tpu.memory_space<hbm>>
      %dma_start3A_59 = tpu.memref_squeeze %dma_start3A_58 : memref<1x1x1x128xi32, #tpu.memory_space<hbm>> -> memref<128xi32, #tpu.memory_space<hbm>>
      %dma_start3A_60 = arith.constant 0 : i32
      %dma_start3A_61 = tpu.memref_slice %arg3[%arg0, %arg1, %dma_start3A_56, %dma_start3A_60] : memref<2x16x80x128xi32, #tpu.memory_space<hbm>> -> memref<1x1x1x128xi32, #tpu.memory_space<hbm>>
      %dma_start3A_62 = tpu.memref_squeeze %dma_start3A_61 : memref<1x1x1x128xi32, #tpu.memory_space<hbm>> -> memref<128xi32, #tpu.memory_space<hbm>>
      tpu.enqueue_dma source(%dma_start3A_62 : memref<128xi32, #tpu.memory_space<hbm>>) target(%run_scoped3A_0 : memref<128xi32, #tpu.memory_space<vmem>>) target_semaphore(%arg10 : memref<!tpu.dma_semaphore, #tpu.memory_space<semaphore_mem>>)
      %dma_start3A_63 = arith.constant 1 : i32
      %dma_start3A_64 = arith.constant 0 : i32
      %dma_start3A_65 = tpu.memref_slice %arg4[%arg0, %arg1, %dma_start3A_63, %dma_start3A_64] : memref<2x16x80x128xi32, #tpu.memory_space<hbm>> -> memref<1x1x1x128xi32, #tpu.memory_space<hbm>>
      %dma_start3A_66 = tpu.memref_squeeze %dma_start3A_65 : memref<1x1x1x128xi32, #tpu.memory_space<hbm>> -> memref<128xi32, #tpu.memory_space<hbm>>
      %dma_start3A_67 = arith.constant 0 : i32
      %dma_start3A_68 = tpu.memref_slice %arg4[%arg0, %arg1, %dma_start3A_63, %dma_start3A_67] : memref<2x16x80x128xi32, #tpu.memory_space<hbm>> -> memref<1x1x1x128xi32, #tpu.memory_space<hbm>>
      %dma_start3A_69 = tpu.memref_squeeze %dma_start3A_68 : memref<1x1x1x128xi32, #tpu.memory_space<hbm>> -> memref<128xi32, #tpu.memory_space<hbm>>
      tpu.enqueue_dma source(%dma_start3A_69 : memref<128xi32, #tpu.memory_space<hbm>>) target(%run_scoped3A_2 : memref<128xi32, #tpu.memory_space<vmem>>) target_semaphore(%arg12 : memref<!tpu.dma_semaphore, #tpu.memory_space<semaphore_mem>>)
      %dma_wait3A = arith.constant 0 : i32
      %dma_wait3A_70 = arith.constant 0 : i32
      %dma_wait3A_71 = tpu.memref_slice %arg3[%arg0, %arg1, %dma_wait3A, %dma_wait3A_70] : memref<2x16x80x128xi32, #tpu.memory_space<hbm>> -> memref<1x1x1x128xi32, #tpu.memory_space<hbm>>
      %dma_wait3A_72 = tpu.memref_squeeze %dma_wait3A_71 : memref<1x1x1x128xi32, #tpu.memory_space<hbm>> -> memref<128xi32, #tpu.memory_space<hbm>>
      %dma_wait3A_73 = arith.constant 0 : i32
      %dma_wait3A_74 = tpu.memref_slice %arg3[%arg0, %arg1, %dma_wait3A, %dma_wait3A_73] : memref<2x16x80x128xi32, #tpu.memory_space<hbm>> -> memref<1x1x1x128xi32, #tpu.memory_space<hbm>>
      %dma_wait3A_75 = tpu.memref_squeeze %dma_wait3A_74 : memref<1x1x1x128xi32, #tpu.memory_space<hbm>> -> memref<128xi32, #tpu.memory_space<hbm>>
      tpu.wait_dma2 semaphore(%arg9 : memref<!tpu.dma_semaphore, #tpu.memory_space<semaphore_mem>>) src(%dma_wait3A_75 : memref<128xi32, #tpu.memory_space<hbm>>) dst(%run_scoped3A : memref<128xi32, #tpu.memory_space<vmem>>)
      %dma_wait3A_76 = arith.constant 0 : i32
      %dma_wait3A_77 = arith.constant 0 : i32
      %dma_wait3A_78 = tpu.memref_slice %arg4[%arg0, %arg1, %dma_wait3A_76, %dma_wait3A_77] : memref<2x16x80x128xi32, #tpu.memory_space<hbm>> -> memref<1x1x1x128xi32, #tpu.memory_space<hbm>>
      %dma_wait3A_79 = tpu.memref_squeeze %dma_wait3A_78 : memref<1x1x1x128xi32, #tpu.memory_space<hbm>> -> memref<128xi32, #tpu.memory_space<hbm>>
      %dma_wait3A_80 = arith.constant 0 : i32
      %dma_wait3A_81 = tpu.memref_slice %arg4[%arg0, %arg1, %dma_wait3A_76, %dma_wait3A_80] : memref<2x16x80x128xi32, #tpu.memory_space<hbm>> -> memref<1x1x1x128xi32, #tpu.memory_space<hbm>>
      %dma_wait3A_82 = tpu.memref_squeeze %dma_wait3A_81 : memref<1x1x1x128xi32, #tpu.memory_space<hbm>> -> memref<128xi32, #tpu.memory_space<hbm>>
      tpu.wait_dma2 semaphore(%arg11 : memref<!tpu.dma_semaphore, #tpu.memory_space<semaphore_mem>>) src(%dma_wait3A_82 : memref<128xi32, #tpu.memory_space<hbm>>) dst(%run_scoped3A_1 : memref<128xi32, #tpu.memory_space<vmem>>)
      %dma_start3A_83 = arith.constant 0 : i32
      %dma_start3A_84 = arith.constant 0 : i32
      %dma_start3A_85 = tpu.memref_slice %arg2[%dma_start3A_83, %dma_start3A_84] : memref<10000x128xf32, #tpu.memory_space<hbm>> -> memref<10000x128xf32, #tpu.memory_space<hbm>>
      tpu.enqueue_indirect_dma source(%dma_start3A_85 : memref<10000x128xf32, #tpu.memory_space<hbm>>) target(%run_scoped3A_3 : memref<128x128xf32, #tpu.memory_space<vmem>>) offsets(%run_scoped3A : memref<128xi32, #tpu.memory_space<vmem>>) semaphore(%arg7 : memref<!tpu.dma_semaphore, #tpu.memory_space<semaphore_mem>>)
      %scan3A_86 = arith.constant 0 : i32
      %scan3A_87 = arith.constant 0 : i32
      %scan3A_88 = arith.constant 40 : i32
      %scan3A_89 = arith.addi %scan3A_87, %scan3A_88 : i32
      %scan3A_90 = arith.constant 1 : i32
      %scan3A_91 = scf.for %scan3A_98 = %scan3A_87 to %scan3A_89 step %scan3A_90 iter_args(%scan3A_99 = %scan3A_86) -> (i32)  : i32 {
        %mul3A_100 = arith.constant 2 : i32
        %mul3A_101 = arith.muli %mul3A_100, %scan3A_98 : i32
        %add3A_102 = arith.constant 0 : i32
        %add3A_103 = arith.addi %mul3A_101, %add3A_102 : i32
        %add3A_104 = arith.constant 1 : i32
        %add3A_105 = arith.addi %add3A_103, %add3A_104 : i32
        %lt3A = arith.constant 80 : i32
        %lt3A_106 = arith.cmpi slt, %add3A_105, %lt3A : i32
        %convert_element_type3A = arith.extui %lt3A_106 : i1 to i32
        %cond3A = arith.constant 0 : i32
        %cond3A_107 = arith.cmpi ne, %convert_element_type3A, %cond3A : i32
        scf.if %cond3A_107 {
          %add3A_140 = arith.constant 1 : i32
          %add3A_141 = arith.addi %add3A_103, %add3A_140 : i32
          %dma_wait3A_142 = arith.constant 0 : i32
          %dma_wait3A_143 = tpu.memref_slice %arg3[%arg0, %arg1, %add3A_141, %dma_wait3A_142] : memref<2x16x80x128xi32, #tpu.memory_space<hbm>> -> memref<1x1x1x128xi32, #tpu.memory_space<hbm>>
          %dma_wait3A_144 = tpu.memref_squeeze %dma_wait3A_143 : memref<1x1x1x128xi32, #tpu.memory_space<hbm>> -> memref<128xi32, #tpu.memory_space<hbm>>
          %dma_wait3A_145 = arith.constant 0 : i32
          %dma_wait3A_146 = tpu.memref_slice %arg3[%arg0, %arg1, %add3A_141, %dma_wait3A_145] : memref<2x16x80x128xi32, #tpu.memory_space<hbm>> -> memref<1x1x1x128xi32, #tpu.memory_space<hbm>>
          %dma_wait3A_147 = tpu.memref_squeeze %dma_wait3A_146 : memref<1x1x1x128xi32, #tpu.memory_space<hbm>> -> memref<128xi32, #tpu.memory_space<hbm>>
          tpu.wait_dma2 semaphore(%arg10 : memref<!tpu.dma_semaphore, #tpu.memory_space<semaphore_mem>>) src(%dma_wait3A_147 : memref<128xi32, #tpu.memory_space<hbm>>) dst(%run_scoped3A_0 : memref<128xi32, #tpu.memory_space<vmem>>)
          %dma_wait3A_148 = arith.constant 0 : i32
          %dma_wait3A_149 = tpu.memref_slice %arg4[%arg0, %arg1, %add3A_141, %dma_wait3A_148] : memref<2x16x80x128xi32, #tpu.memory_space<hbm>> -> memref<1x1x1x128xi32, #tpu.memory_space<hbm>>
          %dma_wait3A_150 = tpu.memref_squeeze %dma_wait3A_149 : memref<1x1x1x128xi32, #tpu.memory_space<hbm>> -> memref<128xi32, #tpu.memory_space<hbm>>
          %dma_wait3A_151 = arith.constant 0 : i32
          %dma_wait3A_152 = tpu.memref_slice %arg4[%arg0, %arg1, %add3A_141, %dma_wait3A_151] : memref<2x16x80x128xi32, #tpu.memory_space<hbm>> -> memref<1x1x1x128xi32, #tpu.memory_space<hbm>>
          %dma_wait3A_153 = tpu.memref_squeeze %dma_wait3A_152 : memref<1x1x1x128xi32, #tpu.memory_space<hbm>> -> memref<128xi32, #tpu.memory_space<hbm>>
          tpu.wait_dma2 semaphore(%arg12 : memref<!tpu.dma_semaphore, #tpu.memory_space<semaphore_mem>>) src(%dma_wait3A_153 : memref<128xi32, #tpu.memory_space<hbm>>) dst(%run_scoped3A_2 : memref<128xi32, #tpu.memory_space<vmem>>)
          %dma_start3A_154 = arith.constant 0 : i32
          %dma_start3A_155 = arith.constant 0 : i32
          %dma_start3A_156 = tpu.memref_slice %arg2[%dma_start3A_154, %dma_start3A_155] : memref<10000x128xf32, #tpu.memory_space<hbm>> -> memref<10000x128xf32, #tpu.memory_space<hbm>>
          tpu.enqueue_indirect_dma source(%dma_start3A_156 : memref<10000x128xf32, #tpu.memory_space<hbm>>) target(%run_scoped3A_4 : memref<128x128xf32, #tpu.memory_space<vmem>>) offsets(%run_scoped3A_0 : memref<128xi32, #tpu.memory_space<vmem>>) semaphore(%arg8 : memref<!tpu.dma_semaphore, #tpu.memory_space<semaphore_mem>>)
        } else {
        }
        %dma_wait3A_108 = arith.constant 0 : i32
        %dma_wait3A_109 = arith.constant 0 : i32
        %dma_wait3A_110 = tpu.memref_slice %arg2[%dma_wait3A_108, %dma_wait3A_109] : memref<10000x128xf32, #tpu.memory_space<hbm>> -> memref<10000x128xf32, #tpu.memory_space<hbm>>
        tpu.wait_indirect_dma semaphore(%arg7 : memref<!tpu.dma_semaphore, #tpu.memory_space<semaphore_mem>>) src(%dma_wait3A_110 : memref<10000x128xf32, #tpu.memory_space<hbm>>) dst(%run_scoped3A_3 : memref<128x128xf32, #tpu.memory_space<vmem>>)
        "tpu.region"() ({
          %run_scoped3A_140 = tpu.sem_alloc : memref<!tpu.dma_semaphore, #tpu.memory_space<semaphore_mem>>
          %dma_start3A_141 = arith.constant 0 : i32
          %dma_start3A_142 = arith.constant 0 : i32
          %dma_start3A_143 = tpu.memref_slice %arg6[%dma_start3A_141, %dma_start3A_142] : memref<10240x128xf32, #tpu.memory_space<vmem_shared>> -> memref<10240x128xf32, #tpu.memory_space<vmem_shared>>
          tpu.enqueue_indirect_dma source(%run_scoped3A_3 : memref<128x128xf32, #tpu.memory_space<vmem>>) target(%dma_start3A_143 : memref<10240x128xf32, #tpu.memory_space<vmem_shared>>) offsets(%run_scoped3A_1 : memref<128xi32, #tpu.memory_space<vmem>>) semaphore(%run_scoped3A_140 : memref<!tpu.dma_semaphore, #tpu.memory_space<semaphore_mem>>) {add = true}
          %dma_wait3A_144 = arith.constant 0 : i32
          %dma_wait3A_145 = arith.constant 0 : i32
          %dma_wait3A_146 = tpu.memref_slice %arg6[%dma_wait3A_144, %dma_wait3A_145] : memref<10240x128xf32, #tpu.memory_space<vmem_shared>> -> memref<10240x128xf32, #tpu.memory_space<vmem_shared>>
          tpu.wait_indirect_dma semaphore(%run_scoped3A_140 : memref<!tpu.dma_semaphore, #tpu.memory_space<semaphore_mem>>) src(%run_scoped3A_3 : memref<128x128xf32, #tpu.memory_space<vmem>>) dst(%dma_wait3A_146 : memref<10240x128xf32, #tpu.memory_space<vmem_shared>>)
          tpu.yield
        }) : () -> ()
        %add3A_111 = arith.constant 2 : i32
        %add3A_112 = arith.addi %add3A_103, %add3A_111 : i32
        %lt3A_113 = arith.constant 80 : i32
        %lt3A_114 = arith.cmpi slt, %add3A_112, %lt3A_113 : i32
        %convert_element_type3A_115 = arith.extui %lt3A_114 : i1 to i32
        %cond3A_116 = arith.constant 0 : i32
        %cond3A_117 = arith.cmpi ne, %convert_element_type3A_115, %cond3A_116 : i32
        scf.if %cond3A_117 {
          %add3A_140 = arith.constant 2 : i32
          %add3A_141 = arith.addi %add3A_103, %add3A_140 : i32
          %dma_start3A_142 = arith.constant 0 : i32
          %dma_start3A_143 = tpu.memref_slice %arg3[%arg0, %arg1, %add3A_141, %dma_start3A_142] : memref<2x16x80x128xi32, #tpu.memory_space<hbm>> -> memref<1x1x1x128xi32, #tpu.memory_space<hbm>>
          %dma_start3A_144 = tpu.memref_squeeze %dma_start3A_143 : memref<1x1x1x128xi32, #tpu.memory_space<hbm>> -> memref<128xi32, #tpu.memory_space<hbm>>
          %dma_start3A_145 = arith.constant 0 : i32
          %dma_start3A_146 = tpu.memref_slice %arg3[%arg0, %arg1, %add3A_141, %dma_start3A_145] : memref<2x16x80x128xi32, #tpu.memory_space<hbm>> -> memref<1x1x1x128xi32, #tpu.memory_space<hbm>>
          %dma_start3A_147 = tpu.memref_squeeze %dma_start3A_146 : memref<1x1x1x128xi32, #tpu.memory_space<hbm>> -> memref<128xi32, #tpu.memory_space<hbm>>
          tpu.enqueue_dma source(%dma_start3A_147 : memref<128xi32, #tpu.memory_space<hbm>>) target(%run_scoped3A : memref<128xi32, #tpu.memory_space<vmem>>) target_semaphore(%arg9 : memref<!tpu.dma_semaphore, #tpu.memory_space<semaphore_mem>>)
          %dma_start3A_148 = arith.constant 0 : i32
          %dma_start3A_149 = tpu.memref_slice %arg4[%arg0, %arg1, %add3A_141, %dma_start3A_148] : memref<2x16x80x128xi32, #tpu.memory_space<hbm>> -> memref<1x1x1x128xi32, #tpu.memory_space<hbm>>
          %dma_start3A_150 = tpu.memref_squeeze %dma_start3A_149 : memref<1x1x1x128xi32, #tpu.memory_space<hbm>> -> memref<128xi32, #tpu.memory_space<hbm>>
          %dma_start3A_151 = arith.constant 0 : i32
          %dma_start3A_152 = tpu.memref_slice %arg4[%arg0, %arg1, %add3A_141, %dma_start3A_151] : memref<2x16x80x128xi32, #tpu.memory_space<hbm>> -> memref<1x1x1x128xi32, #tpu.memory_space<hbm>>
          %dma_start3A_153 = tpu.memref_squeeze %dma_start3A_152 : memref<1x1x1x128xi32, #tpu.memory_space<hbm>> -> memref<128xi32, #tpu.memory_space<hbm>>
          tpu.enqueue_dma source(%dma_start3A_153 : memref<128xi32, #tpu.memory_space<hbm>>) target(%run_scoped3A_1 : memref<128xi32, #tpu.memory_space<vmem>>) target_semaphore(%arg11 : memref<!tpu.dma_semaphore, #tpu.memory_space<semaphore_mem>>)
        } else {
        }
        %mul3A_118 = arith.constant 2 : i32
        %mul3A_119 = arith.muli %mul3A_118, %scan3A_98 : i32
        %add3A_120 = arith.constant 1 : i32
        %add3A_121 = arith.addi %mul3A_119, %add3A_120 : i32
        %add3A_122 = arith.constant 1 : i32
        %add3A_123 = arith.addi %add3A_121, %add3A_122 : i32
        %lt3A_124 = arith.constant 80 : i32
        %lt3A_125 = arith.cmpi slt, %add3A_123, %lt3A_124 : i32
        %convert_element_type3A_126 = arith.extui %lt3A_125 : i1 to i32
        %cond3A_127 = arith.constant 0 : i32
        %cond3A_128 = arith.cmpi ne, %convert_element_type3A_126, %cond3A_127 : i32
        scf.if %cond3A_128 {
          %add3A_140 = arith.constant 1 : i32
          %add3A_141 = arith.addi %add3A_121, %add3A_140 : i32
          %dma_wait3A_142 = arith.constant 0 : i32
          %dma_wait3A_143 = tpu.memref_slice %arg3[%arg0, %arg1, %add3A_141, %dma_wait3A_142] : memref<2x16x80x128xi32, #tpu.memory_space<hbm>> -> memref<1x1x1x128xi32, #tpu.memory_space<hbm>>
          %dma_wait3A_144 = tpu.memref_squeeze %dma_wait3A_143 : memref<1x1x1x128xi32, #tpu.memory_space<hbm>> -> memref<128xi32, #tpu.memory_space<hbm>>
          %dma_wait3A_145 = arith.constant 0 : i32
          %dma_wait3A_146 = tpu.memref_slice %arg3[%arg0, %arg1, %add3A_141, %dma_wait3A_145] : memref<2x16x80x128xi32, #tpu.memory_space<hbm>> -> memref<1x1x1x128xi32, #tpu.memory_space<hbm>>
          %dma_wait3A_147 = tpu.memref_squeeze %dma_wait3A_146 : memref<1x1x1x128xi32, #tpu.memory_space<hbm>> -> memref<128xi32, #tpu.memory_space<hbm>>
          tpu.wait_dma2 semaphore(%arg9 : memref<!tpu.dma_semaphore, #tpu.memory_space<semaphore_mem>>) src(%dma_wait3A_147 : memref<128xi32, #tpu.memory_space<hbm>>) dst(%run_scoped3A : memref<128xi32, #tpu.memory_space<vmem>>)
          %dma_wait3A_148 = arith.constant 0 : i32
          %dma_wait3A_149 = tpu.memref_slice %arg4[%arg0, %arg1, %add3A_141, %dma_wait3A_148] : memref<2x16x80x128xi32, #tpu.memory_space<hbm>> -> memref<1x1x1x128xi32, #tpu.memory_space<hbm>>
          %dma_wait3A_150 = tpu.memref_squeeze %dma_wait3A_149 : memref<1x1x1x128xi32, #tpu.memory_space<hbm>> -> memref<128xi32, #tpu.memory_space<hbm>>
          %dma_wait3A_151 = arith.constant 0 : i32
          %dma_wait3A_152 = tpu.memref_slice %arg4[%arg0, %arg1, %add3A_141, %dma_wait3A_151] : memref<2x16x80x128xi32, #tpu.memory_space<hbm>> -> memref<1x1x1x128xi32, #tpu.memory_space<hbm>>
          %dma_wait3A_153 = tpu.memref_squeeze %dma_wait3A_152 : memref<1x1x1x128xi32, #tpu.memory_space<hbm>> -> memref<128xi32, #tpu.memory_space<hbm>>
          tpu.wait_dma2 semaphore(%arg11 : memref<!tpu.dma_semaphore, #tpu.memory_space<semaphore_mem>>) src(%dma_wait3A_153 : memref<128xi32, #tpu.memory_space<hbm>>) dst(%run_scoped3A_1 : memref<128xi32, #tpu.memory_space<vmem>>)
          %dma_start3A_154 = arith.constant 0 : i32
          %dma_start3A_155 = arith.constant 0 : i32
          %dma_start3A_156 = tpu.memref_slice %arg2[%dma_start3A_154, %dma_start3A_155] : memref<10000x128xf32, #tpu.memory_space<hbm>> -> memref<10000x128xf32, #tpu.memory_space<hbm>>
          tpu.enqueue_indirect_dma source(%dma_start3A_156 : memref<10000x128xf32, #tpu.memory_space<hbm>>) target(%run_scoped3A_3 : memref<128x128xf32, #tpu.memory_space<vmem>>) offsets(%run_scoped3A : memref<128xi32, #tpu.memory_space<vmem>>) semaphore(%arg7 : memref<!tpu.dma_semaphore, #tpu.memory_space<semaphore_mem>>)
        } else {
        }
        %dma_wait3A_129 = arith.constant 0 : i32
        %dma_wait3A_130 = arith.constant 0 : i32
        %dma_wait3A_131 = tpu.memref_slice %arg2[%dma_wait3A_129, %dma_wait3A_130] : memref<10000x128xf32, #tpu.memory_space<hbm>> -> memref<10000x128xf32, #tpu.memory_space<hbm>>
        tpu.wait_indirect_dma semaphore(%arg8 : memref<!tpu.dma_semaphore, #tpu.memory_space<semaphore_mem>>) src(%dma_wait3A_131 : memref<10000x128xf32, #tpu.memory_space<hbm>>) dst(%run_scoped3A_4 : memref<128x128xf32, #tpu.memory_space<vmem>>)
        "tpu.region"() ({
          %run_scoped3A_140 = tpu.sem_alloc : memref<!tpu.dma_semaphore, #tpu.memory_space<semaphore_mem>>
          %dma_start3A_141 = arith.constant 0 : i32
          %dma_start3A_142 = arith.constant 0 : i32
          %dma_start3A_143 = tpu.memref_slice %arg6[%dma_start3A_141, %dma_start3A_142] : memref<10240x128xf32, #tpu.memory_space<vmem_shared>> -> memref<10240x128xf32, #tpu.memory_space<vmem_shared>>
          tpu.enqueue_indirect_dma source(%run_scoped3A_4 : memref<128x128xf32, #tpu.memory_space<vmem>>) target(%dma_start3A_143 : memref<10240x128xf32, #tpu.memory_space<vmem_shared>>) offsets(%run_scoped3A_2 : memref<128xi32, #tpu.memory_space<vmem>>) semaphore(%run_scoped3A_140 : memref<!tpu.dma_semaphore, #tpu.memory_space<semaphore_mem>>) {add = true}
          %dma_wait3A_144 = arith.constant 0 : i32
          %dma_wait3A_145 = arith.constant 0 : i32
          %dma_wait3A_146 = tpu.memref_slice %arg6[%dma_wait3A_144, %dma_wait3A_145] : memref<10240x128xf32, #tpu.memory_space<vmem_shared>> -> memref<10240x128xf32, #tpu.memory_space<vmem_shared>>
          tpu.wait_indirect_dma semaphore(%run_scoped3A_140 : memref<!tpu.dma_semaphore, #tpu.memory_space<semaphore_mem>>) src(%run_scoped3A_4 : memref<128x128xf32, #tpu.memory_space<vmem>>) dst(%dma_wait3A_146 : memref<10240x128xf32, #tpu.memory_space<vmem_shared>>)
          tpu.yield
        }) : () -> ()
        %add3A_132 = arith.constant 2 : i32
        %add3A_133 = arith.addi %add3A_121, %add3A_132 : i32
        %lt3A_134 = arith.constant 80 : i32
        %lt3A_135 = arith.cmpi slt, %add3A_133, %lt3A_134 : i32
        %convert_element_type3A_136 = arith.extui %lt3A_135 : i1 to i32
        %cond3A_137 = arith.constant 0 : i32
        %cond3A_138 = arith.cmpi ne, %convert_element_type3A_136, %cond3A_137 : i32
        scf.if %cond3A_138 {
          %add3A_140 = arith.constant 2 : i32
          %add3A_141 = arith.addi %add3A_121, %add3A_140 : i32
          %dma_start3A_142 = arith.constant 0 : i32
          %dma_start3A_143 = tpu.memref_slice %arg3[%arg0, %arg1, %add3A_141, %dma_start3A_142] : memref<2x16x80x128xi32, #tpu.memory_space<hbm>> -> memref<1x1x1x128xi32, #tpu.memory_space<hbm>>
          %dma_start3A_144 = tpu.memref_squeeze %dma_start3A_143 : memref<1x1x1x128xi32, #tpu.memory_space<hbm>> -> memref<128xi32, #tpu.memory_space<hbm>>
          %dma_start3A_145 = arith.constant 0 : i32
          %dma_start3A_146 = tpu.memref_slice %arg3[%arg0, %arg1, %add3A_141, %dma_start3A_145] : memref<2x16x80x128xi32, #tpu.memory_space<hbm>> -> memref<1x1x1x128xi32, #tpu.memory_space<hbm>>
          %dma_start3A_147 = tpu.memref_squeeze %dma_start3A_146 : memref<1x1x1x128xi32, #tpu.memory_space<hbm>> -> memref<128xi32, #tpu.memory_space<hbm>>
          tpu.enqueue_dma source(%dma_start3A_147 : memref<128xi32, #tpu.memory_space<hbm>>) target(%run_scoped3A_0 : memref<128xi32, #tpu.memory_space<vmem>>) target_semaphore(%arg10 : memref<!tpu.dma_semaphore, #tpu.memory_space<semaphore_mem>>)
          %dma_start3A_148 = arith.constant 0 : i32
          %dma_start3A_149 = tpu.memref_slice %arg4[%arg0, %arg1, %add3A_141, %dma_start3A_148] : memref<2x16x80x128xi32, #tpu.memory_space<hbm>> -> memref<1x1x1x128xi32, #tpu.memory_space<hbm>>
          %dma_start3A_150 = tpu.memref_squeeze %dma_start3A_149 : memref<1x1x1x128xi32, #tpu.memory_space<hbm>> -> memref<128xi32, #tpu.memory_space<hbm>>
          %dma_start3A_151 = arith.constant 0 : i32
          %dma_start3A_152 = tpu.memref_slice %arg4[%arg0, %arg1, %add3A_141, %dma_start3A_151] : memref<2x16x80x128xi32, #tpu.memory_space<hbm>> -> memref<1x1x1x128xi32, #tpu.memory_space<hbm>>
          %dma_start3A_153 = tpu.memref_squeeze %dma_start3A_152 : memref<1x1x1x128xi32, #tpu.memory_space<hbm>> -> memref<128xi32, #tpu.memory_space<hbm>>
          tpu.enqueue_dma source(%dma_start3A_153 : memref<128xi32, #tpu.memory_space<hbm>>) target(%run_scoped3A_2 : memref<128xi32, #tpu.memory_space<vmem>>) target_semaphore(%arg12 : memref<!tpu.dma_semaphore, #tpu.memory_space<semaphore_mem>>)
        } else {
        }
        %scan3A_139 = arith.constant 0 : i32
        scf.yield %scan3A_139 : i32
      }
      %scan3A_92 = arith.constant 40 : i32
      %barrier3A_93 = arith.constant 0 : index
      tpu.barrier barrier_id(%barrier3A_93)
      %mul3A_94 = arith.constant 640 : i32
      %mul3A_95 = arith.muli %arg1, %mul3A_94 : i32
      %mul3A_96 = arith.constant 640 : i32
      %mul3A_97 = arith.muli %arg1, %mul3A_96 : i32
      "tpu.region"() ({
        %run_scoped3A_98 = tpu.sem_alloc : memref<!tpu.dma_semaphore, #tpu.memory_space<semaphore_mem>>
        %dma_start3A_99 = arith.constant 0 : i32
        %dma_start3A_100 = tpu.memref_slice %arg5[%arg0, %mul3A_97, %dma_start3A_99] : memref<2x10240x128xf32, #tpu.memory_space<hbm>> -> memref<1x640x128xf32, #tpu.memory_space<hbm>>
        %dma_start3A_101 = tpu.memref_squeeze %dma_start3A_100 : memref<1x640x128xf32, #tpu.memory_space<hbm>> -> memref<640x128xf32, #tpu.memory_space<hbm>>
        %dma_start3A_102 = arith.constant 0 : i32
        %dma_start3A_103 = tpu.memref_slice %arg6[%mul3A_95, %dma_start3A_102] : memref<10240x128xf32, #tpu.memory_space<vmem_shared>> -> memref<640x128xf32, #tpu.memory_space<vmem_shared>>
        tpu.enqueue_dma source(%dma_start3A_103 : memref<640x128xf32, #tpu.memory_space<vmem_shared>>) target(%dma_start3A_101 : memref<640x128xf32, #tpu.memory_space<hbm>>) target_semaphore(%run_scoped3A_98 : memref<!tpu.dma_semaphore, #tpu.memory_space<semaphore_mem>>)
        %dma_wait3A_104 = arith.constant 0 : i32
        %dma_wait3A_105 = tpu.memref_slice %arg5[%arg0, %mul3A_97, %dma_wait3A_104] : memref<2x10240x128xf32, #tpu.memory_space<hbm>> -> memref<1x640x128xf32, #tpu.memory_space<hbm>>
        %dma_wait3A_106 = tpu.memref_squeeze %dma_wait3A_105 : memref<1x640x128xf32, #tpu.memory_space<hbm>> -> memref<640x128xf32, #tpu.memory_space<hbm>>
        %dma_wait3A_107 = arith.constant 0 : i32
        %dma_wait3A_108 = tpu.memref_slice %arg6[%mul3A_95, %dma_wait3A_107] : memref<10240x128xf32, #tpu.memory_space<vmem_shared>> -> memref<640x128xf32, #tpu.memory_space<vmem_shared>>
        tpu.wait_dma2 semaphore(%run_scoped3A_98 : memref<!tpu.dma_semaphore, #tpu.memory_space<semaphore_mem>>) src(%dma_wait3A_108 : memref<640x128xf32, #tpu.memory_space<vmem_shared>>) dst(%dma_wait3A_106 : memref<640x128xf32, #tpu.memory_space<hbm>>)
        tpu.yield
      }) : () -> ()
      tpu.yield
    }) : () -> ()
    return
  }
}

#map = affine_map<(d0, d1) -> (0, 0)>
#map1 = affine_map<(d0, d1) -> (0, 0, 0, 0)>
#map2 = affine_map<(d0, d1) -> (0, 0, 0)>
module attributes {stable_mosaic.version = 14 : i64} {
  func.func @_prop_body(%arg0: i32, %arg1: i32, %arg2: memref<10000x128xf32, #tpu.memory_space<hbm>>, %arg3: memref<2x16x80x128xi32, #tpu.memory_space<hbm>>, %arg4: memref<2x16x80x128xi32, #tpu.memory_space<hbm>>, %arg5: memref<2x10240x128xf32, #tpu.memory_space<hbm>>, %arg6: memref<10240x128xf32, #tpu.memory_space<vmem_shared>>, %arg7: memref<!tpu.dma_semaphore, #tpu.memory_space<semaphore_mem>>, %arg8: memref<!tpu.dma_semaphore, #tpu.memory_space<semaphore_mem>>, %arg9: memref<!tpu.dma_semaphore, #tpu.memory_space<semaphore_mem>>, %arg10: memref<!tpu.dma_semaphore, #tpu.memory_space<semaphore_mem>>, %arg11: memref<!tpu.dma_semaphore, #tpu.memory_space<semaphore_mem>>, %arg12: memref<!tpu.dma_semaphore, #tpu.memory_space<semaphore_mem>>) attributes {dimension_semantics = [#tpu.dimension_semantics<core_parallel>, #tpu.dimension_semantics<subcore_parallel>], iteration_bounds = array<i64: 2, 16>, scalar_prefetch = 0 : i64, scratch_operands = 7 : i64, tpu.core_type = #tpu.core_type<sc_vector_subcore>, window_params = [{transform_indices = #map}, {transform_indices = #map1}, {transform_indices = #map1}, {transform_indices = #map2}]} {
    "tpu.region"() ({
      %run_scoped3A = memref.alloca() : memref<128xi32, #tpu.memory_space<vmem>>
      %run_scoped3A_0 = memref.alloca() : memref<128xi32, #tpu.memory_space<vmem>>
      %run_scoped3A_1 = memref.alloca() : memref<128xi32, #tpu.memory_space<vmem>>
      %run_scoped3A_2 = memref.alloca() : memref<128xi32, #tpu.memory_space<vmem>>
      %run_scoped3A_3 = memref.alloca() : memref<128x128xf32, #tpu.memory_space<vmem>>
      %run_scoped3A_4 = memref.alloca() : memref<128x128xf32, #tpu.memory_space<vmem>>
      %run_scoped3A_5 = memref.alloca() : memref<80x128xf32, #tpu.memory_space<vmem>>
      %broadcast_in_dim3A = arith.constant 0.000000e+00 : f32
      %broadcast_in_dim3A_6 = vector.broadcast %broadcast_in_dim3A : f32 to vector<16xf32>
      %scan3A = arith.constant 0 : i32
      %scan3A_7 = arith.constant 0 : i32
      %scan3A_8 = arith.constant 80 : i32
      %scan3A_9 = arith.addi %scan3A_7, %scan3A_8 : i32
      %scan3A_10 = arith.constant 1 : i32
      %scan3A_11 = scf.for %scan3A_98 = %scan3A_7 to %scan3A_9 step %scan3A_10 iter_args(%scan3A_99 = %scan3A) -> (i32)  : i32 {
        %swap3A = arith.index_cast %scan3A_98 : i32 to index
        %swap3A_100 = arith.constant 0 : index
        %swap3A_101 = tpu.vector_load %run_scoped3A_5[%swap3A, %swap3A_100] {strides = array<i32>} : memref<80x128xf32, #tpu.memory_space<vmem>>, vector<1x16xf32>,
        %swap3A_102 = vector.shape_cast %swap3A_101 : vector<1x16xf32> to vector<16xf32>
        %swap3A_103 = vector.shape_cast %broadcast_in_dim3A_6 : vector<16xf32> to vector<1x16xf32>
        tpu.vector_store %run_scoped3A_5[%swap3A, %swap3A_100], %swap3A_103 {strides = array<i32>} : memref<80x128xf32, #tpu.memory_space<vmem>>, vector<1x16xf32>,
        %swap3A_104 = arith.index_cast %scan3A_98 : i32 to index
        %swap3A_105 = arith.constant 16 : index
        %swap3A_106 = tpu.vector_load %run_scoped3A_5[%swap3A_104, %swap3A_105] {strides = array<i32>} : memref<80x128xf32, #tpu.memory_space<vmem>>, vector<1x16xf32>,
        %swap3A_107 = vector.shape_cast %swap3A_106 : vector<1x16xf32> to vector<16xf32>
        %swap3A_108 = vector.shape_cast %broadcast_in_dim3A_6 : vector<16xf32> to vector<1x16xf32>
        tpu.vector_store %run_scoped3A_5[%swap3A_104, %swap3A_105], %swap3A_108 {strides = array<i32>} : memref<80x128xf32, #tpu.memory_space<vmem>>, vector<1x16xf32>,
        %swap3A_109 = arith.index_cast %scan3A_98 : i32 to index
        %swap3A_110 = arith.constant 32 : index
        %swap3A_111 = tpu.vector_load %run_scoped3A_5[%swap3A_109, %swap3A_110] {strides = array<i32>} : memref<80x128xf32, #tpu.memory_space<vmem>>, vector<1x16xf32>,
        %swap3A_112 = vector.shape_cast %swap3A_111 : vector<1x16xf32> to vector<16xf32>
        %swap3A_113 = vector.shape_cast %broadcast_in_dim3A_6 : vector<16xf32> to vector<1x16xf32>
        tpu.vector_store %run_scoped3A_5[%swap3A_109, %swap3A_110], %swap3A_113 {strides = array<i32>} : memref<80x128xf32, #tpu.memory_space<vmem>>, vector<1x16xf32>,
        %swap3A_114 = arith.index_cast %scan3A_98 : i32 to index
        %swap3A_115 = arith.constant 48 : index
        %swap3A_116 = tpu.vector_load %run_scoped3A_5[%swap3A_114, %swap3A_115] {strides = array<i32>} : memref<80x128xf32, #tpu.memory_space<vmem>>, vector<1x16xf32>,
        %swap3A_117 = vector.shape_cast %swap3A_116 : vector<1x16xf32> to vector<16xf32>
        %swap3A_118 = vector.shape_cast %broadcast_in_dim3A_6 : vector<16xf32> to vector<1x16xf32>
        tpu.vector_store %run_scoped3A_5[%swap3A_114, %swap3A_115], %swap3A_118 {strides = array<i32>} : memref<80x128xf32, #tpu.memory_space<vmem>>, vector<1x16xf32>,
        %swap3A_119 = arith.index_cast %scan3A_98 : i32 to index
        %swap3A_120 = arith.constant 64 : index
        %swap3A_121 = tpu.vector_load %run_scoped3A_5[%swap3A_119, %swap3A_120] {strides = array<i32>} : memref<80x128xf32, #tpu.memory_space<vmem>>, vector<1x16xf32>,
        %swap3A_122 = vector.shape_cast %swap3A_121 : vector<1x16xf32> to vector<16xf32>
        %swap3A_123 = vector.shape_cast %broadcast_in_dim3A_6 : vector<16xf32> to vector<1x16xf32>
        tpu.vector_store %run_scoped3A_5[%swap3A_119, %swap3A_120], %swap3A_123 {strides = array<i32>} : memref<80x128xf32, #tpu.memory_space<vmem>>, vector<1x16xf32>,
        %swap3A_124 = arith.index_cast %scan3A_98 : i32 to index
        %swap3A_125 = arith.constant 80 : index
        %swap3A_126 = tpu.vector_load %run_scoped3A_5[%swap3A_124, %swap3A_125] {strides = array<i32>} : memref<80x128xf32, #tpu.memory_space<vmem>>, vector<1x16xf32>,
        %swap3A_127 = vector.shape_cast %swap3A_126 : vector<1x16xf32> to vector<16xf32>
        %swap3A_128 = vector.shape_cast %broadcast_in_dim3A_6 : vector<16xf32> to vector<1x16xf32>
        tpu.vector_store %run_scoped3A_5[%swap3A_124, %swap3A_125], %swap3A_128 {strides = array<i32>} : memref<80x128xf32, #tpu.memory_space<vmem>>, vector<1x16xf32>,
        %swap3A_129 = arith.index_cast %scan3A_98 : i32 to index
        %swap3A_130 = arith.constant 96 : index
        %swap3A_131 = tpu.vector_load %run_scoped3A_5[%swap3A_129, %swap3A_130] {strides = array<i32>} : memref<80x128xf32, #tpu.memory_space<vmem>>, vector<1x16xf32>,
        %swap3A_132 = vector.shape_cast %swap3A_131 : vector<1x16xf32> to vector<16xf32>
        %swap3A_133 = vector.shape_cast %broadcast_in_dim3A_6 : vector<16xf32> to vector<1x16xf32>
        tpu.vector_store %run_scoped3A_5[%swap3A_129, %swap3A_130], %swap3A_133 {strides = array<i32>} : memref<80x128xf32, #tpu.memory_space<vmem>>, vector<1x16xf32>,
        %swap3A_134 = arith.index_cast %scan3A_98 : i32 to index
        %swap3A_135 = arith.constant 112 : index
        %swap3A_136 = tpu.vector_load %run_scoped3A_5[%swap3A_134, %swap3A_135] {strides = array<i32>} : memref<80x128xf32, #tpu.memory_space<vmem>>, vector<1x16xf32>,
        %swap3A_137 = vector.shape_cast %swap3A_136 : vector<1x16xf32> to vector<16xf32>
        %swap3A_138 = vector.shape_cast %broadcast_in_dim3A_6 : vector<16xf32> to vector<1x16xf32>
        tpu.vector_store %run_scoped3A_5[%swap3A_134, %swap3A_135], %swap3A_138 {strides = array<i32>} : memref<80x128xf32, #tpu.memory_space<vmem>>, vector<1x16xf32>,
        %scan3A_139 = arith.constant 0 : i32
        scf.yield %scan3A_139 : i32
      }
      %scan3A_12 = arith.constant 80 : i32
      %mul3A = arith.constant 640 : i32
      %mul3A_13 = arith.muli %arg1, %mul3A : i32
      %add3A = arith.constant 0 : i32
      %add3A_14 = arith.addi %mul3A_13, %add3A : i32
      "tpu.region"() ({
        %run_scoped3A_98 = tpu.sem_alloc : memref<!tpu.dma_semaphore, #tpu.memory_space<semaphore_mem>>
        %dma_start3A_99 = arith.constant 0 : i32
        %dma_start3A_100 = tpu.memref_slice %arg6[%add3A_14, %dma_start3A_99] : memref<10240x128xf32, #tpu.memory_space<vmem_shared>> -> memref<80x128xf32, #tpu.memory_space<vmem_shared>>
        %dma_start3A_101 = arith.constant 0 : i32
        %dma_start3A_102 = tpu.memref_slice %arg6[%add3A_14, %dma_start3A_101] : memref<10240x128xf32, #tpu.memory_space<vmem_shared>> -> memref<80x128xf32, #tpu.memory_space<vmem_shared>>
        tpu.enqueue_dma source(%run_scoped3A_5 : memref<80x128xf32, #tpu.memory_space<vmem>>) target(%dma_start3A_102 : memref<80x128xf32, #tpu.memory_space<vmem_shared>>) target_semaphore(%run_scoped3A_98 : memref<!tpu.dma_semaphore, #tpu.memory_space<semaphore_mem>>)
        %dma_wait3A_103 = arith.constant 0 : i32
        %dma_wait3A_104 = tpu.memref_slice %arg6[%add3A_14, %dma_wait3A_103] : memref<10240x128xf32, #tpu.memory_space<vmem_shared>> -> memref<80x128xf32, #tpu.memory_space<vmem_shared>>
        %dma_wait3A_105 = arith.constant 0 : i32
        %dma_wait3A_106 = tpu.memref_slice %arg6[%add3A_14, %dma_wait3A_105] : memref<10240x128xf32, #tpu.memory_space<vmem_shared>> -> memref<80x128xf32, #tpu.memory_space<vmem_shared>>
        tpu.wait_dma2 semaphore(%run_scoped3A_98 : memref<!tpu.dma_semaphore, #tpu.memory_space<semaphore_mem>>) src(%run_scoped3A_5 : memref<80x128xf32, #tpu.memory_space<vmem>>) dst(%dma_wait3A_106 : memref<80x128xf32, #tpu.memory_space<vmem_shared>>)
        tpu.yield
      }) : () -> ()
      %mul3A_15 = arith.constant 640 : i32
      %mul3A_16 = arith.muli %arg1, %mul3A_15 : i32
      %add3A_17 = arith.constant 80 : i32
      %add3A_18 = arith.addi %mul3A_16, %add3A_17 : i32
      "tpu.region"() ({
        %run_scoped3A_98 = tpu.sem_alloc : memref<!tpu.dma_semaphore, #tpu.memory_space<semaphore_mem>>
        %dma_start3A_99 = arith.constant 0 : i32
        %dma_start3A_100 = tpu.memref_slice %arg6[%add3A_18, %dma_start3A_99] : memref<10240x128xf32, #tpu.memory_space<vmem_shared>> -> memref<80x128xf32, #tpu.memory_space<vmem_shared>>
        %dma_start3A_101 = arith.constant 0 : i32
        %dma_start3A_102 = tpu.memref_slice %arg6[%add3A_18, %dma_start3A_101] : memref<10240x128xf32, #tpu.memory_space<vmem_shared>> -> memref<80x128xf32, #tpu.memory_space<vmem_shared>>
        tpu.enqueue_dma source(%run_scoped3A_5 : memref<80x128xf32, #tpu.memory_space<vmem>>) target(%dma_start3A_102 : memref<80x128xf32, #tpu.memory_space<vmem_shared>>) target_semaphore(%run_scoped3A_98 : memref<!tpu.dma_semaphore, #tpu.memory_space<semaphore_mem>>)
        %dma_wait3A_103 = arith.constant 0 : i32
        %dma_wait3A_104 = tpu.memref_slice %arg6[%add3A_18, %dma_wait3A_103] : memref<10240x128xf32, #tpu.memory_space<vmem_shared>> -> memref<80x128xf32, #tpu.memory_space<vmem_shared>>
        %dma_wait3A_105 = arith.constant 0 : i32
        %dma_wait3A_106 = tpu.memref_slice %arg6[%add3A_18, %dma_wait3A_105] : memref<10240x128xf32, #tpu.memory_space<vmem_shared>> -> memref<80x128xf32, #tpu.memory_space<vmem_shared>>
        tpu.wait_dma2 semaphore(%run_scoped3A_98 : memref<!tpu.dma_semaphore, #tpu.memory_space<semaphore_mem>>) src(%run_scoped3A_5 : memref<80x128xf32, #tpu.memory_space<vmem>>) dst(%dma_wait3A_106 : memref<80x128xf32, #tpu.memory_space<vmem_shared>>)
        tpu.yield
      }) : () -> ()
      %mul3A_19 = arith.constant 640 : i32
      %mul3A_20 = arith.muli %arg1, %mul3A_19 : i32
      %add3A_21 = arith.constant 160 : i32
      %add3A_22 = arith.addi %mul3A_20, %add3A_21 : i32
      "tpu.region"() ({
        %run_scoped3A_98 = tpu.sem_alloc : memref<!tpu.dma_semaphore, #tpu.memory_space<semaphore_mem>>
        %dma_start3A_99 = arith.constant 0 : i32
        %dma_start3A_100 = tpu.memref_slice %arg6[%add3A_22, %dma_start3A_99] : memref<10240x128xf32, #tpu.memory_space<vmem_shared>> -> memref<80x128xf32, #tpu.memory_space<vmem_shared>>
        %dma_start3A_101 = arith.constant 0 : i32
        %dma_start3A_102 = tpu.memref_slice %arg6[%add3A_22, %dma_start3A_101] : memref<10240x128xf32, #tpu.memory_space<vmem_shared>> -> memref<80x128xf32, #tpu.memory_space<vmem_shared>>
        tpu.enqueue_dma source(%run_scoped3A_5 : memref<80x128xf32, #tpu.memory_space<vmem>>) target(%dma_start3A_102 : memref<80x128xf32, #tpu.memory_space<vmem_shared>>) target_semaphore(%run_scoped3A_98 : memref<!tpu.dma_semaphore, #tpu.memory_space<semaphore_mem>>)
        %dma_wait3A_103 = arith.constant 0 : i32
        %dma_wait3A_104 = tpu.memref_slice %arg6[%add3A_22, %dma_wait3A_103] : memref<10240x128xf32, #tpu.memory_space<vmem_shared>> -> memref<80x128xf32, #tpu.memory_space<vmem_shared>>
        %dma_wait3A_105 = arith.constant 0 : i32
        %dma_wait3A_106 = tpu.memref_slice %arg6[%add3A_22, %dma_wait3A_105] : memref<10240x128xf32, #tpu.memory_space<vmem_shared>> -> memref<80x128xf32, #tpu.memory_space<vmem_shared>>
        tpu.wait_dma2 semaphore(%run_scoped3A_98 : memref<!tpu.dma_semaphore, #tpu.memory_space<semaphore_mem>>) src(%run_scoped3A_5 : memref<80x128xf32, #tpu.memory_space<vmem>>) dst(%dma_wait3A_106 : memref<80x128xf32, #tpu.memory_space<vmem_shared>>)
        tpu.yield
      }) : () -> ()
      %mul3A_23 = arith.constant 640 : i32
      %mul3A_24 = arith.muli %arg1, %mul3A_23 : i32
      %add3A_25 = arith.constant 240 : i32
      %add3A_26 = arith.addi %mul3A_24, %add3A_25 : i32
      "tpu.region"() ({
        %run_scoped3A_98 = tpu.sem_alloc : memref<!tpu.dma_semaphore, #tpu.memory_space<semaphore_mem>>
        %dma_start3A_99 = arith.constant 0 : i32
        %dma_start3A_100 = tpu.memref_slice %arg6[%add3A_26, %dma_start3A_99] : memref<10240x128xf32, #tpu.memory_space<vmem_shared>> -> memref<80x128xf32, #tpu.memory_space<vmem_shared>>
        %dma_start3A_101 = arith.constant 0 : i32
        %dma_start3A_102 = tpu.memref_slice %arg6[%add3A_26, %dma_start3A_101] : memref<10240x128xf32, #tpu.memory_space<vmem_shared>> -> memref<80x128xf32, #tpu.memory_space<vmem_shared>>
        tpu.enqueue_dma source(%run_scoped3A_5 : memref<80x128xf32, #tpu.memory_space<vmem>>) target(%dma_start3A_102 : memref<80x128xf32, #tpu.memory_space<vmem_shared>>) target_semaphore(%run_scoped3A_98 : memref<!tpu.dma_semaphore, #tpu.memory_space<semaphore_mem>>)
        %dma_wait3A_103 = arith.constant 0 : i32
        %dma_wait3A_104 = tpu.memref_slice %arg6[%add3A_26, %dma_wait3A_103] : memref<10240x128xf32, #tpu.memory_space<vmem_shared>> -> memref<80x128xf32, #tpu.memory_space<vmem_shared>>
        %dma_wait3A_105 = arith.constant 0 : i32
        %dma_wait3A_106 = tpu.memref_slice %arg6[%add3A_26, %dma_wait3A_105] : memref<10240x128xf32, #tpu.memory_space<vmem_shared>> -> memref<80x128xf32, #tpu.memory_space<vmem_shared>>
        tpu.wait_dma2 semaphore(%run_scoped3A_98 : memref<!tpu.dma_semaphore, #tpu.memory_space<semaphore_mem>>) src(%run_scoped3A_5 : memref<80x128xf32, #tpu.memory_space<vmem>>) dst(%dma_wait3A_106 : memref<80x128xf32, #tpu.memory_space<vmem_shared>>)
        tpu.yield
      }) : () -> ()
      %mul3A_27 = arith.constant 640 : i32
      %mul3A_28 = arith.muli %arg1, %mul3A_27 : i32
      %add3A_29 = arith.constant 320 : i32
      %add3A_30 = arith.addi %mul3A_28, %add3A_29 : i32
      "tpu.region"() ({
        %run_scoped3A_98 = tpu.sem_alloc : memref<!tpu.dma_semaphore, #tpu.memory_space<semaphore_mem>>
        %dma_start3A_99 = arith.constant 0 : i32
        %dma_start3A_100 = tpu.memref_slice %arg6[%add3A_30, %dma_start3A_99] : memref<10240x128xf32, #tpu.memory_space<vmem_shared>> -> memref<80x128xf32, #tpu.memory_space<vmem_shared>>
        %dma_start3A_101 = arith.constant 0 : i32
        %dma_start3A_102 = tpu.memref_slice %arg6[%add3A_30, %dma_start3A_101] : memref<10240x128xf32, #tpu.memory_space<vmem_shared>> -> memref<80x128xf32, #tpu.memory_space<vmem_shared>>
        tpu.enqueue_dma source(%run_scoped3A_5 : memref<80x128xf32, #tpu.memory_space<vmem>>) target(%dma_start3A_102 : memref<80x128xf32, #tpu.memory_space<vmem_shared>>) target_semaphore(%run_scoped3A_98 : memref<!tpu.dma_semaphore, #tpu.memory_space<semaphore_mem>>)
        %dma_wait3A_103 = arith.constant 0 : i32
        %dma_wait3A_104 = tpu.memref_slice %arg6[%add3A_30, %dma_wait3A_103] : memref<10240x128xf32, #tpu.memory_space<vmem_shared>> -> memref<80x128xf32, #tpu.memory_space<vmem_shared>>
        %dma_wait3A_105 = arith.constant 0 : i32
        %dma_wait3A_106 = tpu.memref_slice %arg6[%add3A_30, %dma_wait3A_105] : memref<10240x128xf32, #tpu.memory_space<vmem_shared>> -> memref<80x128xf32, #tpu.memory_space<vmem_shared>>
        tpu.wait_dma2 semaphore(%run_scoped3A_98 : memref<!tpu.dma_semaphore, #tpu.memory_space<semaphore_mem>>) src(%run_scoped3A_5 : memref<80x128xf32, #tpu.memory_space<vmem>>) dst(%dma_wait3A_106 : memref<80x128xf32, #tpu.memory_space<vmem_shared>>)
        tpu.yield
      }) : () -> ()
      %mul3A_31 = arith.constant 640 : i32
      %mul3A_32 = arith.muli %arg1, %mul3A_31 : i32
      %add3A_33 = arith.constant 400 : i32
      %add3A_34 = arith.addi %mul3A_32, %add3A_33 : i32
      "tpu.region"() ({
        %run_scoped3A_98 = tpu.sem_alloc : memref<!tpu.dma_semaphore, #tpu.memory_space<semaphore_mem>>
        %dma_start3A_99 = arith.constant 0 : i32
        %dma_start3A_100 = tpu.memref_slice %arg6[%add3A_34, %dma_start3A_99] : memref<10240x128xf32, #tpu.memory_space<vmem_shared>> -> memref<80x128xf32, #tpu.memory_space<vmem_shared>>
        %dma_start3A_101 = arith.constant 0 : i32
        %dma_start3A_102 = tpu.memref_slice %arg6[%add3A_34, %dma_start3A_101] : memref<10240x128xf32, #tpu.memory_space<vmem_shared>> -> memref<80x128xf32, #tpu.memory_space<vmem_shared>>
        tpu.enqueue_dma source(%run_scoped3A_5 : memref<80x128xf32, #tpu.memory_space<vmem>>) target(%dma_start3A_102 : memref<80x128xf32, #tpu.memory_space<vmem_shared>>) target_semaphore(%run_scoped3A_98 : memref<!tpu.dma_semaphore, #tpu.memory_space<semaphore_mem>>)
        %dma_wait3A_103 = arith.constant 0 : i32
        %dma_wait3A_104 = tpu.memref_slice %arg6[%add3A_34, %dma_wait3A_103] : memref<10240x128xf32, #tpu.memory_space<vmem_shared>> -> memref<80x128xf32, #tpu.memory_space<vmem_shared>>
        %dma_wait3A_105 = arith.constant 0 : i32
        %dma_wait3A_106 = tpu.memref_slice %arg6[%add3A_34, %dma_wait3A_105] : memref<10240x128xf32, #tpu.memory_space<vmem_shared>> -> memref<80x128xf32, #tpu.memory_space<vmem_shared>>
        tpu.wait_dma2 semaphore(%run_scoped3A_98 : memref<!tpu.dma_semaphore, #tpu.memory_space<semaphore_mem>>) src(%run_scoped3A_5 : memref<80x128xf32, #tpu.memory_space<vmem>>) dst(%dma_wait3A_106 : memref<80x128xf32, #tpu.memory_space<vmem_shared>>)
        tpu.yield
      }) : () -> ()
      %mul3A_35 = arith.constant 640 : i32
      %mul3A_36 = arith.muli %arg1, %mul3A_35 : i32
      %add3A_37 = arith.constant 480 : i32
      %add3A_38 = arith.addi %mul3A_36, %add3A_37 : i32
      "tpu.region"() ({
        %run_scoped3A_98 = tpu.sem_alloc : memref<!tpu.dma_semaphore, #tpu.memory_space<semaphore_mem>>
        %dma_start3A_99 = arith.constant 0 : i32
        %dma_start3A_100 = tpu.memref_slice %arg6[%add3A_38, %dma_start3A_99] : memref<10240x128xf32, #tpu.memory_space<vmem_shared>> -> memref<80x128xf32, #tpu.memory_space<vmem_shared>>
        %dma_start3A_101 = arith.constant 0 : i32
        %dma_start3A_102 = tpu.memref_slice %arg6[%add3A_38, %dma_start3A_101] : memref<10240x128xf32, #tpu.memory_space<vmem_shared>> -> memref<80x128xf32, #tpu.memory_space<vmem_shared>>
        tpu.enqueue_dma source(%run_scoped3A_5 : memref<80x128xf32, #tpu.memory_space<vmem>>) target(%dma_start3A_102 : memref<80x128xf32, #tpu.memory_space<vmem_shared>>) target_semaphore(%run_scoped3A_98 : memref<!tpu.dma_semaphore, #tpu.memory_space<semaphore_mem>>)
        %dma_wait3A_103 = arith.constant 0 : i32
        %dma_wait3A_104 = tpu.memref_slice %arg6[%add3A_38, %dma_wait3A_103] : memref<10240x128xf32, #tpu.memory_space<vmem_shared>> -> memref<80x128xf32, #tpu.memory_space<vmem_shared>>
        %dma_wait3A_105 = arith.constant 0 : i32
        %dma_wait3A_106 = tpu.memref_slice %arg6[%add3A_38, %dma_wait3A_105] : memref<10240x128xf32, #tpu.memory_space<vmem_shared>> -> memref<80x128xf32, #tpu.memory_space<vmem_shared>>
        tpu.wait_dma2 semaphore(%run_scoped3A_98 : memref<!tpu.dma_semaphore, #tpu.memory_space<semaphore_mem>>) src(%run_scoped3A_5 : memref<80x128xf32, #tpu.memory_space<vmem>>) dst(%dma_wait3A_106 : memref<80x128xf32, #tpu.memory_space<vmem_shared>>)
        tpu.yield
      }) : () -> ()
      %mul3A_39 = arith.constant 640 : i32
      %mul3A_40 = arith.muli %arg1, %mul3A_39 : i32
      %add3A_41 = arith.constant 560 : i32
      %add3A_42 = arith.addi %mul3A_40, %add3A_41 : i32
      "tpu.region"() ({
        %run_scoped3A_98 = tpu.sem_alloc : memref<!tpu.dma_semaphore, #tpu.memory_space<semaphore_mem>>
        %dma_start3A_99 = arith.constant 0 : i32
        %dma_start3A_100 = tpu.memref_slice %arg6[%add3A_42, %dma_start3A_99] : memref<10240x128xf32, #tpu.memory_space<vmem_shared>> -> memref<80x128xf32, #tpu.memory_space<vmem_shared>>
        %dma_start3A_101 = arith.constant 0 : i32
        %dma_start3A_102 = tpu.memref_slice %arg6[%add3A_42, %dma_start3A_101] : memref<10240x128xf32, #tpu.memory_space<vmem_shared>> -> memref<80x128xf32, #tpu.memory_space<vmem_shared>>
        tpu.enqueue_dma source(%run_scoped3A_5 : memref<80x128xf32, #tpu.memory_space<vmem>>) target(%dma_start3A_102 : memref<80x128xf32, #tpu.memory_space<vmem_shared>>) target_semaphore(%run_scoped3A_98 : memref<!tpu.dma_semaphore, #tpu.memory_space<semaphore_mem>>)
        %dma_wait3A_103 = arith.constant 0 : i32
        %dma_wait3A_104 = tpu.memref_slice %arg6[%add3A_42, %dma_wait3A_103] : memref<10240x128xf32, #tpu.memory_space<vmem_shared>> -> memref<80x128xf32, #tpu.memory_space<vmem_shared>>
        %dma_wait3A_105 = arith.constant 0 : i32
        %dma_wait3A_106 = tpu.memref_slice %arg6[%add3A_42, %dma_wait3A_105] : memref<10240x128xf32, #tpu.memory_space<vmem_shared>> -> memref<80x128xf32, #tpu.memory_space<vmem_shared>>
        tpu.wait_dma2 semaphore(%run_scoped3A_98 : memref<!tpu.dma_semaphore, #tpu.memory_space<semaphore_mem>>) src(%run_scoped3A_5 : memref<80x128xf32, #tpu.memory_space<vmem>>) dst(%dma_wait3A_106 : memref<80x128xf32, #tpu.memory_space<vmem_shared>>)
        tpu.yield
      }) : () -> ()
      %barrier3A = arith.constant 0 : index
      tpu.barrier barrier_id(%barrier3A)
      %dma_start3A = arith.constant 0 : i32
      %dma_start3A_43 = arith.constant 0 : i32
      %dma_start3A_44 = tpu.memref_slice %arg3[%arg0, %arg1, %dma_start3A, %dma_start3A_43] : memref<2x16x80x128xi32, #tpu.memory_space<hbm>> -> memref<1x1x1x128xi32, #tpu.memory_space<hbm>>
      %dma_start3A_45 = tpu.memref_squeeze %dma_start3A_44 : memref<1x1x1x128xi32, #tpu.memory_space<hbm>> -> memref<128xi32, #tpu.memory_space<hbm>>
      %dma_start3A_46 = arith.constant 0 : i32
      %dma_start3A_47 = tpu.memref_slice %arg3[%arg0, %arg1, %dma_start3A, %dma_start3A_46] : memref<2x16x80x128xi32, #tpu.memory_space<hbm>> -> memref<1x1x1x128xi32, #tpu.memory_space<hbm>>
      %dma_start3A_48 = tpu.memref_squeeze %dma_start3A_47 : memref<1x1x1x128xi32, #tpu.memory_space<hbm>> -> memref<128xi32, #tpu.memory_space<hbm>>
      tpu.enqueue_dma source(%dma_start3A_48 : memref<128xi32, #tpu.memory_space<hbm>>) target(%run_scoped3A : memref<128xi32, #tpu.memory_space<vmem>>) target_semaphore(%arg9 : memref<!tpu.dma_semaphore, #tpu.memory_space<semaphore_mem>>)
      %dma_start3A_49 = arith.constant 0 : i32
      %dma_start3A_50 = arith.constant 0 : i32
      %dma_start3A_51 = tpu.memref_slice %arg4[%arg0, %arg1, %dma_start3A_49, %dma_start3A_50] : memref<2x16x80x128xi32, #tpu.memory_space<hbm>> -> memref<1x1x1x128xi32, #tpu.memory_space<hbm>>
      %dma_start3A_52 = tpu.memref_squeeze %dma_start3A_51 : memref<1x1x1x128xi32, #tpu.memory_space<hbm>> -> memref<128xi32, #tpu.memory_space<hbm>>
      %dma_start3A_53 = arith.constant 0 : i32
      %dma_start3A_54 = tpu.memref_slice %arg4[%arg0, %arg1, %dma_start3A_49, %dma_start3A_53] : memref<2x16x80x128xi32, #tpu.memory_space<hbm>> -> memref<1x1x1x128xi32, #tpu.memory_space<hbm>>
      %dma_start3A_55 = tpu.memref_squeeze %dma_start3A_54 : memref<1x1x1x128xi32, #tpu.memory_space<hbm>> -> memref<128xi32, #tpu.memory_space<hbm>>
      tpu.enqueue_dma source(%dma_start3A_55 : memref<128xi32, #tpu.memory_space<hbm>>) target(%run_scoped3A_1 : memref<128xi32, #tpu.memory_space<vmem>>) target_semaphore(%arg11 : memref<!tpu.dma_semaphore, #tpu.memory_space<semaphore_mem>>)
      %dma_start3A_56 = arith.constant 1 : i32
      %dma_start3A_57 = arith.constant 0 : i32
      %dma_start3A_58 = tpu.memref_slice %arg3[%arg0, %arg1, %dma_start3A_56, %dma_start3A_57] : memref<2x16x80x128xi32, #tpu.memory_space<hbm>> -> memref<1x1x1x128xi32, #tpu.memory_space<hbm>>
      %dma_start3A_59 = tpu.memref_squeeze %dma_start3A_58 : memref<1x1x1x128xi32, #tpu.memory_space<hbm>> -> memref<128xi32, #tpu.memory_space<hbm>>
      %dma_start3A_60 = arith.constant 0 : i32
      %dma_start3A_61 = tpu.memref_slice %arg3[%arg0, %arg1, %dma_start3A_56, %dma_start3A_60] : memref<2x16x80x128xi32, #tpu.memory_space<hbm>> -> memref<1x1x1x128xi32, #tpu.memory_space<hbm>>
      %dma_start3A_62 = tpu.memref_squeeze %dma_start3A_61 : memref<1x1x1x128xi32, #tpu.memory_space<hbm>> -> memref<128xi32, #tpu.memory_space<hbm>>
      tpu.enqueue_dma source(%dma_start3A_62 : memref<128xi32, #tpu.memory_space<hbm>>) target(%run_scoped3A_0 : memref<128xi32, #tpu.memory_space<vmem>>) target_semaphore(%arg10 : memref<!tpu.dma_semaphore, #tpu.memory_space<semaphore_mem>>)
      %dma_start3A_63 = arith.constant 1 : i32
      %dma_start3A_64 = arith.constant 0 : i32
      %dma_start3A_65 = tpu.memref_slice %arg4[%arg0, %arg1, %dma_start3A_63, %dma_start3A_64] : memref<2x16x80x128xi32, #tpu.memory_space<hbm>> -> memref<1x1x1x128xi32, #tpu.memory_space<hbm>>
      %dma_start3A_66 = tpu.memref_squeeze %dma_start3A_65 : memref<1x1x1x128xi32, #tpu.memory_space<hbm>> -> memref<128xi32, #tpu.memory_space<hbm>>
      %dma_start3A_67 = arith.constant 0 : i32
      %dma_start3A_68 = tpu.memref_slice %arg4[%arg0, %arg1, %dma_start3A_63, %dma_start3A_67] : memref<2x16x80x128xi32, #tpu.memory_space<hbm>> -> memref<1x1x1x128xi32, #tpu.memory_space<hbm>>
      %dma_start3A_69 = tpu.memref_squeeze %dma_start3A_68 : memref<1x1x1x128xi32, #tpu.memory_space<hbm>> -> memref<128xi32, #tpu.memory_space<hbm>>
      tpu.enqueue_dma source(%dma_start3A_69 : memref<128xi32, #tpu.memory_space<hbm>>) target(%run_scoped3A_2 : memref<128xi32, #tpu.memory_space<vmem>>) target_semaphore(%arg12 : memref<!tpu.dma_semaphore, #tpu.memory_space<semaphore_mem>>)
      %dma_wait3A = arith.constant 0 : i32
      %dma_wait3A_70 = arith.constant 0 : i32
      %dma_wait3A_71 = tpu.memref_slice %arg3[%arg0, %arg1, %dma_wait3A, %dma_wait3A_70] : memref<2x16x80x128xi32, #tpu.memory_space<hbm>> -> memref<1x1x1x128xi32, #tpu.memory_space<hbm>>
      %dma_wait3A_72 = tpu.memref_squeeze %dma_wait3A_71 : memref<1x1x1x128xi32, #tpu.memory_space<hbm>> -> memref<128xi32, #tpu.memory_space<hbm>>
      %dma_wait3A_73 = arith.constant 0 : i32
      %dma_wait3A_74 = tpu.memref_slice %arg3[%arg0, %arg1, %dma_wait3A, %dma_wait3A_73] : memref<2x16x80x128xi32, #tpu.memory_space<hbm>> -> memref<1x1x1x128xi32, #tpu.memory_space<hbm>>
      %dma_wait3A_75 = tpu.memref_squeeze %dma_wait3A_74 : memref<1x1x1x128xi32, #tpu.memory_space<hbm>> -> memref<128xi32, #tpu.memory_space<hbm>>
      tpu.wait_dma2 semaphore(%arg9 : memref<!tpu.dma_semaphore, #tpu.memory_space<semaphore_mem>>) src(%dma_wait3A_75 : memref<128xi32, #tpu.memory_space<hbm>>) dst(%run_scoped3A : memref<128xi32, #tpu.memory_space<vmem>>)
      %dma_wait3A_76 = arith.constant 0 : i32
      %dma_wait3A_77 = arith.constant 0 : i32
      %dma_wait3A_78 = tpu.memref_slice %arg4[%arg0, %arg1, %dma_wait3A_76, %dma_wait3A_77] : memref<2x16x80x128xi32, #tpu.memory_space<hbm>> -> memref<1x1x1x128xi32, #tpu.memory_space<hbm>>
      %dma_wait3A_79 = tpu.memref_squeeze %dma_wait3A_78 : memref<1x1x1x128xi32, #tpu.memory_space<hbm>> -> memref<128xi32, #tpu.memory_space<hbm>>
      %dma_wait3A_80 = arith.constant 0 : i32
      %dma_wait3A_81 = tpu.memref_slice %arg4[%arg0, %arg1, %dma_wait3A_76, %dma_wait3A_80] : memref<2x16x80x128xi32, #tpu.memory_space<hbm>> -> memref<1x1x1x128xi32, #tpu.memory_space<hbm>>
      %dma_wait3A_82 = tpu.memref_squeeze %dma_wait3A_81 : memref<1x1x1x128xi32, #tpu.memory_space<hbm>> -> memref<128xi32, #tpu.memory_space<hbm>>
      tpu.wait_dma2 semaphore(%arg11 : memref<!tpu.dma_semaphore, #tpu.memory_space<semaphore_mem>>) src(%dma_wait3A_82 : memref<128xi32, #tpu.memory_space<hbm>>) dst(%run_scoped3A_1 : memref<128xi32, #tpu.memory_space<vmem>>)
      %dma_start3A_83 = arith.constant 0 : i32
      %dma_start3A_84 = arith.constant 0 : i32
      %dma_start3A_85 = tpu.memref_slice %arg2[%dma_start3A_83, %dma_start3A_84] : memref<10000x128xf32, #tpu.memory_space<hbm>> -> memref<10000x128xf32, #tpu.memory_space<hbm>>
      tpu.enqueue_indirect_dma source(%dma_start3A_85 : memref<10000x128xf32, #tpu.memory_space<hbm>>) target(%run_scoped3A_3 : memref<128x128xf32, #tpu.memory_space<vmem>>) offsets(%run_scoped3A : memref<128xi32, #tpu.memory_space<vmem>>) semaphore(%arg7 : memref<!tpu.dma_semaphore, #tpu.memory_space<semaphore_mem>>)
      %scan3A_86 = arith.constant 0 : i32
      %scan3A_87 = arith.constant 0 : i32
      %scan3A_88 = arith.constant 40 : i32
      %scan3A_89 = arith.addi %scan3A_87, %scan3A_88 : i32
      %scan3A_90 = arith.constant 1 : i32
      %scan3A_91 = scf.for %scan3A_98 = %scan3A_87 to %scan3A_89 step %scan3A_90 iter_args(%scan3A_99 = %scan3A_86) -> (i32)  : i32 {
        %mul3A_100 = arith.constant 2 : i32
        %mul3A_101 = arith.muli %mul3A_100, %scan3A_98 : i32
        %add3A_102 = arith.constant 0 : i32
        %add3A_103 = arith.addi %mul3A_101, %add3A_102 : i32
        %add3A_104 = arith.constant 1 : i32
        %add3A_105 = arith.addi %add3A_103, %add3A_104 : i32
        %lt3A = arith.constant 80 : i32
        %lt3A_106 = arith.cmpi slt, %add3A_105, %lt3A : i32
        %convert_element_type3A = arith.extui %lt3A_106 : i1 to i32
        %cond3A = arith.constant 0 : i32
        %cond3A_107 = arith.cmpi ne, %convert_element_type3A, %cond3A : i32
        scf.if %cond3A_107 {
          %add3A_140 = arith.constant 1 : i32
          %add3A_141 = arith.addi %add3A_103, %add3A_140 : i32
          %dma_wait3A_142 = arith.constant 0 : i32
          %dma_wait3A_143 = tpu.memref_slice %arg3[%arg0, %arg1, %add3A_141, %dma_wait3A_142] : memref<2x16x80x128xi32, #tpu.memory_space<hbm>> -> memref<1x1x1x128xi32, #tpu.memory_space<hbm>>
          %dma_wait3A_144 = tpu.memref_squeeze %dma_wait3A_143 : memref<1x1x1x128xi32, #tpu.memory_space<hbm>> -> memref<128xi32, #tpu.memory_space<hbm>>
          %dma_wait3A_145 = arith.constant 0 : i32
          %dma_wait3A_146 = tpu.memref_slice %arg3[%arg0, %arg1, %add3A_141, %dma_wait3A_145] : memref<2x16x80x128xi32, #tpu.memory_space<hbm>> -> memref<1x1x1x128xi32, #tpu.memory_space<hbm>>
          %dma_wait3A_147 = tpu.memref_squeeze %dma_wait3A_146 : memref<1x1x1x128xi32, #tpu.memory_space<hbm>> -> memref<128xi32, #tpu.memory_space<hbm>>
          tpu.wait_dma2 semaphore(%arg10 : memref<!tpu.dma_semaphore, #tpu.memory_space<semaphore_mem>>) src(%dma_wait3A_147 : memref<128xi32, #tpu.memory_space<hbm>>) dst(%run_scoped3A_0 : memref<128xi32, #tpu.memory_space<vmem>>)
          %dma_wait3A_148 = arith.constant 0 : i32
          %dma_wait3A_149 = tpu.memref_slice %arg4[%arg0, %arg1, %add3A_141, %dma_wait3A_148] : memref<2x16x80x128xi32, #tpu.memory_space<hbm>> -> memref<1x1x1x128xi32, #tpu.memory_space<hbm>>
          %dma_wait3A_150 = tpu.memref_squeeze %dma_wait3A_149 : memref<1x1x1x128xi32, #tpu.memory_space<hbm>> -> memref<128xi32, #tpu.memory_space<hbm>>
          %dma_wait3A_151 = arith.constant 0 : i32
          %dma_wait3A_152 = tpu.memref_slice %arg4[%arg0, %arg1, %add3A_141, %dma_wait3A_151] : memref<2x16x80x128xi32, #tpu.memory_space<hbm>> -> memref<1x1x1x128xi32, #tpu.memory_space<hbm>>
          %dma_wait3A_153 = tpu.memref_squeeze %dma_wait3A_152 : memref<1x1x1x128xi32, #tpu.memory_space<hbm>> -> memref<128xi32, #tpu.memory_space<hbm>>
          tpu.wait_dma2 semaphore(%arg12 : memref<!tpu.dma_semaphore, #tpu.memory_space<semaphore_mem>>) src(%dma_wait3A_153 : memref<128xi32, #tpu.memory_space<hbm>>) dst(%run_scoped3A_2 : memref<128xi32, #tpu.memory_space<vmem>>)
          %dma_start3A_154 = arith.constant 0 : i32
          %dma_start3A_155 = arith.constant 0 : i32
          %dma_start3A_156 = tpu.memref_slice %arg2[%dma_start3A_154, %dma_start3A_155] : memref<10000x128xf32, #tpu.memory_space<hbm>> -> memref<10000x128xf32, #tpu.memory_space<hbm>>
          tpu.enqueue_indirect_dma source(%dma_start3A_156 : memref<10000x128xf32, #tpu.memory_space<hbm>>) target(%run_scoped3A_4 : memref<128x128xf32, #tpu.memory_space<vmem>>) offsets(%run_scoped3A_0 : memref<128xi32, #tpu.memory_space<vmem>>) semaphore(%arg8 : memref<!tpu.dma_semaphore, #tpu.memory_space<semaphore_mem>>)
        } else {
        }
        %dma_wait3A_108 = arith.constant 0 : i32
        %dma_wait3A_109 = arith.constant 0 : i32
        %dma_wait3A_110 = tpu.memref_slice %arg2[%dma_wait3A_108, %dma_wait3A_109] : memref<10000x128xf32, #tpu.memory_space<hbm>> -> memref<10000x128xf32, #tpu.memory_space<hbm>>
        tpu.wait_indirect_dma semaphore(%arg7 : memref<!tpu.dma_semaphore, #tpu.memory_space<semaphore_mem>>) src(%dma_wait3A_110 : memref<10000x128xf32, #tpu.memory_space<hbm>>) dst(%run_scoped3A_3 : memref<128x128xf32, #tpu.memory_space<vmem>>)
        "tpu.region"() ({
          %run_scoped3A_140 = tpu.sem_alloc : memref<!tpu.dma_semaphore, #tpu.memory_space<semaphore_mem>>
          %dma_start3A_141 = arith.constant 0 : i32
          %dma_start3A_142 = arith.constant 0 : i32
          %dma_start3A_143 = tpu.memref_slice %arg6[%dma_start3A_141, %dma_start3A_142] : memref<10240x128xf32, #tpu.memory_space<vmem_shared>> -> memref<10240x128xf32, #tpu.memory_space<vmem_shared>>
          tpu.enqueue_indirect_dma source(%run_scoped3A_3 : memref<128x128xf32, #tpu.memory_space<vmem>>) target(%dma_start3A_143 : memref<10240x128xf32, #tpu.memory_space<vmem_shared>>) offsets(%run_scoped3A_1 : memref<128xi32, #tpu.memory_space<vmem>>) semaphore(%run_scoped3A_140 : memref<!tpu.dma_semaphore, #tpu.memory_space<semaphore_mem>>) {add = true}
          %dma_wait3A_144 = arith.constant 0 : i32
          %dma_wait3A_145 = arith.constant 0 : i32
          %dma_wait3A_146 = tpu.memref_slice %arg6[%dma_wait3A_144, %dma_wait3A_145] : memref<10240x128xf32, #tpu.memory_space<vmem_shared>> -> memref<10240x128xf32, #tpu.memory_space<vmem_shared>>
          tpu.wait_indirect_dma semaphore(%run_scoped3A_140 : memref<!tpu.dma_semaphore, #tpu.memory_space<semaphore_mem>>) src(%run_scoped3A_3 : memref<128x128xf32, #tpu.memory_space<vmem>>) dst(%dma_wait3A_146 : memref<10240x128xf32, #tpu.memory_space<vmem_shared>>)
          tpu.yield
        }) : () -> ()
        %add3A_111 = arith.constant 2 : i32
        %add3A_112 = arith.addi %add3A_103, %add3A_111 : i32
        %lt3A_113 = arith.constant 80 : i32
        %lt3A_114 = arith.cmpi slt, %add3A_112, %lt3A_113 : i32
        %convert_element_type3A_115 = arith.extui %lt3A_114 : i1 to i32
        %cond3A_116 = arith.constant 0 : i32
        %cond3A_117 = arith.cmpi ne, %convert_element_type3A_115, %cond3A_116 : i32
        scf.if %cond3A_117 {
          %add3A_140 = arith.constant 2 : i32
          %add3A_141 = arith.addi %add3A_103, %add3A_140 : i32
          %dma_start3A_142 = arith.constant 0 : i32
          %dma_start3A_143 = tpu.memref_slice %arg3[%arg0, %arg1, %add3A_141, %dma_start3A_142] : memref<2x16x80x128xi32, #tpu.memory_space<hbm>> -> memref<1x1x1x128xi32, #tpu.memory_space<hbm>>
          %dma_start3A_144 = tpu.memref_squeeze %dma_start3A_143 : memref<1x1x1x128xi32, #tpu.memory_space<hbm>> -> memref<128xi32, #tpu.memory_space<hbm>>
          %dma_start3A_145 = arith.constant 0 : i32
          %dma_start3A_146 = tpu.memref_slice %arg3[%arg0, %arg1, %add3A_141, %dma_start3A_145] : memref<2x16x80x128xi32, #tpu.memory_space<hbm>> -> memref<1x1x1x128xi32, #tpu.memory_space<hbm>>
          %dma_start3A_147 = tpu.memref_squeeze %dma_start3A_146 : memref<1x1x1x128xi32, #tpu.memory_space<hbm>> -> memref<128xi32, #tpu.memory_space<hbm>>
          tpu.enqueue_dma source(%dma_start3A_147 : memref<128xi32, #tpu.memory_space<hbm>>) target(%run_scoped3A : memref<128xi32, #tpu.memory_space<vmem>>) target_semaphore(%arg9 : memref<!tpu.dma_semaphore, #tpu.memory_space<semaphore_mem>>)
          %dma_start3A_148 = arith.constant 0 : i32
          %dma_start3A_149 = tpu.memref_slice %arg4[%arg0, %arg1, %add3A_141, %dma_start3A_148] : memref<2x16x80x128xi32, #tpu.memory_space<hbm>> -> memref<1x1x1x128xi32, #tpu.memory_space<hbm>>
          %dma_start3A_150 = tpu.memref_squeeze %dma_start3A_149 : memref<1x1x1x128xi32, #tpu.memory_space<hbm>> -> memref<128xi32, #tpu.memory_space<hbm>>
          %dma_start3A_151 = arith.constant 0 : i32
          %dma_start3A_152 = tpu.memref_slice %arg4[%arg0, %arg1, %add3A_141, %dma_start3A_151] : memref<2x16x80x128xi32, #tpu.memory_space<hbm>> -> memref<1x1x1x128xi32, #tpu.memory_space<hbm>>
          %dma_start3A_153 = tpu.memref_squeeze %dma_start3A_152 : memref<1x1x1x128xi32, #tpu.memory_space<hbm>> -> memref<128xi32, #tpu.memory_space<hbm>>
          tpu.enqueue_dma source(%dma_start3A_153 : memref<128xi32, #tpu.memory_space<hbm>>) target(%run_scoped3A_1 : memref<128xi32, #tpu.memory_space<vmem>>) target_semaphore(%arg11 : memref<!tpu.dma_semaphore, #tpu.memory_space<semaphore_mem>>)
        } else {
        }
        %mul3A_118 = arith.constant 2 : i32
        %mul3A_119 = arith.muli %mul3A_118, %scan3A_98 : i32
        %add3A_120 = arith.constant 1 : i32
        %add3A_121 = arith.addi %mul3A_119, %add3A_120 : i32
        %add3A_122 = arith.constant 1 : i32
        %add3A_123 = arith.addi %add3A_121, %add3A_122 : i32
        %lt3A_124 = arith.constant 80 : i32
        %lt3A_125 = arith.cmpi slt, %add3A_123, %lt3A_124 : i32
        %convert_element_type3A_126 = arith.extui %lt3A_125 : i1 to i32
        %cond3A_127 = arith.constant 0 : i32
        %cond3A_128 = arith.cmpi ne, %convert_element_type3A_126, %cond3A_127 : i32
        scf.if %cond3A_128 {
          %add3A_140 = arith.constant 1 : i32
          %add3A_141 = arith.addi %add3A_121, %add3A_140 : i32
          %dma_wait3A_142 = arith.constant 0 : i32
          %dma_wait3A_143 = tpu.memref_slice %arg3[%arg0, %arg1, %add3A_141, %dma_wait3A_142] : memref<2x16x80x128xi32, #tpu.memory_space<hbm>> -> memref<1x1x1x128xi32, #tpu.memory_space<hbm>>
          %dma_wait3A_144 = tpu.memref_squeeze %dma_wait3A_143 : memref<1x1x1x128xi32, #tpu.memory_space<hbm>> -> memref<128xi32, #tpu.memory_space<hbm>>
          %dma_wait3A_145 = arith.constant 0 : i32
          %dma_wait3A_146 = tpu.memref_slice %arg3[%arg0, %arg1, %add3A_141, %dma_wait3A_145] : memref<2x16x80x128xi32, #tpu.memory_space<hbm>> -> memref<1x1x1x128xi32, #tpu.memory_space<hbm>>
          %dma_wait3A_147 = tpu.memref_squeeze %dma_wait3A_146 : memref<1x1x1x128xi32, #tpu.memory_space<hbm>> -> memref<128xi32, #tpu.memory_space<hbm>>
          tpu.wait_dma2 semaphore(%arg9 : memref<!tpu.dma_semaphore, #tpu.memory_space<semaphore_mem>>) src(%dma_wait3A_147 : memref<128xi32, #tpu.memory_space<hbm>>) dst(%run_scoped3A : memref<128xi32, #tpu.memory_space<vmem>>)
          %dma_wait3A_148 = arith.constant 0 : i32
          %dma_wait3A_149 = tpu.memref_slice %arg4[%arg0, %arg1, %add3A_141, %dma_wait3A_148] : memref<2x16x80x128xi32, #tpu.memory_space<hbm>> -> memref<1x1x1x128xi32, #tpu.memory_space<hbm>>
          %dma_wait3A_150 = tpu.memref_squeeze %dma_wait3A_149 : memref<1x1x1x128xi32, #tpu.memory_space<hbm>> -> memref<128xi32, #tpu.memory_space<hbm>>
          %dma_wait3A_151 = arith.constant 0 : i32
          %dma_wait3A_152 = tpu.memref_slice %arg4[%arg0, %arg1, %add3A_141, %dma_wait3A_151] : memref<2x16x80x128xi32, #tpu.memory_space<hbm>> -> memref<1x1x1x128xi32, #tpu.memory_space<hbm>>
          %dma_wait3A_153 = tpu.memref_squeeze %dma_wait3A_152 : memref<1x1x1x128xi32, #tpu.memory_space<hbm>> -> memref<128xi32, #tpu.memory_space<hbm>>
          tpu.wait_dma2 semaphore(%arg11 : memref<!tpu.dma_semaphore, #tpu.memory_space<semaphore_mem>>) src(%dma_wait3A_153 : memref<128xi32, #tpu.memory_space<hbm>>) dst(%run_scoped3A_1 : memref<128xi32, #tpu.memory_space<vmem>>)
          %dma_start3A_154 = arith.constant 0 : i32
          %dma_start3A_155 = arith.constant 0 : i32
          %dma_start3A_156 = tpu.memref_slice %arg2[%dma_start3A_154, %dma_start3A_155] : memref<10000x128xf32, #tpu.memory_space<hbm>> -> memref<10000x128xf32, #tpu.memory_space<hbm>>
          tpu.enqueue_indirect_dma source(%dma_start3A_156 : memref<10000x128xf32, #tpu.memory_space<hbm>>) target(%run_scoped3A_3 : memref<128x128xf32, #tpu.memory_space<vmem>>) offsets(%run_scoped3A : memref<128xi32, #tpu.memory_space<vmem>>) semaphore(%arg7 : memref<!tpu.dma_semaphore, #tpu.memory_space<semaphore_mem>>)
        } else {
        }
        %dma_wait3A_129 = arith.constant 0 : i32
        %dma_wait3A_130 = arith.constant 0 : i32
        %dma_wait3A_131 = tpu.memref_slice %arg2[%dma_wait3A_129, %dma_wait3A_130] : memref<10000x128xf32, #tpu.memory_space<hbm>> -> memref<10000x128xf32, #tpu.memory_space<hbm>>
        tpu.wait_indirect_dma semaphore(%arg8 : memref<!tpu.dma_semaphore, #tpu.memory_space<semaphore_mem>>) src(%dma_wait3A_131 : memref<10000x128xf32, #tpu.memory_space<hbm>>) dst(%run_scoped3A_4 : memref<128x128xf32, #tpu.memory_space<vmem>>)
        "tpu.region"() ({
          %run_scoped3A_140 = tpu.sem_alloc : memref<!tpu.dma_semaphore, #tpu.memory_space<semaphore_mem>>
          %dma_start3A_141 = arith.constant 0 : i32
          %dma_start3A_142 = arith.constant 0 : i32
          %dma_start3A_143 = tpu.memref_slice %arg6[%dma_start3A_141, %dma_start3A_142] : memref<10240x128xf32, #tpu.memory_space<vmem_shared>> -> memref<10240x128xf32, #tpu.memory_space<vmem_shared>>
          tpu.enqueue_indirect_dma source(%run_scoped3A_4 : memref<128x128xf32, #tpu.memory_space<vmem>>) target(%dma_start3A_143 : memref<10240x128xf32, #tpu.memory_space<vmem_shared>>) offsets(%run_scoped3A_2 : memref<128xi32, #tpu.memory_space<vmem>>) semaphore(%run_scoped3A_140 : memref<!tpu.dma_semaphore, #tpu.memory_space<semaphore_mem>>) {add = true}
          %dma_wait3A_144 = arith.constant 0 : i32
          %dma_wait3A_145 = arith.constant 0 : i32
          %dma_wait3A_146 = tpu.memref_slice %arg6[%dma_wait3A_144, %dma_wait3A_145] : memref<10240x128xf32, #tpu.memory_space<vmem_shared>> -> memref<10240x128xf32, #tpu.memory_space<vmem_shared>>
          tpu.wait_indirect_dma semaphore(%run_scoped3A_140 : memref<!tpu.dma_semaphore, #tpu.memory_space<semaphore_mem>>) src(%run_scoped3A_4 : memref<128x128xf32, #tpu.memory_space<vmem>>) dst(%dma_wait3A_146 : memref<10240x128xf32, #tpu.memory_space<vmem_shared>>)
          tpu.yield
        }) : () -> ()
        %add3A_132 = arith.constant 2 : i32
        %add3A_133 = arith.addi %add3A_121, %add3A_132 : i32
        %lt3A_134 = arith.constant 80 : i32
        %lt3A_135 = arith.cmpi slt, %add3A_133, %lt3A_134 : i32
        %convert_element_type3A_136 = arith.extui %lt3A_135 : i1 to i32
        %cond3A_137 = arith.constant 0 : i32
        %cond3A_138 = arith.cmpi ne, %convert_element_type3A_136, %cond3A_137 : i32
        scf.if %cond3A_138 {
          %add3A_140 = arith.constant 2 : i32
          %add3A_141 = arith.addi %add3A_121, %add3A_140 : i32
          %dma_start3A_142 = arith.constant 0 : i32
          %dma_start3A_143 = tpu.memref_slice %arg3[%arg0, %arg1, %add3A_141, %dma_start3A_142] : memref<2x16x80x128xi32, #tpu.memory_space<hbm>> -> memref<1x1x1x128xi32, #tpu.memory_space<hbm>>
          %dma_start3A_144 = tpu.memref_squeeze %dma_start3A_143 : memref<1x1x1x128xi32, #tpu.memory_space<hbm>> -> memref<128xi32, #tpu.memory_space<hbm>>
          %dma_start3A_145 = arith.constant 0 : i32
          %dma_start3A_146 = tpu.memref_slice %arg3[%arg0, %arg1, %add3A_141, %dma_start3A_145] : memref<2x16x80x128xi32, #tpu.memory_space<hbm>> -> memref<1x1x1x128xi32, #tpu.memory_space<hbm>>
          %dma_start3A_147 = tpu.memref_squeeze %dma_start3A_146 : memref<1x1x1x128xi32, #tpu.memory_space<hbm>> -> memref<128xi32, #tpu.memory_space<hbm>>
          tpu.enqueue_dma source(%dma_start3A_147 : memref<128xi32, #tpu.memory_space<hbm>>) target(%run_scoped3A_0 : memref<128xi32, #tpu.memory_space<vmem>>) target_semaphore(%arg10 : memref<!tpu.dma_semaphore, #tpu.memory_space<semaphore_mem>>)
          %dma_start3A_148 = arith.constant 0 : i32
          %dma_start3A_149 = tpu.memref_slice %arg4[%arg0, %arg1, %add3A_141, %dma_start3A_148] : memref<2x16x80x128xi32, #tpu.memory_space<hbm>> -> memref<1x1x1x128xi32, #tpu.memory_space<hbm>>
          %dma_start3A_150 = tpu.memref_squeeze %dma_start3A_149 : memref<1x1x1x128xi32, #tpu.memory_space<hbm>> -> memref<128xi32, #tpu.memory_space<hbm>>
          %dma_start3A_151 = arith.constant 0 : i32
          %dma_start3A_152 = tpu.memref_slice %arg4[%arg0, %arg1, %add3A_141, %dma_start3A_151] : memref<2x16x80x128xi32, #tpu.memory_space<hbm>> -> memref<1x1x1x128xi32, #tpu.memory_space<hbm>>
          %dma_start3A_153 = tpu.memref_squeeze %dma_start3A_152 : memref<1x1x1x128xi32, #tpu.memory_space<hbm>> -> memref<128xi32, #tpu.memory_space<hbm>>
          tpu.enqueue_dma source(%dma_start3A_153 : memref<128xi32, #tpu.memory_space<hbm>>) target(%run_scoped3A_2 : memref<128xi32, #tpu.memory_space<vmem>>) target_semaphore(%arg12 : memref<!tpu.dma_semaphore, #tpu.memory_space<semaphore_mem>>)
        } else {
        }
        %scan3A_139 = arith.constant 0 : i32
        scf.yield %scan3A_139 : i32
      }
      %scan3A_92 = arith.constant 40 : i32
      %barrier3A_93 = arith.constant 0 : index
      tpu.barrier barrier_id(%barrier3A_93)
      %mul3A_94 = arith.constant 640 : i32
      %mul3A_95 = arith.muli %arg1, %mul3A_94 : i32
      %mul3A_96 = arith.constant 640 : i32
      %mul3A_97 = arith.muli %arg1, %mul3A_96 : i32
      "tpu.region"() ({
        %run_scoped3A_98 = tpu.sem_alloc : memref<!tpu.dma_semaphore, #tpu.memory_space<semaphore_mem>>
        %dma_start3A_99 = arith.constant 0 : i32
        %dma_start3A_100 = tpu.memref_slice %arg5[%arg0, %mul3A_97, %dma_start3A_99] : memref<2x10240x128xf32, #tpu.memory_space<hbm>> -> memref<1x640x128xf32, #tpu.memory_space<hbm>>
        %dma_start3A_101 = tpu.memref_squeeze %dma_start3A_100 : memref<1x640x128xf32, #tpu.memory_space<hbm>> -> memref<640x128xf32, #tpu.memory_space<hbm>>
        %dma_start3A_102 = arith.constant 0 : i32
        %dma_start3A_103 = tpu.memref_slice %arg6[%mul3A_95, %dma_start3A_102] : memref<10240x128xf32, #tpu.memory_space<vmem_shared>> -> memref<640x128xf32, #tpu.memory_space<vmem_shared>>
        tpu.enqueue_dma source(%dma_start3A_103 : memref<640x128xf32, #tpu.memory_space<vmem_shared>>) target(%dma_start3A_101 : memref<640x128xf32, #tpu.memory_space<hbm>>) target_semaphore(%run_scoped3A_98 : memref<!tpu.dma_semaphore, #tpu.memory_space<semaphore_mem>>)
        %dma_wait3A_104 = arith.constant 0 : i32
        %dma_wait3A_105 = tpu.memref_slice %arg5[%arg0, %mul3A_97, %dma_wait3A_104] : memref<2x10240x128xf32, #tpu.memory_space<hbm>> -> memref<1x640x128xf32, #tpu.memory_space<hbm>>
        %dma_wait3A_106 = tpu.memref_squeeze %dma_wait3A_105 : memref<1x640x128xf32, #tpu.memory_space<hbm>> -> memref<640x128xf32, #tpu.memory_space<hbm>>
        %dma_wait3A_107 = arith.constant 0 : i32
        %dma_wait3A_108 = tpu.memref_slice %arg6[%mul3A_95, %dma_wait3A_107] : memref<10240x128xf32, #tpu.memory_space<vmem_shared>> -> memref<640x128xf32, #tpu.memory_space<vmem_shared>>
        tpu.wait_dma2 semaphore(%run_scoped3A_98 : memref<!tpu.dma_semaphore, #tpu.memory_space<semaphore_mem>>) src(%dma_wait3A_108 : memref<640x128xf32, #tpu.memory_space<vmem_shared>>) dst(%dma_wait3A_106 : memref<640x128xf32, #tpu.memory_space<hbm>>)
        tpu.yield
      }) : () -> ()
      tpu.yield
    }) : () -> ()
    return
  }
}

module attributes {stable_mosaic.version = 14 : i64} {
  func.func @_m1_body(%arg0: i32, %arg1: memref<1000x128xf32, #tpu.memory_space<vmem>>, %arg2: memref<128x128xf32, #tpu.memory_space<vmem>>, %arg3: memref<1000x1xf32, #tpu.memory_space<vmem>>, %arg4: memref<1000x128xf32, #tpu.memory_space<vmem>>) attributes {dimension_semantics = [#tpu.dimension_semantics<arbitrary>], iteration_bounds = array<i64: 10>, scalar_prefetch = 0 : i64, scratch_operands = 0 : i64, tpu.core_type = #tpu.core_type<tc>, window_params = [{transform_indices = @transform_0, window_bounds = array<i64: 1000, 128>}, {pipeline_mode = #tpu.pipeline_mode<synchronous>, transform_indices = @transform_1, window_bounds = array<i64: 128, 128>}, {transform_indices = @transform_2, window_bounds = array<i64: 1000, 1>}, {transform_indices = @transform_3, window_bounds = array<i64: 1000, 128>}]} {
    %get3A = arith.constant 0 : index
    %get3A_0 = arith.constant 0 : index
    %get3A_1 = vector.load %arg1[%get3A, %get3A_0] : memref<1000x128xf32, #tpu.memory_space<vmem>>, vector<1000x128xf32>
    %get3A_2 = arith.constant 0 : index
    %get3A_3 = arith.constant 0 : index
    %get3A_4 = vector.load %arg2[%get3A_2, %get3A_3] : memref<128x128xf32, #tpu.memory_space<vmem>>, vector<128x128xf32>
    %dot_general3A = arith.constant dense<0.000000e+00> : vector<1000x128xf32>
    %dot_general3A_5 = tpu.matmul %get3A_1, %get3A_4, %dot_general3A {dimension_numbers = #tpu.dot_dimension_numbers<[1], [0], [0], [1], [0, 0, 1, 1], [], []>, transpose_lhs_hint = false} : vector<1000x128xf32>, vector<128x128xf32>, vector<1000x128xf32> -> vector<1000x128xf32>
    %get3A_6 = arith.constant 0 : index
    %get3A_7 = arith.constant 0 : index
    %get3A_8 = vector.load %arg3[%get3A_6, %get3A_7] : memref<1000x1xf32, #tpu.memory_space<vmem>>, vector<1000x1xf32>
    %mul3A = vector.broadcast %get3A_8 : vector<1000x1xf32> to vector<1000x128xf32>
    %mul3A_9 = arith.mulf %dot_general3A_5, %mul3A : vector<1000x128xf32>
    %swap3A = arith.constant 0 : index
    %swap3A_10 = arith.constant 0 : index
    %swap3A_11 = vector.load %arg4[%swap3A, %swap3A_10] : memref<1000x128xf32, #tpu.memory_space<vmem>>, vector<1000x128xf32>
    tpu.vector_store %arg4[%swap3A, %swap3A_10], %mul3A_9 {strides = array<i32>} : memref<1000x128xf32, #tpu.memory_space<vmem>>, vector<1000x128xf32>,
    return
  }
  func.func @transform_0(%arg0: i32) -> (i32, i32) {
    %c0_i32 = arith.constant 0 : i32
    %c0_i32_0 = arith.constant 0 : i32
    return %arg0, %c0_i32 : i32, i32
  }
  func.func @transform_1(%arg0: i32) -> (i32, i32) {
    %c0_i32 = arith.constant 0 : i32
    %c0_i32_0 = arith.constant 0 : i32
    %c0_i32_1 = arith.constant 0 : i32
    return %c0_i32, %c0_i32_0 : i32, i32
  }
  func.func @transform_2(%arg0: i32) -> (i32, i32) {
    %c0_i32 = arith.constant 0 : i32
    %c0_i32_0 = arith.constant 0 : i32
    return %arg0, %c0_i32 : i32, i32
  }
  func.func @transform_3(%arg0: i32) -> (i32, i32) {
    %c0_i32 = arith.constant 0 : i32
    %c0_i32_0 = arith.constant 0 : i32
    return %arg0, %c0_i32 : i32, i32
  }
}

module attributes {stable_mosaic.version = 14 : i64} {
  func.func @_m2_body(%arg0: i32, %arg1: memref<2x1000x128xf32, #tpu.memory_space<vmem>>, %arg2: memref<1000x128xf32, #tpu.memory_space<vmem>>, %arg3: memref<1000x1xf32, #tpu.memory_space<vmem>>, %arg4: memref<1x128xf32, #tpu.memory_space<vmem>>, %arg5: memref<128x128xf32, #tpu.memory_space<vmem>>, %arg6: memref<1000x128xf32, #tpu.memory_space<vmem>>) attributes {dimension_semantics = [#tpu.dimension_semantics<arbitrary>], iteration_bounds = array<i64: 10>, scalar_prefetch = 0 : i64, scratch_operands = 0 : i64, tpu.core_type = #tpu.core_type<tc>, window_params = [{transform_indices = @transform_0, window_bounds = array<i64: 2, 1000, 128>}, {transform_indices = @transform_1, window_bounds = array<i64: 1000, 128>}, {transform_indices = @transform_2, window_bounds = array<i64: 1000, 1>}, {pipeline_mode = #tpu.pipeline_mode<synchronous>, transform_indices = @transform_3, window_bounds = array<i64: 1, 128>}, {pipeline_mode = #tpu.pipeline_mode<synchronous>, transform_indices = @transform_4, window_bounds = array<i64: 128, 128>}, {transform_indices = @transform_5, window_bounds = array<i64: 1000, 128>}]} {
    %get3A = arith.constant 0 : index
    %get3A_0 = arith.constant 0 : index
    %get3A_1 = arith.constant 0 : index
    %get3A_2 = vector.load %arg1[%get3A, %get3A_0, %get3A_1] : memref<2x1000x128xf32, #tpu.memory_space<vmem>>, vector<1x1000x128xf32>
    %get3A_3 = vector.shape_cast %get3A_2 : vector<1x1000x128xf32> to vector<1000x128xf32>
    %get3A_4 = arith.constant 1 : index
    %get3A_5 = arith.constant 0 : index
    %get3A_6 = arith.constant 0 : index
    %get3A_7 = vector.load %arg1[%get3A_4, %get3A_5, %get3A_6] : memref<2x1000x128xf32, #tpu.memory_space<vmem>>, vector<1x1000x128xf32>
    %get3A_8 = vector.shape_cast %get3A_7 : vector<1x1000x128xf32> to vector<1000x128xf32>
    %add3A = arith.addf %get3A_3, %get3A_8 : vector<1000x128xf32>
    %get3A_9 = arith.constant 0 : index
    %get3A_10 = arith.constant 0 : index
    %get3A_11 = vector.load %arg2[%get3A_9, %get3A_10] : memref<1000x128xf32, #tpu.memory_space<vmem>>, vector<1000x128xf32>
    %add3A_12 = arith.addf %add3A, %get3A_11 : vector<1000x128xf32>
    %get3A_13 = arith.constant 0 : index
    %get3A_14 = arith.constant 0 : index
    %get3A_15 = vector.load %arg3[%get3A_13, %get3A_14] : memref<1000x1xf32, #tpu.memory_space<vmem>>, vector<1000x1xf32>
    %mul3A = vector.broadcast %get3A_15 : vector<1000x1xf32> to vector<1000x128xf32>
    %mul3A_16 = arith.mulf %add3A_12, %mul3A : vector<1000x128xf32>
    %get3A_17 = arith.constant 0 : index
    %get3A_18 = arith.constant 0 : index
    %get3A_19 = vector.load %arg4[%get3A_17, %get3A_18] : memref<1x128xf32, #tpu.memory_space<vmem>>, vector<1x128xf32>
    %add3A_20 = vector.broadcast %get3A_19 : vector<1x128xf32> to vector<1000x128xf32>
    %add3A_21 = arith.addf %mul3A_16, %add3A_20 : vector<1000x128xf32>
    %max3A = arith.constant 0.000000e+00 : f32
    %max3A_22 = vector.broadcast %max3A : f32 to vector<1000x128xf32>
    %max3A_23 = arith.maximumf %add3A_21, %max3A_22 : vector<1000x128xf32>
    %get3A_24 = arith.constant 0 : index
    %get3A_25 = arith.constant 0 : index
    %get3A_26 = vector.load %arg5[%get3A_24, %get3A_25] : memref<128x128xf32, #tpu.memory_space<vmem>>, vector<128x128xf32>
    %dot_general3A = arith.constant dense<0.000000e+00> : vector<1000x128xf32>
    %dot_general3A_27 = tpu.matmul %max3A_23, %get3A_26, %dot_general3A {dimension_numbers = #tpu.dot_dimension_numbers<[1], [0], [0], [1], [0, 0, 1, 1], [], []>, transpose_lhs_hint = false} : vector<1000x128xf32>, vector<128x128xf32>, vector<1000x128xf32> -> vector<1000x128xf32>
    %get3A_28 = arith.constant 0 : index
    %get3A_29 = arith.constant 0 : index
    %get3A_30 = vector.load %arg3[%get3A_28, %get3A_29] : memref<1000x1xf32, #tpu.memory_space<vmem>>, vector<1000x1xf32>
    %mul3A_31 = vector.broadcast %get3A_30 : vector<1000x1xf32> to vector<1000x128xf32>
    %mul3A_32 = arith.mulf %dot_general3A_27, %mul3A_31 : vector<1000x128xf32>
    %swap3A = arith.constant 0 : index
    %swap3A_33 = arith.constant 0 : index
    %swap3A_34 = vector.load %arg6[%swap3A, %swap3A_33] : memref<1000x128xf32, #tpu.memory_space<vmem>>, vector<1000x128xf32>
    tpu.vector_store %arg6[%swap3A, %swap3A_33], %mul3A_32 {strides = array<i32>} : memref<1000x128xf32, #tpu.memory_space<vmem>>, vector<1000x128xf32>,
    return
  }
  func.func @transform_0(%arg0: i32) -> (i32, i32, i32) {
    %c0_i32 = arith.constant 0 : i32
    %c0_i32_0 = arith.constant 0 : i32
    %c0_i32_1 = arith.constant 0 : i32
    return %c0_i32, %arg0, %c0_i32_0 : i32, i32, i32
  }
  func.func @transform_1(%arg0: i32) -> (i32, i32) {
    %c0_i32 = arith.constant 0 : i32
    %c0_i32_0 = arith.constant 0 : i32
    return %arg0, %c0_i32 : i32, i32
  }
  func.func @transform_2(%arg0: i32) -> (i32, i32) {
    %c0_i32 = arith.constant 0 : i32
    %c0_i32_0 = arith.constant 0 : i32
    return %arg0, %c0_i32 : i32, i32
  }
  func.func @transform_3(%arg0: i32) -> (i32, i32) {
    %c0_i32 = arith.constant 0 : i32
    %c0_i32_0 = arith.constant 0 : i32
    %c0_i32_1 = arith.constant 0 : i32
    return %c0_i32, %c0_i32_0 : i32, i32
  }
  func.func @transform_4(%arg0: i32) -> (i32, i32) {
    %c0_i32 = arith.constant 0 : i32
    %c0_i32_0 = arith.constant 0 : i32
    %c0_i32_1 = arith.constant 0 : i32
    return %c0_i32, %c0_i32_0 : i32, i32
  }
  func.func @transform_5(%arg0: i32) -> (i32, i32) {
    %c0_i32 = arith.constant 0 : i32
    %c0_i32_0 = arith.constant 0 : i32
    return %arg0, %c0_i32 : i32, i32
  }
}

module attributes {stable_mosaic.version = 14 : i64} {
  func.func @_m3_body(%arg0: i32, %arg1: memref<2x1000x128xf32, #tpu.memory_space<vmem>>, %arg2: memref<1000x128xf32, #tpu.memory_space<vmem>>, %arg3: memref<1000x1xf32, #tpu.memory_space<vmem>>, %arg4: memref<1x128xf32, #tpu.memory_space<vmem>>, %arg5: memref<1000x128xf32, #tpu.memory_space<vmem>>) attributes {dimension_semantics = [#tpu.dimension_semantics<arbitrary>], iteration_bounds = array<i64: 10>, scalar_prefetch = 0 : i64, scratch_operands = 0 : i64, tpu.core_type = #tpu.core_type<tc>, window_params = [{transform_indices = @transform_0, window_bounds = array<i64: 2, 1000, 128>}, {transform_indices = @transform_1, window_bounds = array<i64: 1000, 128>}, {transform_indices = @transform_2, window_bounds = array<i64: 1000, 1>}, {pipeline_mode = #tpu.pipeline_mode<synchronous>, transform_indices = @transform_3, window_bounds = array<i64: 1, 128>}, {transform_indices = @transform_4, window_bounds = array<i64: 1000, 128>}]} {
    %get3A = arith.constant 0 : index
    %get3A_0 = arith.constant 0 : index
    %get3A_1 = arith.constant 0 : index
    %get3A_2 = vector.load %arg1[%get3A, %get3A_0, %get3A_1] : memref<2x1000x128xf32, #tpu.memory_space<vmem>>, vector<1x1000x128xf32>
    %get3A_3 = vector.shape_cast %get3A_2 : vector<1x1000x128xf32> to vector<1000x128xf32>
    %get3A_4 = arith.constant 1 : index
    %get3A_5 = arith.constant 0 : index
    %get3A_6 = arith.constant 0 : index
    %get3A_7 = vector.load %arg1[%get3A_4, %get3A_5, %get3A_6] : memref<2x1000x128xf32, #tpu.memory_space<vmem>>, vector<1x1000x128xf32>
    %get3A_8 = vector.shape_cast %get3A_7 : vector<1x1000x128xf32> to vector<1000x128xf32>
    %add3A = arith.addf %get3A_3, %get3A_8 : vector<1000x128xf32>
    %get3A_9 = arith.constant 0 : index
    %get3A_10 = arith.constant 0 : index
    %get3A_11 = vector.load %arg2[%get3A_9, %get3A_10] : memref<1000x128xf32, #tpu.memory_space<vmem>>, vector<1000x128xf32>
    %add3A_12 = arith.addf %add3A, %get3A_11 : vector<1000x128xf32>
    %get3A_13 = arith.constant 0 : index
    %get3A_14 = arith.constant 0 : index
    %get3A_15 = vector.load %arg3[%get3A_13, %get3A_14] : memref<1000x1xf32, #tpu.memory_space<vmem>>, vector<1000x1xf32>
    %mul3A = vector.broadcast %get3A_15 : vector<1000x1xf32> to vector<1000x128xf32>
    %mul3A_16 = arith.mulf %add3A_12, %mul3A : vector<1000x128xf32>
    %get3A_17 = arith.constant 0 : index
    %get3A_18 = arith.constant 0 : index
    %get3A_19 = vector.load %arg4[%get3A_17, %get3A_18] : memref<1x128xf32, #tpu.memory_space<vmem>>, vector<1x128xf32>
    %add3A_20 = vector.broadcast %get3A_19 : vector<1x128xf32> to vector<1000x128xf32>
    %add3A_21 = arith.addf %mul3A_16, %add3A_20 : vector<1000x128xf32>
    %max3A = arith.constant 0.000000e+00 : f32
    %max3A_22 = vector.broadcast %max3A : f32 to vector<1000x128xf32>
    %max3A_23 = arith.maximumf %add3A_21, %max3A_22 : vector<1000x128xf32>
    %get3A_24 = arith.constant 0 : index
    %get3A_25 = arith.constant 0 : index
    %get3A_26 = vector.load %arg3[%get3A_24, %get3A_25] : memref<1000x1xf32, #tpu.memory_space<vmem>>, vector<1000x1xf32>
    %mul3A_27 = vector.broadcast %get3A_26 : vector<1000x1xf32> to vector<1000x128xf32>
    %mul3A_28 = arith.mulf %max3A_23, %mul3A_27 : vector<1000x128xf32>
    %swap3A = arith.constant 0 : index
    %swap3A_29 = arith.constant 0 : index
    %swap3A_30 = vector.load %arg5[%swap3A, %swap3A_29] : memref<1000x128xf32, #tpu.memory_space<vmem>>, vector<1000x128xf32>
    tpu.vector_store %arg5[%swap3A, %swap3A_29], %mul3A_28 {strides = array<i32>} : memref<1000x128xf32, #tpu.memory_space<vmem>>, vector<1000x128xf32>,
    return
  }
  func.func @transform_0(%arg0: i32) -> (i32, i32, i32) {
    %c0_i32 = arith.constant 0 : i32
    %c0_i32_0 = arith.constant 0 : i32
    %c0_i32_1 = arith.constant 0 : i32
    return %c0_i32, %arg0, %c0_i32_0 : i32, i32, i32
  }
  func.func @transform_1(%arg0: i32) -> (i32, i32) {
    %c0_i32 = arith.constant 0 : i32
    %c0_i32_0 = arith.constant 0 : i32
    return %arg0, %c0_i32 : i32, i32
  }
  func.func @transform_2(%arg0: i32) -> (i32, i32) {
    %c0_i32 = arith.constant 0 : i32
    %c0_i32_0 = arith.constant 0 : i32
    return %arg0, %c0_i32 : i32, i32
  }
  func.func @transform_3(%arg0: i32) -> (i32, i32) {
    %c0_i32 = arith.constant 0 : i32
    %c0_i32_0 = arith.constant 0 : i32
    %c0_i32_1 = arith.constant 0 : i32
    return %c0_i32, %c0_i32_0 : i32, i32
  }
  func.func @transform_4(%arg0: i32) -> (i32, i32) {
    %c0_i32 = arith.constant 0 : i32
    %c0_i32_0 = arith.constant 0 : i32
    return %arg0, %c0_i32 : i32, i32
  }
}

module attributes {stable_mosaic.version = 14 : i64} {
  func.func @_m4_body(%arg0: i32, %arg1: memref<2x1000x128xf32, #tpu.memory_space<vmem>>, %arg2: memref<1000x128xf32, #tpu.memory_space<vmem>>, %arg3: memref<1000x1xf32, #tpu.memory_space<vmem>>, %arg4: memref<1x64xf32, #tpu.memory_space<vmem>>, %arg5: memref<128x64xf32, #tpu.memory_space<vmem>>, %arg6: memref<1000x64xf32, #tpu.memory_space<vmem>>) attributes {dimension_semantics = [#tpu.dimension_semantics<arbitrary>], iteration_bounds = array<i64: 10>, scalar_prefetch = 0 : i64, scratch_operands = 0 : i64, tpu.core_type = #tpu.core_type<tc>, window_params = [{transform_indices = @transform_0, window_bounds = array<i64: 2, 1000, 128>}, {transform_indices = @transform_1, window_bounds = array<i64: 1000, 128>}, {transform_indices = @transform_2, window_bounds = array<i64: 1000, 1>}, {pipeline_mode = #tpu.pipeline_mode<synchronous>, transform_indices = @transform_3, window_bounds = array<i64: 1, 64>}, {pipeline_mode = #tpu.pipeline_mode<synchronous>, transform_indices = @transform_4, window_bounds = array<i64: 128, 64>}, {transform_indices = @transform_5, window_bounds = array<i64: 1000, 64>}]} {
    %get3A = arith.constant 0 : index
    %get3A_0 = arith.constant 0 : index
    %get3A_1 = arith.constant 0 : index
    %get3A_2 = vector.load %arg1[%get3A, %get3A_0, %get3A_1] : memref<2x1000x128xf32, #tpu.memory_space<vmem>>, vector<1x1000x128xf32>
    %get3A_3 = vector.shape_cast %get3A_2 : vector<1x1000x128xf32> to vector<1000x128xf32>
    %get3A_4 = arith.constant 1 : index
    %get3A_5 = arith.constant 0 : index
    %get3A_6 = arith.constant 0 : index
    %get3A_7 = vector.load %arg1[%get3A_4, %get3A_5, %get3A_6] : memref<2x1000x128xf32, #tpu.memory_space<vmem>>, vector<1x1000x128xf32>
    %get3A_8 = vector.shape_cast %get3A_7 : vector<1x1000x128xf32> to vector<1000x128xf32>
    %add3A = arith.addf %get3A_3, %get3A_8 : vector<1000x128xf32>
    %get3A_9 = arith.constant 0 : index
    %get3A_10 = arith.constant 0 : index
    %get3A_11 = vector.load %arg2[%get3A_9, %get3A_10] : memref<1000x128xf32, #tpu.memory_space<vmem>>, vector<1000x128xf32>
    %add3A_12 = arith.addf %add3A, %get3A_11 : vector<1000x128xf32>
    %get3A_13 = arith.constant 0 : index
    %get3A_14 = arith.constant 0 : index
    %get3A_15 = vector.load %arg3[%get3A_13, %get3A_14] : memref<1000x1xf32, #tpu.memory_space<vmem>>, vector<1000x1xf32>
    %mul3A = vector.broadcast %get3A_15 : vector<1000x1xf32> to vector<1000x128xf32>
    %mul3A_16 = arith.mulf %add3A_12, %mul3A : vector<1000x128xf32>
    %get3A_17 = arith.constant 0 : index
    %get3A_18 = arith.constant 0 : index
    %get3A_19 = vector.load %arg5[%get3A_17, %get3A_18] : memref<128x64xf32, #tpu.memory_space<vmem>>, vector<128x64xf32>
    %dot_general3A = arith.constant dense<0.000000e+00> : vector<1000x64xf32>
    %dot_general3A_20 = tpu.matmul %mul3A_16, %get3A_19, %dot_general3A {dimension_numbers = #tpu.dot_dimension_numbers<[1], [0], [0], [1], [0, 0, 1, 1], [], []>, transpose_lhs_hint = false} : vector<1000x128xf32>, vector<128x64xf32>, vector<1000x64xf32> -> vector<1000x64xf32>
    %get3A_21 = arith.constant 0 : index
    %get3A_22 = arith.constant 0 : index
    %get3A_23 = vector.load %arg4[%get3A_21, %get3A_22] : memref<1x64xf32, #tpu.memory_space<vmem>>, vector<1x64xf32>
    %add3A_24 = vector.broadcast %get3A_23 : vector<1x64xf32> to vector<1000x64xf32>
    %add3A_25 = arith.addf %dot_general3A_20, %add3A_24 : vector<1000x64xf32>
    %swap3A = arith.constant 0 : index
    %swap3A_26 = arith.constant 0 : index
    %swap3A_27 = vector.load %arg6[%swap3A, %swap3A_26] : memref<1000x64xf32, #tpu.memory_space<vmem>>, vector<1000x64xf32>
    tpu.vector_store %arg6[%swap3A, %swap3A_26], %add3A_25 {strides = array<i32>} : memref<1000x64xf32, #tpu.memory_space<vmem>>, vector<1000x64xf32>,
    return
  }
  func.func @transform_0(%arg0: i32) -> (i32, i32, i32) {
    %c0_i32 = arith.constant 0 : i32
    %c0_i32_0 = arith.constant 0 : i32
    %c0_i32_1 = arith.constant 0 : i32
    return %c0_i32, %arg0, %c0_i32_0 : i32, i32, i32
  }
  func.func @transform_1(%arg0: i32) -> (i32, i32) {
    %c0_i32 = arith.constant 0 : i32
    %c0_i32_0 = arith.constant 0 : i32
    return %arg0, %c0_i32 : i32, i32
  }
  func.func @transform_2(%arg0: i32) -> (i32, i32) {
    %c0_i32 = arith.constant 0 : i32
    %c0_i32_0 = arith.constant 0 : i32
    return %arg0, %c0_i32 : i32, i32
  }
  func.func @transform_3(%arg0: i32) -> (i32, i32) {
    %c0_i32 = arith.constant 0 : i32
    %c0_i32_0 = arith.constant 0 : i32
    %c0_i32_1 = arith.constant 0 : i32
    return %c0_i32, %c0_i32_0 : i32, i32
  }
  func.func @transform_4(%arg0: i32) -> (i32, i32) {
    %c0_i32 = arith.constant 0 : i32
    %c0_i32_0 = arith.constant 0 : i32
    %c0_i32_1 = arith.constant 0 : i32
    return %c0_i32, %c0_i32_0 : i32, i32
  }
  func.func @transform_5(%arg0: i32) -> (i32, i32) {
    %c0_i32 = arith.constant 0 : i32
    %c0_i32_0 = arith.constant 0 : i32
    return %arg0, %c0_i32 : i32, i32
  }
}

</mosaic_0001>

<sc_bundles>
// kernel: kernel.10.cloned.1.call-start
scs
__scs_entry_jumppad:
0x0: {  	(pc) =	sbr.rel $0x88, $3  }
0x1: {  	(tag) =	ssettag $0x0;
	lr =	simm.s32 $0x1  }
0x2: {  	[smem:$0x3F99] =	sst lr;
	_ =	strace $0xD0000000  }
0x3: {  	_ = 	snop  }
0x4: {  	_ = 	snop  }
0x5: {  	_ = 	snop  }
0x6: {  	_ = 	snop  }
0x7: {  	_ = 	snop  }
__scs_overlays_trampoline_lowered:
0x8: {  	[smem:$0x3FA8] =	sst s0  }
0x9: {  	[smem:$0x3FA9] =	sst s1  }
0xa: {  	[smem:$0x3FAA] =	sst s2  }
0xb: {  	[smem:$0x3FAB] =	sst s3  }
0xc: {  	[smem:$0x3FAC] =	sst s4  }
0xd: {  	[smem:$0x3FAD] =	sst s5  }
0xe: {  	[smem:$0x3FAE] =	sst s6  }
0xf: {  	[smem:$0x3FAF] =	sst s7  }
0x10: {  	[smem:$0x3FB0] =	sst s8  }
0x11: {  	[smem:$0x3FB1] =	sst s9;
	s0 =	simm.s32 @!p0 $0x0  }
0x12: {  	s1 =	sld [smem:$0x3F97];
	s0 =	simm.s32 @p0 $0x1  }
0x13: {  	[smem:$0x3FB2] =	sst s0;
	s0 =	simm.s32 @!p1 $0x0  }
0x14: {  	s2 =	sld [smem:$0x3F96];
	s0 =	simm.s32 @p1 $0x1  }
0x15: {  	[smem:$0x3FB3] =	sst s0;
	s0 =	simm.s32 @!p2 $0x0  }
0x16: {  	s3 =	sld [smem:$0x3FDB];
	s0 =	simm.s32 @p2 $0x1  }
0x17: {  	s4 =	simm.s32 $0x1BF5;
	[smem:$0x3FB5] =	sst s0  }
0x18: {  	s0 =	sld [smem:$0x3F98];
	_ =	swait.ge [sflag:s4], $0x0  }
0x19: {  	s7 =	sld [smem:$0x3F99]  }
0x1a: {  	s8 =	sadd.s32 $0xFFFFE003, lr  }
0x1b: {  	s9 =	sadd.s32 $0xFFFFFEF7, lr;
	s5 =	simm.s32 $0xFFFFFFFF;
	p2 =	slt.u32 s8, $0xFFFFF086  }
0x1c: {  	p1 =	slt.u32 s9, $0xF7A;
	s5 =	simm.s32 @!p2 $0x0  }
0x1d: {  	s5 =	simm.s32 @p1 $0x1;
	p0 =	seq.s32 s7, s2  }
0x1e: {  	s7 =	smul.u32 @!p0 $0xF7A, s2;
	p2 =	seq.s32 @!p0 s5, $0x0  }
0x1f: {  	s9 =	smul.u32 $0xF7A, s1;
	s8 =	simm.s32 @!p0 $0x1BF5;
	p2 =	por !p2, p0  }
0x20: {  	[sflag:s8] =	ssyncset.s32 @!p0 $0xFFFFF086;
	s6 =	sadd.s32 @!p0 s3, s7;
	s7 =	simm.s32 @!p0 $0x108  }
0x21: {  	s3 =	sadd.s32 s3, s9;
	s6 =	sadd.s32 @!p0 $0x88, s6;
	s7 =	simm.s32 @p2 $0x1082  }
0x22: {  	[simem:s7], [sflag:s8] =	dma.local @!p0 [hbm:s6], $0xF7A  }
0x23: {  	s9 =	sor.u32 $0xD0000000, s2;
	s6 =	simm.s32 $0x108;
	_ =	swait.ge @!p0 [sflag:s8], $0x0  }
0x24: {  	s3 =	sadd.s32 $0x88, s3;
	s6 =	simm.s32 @!p1 $0x1082;
	[sflag:s4] =	ssyncset.s32 $0xFFFFF086  }
0x25: {  	[simem:s6], [sflag:s4] =	dma.local [hbm:s3], $0xF7A  }
0x26: {  	[smem:$0x3F99] =	sst s1;
	(tag) =	ssettag s2;
	_ =	strace s9  }
0x27: {  	s1 =	sld [smem:$0x3FA9]  }
0x28: {  	s2 =	sld [smem:$0x3FAA]  }
0x29: {  	s4 =	sld [smem:$0x3FAC]  }
0x2a: {  	p0 =	seq.s32 s5, $0x0;
	s5 =	sld [smem:$0x3FAD]  }
0x2b: {  	s6 =	sld [smem:$0x3FAE]  }
0x2c: {  	s7 =	sld [smem:$0x3FAF]  }
0x2d: {  	s3 =	simm.s32 $0x108;
	s8 =	sld [smem:$0x3FB0]  }
0x2e: {  	s3 =	simm.s32 @!p0 $0x1082;
	s9 =	sld [smem:$0x3FB1]  }
0x2f: {  	lr =	sadd.s32 s0, s3;
	s0 =	sld [smem:$0x3FA8]  }
0x30: {  	s3 =	sld [smem:$0x3FAB]  }
0x31: {  	[smem:$0x3FB4] =	sst s10  }
0x32: {  	s10 =	sld [smem:$0x3FB2];
	_ =	sdelay $0x3  }
0x33: {  	p0 =	seq.s32 s10, $0x1;
	s10 =	sld [smem:$0x3FB4];
	_ =	sdelay $0x3  }
0x34: {  	[smem:$0x3FB4] =	sst s10  }
0x35: {  	s10 =	sld [smem:$0x3FB3];
	_ =	sdelay $0x3  }
0x36: {  	p1 =	seq.s32 s10, $0x1;
	s10 =	sld [smem:$0x3FB4];
	_ =	sdelay $0x3  }
0x37: {  	[smem:$0x3FB4] =	sst s10  }
0x38: {  	s10 =	sld [smem:$0x3FB5]  }
0x39: {  	_ = 	snop;
	(pc) =	sbr.ind lr, $3  }
0x3a: {  	_ = 	snop  }
0x3b: {  	_ = 	snop  }
0x3c: {  	p2 =	seq.s32 s10, $0x1;
	s10 =	sld [smem:$0x3FB4]  }
0x3d: {  	_ =	shalt  }
0x3e: {  	_ =	shalt  }
0x3f: {  	_ =	shalt  }
0x40: {  	_ =	shalt  }
0x41: {  	_ =	shalt  }
0x42: {  	_ =	shalt  }
0x43: {  	_ =	shalt  }
0x44: {  	_ =	shalt  }
0x45: {  	_ =	shalt  }
0x46: {  	_ =	shalt  }
0x47: {  	_ =	shalt  }
0x48: {  	_ =	shalt  }
0x49: {  	_ =	shalt  }
0x4a: {  	_ =	shalt  }
0x4b: {  	_ =	shalt  }
0x4c: {  	_ =	shalt  }
0x4d: {  	_ =	shalt  }
0x4e: {  	_ =	shalt  }
0x4f: {  	_ =	shalt  }
0x50: {  	_ =	shalt  }
0x51: {  	_ =	shalt  }
0x52: {  	_ =	shalt  }
0x53: {  	_ =	shalt  }
0x54: {  	_ =	shalt  }
0x55: {  	_ =	shalt  }
0x56: {  	_ =	shalt  }
0x57: {  	_ =	shalt  }
0x58: {  	_ =	shalt  }
0x59: {  	_ =	shalt  }
0x5a: {  	_ =	shalt  }
0x5b: {  	_ =	shalt  }
0x5c: {  	_ =	shalt  }
0x5d: {  	_ =	shalt  }
0x5e: {  	_ =	shalt  }
0x5f: {  	_ =	shalt  }
0x60: {  	_ =	shalt  }
0x61: {  	_ =	shalt  }
0x62: {  	_ =	shalt  }
0x63: {  	_ =	shalt  }
0x64: {  	_ =	shalt  }
0x65: {  	_ =	shalt  }
0x66: {  	_ =	shalt  }
0x67: {  	_ =	shalt  }
0x68: {  	_ =	shalt  }
0x69: {  	_ =	shalt  }
0x6a: {  	_ =	shalt  }
0x6b: {  	_ =	shalt  }
0x6c: {  	_ =	shalt  }
0x6d: {  	_ =	shalt  }
0x6e: {  	_ =	shalt  }
0x6f: {  	_ =	shalt  }
0x70: {  	_ =	shalt  }
0x71: {  	_ =	shalt  }
0x72: {  	_ =	shalt  }
0x73: {  	_ =	shalt  }
0x74: {  	_ =	shalt  }
0x75: {  	_ =	shalt  }
0x76: {  	_ =	shalt  }
0x77: {  	_ =	shalt  }
0x78: {  	_ =	shalt  }
0x79: {  	_ =	shalt  }
0x7a: {  	_ =	shalt  }
0x7b: {  	_ =	shalt  }
0x7c: {  	_ =	shalt  }
0x7d: {  	_ =	shalt  }
0x7e: {  	_ =	shalt  }
0x7f: {  	_ =	shalt  }
0x80: {  	_ =	shalt  }
0x81: {  	_ =	shalt  }
0x82: {  	_ =	shalt  }
0x83: {  	_ =	shalt  }
0x84: {  	_ =	shalt  }
0x85: {  	_ =	shalt  }
0x86: {  	_ =	shalt  }
0x87: {  	_ =	shalt  }
.Lfunc_end0:
.L_simem_size_0:
called_computation_lowered:
.L_overlay_start_0:
0x88: {  	s2 =	sld [smem:$0x3FD9]  }
0x89: {  	s3 =	sld [smem:$0x3FFE];
	_ =	sdelay $0x1  }
0x8a: {  	s1 =	srdreg.scid  }
0x8b: {  	s0 =	sand.u32 $0x1, s1  }
0x8c: {  	s17 =	sshll.u32 s0, $0xA;
	s2 =	sadd.s32 s3, s2  }
0x8d: {  	s2 =	sadd.s32 s2, s17  }
0x8e: {  	[smem:$0x3FC0] =	sst s2  }
0x8f: {  	_ = 	snop  }
0x90: {  	s2 =	sld [smem:$0x3FD0];
	(tm) =	ssettm $0x1  }
0x91: {  	s18 =	sld [smem:$0x3FFB];
	_ =	sdelay $0x3  }
0x92: {  	_ =	strace s18  }
0x93: {  	s3 =	sld [smem:$0x3FFC];
	_ =	sdelay $0x3  }
0x94: {  	_ =	strace s3  }
0x95: {  	s3 =	sld [smem:$0x3FFD];
	_ =	sdelay $0x3  }
0x96: {  	_ =	strace s3  }
0x97: {  	_ =	strace $0x8FFFFFFF  }
0x98: {  	s19 =	sld [smem:$0x3FDB];
	_ =	sdelay $0x1  }
0x99: {  	s4 =	simm.s32 $_scs_section_size  }
0x9a: {  	s5 =	simm.s32 $_size__tile_overlayer_lowered;
	s6 =	simm.s32 $_tile_overlayer_lowered  }
0x9b: {  	s22 =	simm.s32 $0x1BFF;
	s21 =	sshll.u32 s6, $0x1;
	s3 =	sadd.s32 s4, s19  }
0x9c: {  	s7 =	simm.s32 $0x0;
	s20 =	sshll.u32 s5, $0x1;
	s5 =	sadd.s32 s21, s3  }
0x9d: {  	[timem:s7], [sflag:s22] =	dma.local [hbm:s5], s20  }
0x9e: {  	_ =	swait.ge [sflag:s22], s20  }
0x9f: {  	s4 =	ssub.s32 $0x0, s20;
	[sflag:s22] =	ssyncset.done $0x0  }
0xa0: {  	[sflag:s22] =	ssyncadd.s32 s4;
	_ =	sdelay $0x1  }
0xa1: {  	s23 =	simm.s32 $0x1B8B  }
0xa2: {  	_ =	swait.ge [sflag:s23], $0x1  }
0xa3: {  	[sflag:s23] =	ssyncset.done $0x0  }
0xa4: {  	s25 =	simm.s32 $0x1B8E;
	s24 =	sld [smem:$0x3FFE];
	[sflag:s23] =	ssyncadd.s32 $0xFFFFFFFF  }
0xa5: {  	s26 =	simm.s32 $execute0_lowered;
	[smem:$0x3FD2] =	sst s25  }
0xa6: {  	s5 =	sshll.u32 s26, $0x1;
	_ =	strace $0x80000046;
	[dreg:$0x1] =	wrdreg $0xFFFFFFFF  }
0xa7: {  	s28 =	simm.s32 $_size_execute0_lowered;
	s3 =	sadd.s32 s3, s5;
	[dreg:$0x0] =	wrdreg $0x0  }
0xa8: {  	s5 =	sshll.u32 s28, $0x1;
	[dreg:$0x2] =	wrdreg s3  }
0xa9: {  	[dreg:$0x3] =	wrdreg s5  }
0xaa: {  	[dreg:$0x4] =	wrdreg $0xC0  }
0xab: {  	_ =	task [dreg:s7], $0x5FFFF  }
0xac: {  	[dreg:$0x1] =	wrdreg $0xFFFFFFFF  }
0xad: {  	[dreg:$0x0] =	wrdreg $0x60  }
0xae: {  	[dreg:$0x2] =	wrdreg s2  }
0xaf: {  	[dreg:$0x3] =	wrdreg s24  }
0xb0: {  	[dreg:$0x4] =	wrdreg $0x0  }
0xb1: {  	[dreg:$0x5] =	wrdreg $0x9  }
0xb2: {  	_ =	task.clear_ibuf [dreg:s7], $0x6FFFF;
	_ =	strace $0x90000046  }
0xb3: {  	s29 =	simm.s32 $0x9;
	_ =	strace $0x80000048  }
0xb4: {  	_ =	swait.ge [sflag:s29], $0x1  }
0xb5: {  	[sflag:s29] =	ssyncadd.s32 $0xFFFFFFFF  }
0xb6: {  	_ =	strace $0x90000048  }
0xb7: {  	_ =	sfence  }
0xb8: {  	s30 =	sld [smem:$0x0];
	_ =	sdelay $0x2  }
0xb9: {  	s31 =	sshll.u32 s1, $0xD;
	s1 =	sshrl.u32 s1, $0x2  }
0xba: {  	s3 =	sand.u32 $0x4000, s31;
	s1 =	sadd.s32 s1, s30  }
0xbb: {  	s0 =	sor.u32 s3, s0;
	s1 =	sshll.u32 s1, $0x11  }
0xbc: {  	s0 =	sor.u32 s1, s0  }
0xbd: {  	s0 =	sadd.s32 $0x8F2B, s0  }
0xbe: {  	[sflag:s0] =	ssyncadd.remote.s32 $0x1  }
0xbf: {  	_ =	sfence.sel $0xFFFF  }
0xc0: {  	[dreg:$0x0] =	wrdreg $0xFFFFFFFF;
	(pc) =	sbr.abs _section_cstart, $3  }
0xc1: {  	[dreg:$0x1] =	wrdreg $0xFFFFFFFF  }
0xc2: {  	_ =	task.clear_ibuf [dreg:s7], $0x2FFFF;
	_ =	strace $0x9FFFFFFF  }
0xc3: {  	(tm) =	ssettm $0x7FFFFFFF  }
tec
execute0_lowered:
.L_overlay_start_1:
0x0: {  	(tag) =	ssettag $0x1  }
0x1: {  	s0 =	rddreg [dreg:$0x0]  }
0x2: {  	s1 =	rddreg [dreg:$0x1];
	s2 =	srdreg.scid  }
0x3: {  	s3 =	rddreg [dreg:$0x2];
	s9 =	stileid.u32  }
0x4: {  	s4 =	simm.s32 $0x0;
	s18 =	simm.s32 $0x18200;
	s6 =	smul.u32 $0x14000, s9  }
0x5: {  	s19 =	simm.s32 $0x9;
	s28 =	simm.s32 $0x14180;
	s20 =	smul.u32 $0x50000, s9  }
0x6: {  	s29 =	simm.s32 $0x1;
	s2 =	sand.u32 $0x1, s2;
	s9 =	smul.u32 $0x2800, s9  }
0x7: {  	s30 =	simm.s32 $0x7;
	s31 =	simm.s32 $0x2;
	s5 =	smul.u32 $0x140000, s2  }
0x8: {  	[smem:$0x7FF] =	sst s4;
	s7 =	ssub.s32 $0x2, s2;
	s2 =	smul.u32 $0x28000, s2  }
0x9: {  	_ =	strace $0x80000047;
	s8 =	sshrl.u32 s7, $0x1;
	s5 =	sadd.s32 s6, s5  }
0xa: {  	s6 =	sshrl.u32 s20, $0x2;
	s7 =	ssub.s32 s7, s8;
	s8 =	sadd.s32 s9, s2  }
0xb: {  	s20 =	simm.s32 $0x14000;
	s2 =	simm.s32 $0x3;
	s5 =	sshrl.u32 s5, $0x3  }
0xc: {  	s24 =	sshrl.u32 s8, $0x3;
	s1 =	sadd.s32 s5, s1;
	s5 =	sadd.s32 s6, s3  }
0xd: {  	s17 =	smax.u32 s7, $0x1;
	s7 =	simm.s32 $0x0;
	s6 =	sadd.s32 $0x2800, s5  }
0xe: {  	s13 =	sadd.s32 s0, s24;
	s21 =	sadd.s32 $0x5000, s5;
	[dreg:$0x4] =	wrdreg s6  }
0xf: {  	s24 =	simm.s32 $0x14200;
	s22 =	sadd.s32 $0x7800, s5;
	[dreg:$0x5] =	wrdreg s21  }
0x10: {  	s23 =	sadd.s32 $0xA000, s5;
	s25 =	sadd.s32 $0xC800, s5;
	[dreg:$0x6] =	wrdreg s22  }
.Ltmp0:
0x11: {  	s26 =	sadd.s32 $0xF000, s5;
	[dreg:$0x7] =	wrdreg s23;
	(pc) =	sbr.rel .LBB2_1-.Ltmp0, $4  }
0x12: {  	s14 =	sadd.s32 $0x11800, s5;
	s15 =	sadd.s32 $0x10, s13;
	[dreg:$0x8] =	wrdreg s25  }
0x13: {  	s16 =	sadd.s32 $0x2800, s1;
	s1 =	simm.s32 $0x8;
	[dreg:$0x9] =	wrdreg s26  }
0x14: {  	s21 =	simm.s32 $0x14080;
	s22 =	simm.s32 $0x5;
	s23 =	simm.s32 $0x80  }
0x15: {  	v0 =	vimm.f32 $1.000000000e+00;
	v1 =	vimm.f32 $0.0e+00;
	s25 =	simm.s32 $0x14100;
	s26 =	simm.s32 $0x6;
	s6 =	simm.s32 $0x4  }
.LBB2_8:
0x16: {  	_ =	swait.ge [sflag:s31], $0x4000  }
0x17: {  	[sflag:s31] =	ssyncset.done $0x0  }
0x18: {  	[sflag:s31] =	ssyncadd.s32 $0xFFFFC000  }
0x19: {  	_ =	swait.ge [sflag:s1], $0x80  }
0x1a: {  	[sflag:s1] =	ssyncset.done $0x0  }
0x1b: {  	[sflag:s1] =	ssyncadd.s32 $0xFFFFFF80  }
0x1c: {  	[spmem:s3] =	stream.indirect.scatter.add.f32 [tilespmem:s24], [sflag:$0x4], $0x80, s28, s23, $0xb8;
	[tilespmem:$0x1AA00] =	vst v63  }
0x1d: {  	_ =	swait.ge [sflag:s2], $0x4000  }
0x1e: {  	[sflag:s2] =	ssyncset.done $0x0  }
0x1f: {  	[sflag:s2] =	ssyncadd.s32 $0xFFFFC000  }
0x20: {  	s9 =	stileid.u32;
	_ =	swait.ge [sflag:s6], $0x4000  }
0x21: {  	s10 =	sshrl.u32 s5, $0x3;
	s7 =	sadd.s32 $0x1, s7;
	[sflag:s6] =	ssyncset.done $0x0  }
0x22: {  	s9 =	sshll.u32 s9, $0x6;
	p0 =	sne.s32 s7, s17;
	[sflag:s6] =	ssyncadd.s32 $0xFFFFC000  }
.Ltmp1:
0x23: {  	s9 =	sor.u32 $0x1C09, s9;
	[bflag:$0x0] =	sbarrier.arrive $0xFFFF;
	(pc) =	sbr.rel @!p0 .LBB2_9-.Ltmp1, $4  }
0x24: {  	[hbm:s16], [sflag:s9] =	dma.local [spmem:s10], $0x2800  }
0x25: {  	_ =	swait.ge [sflag:s19], $0x2800  }
0x26: {  	[sflag:s19] =	ssyncset.done $0x0  }
0x27: {  	[sflag:s19] =	ssyncadd.s32 $0xFFFFD800  }
.LBB2_1:
0x28: {  	s9 =	simm.s32 $0x0;
	s10 =	simm.s32 $0x200  }
.LBB2_2:
0x29: {  	p0 =	sne.s32 s10, $0xFE00;
	[tilespmem:s9+$0x14270] =	vst v0  }
0x2a: {  	[tilespmem:s9+$0x14200] =	vst v0  }
0x2b: {  	[tilespmem:s9+$0x14210] =	vst v0  }
.Ltmp2:
0x2c: {  	[tilespmem:s9+$0x14220] =	vst v0;
	(pc) =	sbr.rel @p0 .LBB2_2-.Ltmp2, $4  }
0x2d: {  	[tilespmem:s9+$0x14230] =	vst v0  }
0x2e: {  	[tilespmem:s9+$0x14240] =	vst v0  }
0x2f: {  	[tilespmem:s9+$0x14250] =	vst v0  }
0x30: {  	[tilespmem:s9+$0x14260] =	vst v0;
	s9 =	sshra.s32 s10, $0x2;
	s10 =	sadd.s32 $0x200, s10  }
0x31: {  	[tilespmem:s9+$0x14270] =	vst v0  }
0x32: {  	[tilespmem:s9+$0x14200] =	vst v0  }
0x33: {  	[tilespmem:s9+$0x14210] =	vst v0  }
0x34: {  	[tilespmem:s9+$0x14220] =	vst v0  }
0x35: {  	[tilespmem:s9+$0x14230] =	vst v0  }
0x36: {  	[tilespmem:s9+$0x14240] =	vst v0  }
0x37: {  	[tilespmem:s9+$0x14250] =	vst v0  }
0x38: {  	[tilespmem:s9+$0x14260] =	vst v0;
	s9 =	simm.s32 $0x0;
	s10 =	simm.s32 $0x200  }
.LBB2_4:
0x39: {  	p0 =	sne.s32 s10, $0x9E00;
	[tilespmem:s9+$0x18270] =	vst v1  }
0x3a: {  	[tilespmem:s9+$0x18200] =	vst v1  }
0x3b: {  	[tilespmem:s9+$0x18210] =	vst v1  }
.Ltmp3:
0x3c: {  	[tilespmem:s9+$0x18220] =	vst v1;
	(pc) =	sbr.rel @p0 .LBB2_4-.Ltmp3, $4  }
0x3d: {  	[tilespmem:s9+$0x18230] =	vst v1  }
0x3e: {  	[tilespmem:s9+$0x18240] =	vst v1  }
0x3f: {  	[tilespmem:s9+$0x18250] =	vst v1  }
0x40: {  	[tilespmem:s9+$0x18260] =	vst v1;
	s9 =	sshra.s32 s10, $0x2;
	s10 =	sadd.s32 $0x200, s10  }
0x41: {  	[tilespmem:s9+$0x18270] =	vst v1  }
0x42: {  	[tilespmem:s9+$0x18200] =	vst v1  }
0x43: {  	[tilespmem:s9+$0x18210] =	vst v1  }
0x44: {  	[tilespmem:s9+$0x18220] =	vst v1  }
0x45: {  	[tilespmem:s9+$0x18230] =	vst v1  }
0x46: {  	[tilespmem:s9+$0x18240] =	vst v1  }
0x47: {  	[tilespmem:s9+$0x18250] =	vst v1  }
0x48: {  	[tilespmem:s9+$0x18260] =	vst v1  }
0x49: {  	[spmem:s5] =	stream.linear.scatter [tilespmem:s18], [sflag:$0x9], $0x2800, $0x38;
	[tilespmem:$0x1AA00] =	vst v63  }
0x4a: {  	_ =	swait.ge [sflag:s19], $0x2800  }
0x4b: {  	[sflag:s19] =	ssyncset.done $0x0  }
0x4c: {  	s10 =	rddreg [dreg:$0x4];
	[sflag:s19] =	ssyncadd.s32 $0xFFFFD800  }
0x4d: {  	[spmem:s10] =	stream.linear.scatter [tilespmem:s18], [sflag:$0x9], $0x2800, $0x38;
	[tilespmem:$0x1AA00] =	vst v63  }
0x4e: {  	_ =	swait.ge [sflag:s19], $0x2800  }
0x4f: {  	[sflag:s19] =	ssyncset.done $0x0  }
0x50: {  	s11 =	rddreg [dreg:$0x5];
	[sflag:s19] =	ssyncadd.s32 $0xFFFFD800  }
0x51: {  	[spmem:s11] =	stream.linear.scatter [tilespmem:s18], [sflag:$0x9], $0x2800, $0x38;
	[tilespmem:$0x1AA00] =	vst v63  }
0x52: {  	_ =	swait.ge [sflag:s19], $0x2800  }
0x53: {  	[sflag:s19] =	ssyncset.done $0x0  }
0x54: {  	s12 =	rddreg [dreg:$0x6];
	[sflag:s19] =	ssyncadd.s32 $0xFFFFD800  }
0x55: {  	[spmem:s12] =	stream.linear.scatter [tilespmem:s18], [sflag:$0x9], $0x2800, $0x38;
	[tilespmem:$0x1AA00] =	vst v63  }
0x56: {  	_ =	swait.ge [sflag:s19], $0x2800  }
0x57: {  	[sflag:s19] =	ssyncset.done $0x0  }
0x58: {  	s10 =	rddreg [dreg:$0x7];
	[sflag:s19] =	ssyncadd.s32 $0xFFFFD800  }
0x59: {  	[spmem:s10] =	stream.linear.scatter [tilespmem:s18], [sflag:$0x9], $0x2800, $0x38;
	[tilespmem:$0x1AA00] =	vst v63  }
0x5a: {  	_ =	swait.ge [sflag:s19], $0x2800  }
0x5b: {  	[sflag:s19] =	ssyncset.done $0x0  }
0x5c: {  	s11 =	rddreg [dreg:$0x8];
	[sflag:s19] =	ssyncadd.s32 $0xFFFFD800  }
0x5d: {  	[spmem:s11] =	stream.linear.scatter [tilespmem:s18], [sflag:$0x9], $0x2800, $0x38;
	[tilespmem:$0x1AA00] =	vst v63  }
0x5e: {  	_ =	swait.ge [sflag:s19], $0x2800  }
0x5f: {  	[sflag:s19] =	ssyncset.done $0x0  }
0x60: {  	s12 =	rddreg [dreg:$0x9];
	[sflag:s19] =	ssyncadd.s32 $0xFFFFD800  }
0x61: {  	[spmem:s12] =	stream.linear.scatter [tilespmem:s18], [sflag:$0x9], $0x2800, $0x38;
	[tilespmem:$0x1AA00] =	vst v63  }
0x62: {  	_ =	swait.ge [sflag:s19], $0x2800  }
0x63: {  	[sflag:s19] =	ssyncset.done $0x0  }
0x64: {  	[sflag:s19] =	ssyncadd.s32 $0xFFFFD800  }
0x65: {  	[spmem:s14] =	stream.linear.scatter [tilespmem:s18], [sflag:$0x9], $0x2800, $0x38;
	[tilespmem:$0x1AA00] =	vst v63  }
0x66: {  	_ =	swait.ge [sflag:s19], $0x2800  }
0x67: {  	[sflag:s19] =	ssyncset.done $0x0  }
0x68: {  	[sflag:s19] =	ssyncadd.s32 $0xFFFFD800  }
0x69: {  	s9 =	simm.s32 $0x0;
	[bflag:$0x0] =	sbarrier.arrive $0xFFFF  }
0x6a: {  	[tilespmem:s20], [sflag:$0x5] =	stream.linear.gather [hbm4b:s13+s9], $0x80, $0x38;
	[tilespmem:$0x1AA00] =	vst v63  }
0x6b: {  	_ = 	snop  }
0x6c: {  	[tilespmem:s21], [sflag:$0x6] =	stream.linear.gather [hbm4b:s15+s9], $0x80, $0x38;
	[tilespmem:$0x1AA00] =	vst v63  }
.LBB2_6:
0x6d: {  	p0 =	seq.s32 s9, $0x0  }
0x6e: {  	s10 =	simm.s32 @!p0 $0x3  }
0x6f: {  	_ =	swait.ge @!p0 [sflag:s10], $0x4000  }
0x70: {  	s11 =	sand.u32 $0x3C00, s9;
	[sflag:s10] =	ssyncset.done @!p0 $0x0  }
0x71: {  	[sflag:s10] =	ssyncadd.s32 @!p0 $0xFFFFC000;
	s10 =	sadd.s32 s8, s11;
	s11 =	sand.u32 $0x200, s9  }
0x72: {  	_ =	swait.ge [sflag:s22], $0x80;
	s10 =	sor.u32 s11, s10  }
0x73: {  	[sflag:s22] =	ssyncset.done $0x0;
	s10 =	sshrl.u32 s10, $0x3  }
0x74: {  	[sflag:s22] =	ssyncadd.s32 $0xFFFFFF80;
	s10 =	sadd.s32 s10, s0  }
0x75: {  	[spmem:s3] =	stream.indirect.scatter.add.f32 [tilespmem:s24], [sflag:$0x1], $0x80, s20, s23, $0xb8;
	[tilespmem:$0x1AA00] =	vst v63  }
0x76: {  	s11 =	simm.s32 @!p0 $0x4;
	s12 =	sadd.s32 $0x20, s10  }
0x77: {  	[tilespmem:s25], [sflag:$0x7] =	stream.linear.gather [hbm4b:s12+s4], $0x80, $0x38;
	[tilespmem:$0x1AA00] =	vst v63  }
0x78: {  	_ =	swait.ge @!p0 [sflag:s11], $0x4000  }
0x79: {  	[sflag:s11] =	ssyncset.done @!p0 $0x0  }
0x7a: {  	[sflag:s11] =	ssyncadd.s32 @!p0 $0xFFFFC000  }
0x7b: {  	_ =	swait.ge [sflag:s26], $0x80  }
0x7c: {  	[sflag:s26] =	ssyncset.done $0x0  }
0x7d: {  	[sflag:s26] =	ssyncadd.s32 $0xFFFFFF80  }
0x7e: {  	[spmem:s3] =	stream.indirect.scatter.add.f32 [tilespmem:s24], [sflag:$0x2], $0x80, s21, s23, $0xb8;
	[tilespmem:$0x1AA00] =	vst v63  }
0x7f: {  	s10 =	sadd.s32 $0x30, s10  }
0x80: {  	[tilespmem:s28], [sflag:$0x8] =	stream.linear.gather [hbm4b:s10+s4], $0x80, $0x38;
	[tilespmem:$0x1AA00] =	vst v63  }
0x81: {  	_ =	swait.ge [sflag:s29], $0x4000  }
0x82: {  	p0 =	seq.s32 s9, $0x2600;
	[sflag:s29] =	ssyncset.done $0x0  }
.Ltmp4:
0x83: {  	[sflag:s29] =	ssyncadd.s32 $0xFFFFC000;
	(pc) =	sbr.rel @p0 .LBB2_8-.Ltmp4, $4  }
0x84: {  	_ =	swait.ge [sflag:s30], $0x80  }
0x85: {  	[sflag:s30] =	ssyncset.done $0x0  }
0x86: {  	[sflag:s30] =	ssyncadd.s32 $0xFFFFFF80  }
0x87: {  	[spmem:s3] =	stream.indirect.scatter.add.f32 [tilespmem:s24], [sflag:$0x3], $0x80, s25, s23, $0xb8;
	[tilespmem:$0x1AA00] =	vst v63  }
0x88: {  	s10 =	sadd.s32 $0x200, s9  }
0x89: {  	s11 =	sand.u32 $0x7C00, s10  }
0x8a: {  	s12 =	sand.u32 $0x200, s10;
	s11 =	sadd.s32 s8, s11  }
0x8b: {  	s11 =	sor.u32 s12, s11  }
0x8c: {  	s11 =	sshrl.u32 s11, $0x3  }
0x8d: {  	s11 =	sadd.s32 s0, s11  }
0x8e: {  	[tilespmem:s20], [sflag:$0x5] =	stream.linear.gather [hbm4b:s11+s4], $0x80, $0x38;
	[tilespmem:$0x1AA00] =	vst v63  }
0x8f: {  	_ =	swait.ge [sflag:s31], $0x4000  }
0x90: {  	s9 =	sadd.s32 $0x280, s9;
	[sflag:s31] =	ssyncset.done $0x0  }
0x91: {  	s12 =	sand.u32 $0x7C00, s9;
	[sflag:s31] =	ssyncadd.s32 $0xFFFFC000  }
0x92: {  	s9 =	sand.u32 $0x280, s9;
	s11 =	sadd.s32 s8, s12;
	_ =	swait.ge [sflag:s1], $0x80  }
0x93: {  	s9 =	sor.u32 s9, s11;
	[sflag:s1] =	ssyncset.done $0x0  }
.Ltmp5:
0x94: {  	s9 =	sshrl.u32 s9, $0x3;
	[sflag:s1] =	ssyncadd.s32 $0xFFFFFF80;
	(pc) =	sbr.rel .LBB2_6-.Ltmp5, $4  }
0x95: {  	[spmem:s3] =	stream.indirect.scatter.add.f32 [tilespmem:s24], [sflag:$0x4], $0x80, s28, s23, $0xb8;
	[tilespmem:$0x1AA00] =	vst v63  }
0x96: {  	s9 =	sadd.s32 s0, s9  }
0x97: {  	[tilespmem:s21], [sflag:$0x6] =	stream.linear.gather [hbm4b:s9+s4], $0x80, $0x38;
	[tilespmem:$0x1AA00] =	vst v63  }
0x98: {  	s9 =	smov.u32 s10  }
.LBB2_9:
0x99: {  	_ =	sfence.sel $0x180000  }
0x9a: {  	[bflag:$0x0] =	sbarrier.arrive $0xFFFF  }
0x9b: {  	_ =	strace $0x90000047  }
0x9c: {  	s0 =	stileid.u32;
	[bflag:$0x2] =	sbarrier.arrive $0xFFFF  }
0x9d: {  	p0 =	sne.s32 s0, $0x0;
	s0 =	rddreg [dreg:$0x3]  }
0x9e: {  	s0 =	sadd.s32 @!p0 $0x100000, s0  }
0x9f: {  	[sflag:s0] =	ssyncadd.tile.s32 @!p0 $0x1;
	_ =	shalt  }
.Lfunc_end2:
_tile_overlayer_lowered:
.L_overlay_start_2:
0xa0: {  	(tag) =	ssettag $0x2  }
0xa1: {  	s0 =	rddreg [dreg:$0x0];
	s2 =	stileid.u32  }
0xa2: {  	s1 =	rddreg [dreg:$0x1];
	p0 =	sne.s32 s2, $0x0  }
0xa3: {  	s3 =	rddreg [dreg:$0x2];
	[bflag:$0x3] =	sbarrier.arrive $0xFFFF;
	s2 =	simm.s32 @!p0 $0x1C09  }
0xa4: {  	[timem:s3], [sflag:s2] =	dma.local @!p0 [hbm:s0], s1  }
0xa5: {  	s0 =	simm.s32 @!p0 $0x9  }
0xa6: {  	_ =	swait.ge @!p0 [sflag:s0], s1  }
0xa7: {  	s1 =	ssub.s32 @!p0 $0x0, s1;
	[sflag:s0] =	ssyncset.done @!p0 $0x0  }
0xa8: {  	[sflag:s0] =	ssyncadd.s32 @!p0 s1  }
0xa9: {  	[bflag:$0x3] =	sbarrier.arrive $0xFFFF  }
0xaa: {  	_ =	shalt  }

// kernel: kernel.13.cloned.1.call-start
scs
__scs_entry_jumppad:
0x0: {  	(pc) =	sbr.rel $0x88, $3  }
0x1: {  	(tag) =	ssettag $0x0;
	lr =	simm.s32 $0x1  }
0x2: {  	[smem:$0x3F99] =	sst lr;
	_ =	strace $0xD0000000  }
0x3: {  	_ = 	snop  }
0x4: {  	_ = 	snop  }
0x5: {  	_ = 	snop  }
0x6: {  	_ = 	snop  }
0x7: {  	_ = 	snop  }
__scs_overlays_trampoline_lowered:
0x8: {  	[smem:$0x3FA8] =	sst s0  }
0x9: {  	[smem:$0x3FA9] =	sst s1  }
0xa: {  	[smem:$0x3FAA] =	sst s2  }
0xb: {  	[smem:$0x3FAB] =	sst s3  }
0xc: {  	[smem:$0x3FAC] =	sst s4  }
0xd: {  	[smem:$0x3FAD] =	sst s5  }
0xe: {  	[smem:$0x3FAE] =	sst s6  }
0xf: {  	[smem:$0x3FAF] =	sst s7  }
0x10: {  	[smem:$0x3FB0] =	sst s8  }
0x11: {  	[smem:$0x3FB1] =	sst s9;
	s0 =	simm.s32 @!p0 $0x0  }
0x12: {  	s1 =	sld [smem:$0x3F97];
	s0 =	simm.s32 @p0 $0x1  }
0x13: {  	[smem:$0x3FB2] =	sst s0;
	s0 =	simm.s32 @!p1 $0x0  }
0x14: {  	s2 =	sld [smem:$0x3F96];
	s0 =	simm.s32 @p1 $0x1  }
0x15: {  	[smem:$0x3FB3] =	sst s0;
	s0 =	simm.s32 @!p2 $0x0  }
0x16: {  	s3 =	sld [smem:$0x3FDB];
	s0 =	simm.s32 @p2 $0x1  }
0x17: {  	s4 =	simm.s32 $0x1BF5;
	[smem:$0x3FB5] =	sst s0  }
0x18: {  	s0 =	sld [smem:$0x3F98];
	_ =	swait.ge [sflag:s4], $0x0  }
0x19: {  	s7 =	sld [smem:$0x3F99]  }
0x1a: {  	s8 =	sadd.s32 $0xFFFFE003, lr  }
0x1b: {  	s9 =	sadd.s32 $0xFFFFFEF7, lr;
	s5 =	simm.s32 $0xFFFFFFFF;
	p2 =	slt.u32 s8, $0xFFFFF086  }
0x1c: {  	p1 =	slt.u32 s9, $0xF7A;
	s5 =	simm.s32 @!p2 $0x0  }
0x1d: {  	s5 =	simm.s32 @p1 $0x1;
	p0 =	seq.s32 s7, s2  }
0x1e: {  	s7 =	smul.u32 @!p0 $0xF7A, s2;
	p2 =	seq.s32 @!p0 s5, $0x0  }
0x1f: {  	s9 =	smul.u32 $0xF7A, s1;
	s8 =	simm.s32 @!p0 $0x1BF5;
	p2 =	por !p2, p0  }
0x20: {  	[sflag:s8] =	ssyncset.s32 @!p0 $0xFFFFF086;
	s6 =	sadd.s32 @!p0 s3, s7;
	s7 =	simm.s32 @!p0 $0x108  }
0x21: {  	s3 =	sadd.s32 s3, s9;
	s6 =	sadd.s32 @!p0 $0x88, s6;
	s7 =	simm.s32 @p2 $0x1082  }
0x22: {  	[simem:s7], [sflag:s8] =	dma.local @!p0 [hbm:s6], $0xF7A  }
0x23: {  	s9 =	sor.u32 $0xD0000000, s2;
	s6 =	simm.s32 $0x108;
	_ =	swait.ge @!p0 [sflag:s8], $0x0  }
0x24: {  	s3 =	sadd.s32 $0x88, s3;
	s6 =	simm.s32 @!p1 $0x1082;
	[sflag:s4] =	ssyncset.s32 $0xFFFFF086  }
0x25: {  	[simem:s6], [sflag:s4] =	dma.local [hbm:s3], $0xF7A  }
0x26: {  	[smem:$0x3F99] =	sst s1;
	(tag) =	ssettag s2;
	_ =	strace s9  }
0x27: {  	s1 =	sld [smem:$0x3FA9]  }
0x28: {  	s2 =	sld [smem:$0x3FAA]  }
0x29: {  	s4 =	sld [smem:$0x3FAC]  }
0x2a: {  	p0 =	seq.s32 s5, $0x0;
	s5 =	sld [smem:$0x3FAD]  }
0x2b: {  	s6 =	sld [smem:$0x3FAE]  }
0x2c: {  	s7 =	sld [smem:$0x3FAF]  }
0x2d: {  	s3 =	simm.s32 $0x108;
	s8 =	sld [smem:$0x3FB0]  }
0x2e: {  	s3 =	simm.s32 @!p0 $0x1082;
	s9 =	sld [smem:$0x3FB1]  }
0x2f: {  	lr =	sadd.s32 s0, s3;
	s0 =	sld [smem:$0x3FA8]  }
0x30: {  	s3 =	sld [smem:$0x3FAB]  }
0x31: {  	[smem:$0x3FB4] =	sst s10  }
0x32: {  	s10 =	sld [smem:$0x3FB2];
	_ =	sdelay $0x3  }
0x33: {  	p0 =	seq.s32 s10, $0x1;
	s10 =	sld [smem:$0x3FB4];
	_ =	sdelay $0x3  }
0x34: {  	[smem:$0x3FB4] =	sst s10  }
0x35: {  	s10 =	sld [smem:$0x3FB3];
	_ =	sdelay $0x3  }
0x36: {  	p1 =	seq.s32 s10, $0x1;
	s10 =	sld [smem:$0x3FB4];
	_ =	sdelay $0x3  }
0x37: {  	[smem:$0x3FB4] =	sst s10  }
0x38: {  	s10 =	sld [smem:$0x3FB5]  }
0x39: {  	_ = 	snop;
	(pc) =	sbr.ind lr, $3  }
0x3a: {  	_ = 	snop  }
0x3b: {  	_ = 	snop  }
0x3c: {  	p2 =	seq.s32 s10, $0x1;
	s10 =	sld [smem:$0x3FB4]  }
0x3d: {  	_ =	shalt  }
0x3e: {  	_ =	shalt  }
0x3f: {  	_ =	shalt  }
0x40: {  	_ =	shalt  }
0x41: {  	_ =	shalt  }
0x42: {  	_ =	shalt  }
0x43: {  	_ =	shalt  }
0x44: {  	_ =	shalt  }
0x45: {  	_ =	shalt  }
0x46: {  	_ =	shalt  }
0x47: {  	_ =	shalt  }
0x48: {  	_ =	shalt  }
0x49: {  	_ =	shalt  }
0x4a: {  	_ =	shalt  }
0x4b: {  	_ =	shalt  }
0x4c: {  	_ =	shalt  }
0x4d: {  	_ =	shalt  }
0x4e: {  	_ =	shalt  }
0x4f: {  	_ =	shalt  }
0x50: {  	_ =	shalt  }
0x51: {  	_ =	shalt  }
0x52: {  	_ =	shalt  }
0x53: {  	_ =	shalt  }
0x54: {  	_ =	shalt  }
0x55: {  	_ =	shalt  }
0x56: {  	_ =	shalt  }
0x57: {  	_ =	shalt  }
0x58: {  	_ =	shalt  }
0x59: {  	_ =	shalt  }
0x5a: {  	_ =	shalt  }
0x5b: {  	_ =	shalt  }
0x5c: {  	_ =	shalt  }
0x5d: {  	_ =	shalt  }
0x5e: {  	_ =	shalt  }
0x5f: {  	_ =	shalt  }
0x60: {  	_ =	shalt  }
0x61: {  	_ =	shalt  }
0x62: {  	_ =	shalt  }
0x63: {  	_ =	shalt  }
0x64: {  	_ =	shalt  }
0x65: {  	_ =	shalt  }
0x66: {  	_ =	shalt  }
0x67: {  	_ =	shalt  }
0x68: {  	_ =	shalt  }
0x69: {  	_ =	shalt  }
0x6a: {  	_ =	shalt  }
0x6b: {  	_ =	shalt  }
0x6c: {  	_ =	shalt  }
0x6d: {  	_ =	shalt  }
0x6e: {  	_ =	shalt  }
0x6f: {  	_ =	shalt  }
0x70: {  	_ =	shalt  }
0x71: {  	_ =	shalt  }
0x72: {  	_ =	shalt  }
0x73: {  	_ =	shalt  }
0x74: {  	_ =	shalt  }
0x75: {  	_ =	shalt  }
0x76: {  	_ =	shalt  }
0x77: {  	_ =	shalt  }
0x78: {  	_ =	shalt  }
0x79: {  	_ =	shalt  }
0x7a: {  	_ =	shalt  }
0x7b: {  	_ =	shalt  }
0x7c: {  	_ =	shalt  }
0x7d: {  	_ =	shalt  }
0x7e: {  	_ =	shalt  }
0x7f: {  	_ =	shalt  }
0x80: {  	_ =	shalt  }
0x81: {  	_ =	shalt  }
0x82: {  	_ =	shalt  }
0x83: {  	_ =	shalt  }
0x84: {  	_ =	shalt  }
0x85: {  	_ =	shalt  }
0x86: {  	_ =	shalt  }
0x87: {  	_ =	shalt  }
.Lfunc_end0:
.L_simem_size_0:
called_computation.1_lowered:
.L_overlay_start_0:
0x88: {  	s2 =	sld [smem:$0x3FD9]  }
0x89: {  	s3 =	sld [smem:$0x3FFE];
	_ =	sdelay $0x1  }
0x8a: {  	s1 =	srdreg.scid  }
0x8b: {  	s0 =	sand.u32 $0x1, s1  }
0x8c: {  	s17 =	sshll.u32 s0, $0xA;
	s2 =	sadd.s32 s3, s2  }
0x8d: {  	s2 =	sadd.s32 s2, s17  }
0x8e: {  	[smem:$0x3FC0] =	sst s2  }
0x8f: {  	_ = 	snop  }
0x90: {  	s2 =	sld [smem:$0x3FD0];
	(tm) =	ssettm $0x1  }
0x91: {  	s18 =	sld [smem:$0x3FFB];
	_ =	sdelay $0x3  }
0x92: {  	_ =	strace s18  }
0x93: {  	s3 =	sld [smem:$0x3FFC];
	_ =	sdelay $0x3  }
0x94: {  	_ =	strace s3  }
0x95: {  	s3 =	sld [smem:$0x3FFD];
	_ =	sdelay $0x3  }
0x96: {  	_ =	strace s3  }
0x97: {  	_ =	strace $0x8FFFFFFF  }
0x98: {  	s19 =	sld [smem:$0x3FDB];
	_ =	sdelay $0x1  }
0x99: {  	s4 =	simm.s32 $_scs_section_size  }
0x9a: {  	s5 =	simm.s32 $_size__tile_overlayer_lowered;
	s6 =	simm.s32 $_tile_overlayer_lowered  }
0x9b: {  	s22 =	simm.s32 $0x1BFF;
	s21 =	sshll.u32 s6, $0x1;
	s3 =	sadd.s32 s4, s19  }
0x9c: {  	s7 =	simm.s32 $0x0;
	s20 =	sshll.u32 s5, $0x1;
	s5 =	sadd.s32 s21, s3  }
0x9d: {  	[timem:s7], [sflag:s22] =	dma.local [hbm:s5], s20  }
0x9e: {  	_ =	swait.ge [sflag:s22], s20  }
0x9f: {  	s4 =	ssub.s32 $0x0, s20;
	[sflag:s22] =	ssyncset.done $0x0  }
0xa0: {  	[sflag:s22] =	ssyncadd.s32 s4;
	_ =	sdelay $0x1  }
0xa1: {  	s23 =	simm.s32 $0x1B8B  }
0xa2: {  	_ =	swait.ge [sflag:s23], $0x1  }
0xa3: {  	[sflag:s23] =	ssyncset.done $0x0  }
0xa4: {  	s25 =	simm.s32 $0x1B8E;
	s24 =	sld [smem:$0x3FFE];
	[sflag:s23] =	ssyncadd.s32 $0xFFFFFFFF  }
0xa5: {  	s26 =	simm.s32 $execute0_lowered;
	[smem:$0x3FD2] =	sst s25  }
0xa6: {  	s5 =	sshll.u32 s26, $0x1;
	_ =	strace $0x80000049;
	[dreg:$0x1] =	wrdreg $0xFFFFFFFF  }
0xa7: {  	s28 =	simm.s32 $_size_execute0_lowered;
	s3 =	sadd.s32 s3, s5;
	[dreg:$0x0] =	wrdreg $0x0  }
0xa8: {  	s5 =	sshll.u32 s28, $0x1;
	[dreg:$0x2] =	wrdreg s3  }
0xa9: {  	[dreg:$0x3] =	wrdreg s5  }
0xaa: {  	[dreg:$0x4] =	wrdreg $0xC0  }
0xab: {  	_ =	task [dreg:s7], $0x5FFFF  }
0xac: {  	[dreg:$0x1] =	wrdreg $0xFFFFFFFF  }
0xad: {  	[dreg:$0x0] =	wrdreg $0x60  }
0xae: {  	[dreg:$0x2] =	wrdreg s24  }
0xaf: {  	[dreg:$0x3] =	wrdreg s2  }
0xb0: {  	[dreg:$0x4] =	wrdreg $0x0  }
0xb1: {  	[dreg:$0x5] =	wrdreg $0x9  }
0xb2: {  	_ =	task.clear_ibuf [dreg:s7], $0x6FFFF;
	_ =	strace $0x90000049  }
0xb3: {  	s29 =	simm.s32 $0x9;
	_ =	strace $0x8000004B  }
0xb4: {  	_ =	swait.ge [sflag:s29], $0x1  }
0xb5: {  	[sflag:s29] =	ssyncadd.s32 $0xFFFFFFFF  }
0xb6: {  	_ =	strace $0x9000004B  }
0xb7: {  	_ =	sfence  }
0xb8: {  	s30 =	sld [smem:$0x0];
	_ =	sdelay $0x2  }
0xb9: {  	s31 =	sshll.u32 s1, $0xD;
	s1 =	sshrl.u32 s1, $0x2  }
0xba: {  	s3 =	sand.u32 $0x4000, s31;
	s1 =	sadd.s32 s1, s30  }
0xbb: {  	s0 =	sor.u32 s3, s0;
	s1 =	sshll.u32 s1, $0x11  }
0xbc: {  	s0 =	sor.u32 s1, s0  }
0xbd: {  	s0 =	sadd.s32 $0x8F2B, s0  }
0xbe: {  	[sflag:s0] =	ssyncadd.remote.s32 $0x1  }
0xbf: {  	_ =	sfence.sel $0xFFFF  }
0xc0: {  	[dreg:$0x0] =	wrdreg $0xFFFFFFFF;
	(pc) =	sbr.abs _section_cstart, $3  }
0xc1: {  	[dreg:$0x1] =	wrdreg $0xFFFFFFFF  }
0xc2: {  	_ =	task.clear_ibuf [dreg:s7], $0x2FFFF;
	_ =	strace $0x9FFFFFFF  }
0xc3: {  	(tm) =	ssettm $0x7FFFFFFF  }
tec
execute0_lowered:
.L_overlay_start_1:
0x0: {  	(tag) =	ssettag $0x1  }
0x1: {  	s0 =	rddreg [dreg:$0x0];
	s1 =	srdreg.scid  }
0x2: {  	s2 =	rddreg [dreg:$0x1];
	s10 =	stileid.u32  }
0x3: {  	s3 =	rddreg [dreg:$0x2];
	s6 =	smul.u32 $0x14000, s10  }
0x4: {  	s4 =	simm.s32 $0x0;
	s28 =	simm.s32 $0x14180;
	s8 =	smul.u32 $0x50000, s10  }
0x5: {  	s29 =	simm.s32 $0x3;
	s1 =	sand.u32 $0x1, s1;
	s10 =	smul.u32 $0x2800, s10  }
0x6: {  	s30 =	simm.s32 $0x5;
	s31 =	simm.s32 $0x80;
	s5 =	smul.u32 $0x140000, s1  }
0x7: {  	[smem:$0x7FF] =	sst s4;
	s9 =	ssub.s32 $0x2, s1;
	s1 =	smul.u32 $0x28000, s1  }
0x8: {  	s11 =	simm.s32 $0x2;
	s13 =	simm.s32 $0x0;
	_ =	strace $0x8000004A  }
0x9: {  	s14 =	sshrl.u32 s8, $0x2;
	s5 =	sadd.s32 s6, s5;
	s12 =	sadd.s32 s10, s1  }
0xa: {  	s6 =	sadd.s32 $0x52800, s0;
	s7 =	sshrl.u32 s5, $0x3;
	s22 =	sshrl.u32 s12, $0x3  }
0xb: {  	s5 =	sadd.s32 $0x2800, s0;
	s0 =	sadd.s32 s7, s0;
	s24 =	sadd.s32 s6, s22  }
0xc: {  	s7 =	sadd.s32 s14, s3;
	s1 =	sadd.s32 s2, s22;
	[dreg:$0xb] =	wrdreg s24  }
0xd: {  	s15 =	sshrl.u32 s9, $0x1;
	s16 =	sadd.s32 $0x2800, s7;
	[dreg:$0xc] =	wrdreg s1  }
0xe: {  	s8 =	ssub.s32 s9, s15;
	s17 =	sadd.s32 $0x5000, s7;
	[dreg:$0x4] =	wrdreg s16  }
0xf: {  	s9 =	simm.s32 $0x18200;
	s18 =	sadd.s32 $0x7800, s7;
	[dreg:$0x5] =	wrdreg s17  }
0x10: {  	s10 =	simm.s32 $0x1;
	s19 =	sadd.s32 $0xA000, s7;
	[dreg:$0x6] =	wrdreg s18  }
0x11: {  	s25 =	sor.u32 $0x10, s22;
	s20 =	sadd.s32 $0xC800, s7;
	[dreg:$0x7] =	wrdreg s19  }
0x12: {  	s22 =	simm.s32 $0x1C200;
	s21 =	sadd.s32 $0xF000, s7;
	[dreg:$0x8] =	wrdreg s20  }
0x13: {  	s23 =	sadd.s32 $0x11800, s7;
	s26 =	sadd.s32 s6, s25;
	[dreg:$0x9] =	wrdreg s21  }
0x14: {  	s24 =	simm.s32 $0x14000;
	s1 =	simm.s32 $0x14200;
	[dreg:$0xa] =	wrdreg s23  }
0x15: {  	[dreg:$0xd] =	wrdreg s26;
	s19 =	sadd.s32 s2, s25;
	s20 =	sadd.s32 $0x5C800, s0  }
0x16: {  	s21 =	smax.u32 s8, $0x1;
	s23 =	simm.s32 $0x7;
	s25 =	simm.s32 $0x14100  }
0x17: {  	v0 =	vimm.f32 $0.0e+00;
	s26 =	simm.s32 $0x14080;
	s0 =	simm.s32 $0x4;
	s8 =	simm.s32 $0x6  }
.LBB2_1:
0x18: {  	s14 =	simm.s32 $0x0;
	s15 =	simm.s32 $0x200  }
.LBB2_2:
0x19: {  	p0 =	sne.s32 s15, $0x9E00;
	[tilespmem:s14+$0x1C270] =	vst v0  }
0x1a: {  	[tilespmem:s14+$0x1C200] =	vst v0  }
0x1b: {  	[tilespmem:s14+$0x1C210] =	vst v0  }
.Ltmp0:
0x1c: {  	[tilespmem:s14+$0x1C220] =	vst v0;
	(pc) =	sbr.rel @p0 .LBB2_2-.Ltmp0, $4  }
0x1d: {  	[tilespmem:s14+$0x1C230] =	vst v0  }
0x1e: {  	[tilespmem:s14+$0x1C240] =	vst v0  }
0x1f: {  	[tilespmem:s14+$0x1C250] =	vst v0  }
0x20: {  	[tilespmem:s14+$0x1C260] =	vst v0;
	s14 =	sshra.s32 s15, $0x2;
	s15 =	sadd.s32 $0x200, s15  }
0x21: {  	[tilespmem:s14+$0x1C270] =	vst v0  }
0x22: {  	[tilespmem:s14+$0x1C200] =	vst v0  }
0x23: {  	[tilespmem:s14+$0x1C210] =	vst v0  }
0x24: {  	[tilespmem:s14+$0x1C220] =	vst v0  }
0x25: {  	[tilespmem:s14+$0x1C230] =	vst v0  }
0x26: {  	[tilespmem:s14+$0x1C240] =	vst v0  }
0x27: {  	[tilespmem:s14+$0x1C250] =	vst v0  }
0x28: {  	[tilespmem:s14+$0x1C260] =	vst v0  }
0x29: {  	[spmem:s7] =	stream.linear.scatter [tilespmem:s22], [sflag:$0x7], $0x2800, $0x38;
	[tilespmem:$0x1EA00] =	vst v63  }
0x2a: {  	_ =	swait.ge [sflag:s23], $0x2800  }
0x2b: {  	[sflag:s23] =	ssyncset.done $0x0  }
0x2c: {  	s18 =	rddreg [dreg:$0x4];
	[sflag:s23] =	ssyncadd.s32 $0xFFFFD800  }
0x2d: {  	[spmem:s18] =	stream.linear.scatter [tilespmem:s22], [sflag:$0x7], $0x2800, $0x38;
	[tilespmem:$0x1EA00] =	vst v63  }
0x2e: {  	_ =	swait.ge [sflag:s23], $0x2800  }
0x2f: {  	[sflag:s23] =	ssyncset.done $0x0  }
0x30: {  	s15 =	rddreg [dreg:$0x5];
	[sflag:s23] =	ssyncadd.s32 $0xFFFFD800  }
0x31: {  	[spmem:s15] =	stream.linear.scatter [tilespmem:s22], [sflag:$0x7], $0x2800, $0x38;
	[tilespmem:$0x1EA00] =	vst v63  }
0x32: {  	_ =	swait.ge [sflag:s23], $0x2800  }
0x33: {  	[sflag:s23] =	ssyncset.done $0x0  }
0x34: {  	s16 =	rddreg [dreg:$0x6];
	[sflag:s23] =	ssyncadd.s32 $0xFFFFD800  }
0x35: {  	[spmem:s16] =	stream.linear.scatter [tilespmem:s22], [sflag:$0x7], $0x2800, $0x38;
	[tilespmem:$0x1EA00] =	vst v63  }
0x36: {  	_ =	swait.ge [sflag:s23], $0x2800  }
0x37: {  	[sflag:s23] =	ssyncset.done $0x0  }
0x38: {  	s17 =	rddreg [dreg:$0x7];
	[sflag:s23] =	ssyncadd.s32 $0xFFFFD800  }
0x39: {  	[spmem:s17] =	stream.linear.scatter [tilespmem:s22], [sflag:$0x7], $0x2800, $0x38;
	[tilespmem:$0x1EA00] =	vst v63  }
0x3a: {  	_ =	swait.ge [sflag:s23], $0x2800  }
0x3b: {  	[sflag:s23] =	ssyncset.done $0x0  }
0x3c: {  	s18 =	rddreg [dreg:$0x8];
	[sflag:s23] =	ssyncadd.s32 $0xFFFFD800  }
0x3d: {  	[spmem:s18] =	stream.linear.scatter [tilespmem:s22], [sflag:$0x7], $0x2800, $0x38;
	[tilespmem:$0x1EA00] =	vst v63  }
0x3e: {  	_ =	swait.ge [sflag:s23], $0x2800  }
0x3f: {  	[sflag:s23] =	ssyncset.done $0x0  }
0x40: {  	s15 =	rddreg [dreg:$0x9];
	[sflag:s23] =	ssyncadd.s32 $0xFFFFD800  }
0x41: {  	[spmem:s15] =	stream.linear.scatter [tilespmem:s22], [sflag:$0x7], $0x2800, $0x38;
	[tilespmem:$0x1EA00] =	vst v63  }
0x42: {  	_ =	swait.ge [sflag:s23], $0x2800  }
0x43: {  	[sflag:s23] =	ssyncset.done $0x0  }
0x44: {  	s16 =	rddreg [dreg:$0xa];
	[sflag:s23] =	ssyncadd.s32 $0xFFFFD800  }
0x45: {  	[spmem:s16] =	stream.linear.scatter [tilespmem:s22], [sflag:$0x7], $0x2800, $0x38;
	[tilespmem:$0x1EA00] =	vst v63  }
0x46: {  	_ =	swait.ge [sflag:s23], $0x2800  }
0x47: {  	[sflag:s23] =	ssyncset.done $0x0  }
0x48: {  	[sflag:s23] =	ssyncadd.s32 $0xFFFFD800  }
0x49: {  	[bflag:$0x0] =	sbarrier.arrive $0xFFFF  }
0x4a: {  	s17 =	rddreg [dreg:$0xb]  }
0x4b: {  	[tilespmem:s24], [sflag:$0x3] =	stream.linear.gather [hbm4b:s17+s4], $0x80, $0x38;
	[tilespmem:$0x1EA00] =	vst v63  }
0x4c: {  	s18 =	rddreg [dreg:$0xc]  }
0x4d: {  	[tilespmem:s25], [sflag:$0x5] =	stream.linear.gather [hbm4b:s18+s4], $0x80, $0x38;
	[tilespmem:$0x1EA00] =	vst v63  }
0x4e: {  	s15 =	rddreg [dreg:$0xd]  }
0x4f: {  	[tilespmem:s26], [sflag:$0x4] =	stream.linear.gather [hbm4b:s15+s4], $0x80, $0x38;
	[tilespmem:$0x1EA00] =	vst v63  }
0x50: {  	_ = 	snop  }
0x51: {  	[tilespmem:s28], [sflag:$0x6] =	stream.linear.gather [hbm4b:s19+s4], $0x80, $0x38;
	[tilespmem:$0x1EA00] =	vst v63  }
0x52: {  	_ =	swait.ge [sflag:s29], $0x80  }
0x53: {  	[sflag:s29] =	ssyncset.done $0x0  }
0x54: {  	[sflag:s29] =	ssyncadd.s32 $0xFFFFFF80  }
0x55: {  	_ =	swait.ge [sflag:s30], $0x80  }
0x56: {  	[sflag:s30] =	ssyncset.done $0x0  }
0x57: {  	[sflag:s30] =	ssyncadd.s32 $0xFFFFFF80  }
0x58: {  	[tilespmem:s1], [sflag:$0x1] =	stream.indirect.gather [hbm4b:s5+s31], $0x80, s24, s31, $0xb8;
	[tilespmem:$0x1EA00] =	vst v63  }
0x59: {  	_ =	swait.ge [sflag:s0], $0x80  }
0x5a: {  	[sflag:s0] =	ssyncset.done $0x0  }
0x5b: {  	[sflag:s0] =	ssyncadd.s32 $0xFFFFFF80  }
0x5c: {  	_ =	swait.ge [sflag:s8], $0x80  }
0x5d: {  	[sflag:s8] =	ssyncset.done $0x0  }
0x5e: {  	[sflag:s8] =	ssyncadd.s32 $0xFFFFFF80  }
0x5f: {  	[tilespmem:s9], [sflag:$0x2] =	stream.indirect.gather [hbm4b:s5+s31], $0x80, s26, s31, $0xb8;
	[tilespmem:$0x1EA00] =	vst v63  }
0x60: {  	s16 =	simm.s32 $0x100;
	_ =	swait.ge [sflag:s10], $0x4000  }
0x61: {  	s15 =	sand.u32 $0x7C00, s16;
	[sflag:s10] =	ssyncset.done $0x0  }
0x62: {  	s14 =	sand.u32 $0x300, s16;
	s15 =	sadd.s32 s12, s15;
	[sflag:s10] =	ssyncadd.s32 $0xFFFFC000  }
0x63: {  	[spmem:s3] =	stream.indirect.scatter.add.f32 [tilespmem:s1], [sflag:$0x7], $0x80, s25, s31, $0xb8;
	[tilespmem:$0x1EA00] =	vst v63  }
0x64: {  	s14 =	sor.u32 s14, s15;
	_ =	swait.ge [sflag:s23], $0x4000  }
0x65: {  	s14 =	sshrl.u32 s14, $0x3;
	[sflag:s23] =	ssyncset.done $0x0  }
0x66: {  	s17 =	sadd.s32 s6, s14;
	[sflag:s23] =	ssyncadd.s32 $0xFFFFC000  }
0x67: {  	[tilespmem:s24], [sflag:$0x3] =	stream.linear.gather [hbm4b:s17+s4], $0x80, $0x38;
	[tilespmem:$0x1EA00] =	vst v63  }
0x68: {  	s14 =	sadd.s32 s2, s14  }
0x69: {  	[tilespmem:s25], [sflag:$0x5] =	stream.linear.gather [hbm4b:s14+s4], $0x80, $0x38;
	[tilespmem:$0x1EA00] =	vst v63  }
0x6a: {  	_ =	swait.ge [sflag:s29], $0x80  }
0x6b: {  	[sflag:s29] =	ssyncset.done $0x0  }
0x6c: {  	[sflag:s29] =	ssyncadd.s32 $0xFFFFFF80  }
0x6d: {  	_ =	swait.ge [sflag:s30], $0x80  }
0x6e: {  	[sflag:s30] =	ssyncset.done $0x0  }
0x6f: {  	[sflag:s30] =	ssyncadd.s32 $0xFFFFFF80  }
0x70: {  	[tilespmem:s1], [sflag:$0x1] =	stream.indirect.gather [hbm4b:s5+s31], $0x80, s24, s31, $0xb8;
	[tilespmem:$0x1EA00] =	vst v63  }
0x71: {  	s18 =	simm.s32 $0x180;
	_ =	swait.ge [sflag:s11], $0x4000  }
0x72: {  	s16 =	sand.u32 $0x7C00, s18;
	[sflag:s11] =	ssyncset.done $0x0  }
0x73: {  	s15 =	sadd.s32 s12, s16;
	s14 =	sand.u32 $0x380, s18;
	[sflag:s11] =	ssyncadd.s32 $0xFFFFC000  }
0x74: {  	[spmem:s3] =	stream.indirect.scatter.add.f32 [tilespmem:s9], [sflag:$0x7], $0x80, s28, s31, $0xb8;
	[tilespmem:$0x1EA00] =	vst v63  }
0x75: {  	s14 =	sor.u32 s14, s15;
	_ =	swait.ge [sflag:s23], $0x4000  }
0x76: {  	s14 =	sshrl.u32 s14, $0x3;
	[sflag:s23] =	ssyncset.done $0x0  }
0x77: {  	s17 =	sadd.s32 s6, s14;
	[sflag:s23] =	ssyncadd.s32 $0xFFFFC000  }
0x78: {  	[tilespmem:s26], [sflag:$0x4] =	stream.linear.gather [hbm4b:s17+s4], $0x80, $0x38;
	[tilespmem:$0x1EA00] =	vst v63  }
0x79: {  	s14 =	sadd.s32 s2, s14  }
0x7a: {  	[tilespmem:s28], [sflag:$0x6] =	stream.linear.gather [hbm4b:s14+s4], $0x80, $0x38;
	[tilespmem:$0x1EA00] =	vst v63  }
0x7b: {  	_ =	swait.ge [sflag:s0], $0x80  }
0x7c: {  	[sflag:s0] =	ssyncset.done $0x0  }
0x7d: {  	[sflag:s0] =	ssyncadd.s32 $0xFFFFFF80  }
0x7e: {  	s18 =	simm.s32 $0x200;
	_ =	swait.ge [sflag:s8], $0x80  }
0x7f: {  	s16 =	sand.u32 $0x7C00, s18;
	[sflag:s8] =	ssyncset.done $0x0  }
0x80: {  	s15 =	sand.u32 $0x300, s18;
	s16 =	sadd.s32 s12, s16;
	[sflag:s8] =	ssyncadd.s32 $0xFFFFFF80  }
0x81: {  	[tilespmem:s9], [sflag:$0x2] =	stream.indirect.gather [hbm4b:s5+s31], $0x80, s26, s31, $0xb8;
	[tilespmem:$0x1EA00] =	vst v63  }
0x82: {  	s16 =	sor.u32 s15, s16;
	_ =	swait.ge [sflag:s10], $0x4000  }
0x83: {  	s15 =	simm.s32 $0x380;
	s14 =	simm.s32 $0x280;
	[sflag:s10] =	ssyncset.done $0x0  }
.LBB2_4:
0x84: {  	s16 =	sshrl.u32 s16, $0x3  }
0x85: {  	[sflag:s10] =	ssyncadd.s32 $0xFFFFC000;
	s18 =	smov.u32 s15;
	s17 =	sadd.s32 $0x100, s15  }
0x86: {  	[spmem:s3] =	stream.indirect.scatter.add.f32 [tilespmem:s1], [sflag:$0x7], $0x80, s25, s31, $0xb8;
	[tilespmem:$0x1EA00] =	vst v63  }
0x87: {  	p0 =	sne.s32 s15, $0x2780;
	_ =	swait.ge [sflag:s23], $0x4000  }
0x88: {  	[sflag:s23] =	ssyncset.done $0x0  }
0x89: {  	s15 =	sadd.s32 s6, s16;
	[sflag:s23] =	ssyncadd.s32 $0xFFFFC000  }
0x8a: {  	[tilespmem:s24], [sflag:$0x3] =	stream.linear.gather [hbm4b:s15+s4], $0x80, $0x38;
	[tilespmem:$0x1EA00] =	vst v63  }
0x8b: {  	s15 =	sadd.s32 s2, s16  }
0x8c: {  	[tilespmem:s25], [sflag:$0x5] =	stream.linear.gather [hbm4b:s15+s4], $0x80, $0x38;
	[tilespmem:$0x1EA00] =	vst v63  }
0x8d: {  	_ =	swait.ge [sflag:s29], $0x80  }
0x8e: {  	[sflag:s29] =	ssyncset.done $0x0  }
0x8f: {  	[sflag:s29] =	ssyncadd.s32 $0xFFFFFF80  }
0x90: {  	_ =	swait.ge [sflag:s30], $0x80  }
0x91: {  	[sflag:s30] =	ssyncset.done $0x0  }
0x92: {  	[sflag:s30] =	ssyncadd.s32 $0xFFFFFF80  }
0x93: {  	[tilespmem:s1], [sflag:$0x1] =	stream.indirect.gather [hbm4b:s5+s31], $0x80, s24, s31, $0xb8;
	[tilespmem:$0x1EA00] =	vst v63  }
0x94: {  	_ =	swait.ge [sflag:s11], $0x4000  }
0x95: {  	[sflag:s11] =	ssyncset.done $0x0  }
0x96: {  	s15 =	sand.u32 $0x7C00, s14;
	[sflag:s11] =	ssyncadd.s32 $0xFFFFC000  }
0x97: {  	[spmem:s3] =	stream.indirect.scatter.add.f32 [tilespmem:s9], [sflag:$0x7], $0x80, s28, s31, $0xb8;
	[tilespmem:$0x1EA00] =	vst v63  }
0x98: {  	s14 =	sand.u32 $0x380, s14;
	s15 =	sadd.s32 s12, s15;
	_ =	swait.ge [sflag:s23], $0x4000  }
0x99: {  	s15 =	sor.u32 s14, s15;
	s14 =	smov.u32 s18;
	[sflag:s23] =	ssyncset.done $0x0  }
0x9a: {  	s15 =	sshrl.u32 s15, $0x3;
	[sflag:s23] =	ssyncadd.s32 $0xFFFFC000  }
0x9b: {  	s16 =	sadd.s32 s6, s15  }
0x9c: {  	[tilespmem:s26], [sflag:$0x4] =	stream.linear.gather [hbm4b:s16+s4], $0x80, $0x38;
	[tilespmem:$0x1EA00] =	vst v63  }
0x9d: {  	s15 =	sadd.s32 s2, s15  }
0x9e: {  	[tilespmem:s28], [sflag:$0x6] =	stream.linear.gather [hbm4b:s15+s4], $0x80, $0x38;
	[tilespmem:$0x1EA00] =	vst v63  }
0x9f: {  	_ =	swait.ge [sflag:s0], $0x80  }
0xa0: {  	[sflag:s0] =	ssyncset.done $0x0  }
0xa1: {  	[sflag:s0] =	ssyncadd.s32 $0xFFFFFF80  }
0xa2: {  	_ =	swait.ge [sflag:s8], $0x80  }
.Ltmp1:
0xa3: {  	s15 =	sadd.s32 $0xFFFFFF80, s14;
	[sflag:s8] =	ssyncset.done $0x0;
	(pc) =	sbr.rel @p0 .LBB2_4-.Ltmp1, $4  }
0xa4: {  	s16 =	sand.u32 $0x7C00, s15;
	[sflag:s8] =	ssyncadd.s32 $0xFFFFFF80  }
0xa5: {  	[tilespmem:s9], [sflag:$0x2] =	stream.indirect.gather [hbm4b:s5+s31], $0x80, s26, s31, $0xb8;
	[tilespmem:$0x1EA00] =	vst v63  }
0xa6: {  	s15 =	sand.u32 $0x300, s15;
	s16 =	sadd.s32 s12, s16;
	_ =	swait.ge [sflag:s10], $0x4000  }
0xa7: {  	s16 =	sor.u32 s15, s16;
	s15 =	smov.u32 s17;
	[sflag:s10] =	ssyncset.done $0x0  }
0xa8: {  	[sflag:s10] =	ssyncadd.s32 $0xFFFFC000  }
0xa9: {  	[spmem:s3] =	stream.indirect.scatter.add.f32 [tilespmem:s1], [sflag:$0x7], $0x80, s25, s31, $0xb8;
	[tilespmem:$0x1EA00] =	vst v63  }
0xaa: {  	_ =	swait.ge [sflag:s23], $0x4000  }
0xab: {  	s15 =	sshrl.u32 s16, $0x3;
	[sflag:s23] =	ssyncset.done $0x0  }
0xac: {  	s16 =	sadd.s32 s6, s15;
	[sflag:s23] =	ssyncadd.s32 $0xFFFFC000  }
0xad: {  	[tilespmem:s24], [sflag:$0x3] =	stream.linear.gather [hbm4b:s16+s4], $0x80, $0x38;
	[tilespmem:$0x1EA00] =	vst v63  }
0xae: {  	s15 =	sadd.s32 s2, s15  }
0xaf: {  	[tilespmem:s25], [sflag:$0x5] =	stream.linear.gather [hbm4b:s15+s4], $0x80, $0x38;
	[tilespmem:$0x1EA00] =	vst v63  }
0xb0: {  	_ =	swait.ge [sflag:s29], $0x80  }
0xb1: {  	[sflag:s29] =	ssyncset.done $0x0  }
0xb2: {  	[sflag:s29] =	ssyncadd.s32 $0xFFFFFF80  }
0xb3: {  	_ =	swait.ge [sflag:s30], $0x80  }
0xb4: {  	[sflag:s30] =	ssyncset.done $0x0  }
0xb5: {  	[sflag:s30] =	ssyncadd.s32 $0xFFFFFF80  }
0xb6: {  	[tilespmem:s1], [sflag:$0x1] =	stream.indirect.gather [hbm4b:s5+s31], $0x80, s24, s31, $0xb8;
	[tilespmem:$0x1EA00] =	vst v63  }
0xb7: {  	_ =	swait.ge [sflag:s11], $0x4000  }
0xb8: {  	s17 =	sand.u32 $0x7C00, s14;
	[sflag:s11] =	ssyncset.done $0x0  }
0xb9: {  	s18 =	sand.u32 $0x380, s14;
	s15 =	sadd.s32 s12, s17;
	[sflag:s11] =	ssyncadd.s32 $0xFFFFC000  }
0xba: {  	[spmem:s3] =	stream.indirect.scatter.add.f32 [tilespmem:s9], [sflag:$0x7], $0x80, s28, s31, $0xb8;
	[tilespmem:$0x1EA00] =	vst v63  }
0xbb: {  	s14 =	sor.u32 s18, s15;
	_ =	swait.ge [sflag:s23], $0x4000  }
0xbc: {  	s14 =	sshrl.u32 s14, $0x3;
	[sflag:s23] =	ssyncset.done $0x0  }
0xbd: {  	s16 =	sadd.s32 s6, s14;
	[sflag:s23] =	ssyncadd.s32 $0xFFFFC000  }
0xbe: {  	[tilespmem:s26], [sflag:$0x4] =	stream.linear.gather [hbm4b:s16+s4], $0x80, $0x38;
	[tilespmem:$0x1EA00] =	vst v63  }
0xbf: {  	s14 =	sadd.s32 s2, s14  }
0xc0: {  	[tilespmem:s28], [sflag:$0x6] =	stream.linear.gather [hbm4b:s14+s4], $0x80, $0x38;
	[tilespmem:$0x1EA00] =	vst v63  }
0xc1: {  	_ =	swait.ge [sflag:s0], $0x80  }
0xc2: {  	[sflag:s0] =	ssyncset.done $0x0  }
0xc3: {  	[sflag:s0] =	ssyncadd.s32 $0xFFFFFF80  }
0xc4: {  	_ =	swait.ge [sflag:s8], $0x80  }
0xc5: {  	[sflag:s8] =	ssyncset.done $0x0  }
0xc6: {  	[sflag:s8] =	ssyncadd.s32 $0xFFFFFF80  }
0xc7: {  	[tilespmem:s9], [sflag:$0x2] =	stream.indirect.gather [hbm4b:s5+s31], $0x80, s26, s31, $0xb8;
	[tilespmem:$0x1EA00] =	vst v63  }
0xc8: {  	_ =	swait.ge [sflag:s10], $0x4000  }
0xc9: {  	[sflag:s10] =	ssyncset.done $0x0  }
0xca: {  	[sflag:s10] =	ssyncadd.s32 $0xFFFFC000  }
0xcb: {  	[spmem:s3] =	stream.indirect.scatter.add.f32 [tilespmem:s1], [sflag:$0x7], $0x80, s25, s31, $0xb8;
	[tilespmem:$0x1EA00] =	vst v63  }
0xcc: {  	_ =	swait.ge [sflag:s23], $0x4000  }
0xcd: {  	[sflag:s23] =	ssyncset.done $0x0  }
0xce: {  	[sflag:s23] =	ssyncadd.s32 $0xFFFFC000  }
0xcf: {  	_ =	swait.ge [sflag:s11], $0x4000  }
0xd0: {  	[sflag:s11] =	ssyncset.done $0x0  }
0xd1: {  	[sflag:s11] =	ssyncadd.s32 $0xFFFFC000  }
0xd2: {  	[spmem:s3] =	stream.indirect.scatter.add.f32 [tilespmem:s9], [sflag:$0x7], $0x80, s28, s31, $0xb8;
	[tilespmem:$0x1EA00] =	vst v63  }
0xd3: {  	s13 =	sadd.s32 $0x1, s13;
	_ =	swait.ge [sflag:s23], $0x4000  }
0xd4: {  	p0 =	sne.s32 s13, s21;
	s17 =	stileid.u32;
	[sflag:s23] =	ssyncset.done $0x0  }
0xd5: {  	s18 =	sshrl.u32 s7, $0x3;
	s14 =	sshll.u32 s17, $0x6;
	[sflag:s23] =	ssyncadd.s32 $0xFFFFC000  }
.Ltmp2:
0xd6: {  	s14 =	sor.u32 $0x1C07, s14;
	[bflag:$0x0] =	sbarrier.arrive $0xFFFF;
	(pc) =	sbr.rel @p0 .LBB2_1-.Ltmp2, $4  }
0xd7: {  	[hbm:s20], [sflag:s14] =	dma.local [spmem:s18], $0x2800  }
0xd8: {  	_ =	swait.ge [sflag:s23], $0x2800  }
0xd9: {  	[sflag:s23] =	ssyncset.done $0x0  }
0xda: {  	[sflag:s23] =	ssyncadd.s32 $0xFFFFD800  }
0xdb: {  	_ =	sfence.sel $0x180000  }
0xdc: {  	[bflag:$0x0] =	sbarrier.arrive $0xFFFF  }
0xdd: {  	_ =	strace $0x9000004A  }
0xde: {  	s0 =	stileid.u32;
	[bflag:$0x2] =	sbarrier.arrive $0xFFFF  }
0xdf: {  	p0 =	sne.s32 s0, $0x0;
	s0 =	rddreg [dreg:$0x3]  }
0xe0: {  	s0 =	sadd.s32 @!p0 $0x100000, s0  }
0xe1: {  	[sflag:s0] =	ssyncadd.tile.s32 @!p0 $0x1;
	_ =	shalt  }
.Lfunc_end2:
_tile_overlayer_lowered:
.L_overlay_start_2:
0xe2: {  	(tag) =	ssettag $0x2  }
0xe3: {  	s0 =	rddreg [dreg:$0x0];
	s2 =	stileid.u32  }
0xe4: {  	s1 =	rddreg [dreg:$0x1];
	p0 =	sne.s32 s2, $0x0  }
0xe5: {  	s3 =	rddreg [dreg:$0x2];
	[bflag:$0x3] =	sbarrier.arrive $0xFFFF;
	s2 =	simm.s32 @!p0 $0x1C07  }
0xe6: {  	[timem:s3], [sflag:s2] =	dma.local @!p0 [hbm:s0], s1  }
0xe7: {  	s0 =	simm.s32 @!p0 $0x7  }
0xe8: {  	_ =	swait.ge @!p0 [sflag:s0], s1  }
0xe9: {  	s1 =	ssub.s32 @!p0 $0x0, s1;
	[sflag:s0] =	ssyncset.done @!p0 $0x0  }
0xea: {  	[sflag:s0] =	ssyncadd.s32 @!p0 s1  }
0xeb: {  	[bflag:$0x3] =	sbarrier.arrive $0xFFFF  }
0xec: {  	_ =	shalt  }

// kernel: kernel.16.cloned.1.call-start
scs
__scs_entry_jumppad:
0x0: {  	(pc) =	sbr.rel $0x88, $3  }
0x1: {  	(tag) =	ssettag $0x0;
	lr =	simm.s32 $0x1  }
0x2: {  	[smem:$0x3F99] =	sst lr;
	_ =	strace $0xD0000000  }
0x3: {  	_ = 	snop  }
0x4: {  	_ = 	snop  }
0x5: {  	_ = 	snop  }
0x6: {  	_ = 	snop  }
0x7: {  	_ = 	snop  }
__scs_overlays_trampoline_lowered:
0x8: {  	[smem:$0x3FA8] =	sst s0  }
0x9: {  	[smem:$0x3FA9] =	sst s1  }
0xa: {  	[smem:$0x3FAA] =	sst s2  }
0xb: {  	[smem:$0x3FAB] =	sst s3  }
0xc: {  	[smem:$0x3FAC] =	sst s4  }
0xd: {  	[smem:$0x3FAD] =	sst s5  }
0xe: {  	[smem:$0x3FAE] =	sst s6  }
0xf: {  	[smem:$0x3FAF] =	sst s7  }
0x10: {  	[smem:$0x3FB0] =	sst s8  }
0x11: {  	[smem:$0x3FB1] =	sst s9;
	s0 =	simm.s32 @!p0 $0x0  }
0x12: {  	s1 =	sld [smem:$0x3F97];
	s0 =	simm.s32 @p0 $0x1  }
0x13: {  	[smem:$0x3FB2] =	sst s0;
	s0 =	simm.s32 @!p1 $0x0  }
0x14: {  	s2 =	sld [smem:$0x3F96];
	s0 =	simm.s32 @p1 $0x1  }
0x15: {  	[smem:$0x3FB3] =	sst s0;
	s0 =	simm.s32 @!p2 $0x0  }
0x16: {  	s3 =	sld [smem:$0x3FDB];
	s0 =	simm.s32 @p2 $0x1  }
0x17: {  	s4 =	simm.s32 $0x1BF5;
	[smem:$0x3FB5] =	sst s0  }
0x18: {  	s0 =	sld [smem:$0x3F98];
	_ =	swait.ge [sflag:s4], $0x0  }
0x19: {  	s7 =	sld [smem:$0x3F99]  }
0x1a: {  	s8 =	sadd.s32 $0xFFFFE003, lr  }
0x1b: {  	s9 =	sadd.s32 $0xFFFFFEF7, lr;
	s5 =	simm.s32 $0xFFFFFFFF;
	p2 =	slt.u32 s8, $0xFFFFF086  }
0x1c: {  	p1 =	slt.u32 s9, $0xF7A;
	s5 =	simm.s32 @!p2 $0x0  }
0x1d: {  	s5 =	simm.s32 @p1 $0x1;
	p0 =	seq.s32 s7, s2  }
0x1e: {  	s7 =	smul.u32 @!p0 $0xF7A, s2;
	p2 =	seq.s32 @!p0 s5, $0x0  }
0x1f: {  	s9 =	smul.u32 $0xF7A, s1;
	s8 =	simm.s32 @!p0 $0x1BF5;
	p2 =	por !p2, p0  }
0x20: {  	[sflag:s8] =	ssyncset.s32 @!p0 $0xFFFFF086;
	s6 =	sadd.s32 @!p0 s3, s7;
	s7 =	simm.s32 @!p0 $0x108  }
0x21: {  	s3 =	sadd.s32 s3, s9;
	s6 =	sadd.s32 @!p0 $0x88, s6;
	s7 =	simm.s32 @p2 $0x1082  }
0x22: {  	[simem:s7], [sflag:s8] =	dma.local @!p0 [hbm:s6], $0xF7A  }
0x23: {  	s9 =	sor.u32 $0xD0000000, s2;
	s6 =	simm.s32 $0x108;
	_ =	swait.ge @!p0 [sflag:s8], $0x0  }
0x24: {  	s3 =	sadd.s32 $0x88, s3;
	s6 =	simm.s32 @!p1 $0x1082;
	[sflag:s4] =	ssyncset.s32 $0xFFFFF086  }
0x25: {  	[simem:s6], [sflag:s4] =	dma.local [hbm:s3], $0xF7A  }
0x26: {  	[smem:$0x3F99] =	sst s1;
	(tag) =	ssettag s2;
	_ =	strace s9  }
0x27: {  	s1 =	sld [smem:$0x3FA9]  }
0x28: {  	s2 =	sld [smem:$0x3FAA]  }
0x29: {  	s4 =	sld [smem:$0x3FAC]  }
0x2a: {  	p0 =	seq.s32 s5, $0x0;
	s5 =	sld [smem:$0x3FAD]  }
0x2b: {  	s6 =	sld [smem:$0x3FAE]  }
0x2c: {  	s7 =	sld [smem:$0x3FAF]  }
0x2d: {  	s3 =	simm.s32 $0x108;
	s8 =	sld [smem:$0x3FB0]  }
0x2e: {  	s3 =	simm.s32 @!p0 $0x1082;
	s9 =	sld [smem:$0x3FB1]  }
0x2f: {  	lr =	sadd.s32 s0, s3;
	s0 =	sld [smem:$0x3FA8]  }
0x30: {  	s3 =	sld [smem:$0x3FAB]  }
0x31: {  	[smem:$0x3FB4] =	sst s10  }
0x32: {  	s10 =	sld [smem:$0x3FB2];
	_ =	sdelay $0x3  }
0x33: {  	p0 =	seq.s32 s10, $0x1;
	s10 =	sld [smem:$0x3FB4];
	_ =	sdelay $0x3  }
0x34: {  	[smem:$0x3FB4] =	sst s10  }
0x35: {  	s10 =	sld [smem:$0x3FB3];
	_ =	sdelay $0x3  }
0x36: {  	p1 =	seq.s32 s10, $0x1;
	s10 =	sld [smem:$0x3FB4];
	_ =	sdelay $0x3  }
0x37: {  	[smem:$0x3FB4] =	sst s10  }
0x38: {  	s10 =	sld [smem:$0x3FB5]  }
0x39: {  	_ = 	snop;
	(pc) =	sbr.ind lr, $3  }
0x3a: {  	_ = 	snop  }
0x3b: {  	_ = 	snop  }
0x3c: {  	p2 =	seq.s32 s10, $0x1;
	s10 =	sld [smem:$0x3FB4]  }
0x3d: {  	_ =	shalt  }
0x3e: {  	_ =	shalt  }
0x3f: {  	_ =	shalt  }
0x40: {  	_ =	shalt  }
0x41: {  	_ =	shalt  }
0x42: {  	_ =	shalt  }
0x43: {  	_ =	shalt  }
0x44: {  	_ =	shalt  }
0x45: {  	_ =	shalt  }
0x46: {  	_ =	shalt  }
0x47: {  	_ =	shalt  }
0x48: {  	_ =	shalt  }
0x49: {  	_ =	shalt  }
0x4a: {  	_ =	shalt  }
0x4b: {  	_ =	shalt  }
0x4c: {  	_ =	shalt  }
0x4d: {  	_ =	shalt  }
0x4e: {  	_ =	shalt  }
0x4f: {  	_ =	shalt  }
0x50: {  	_ =	shalt  }
0x51: {  	_ =	shalt  }
0x52: {  	_ =	shalt  }
0x53: {  	_ =	shalt  }
0x54: {  	_ =	shalt  }
0x55: {  	_ =	shalt  }
0x56: {  	_ =	shalt  }
0x57: {  	_ =	shalt  }
0x58: {  	_ =	shalt  }
0x59: {  	_ =	shalt  }
0x5a: {  	_ =	shalt  }
0x5b: {  	_ =	shalt  }
0x5c: {  	_ =	shalt  }
0x5d: {  	_ =	shalt  }
0x5e: {  	_ =	shalt  }
0x5f: {  	_ =	shalt  }
0x60: {  	_ =	shalt  }
0x61: {  	_ =	shalt  }
0x62: {  	_ =	shalt  }
0x63: {  	_ =	shalt  }
0x64: {  	_ =	shalt  }
0x65: {  	_ =	shalt  }
0x66: {  	_ =	shalt  }
0x67: {  	_ =	shalt  }
0x68: {  	_ =	shalt  }
0x69: {  	_ =	shalt  }
0x6a: {  	_ =	shalt  }
0x6b: {  	_ =	shalt  }
0x6c: {  	_ =	shalt  }
0x6d: {  	_ =	shalt  }
0x6e: {  	_ =	shalt  }
0x6f: {  	_ =	shalt  }
0x70: {  	_ =	shalt  }
0x71: {  	_ =	shalt  }
0x72: {  	_ =	shalt  }
0x73: {  	_ =	shalt  }
0x74: {  	_ =	shalt  }
0x75: {  	_ =	shalt  }
0x76: {  	_ =	shalt  }
0x77: {  	_ =	shalt  }
0x78: {  	_ =	shalt  }
0x79: {  	_ =	shalt  }
0x7a: {  	_ =	shalt  }
0x7b: {  	_ =	shalt  }
0x7c: {  	_ =	shalt  }
0x7d: {  	_ =	shalt  }
0x7e: {  	_ =	shalt  }
0x7f: {  	_ =	shalt  }
0x80: {  	_ =	shalt  }
0x81: {  	_ =	shalt  }
0x82: {  	_ =	shalt  }
0x83: {  	_ =	shalt  }
0x84: {  	_ =	shalt  }
0x85: {  	_ =	shalt  }
0x86: {  	_ =	shalt  }
0x87: {  	_ =	shalt  }
.Lfunc_end0:
.L_simem_size_0:
called_computation.2_lowered:
.L_overlay_start_0:
0x88: {  	s2 =	sld [smem:$0x3FD9]  }
0x89: {  	s3 =	sld [smem:$0x3FFE];
	_ =	sdelay $0x1  }
0x8a: {  	s1 =	srdreg.scid  }
0x8b: {  	s0 =	sand.u32 $0x1, s1  }
0x8c: {  	s17 =	sshll.u32 s0, $0xA;
	s2 =	sadd.s32 s3, s2  }
0x8d: {  	s2 =	sadd.s32 s2, s17  }
0x8e: {  	[smem:$0x3FC0] =	sst s2  }
0x8f: {  	_ = 	snop  }
0x90: {  	s2 =	sld [smem:$0x3FD0];
	(tm) =	ssettm $0x1  }
0x91: {  	s18 =	sld [smem:$0x3FFB];
	_ =	sdelay $0x3  }
0x92: {  	_ =	strace s18  }
0x93: {  	s3 =	sld [smem:$0x3FFC];
	_ =	sdelay $0x3  }
0x94: {  	_ =	strace s3  }
0x95: {  	s3 =	sld [smem:$0x3FFD];
	_ =	sdelay $0x3  }
0x96: {  	_ =	strace s3  }
0x97: {  	_ =	strace $0x8FFFFFFF  }
0x98: {  	s19 =	sld [smem:$0x3FDB];
	_ =	sdelay $0x1  }
0x99: {  	s4 =	simm.s32 $_scs_section_size  }
0x9a: {  	s5 =	simm.s32 $_size__tile_overlayer_lowered;
	s6 =	simm.s32 $_tile_overlayer_lowered  }
0x9b: {  	s22 =	simm.s32 $0x1BFF;
	s21 =	sshll.u32 s6, $0x1;
	s3 =	sadd.s32 s4, s19  }
0x9c: {  	s7 =	simm.s32 $0x0;
	s20 =	sshll.u32 s5, $0x1;
	s5 =	sadd.s32 s21, s3  }
0x9d: {  	[timem:s7], [sflag:s22] =	dma.local [hbm:s5], s20  }
0x9e: {  	_ =	swait.ge [sflag:s22], s20  }
0x9f: {  	s4 =	ssub.s32 $0x0, s20;
	[sflag:s22] =	ssyncset.done $0x0  }
0xa0: {  	[sflag:s22] =	ssyncadd.s32 s4;
	_ =	sdelay $0x1  }
0xa1: {  	s23 =	simm.s32 $0x1B8B  }
0xa2: {  	_ =	swait.ge [sflag:s23], $0x1  }
0xa3: {  	[sflag:s23] =	ssyncset.done $0x0  }
0xa4: {  	s25 =	simm.s32 $0x1B8E;
	s24 =	sld [smem:$0x3FFE];
	[sflag:s23] =	ssyncadd.s32 $0xFFFFFFFF  }
0xa5: {  	s26 =	simm.s32 $execute0_lowered;
	[smem:$0x3FD2] =	sst s25  }
0xa6: {  	s5 =	sshll.u32 s26, $0x1;
	_ =	strace $0x8000004C;
	[dreg:$0x1] =	wrdreg $0xFFFFFFFF  }
0xa7: {  	s28 =	simm.s32 $_size_execute0_lowered;
	s3 =	sadd.s32 s3, s5;
	[dreg:$0x0] =	wrdreg $0x0  }
0xa8: {  	s5 =	sshll.u32 s28, $0x1;
	[dreg:$0x2] =	wrdreg s3  }
0xa9: {  	[dreg:$0x3] =	wrdreg s5  }
0xaa: {  	[dreg:$0x4] =	wrdreg $0xC0  }
0xab: {  	_ =	task [dreg:s7], $0x5FFFF  }
0xac: {  	[dreg:$0x1] =	wrdreg $0xFFFFFFFF  }
0xad: {  	[dreg:$0x0] =	wrdreg $0x60  }
0xae: {  	[dreg:$0x2] =	wrdreg s24  }
0xaf: {  	[dreg:$0x3] =	wrdreg s2  }
0xb0: {  	[dreg:$0x4] =	wrdreg $0x0  }
0xb1: {  	[dreg:$0x5] =	wrdreg $0x9  }
0xb2: {  	_ =	task.clear_ibuf [dreg:s7], $0x6FFFF;
	_ =	strace $0x9000004C  }
0xb3: {  	s29 =	simm.s32 $0x9;
	_ =	strace $0x8000004E  }
0xb4: {  	_ =	swait.ge [sflag:s29], $0x1  }
0xb5: {  	[sflag:s29] =	ssyncadd.s32 $0xFFFFFFFF  }
0xb6: {  	_ =	strace $0x9000004E  }
0xb7: {  	_ =	sfence  }
0xb8: {  	s30 =	sld [smem:$0x0];
	_ =	sdelay $0x2  }
0xb9: {  	s31 =	sshll.u32 s1, $0xD;
	s1 =	sshrl.u32 s1, $0x2  }
0xba: {  	s3 =	sand.u32 $0x4000, s31;
	s1 =	sadd.s32 s1, s30  }
0xbb: {  	s0 =	sor.u32 s3, s0;
	s1 =	sshll.u32 s1, $0x11  }
0xbc: {  	s0 =	sor.u32 s1, s0  }
0xbd: {  	s0 =	sadd.s32 $0x8F2B, s0  }
0xbe: {  	[sflag:s0] =	ssyncadd.remote.s32 $0x1  }
0xbf: {  	_ =	sfence.sel $0xFFFF  }
0xc0: {  	[dreg:$0x0] =	wrdreg $0xFFFFFFFF;
	(pc) =	sbr.abs _section_cstart, $3  }
0xc1: {  	[dreg:$0x1] =	wrdreg $0xFFFFFFFF  }
0xc2: {  	_ =	task.clear_ibuf [dreg:s7], $0x2FFFF;
	_ =	strace $0x9FFFFFFF  }
0xc3: {  	(tm) =	ssettm $0x7FFFFFFF  }
tec
execute0_lowered:
.L_overlay_start_1:
0x0: {  	(tag) =	ssettag $0x1  }
0x1: {  	s0 =	rddreg [dreg:$0x0];
	s1 =	srdreg.scid  }
0x2: {  	s2 =	rddreg [dreg:$0x1];
	s10 =	stileid.u32  }
0x3: {  	s3 =	rddreg [dreg:$0x2];
	s6 =	smul.u32 $0x14000, s10  }
0x4: {  	s4 =	simm.s32 $0x0;
	s28 =	simm.s32 $0x14180;
	s8 =	smul.u32 $0x50000, s10  }
0x5: {  	s29 =	simm.s32 $0x3;
	s1 =	sand.u32 $0x1, s1;
	s10 =	smul.u32 $0x2800, s10  }
0x6: {  	s30 =	simm.s32 $0x5;
	s31 =	simm.s32 $0x80;
	s5 =	smul.u32 $0x140000, s1  }
0x7: {  	[smem:$0x7FF] =	sst s4;
	s9 =	ssub.s32 $0x2, s1;
	s1 =	smul.u32 $0x28000, s1  }
0x8: {  	s11 =	simm.s32 $0x2;
	s13 =	simm.s32 $0x0;
	_ =	strace $0x8000004D  }
0x9: {  	s14 =	sshrl.u32 s8, $0x2;
	s5 =	sadd.s32 s6, s5;
	s12 =	sadd.s32 s10, s1  }
0xa: {  	s6 =	sadd.s32 $0x52800, s0;
	s7 =	sshrl.u32 s5, $0x3;
	s22 =	sshrl.u32 s12, $0x3  }
0xb: {  	s5 =	sadd.s32 $0x2800, s0;
	s0 =	sadd.s32 s7, s0;
	s24 =	sadd.s32 s6, s22  }
0xc: {  	s7 =	sadd.s32 s14, s3;
	s1 =	sadd.s32 s2, s22;
	[dreg:$0xb] =	wrdreg s24  }
0xd: {  	s15 =	sshrl.u32 s9, $0x1;
	s16 =	sadd.s32 $0x2800, s7;
	[dreg:$0xc] =	wrdreg s1  }
0xe: {  	s8 =	ssub.s32 s9, s15;
	s17 =	sadd.s32 $0x5000, s7;
	[dreg:$0x4] =	wrdreg s16  }
0xf: {  	s9 =	simm.s32 $0x18200;
	s18 =	sadd.s32 $0x7800, s7;
	[dreg:$0x5] =	wrdreg s17  }
0x10: {  	s10 =	simm.s32 $0x1;
	s19 =	sadd.s32 $0xA000, s7;
	[dreg:$0x6] =	wrdreg s18  }
0x11: {  	s25 =	sor.u32 $0x10, s22;
	s20 =	sadd.s32 $0xC800, s7;
	[dreg:$0x7] =	wrdreg s19  }
0x12: {  	s22 =	simm.s32 $0x1C200;
	s21 =	sadd.s32 $0xF000, s7;
	[dreg:$0x8] =	wrdreg s20  }
0x13: {  	s23 =	sadd.s32 $0x11800, s7;
	s26 =	sadd.s32 s6, s25;
	[dreg:$0x9] =	wrdreg s21  }
0x14: {  	s24 =	simm.s32 $0x14000;
	s1 =	simm.s32 $0x14200;
	[dreg:$0xa] =	wrdreg s23  }
0x15: {  	[dreg:$0xd] =	wrdreg s26;
	s19 =	sadd.s32 s2, s25;
	s20 =	sadd.s32 $0x5C800, s0  }
0x16: {  	s21 =	smax.u32 s8, $0x1;
	s23 =	simm.s32 $0x7;
	s25 =	simm.s32 $0x14100  }
0x17: {  	v0 =	vimm.f32 $0.0e+00;
	s26 =	simm.s32 $0x14080;
	s0 =	simm.s32 $0x4;
	s8 =	simm.s32 $0x6  }
.LBB2_1:
0x18: {  	s14 =	simm.s32 $0x0;
	s15 =	simm.s32 $0x200  }
.LBB2_2:
0x19: {  	p0 =	sne.s32 s15, $0x9E00;
	[tilespmem:s14+$0x1C270] =	vst v0  }
0x1a: {  	[tilespmem:s14+$0x1C200] =	vst v0  }
0x1b: {  	[tilespmem:s14+$0x1C210] =	vst v0  }
.Ltmp0:
0x1c: {  	[tilespmem:s14+$0x1C220] =	vst v0;
	(pc) =	sbr.rel @p0 .LBB2_2-.Ltmp0, $4  }
0x1d: {  	[tilespmem:s14+$0x1C230] =	vst v0  }
0x1e: {  	[tilespmem:s14+$0x1C240] =	vst v0  }
0x1f: {  	[tilespmem:s14+$0x1C250] =	vst v0  }
0x20: {  	[tilespmem:s14+$0x1C260] =	vst v0;
	s14 =	sshra.s32 s15, $0x2;
	s15 =	sadd.s32 $0x200, s15  }
0x21: {  	[tilespmem:s14+$0x1C270] =	vst v0  }
0x22: {  	[tilespmem:s14+$0x1C200] =	vst v0  }
0x23: {  	[tilespmem:s14+$0x1C210] =	vst v0  }
0x24: {  	[tilespmem:s14+$0x1C220] =	vst v0  }
0x25: {  	[tilespmem:s14+$0x1C230] =	vst v0  }
0x26: {  	[tilespmem:s14+$0x1C240] =	vst v0  }
0x27: {  	[tilespmem:s14+$0x1C250] =	vst v0  }
0x28: {  	[tilespmem:s14+$0x1C260] =	vst v0  }
0x29: {  	[spmem:s7] =	stream.linear.scatter [tilespmem:s22], [sflag:$0x7], $0x2800, $0x38;
	[tilespmem:$0x1EA00] =	vst v63  }
0x2a: {  	_ =	swait.ge [sflag:s23], $0x2800  }
0x2b: {  	[sflag:s23] =	ssyncset.done $0x0  }
0x2c: {  	s18 =	rddreg [dreg:$0x4];
	[sflag:s23] =	ssyncadd.s32 $0xFFFFD800  }
0x2d: {  	[spmem:s18] =	stream.linear.scatter [tilespmem:s22], [sflag:$0x7], $0x2800, $0x38;
	[tilespmem:$0x1EA00] =	vst v63  }
0x2e: {  	_ =	swait.ge [sflag:s23], $0x2800  }
0x2f: {  	[sflag:s23] =	ssyncset.done $0x0  }
0x30: {  	s15 =	rddreg [dreg:$0x5];
	[sflag:s23] =	ssyncadd.s32 $0xFFFFD800  }
0x31: {  	[spmem:s15] =	stream.linear.scatter [tilespmem:s22], [sflag:$0x7], $0x2800, $0x38;
	[tilespmem:$0x1EA00] =	vst v63  }
0x32: {  	_ =	swait.ge [sflag:s23], $0x2800  }
0x33: {  	[sflag:s23] =	ssyncset.done $0x0  }
0x34: {  	s16 =	rddreg [dreg:$0x6];
	[sflag:s23] =	ssyncadd.s32 $0xFFFFD800  }
0x35: {  	[spmem:s16] =	stream.linear.scatter [tilespmem:s22], [sflag:$0x7], $0x2800, $0x38;
	[tilespmem:$0x1EA00] =	vst v63  }
0x36: {  	_ =	swait.ge [sflag:s23], $0x2800  }
0x37: {  	[sflag:s23] =	ssyncset.done $0x0  }
0x38: {  	s17 =	rddreg [dreg:$0x7];
	[sflag:s23] =	ssyncadd.s32 $0xFFFFD800  }
0x39: {  	[spmem:s17] =	stream.linear.scatter [tilespmem:s22], [sflag:$0x7], $0x2800, $0x38;
	[tilespmem:$0x1EA00] =	vst v63  }
0x3a: {  	_ =	swait.ge [sflag:s23], $0x2800  }
0x3b: {  	[sflag:s23] =	ssyncset.done $0x0  }
0x3c: {  	s18 =	rddreg [dreg:$0x8];
	[sflag:s23] =	ssyncadd.s32 $0xFFFFD800  }
0x3d: {  	[spmem:s18] =	stream.linear.scatter [tilespmem:s22], [sflag:$0x7], $0x2800, $0x38;
	[tilespmem:$0x1EA00] =	vst v63  }
0x3e: {  	_ =	swait.ge [sflag:s23], $0x2800  }
0x3f: {  	[sflag:s23] =	ssyncset.done $0x0  }
0x40: {  	s15 =	rddreg [dreg:$0x9];
	[sflag:s23] =	ssyncadd.s32 $0xFFFFD800  }
0x41: {  	[spmem:s15] =	stream.linear.scatter [tilespmem:s22], [sflag:$0x7], $0x2800, $0x38;
	[tilespmem:$0x1EA00] =	vst v63  }
0x42: {  	_ =	swait.ge [sflag:s23], $0x2800  }
0x43: {  	[sflag:s23] =	ssyncset.done $0x0  }
0x44: {  	s16 =	rddreg [dreg:$0xa];
	[sflag:s23] =	ssyncadd.s32 $0xFFFFD800  }
0x45: {  	[spmem:s16] =	stream.linear.scatter [tilespmem:s22], [sflag:$0x7], $0x2800, $0x38;
	[tilespmem:$0x1EA00] =	vst v63  }
0x46: {  	_ =	swait.ge [sflag:s23], $0x2800  }
0x47: {  	[sflag:s23] =	ssyncset.done $0x0  }
0x48: {  	[sflag:s23] =	ssyncadd.s32 $0xFFFFD800  }
0x49: {  	[bflag:$0x0] =	sbarrier.arrive $0xFFFF  }
0x4a: {  	s17 =	rddreg [dreg:$0xb]  }
0x4b: {  	[tilespmem:s24], [sflag:$0x3] =	stream.linear.gather [hbm4b:s17+s4], $0x80, $0x38;
	[tilespmem:$0x1EA00] =	vst v63  }
0x4c: {  	s18 =	rddreg [dreg:$0xc]  }
0x4d: {  	[tilespmem:s25], [sflag:$0x5] =	stream.linear.gather [hbm4b:s18+s4], $0x80, $0x38;
	[tilespmem:$0x1EA00] =	vst v63  }
0x4e: {  	s15 =	rddreg [dreg:$0xd]  }
0x4f: {  	[tilespmem:s26], [sflag:$0x4] =	stream.linear.gather [hbm4b:s15+s4], $0x80, $0x38;
	[tilespmem:$0x1EA00] =	vst v63  }
0x50: {  	_ = 	snop  }
0x51: {  	[tilespmem:s28], [sflag:$0x6] =	stream.linear.gather [hbm4b:s19+s4], $0x80, $0x38;
	[tilespmem:$0x1EA00] =	vst v63  }
0x52: {  	_ =	swait.ge [sflag:s29], $0x80  }
0x53: {  	[sflag:s29] =	ssyncset.done $0x0  }
0x54: {  	[sflag:s29] =	ssyncadd.s32 $0xFFFFFF80  }
0x55: {  	_ =	swait.ge [sflag:s30], $0x80  }
0x56: {  	[sflag:s30] =	ssyncset.done $0x0  }
0x57: {  	[sflag:s30] =	ssyncadd.s32 $0xFFFFFF80  }
0x58: {  	[tilespmem:s1], [sflag:$0x1] =	stream.indirect.gather [hbm4b:s5+s31], $0x80, s24, s31, $0xb8;
	[tilespmem:$0x1EA00] =	vst v63  }
0x59: {  	_ =	swait.ge [sflag:s0], $0x80  }
0x5a: {  	[sflag:s0] =	ssyncset.done $0x0  }
0x5b: {  	[sflag:s0] =	ssyncadd.s32 $0xFFFFFF80  }
0x5c: {  	_ =	swait.ge [sflag:s8], $0x80  }
0x5d: {  	[sflag:s8] =	ssyncset.done $0x0  }
0x5e: {  	[sflag:s8] =	ssyncadd.s32 $0xFFFFFF80  }
0x5f: {  	[tilespmem:s9], [sflag:$0x2] =	stream.indirect.gather [hbm4b:s5+s31], $0x80, s26, s31, $0xb8;
	[tilespmem:$0x1EA00] =	vst v63  }
0x60: {  	s16 =	simm.s32 $0x100;
	_ =	swait.ge [sflag:s10], $0x4000  }
0x61: {  	s15 =	sand.u32 $0x7C00, s16;
	[sflag:s10] =	ssyncset.done $0x0  }
0x62: {  	s14 =	sand.u32 $0x300, s16;
	s15 =	sadd.s32 s12, s15;
	[sflag:s10] =	ssyncadd.s32 $0xFFFFC000  }
0x63: {  	[spmem:s3] =	stream.indirect.scatter.add.f32 [tilespmem:s1], [sflag:$0x7], $0x80, s25, s31, $0xb8;
	[tilespmem:$0x1EA00] =	vst v63  }
0x64: {  	s14 =	sor.u32 s14, s15;
	_ =	swait.ge [sflag:s23], $0x4000  }
0x65: {  	s14 =	sshrl.u32 s14, $0x3;
	[sflag:s23] =	ssyncset.done $0x0  }
0x66: {  	s17 =	sadd.s32 s6, s14;
	[sflag:s23] =	ssyncadd.s32 $0xFFFFC000  }
0x67: {  	[tilespmem:s24], [sflag:$0x3] =	stream.linear.gather [hbm4b:s17+s4], $0x80, $0x38;
	[tilespmem:$0x1EA00] =	vst v63  }
0x68: {  	s14 =	sadd.s32 s2, s14  }
0x69: {  	[tilespmem:s25], [sflag:$0x5] =	stream.linear.gather [hbm4b:s14+s4], $0x80, $0x38;
	[tilespmem:$0x1EA00] =	vst v63  }
0x6a: {  	_ =	swait.ge [sflag:s29], $0x80  }
0x6b: {  	[sflag:s29] =	ssyncset.done $0x0  }
0x6c: {  	[sflag:s29] =	ssyncadd.s32 $0xFFFFFF80  }
0x6d: {  	_ =	swait.ge [sflag:s30], $0x80  }
0x6e: {  	[sflag:s30] =	ssyncset.done $0x0  }
0x6f: {  	[sflag:s30] =	ssyncadd.s32 $0xFFFFFF80  }
0x70: {  	[tilespmem:s1], [sflag:$0x1] =	stream.indirect.gather [hbm4b:s5+s31], $0x80, s24, s31, $0xb8;
	[tilespmem:$0x1EA00] =	vst v63  }
0x71: {  	s18 =	simm.s32 $0x180;
	_ =	swait.ge [sflag:s11], $0x4000  }
0x72: {  	s16 =	sand.u32 $0x7C00, s18;
	[sflag:s11] =	ssyncset.done $0x0  }
0x73: {  	s15 =	sadd.s32 s12, s16;
	s14 =	sand.u32 $0x380, s18;
	[sflag:s11] =	ssyncadd.s32 $0xFFFFC000  }
0x74: {  	[spmem:s3] =	stream.indirect.scatter.add.f32 [tilespmem:s9], [sflag:$0x7], $0x80, s28, s31, $0xb8;
	[tilespmem:$0x1EA00] =	vst v63  }
0x75: {  	s14 =	sor.u32 s14, s15;
	_ =	swait.ge [sflag:s23], $0x4000  }
0x76: {  	s14 =	sshrl.u32 s14, $0x3;
	[sflag:s23] =	ssyncset.done $0x0  }
0x77: {  	s17 =	sadd.s32 s6, s14;
	[sflag:s23] =	ssyncadd.s32 $0xFFFFC000  }
0x78: {  	[tilespmem:s26], [sflag:$0x4] =	stream.linear.gather [hbm4b:s17+s4], $0x80, $0x38;
	[tilespmem:$0x1EA00] =	vst v63  }
0x79: {  	s14 =	sadd.s32 s2, s14  }
0x7a: {  	[tilespmem:s28], [sflag:$0x6] =	stream.linear.gather [hbm4b:s14+s4], $0x80, $0x38;
	[tilespmem:$0x1EA00] =	vst v63  }
0x7b: {  	_ =	swait.ge [sflag:s0], $0x80  }
0x7c: {  	[sflag:s0] =	ssyncset.done $0x0  }
0x7d: {  	[sflag:s0] =	ssyncadd.s32 $0xFFFFFF80  }
0x7e: {  	s18 =	simm.s32 $0x200;
	_ =	swait.ge [sflag:s8], $0x80  }
0x7f: {  	s16 =	sand.u32 $0x7C00, s18;
	[sflag:s8] =	ssyncset.done $0x0  }
0x80: {  	s15 =	sand.u32 $0x300, s18;
	s16 =	sadd.s32 s12, s16;
	[sflag:s8] =	ssyncadd.s32 $0xFFFFFF80  }
0x81: {  	[tilespmem:s9], [sflag:$0x2] =	stream.indirect.gather [hbm4b:s5+s31], $0x80, s26, s31, $0xb8;
	[tilespmem:$0x1EA00] =	vst v63  }
0x82: {  	s16 =	sor.u32 s15, s16;
	_ =	swait.ge [sflag:s10], $0x4000  }
0x83: {  	s15 =	simm.s32 $0x380;
	s14 =	simm.s32 $0x280;
	[sflag:s10] =	ssyncset.done $0x0  }
.LBB2_4:
0x84: {  	s16 =	sshrl.u32 s16, $0x3  }
0x85: {  	[sflag:s10] =	ssyncadd.s32 $0xFFFFC000;
	s18 =	smov.u32 s15;
	s17 =	sadd.s32 $0x100, s15  }
0x86: {  	[spmem:s3] =	stream.indirect.scatter.add.f32 [tilespmem:s1], [sflag:$0x7], $0x80, s25, s31, $0xb8;
	[tilespmem:$0x1EA00] =	vst v63  }
0x87: {  	p0 =	sne.s32 s15, $0x2780;
	_ =	swait.ge [sflag:s23], $0x4000  }
0x88: {  	[sflag:s23] =	ssyncset.done $0x0  }
0x89: {  	s15 =	sadd.s32 s6, s16;
	[sflag:s23] =	ssyncadd.s32 $0xFFFFC000  }
0x8a: {  	[tilespmem:s24], [sflag:$0x3] =	stream.linear.gather [hbm4b:s15+s4], $0x80, $0x38;
	[tilespmem:$0x1EA00] =	vst v63  }
0x8b: {  	s15 =	sadd.s32 s2, s16  }
0x8c: {  	[tilespmem:s25], [sflag:$0x5] =	stream.linear.gather [hbm4b:s15+s4], $0x80, $0x38;
	[tilespmem:$0x1EA00] =	vst v63  }
0x8d: {  	_ =	swait.ge [sflag:s29], $0x80  }
0x8e: {  	[sflag:s29] =	ssyncset.done $0x0  }
0x8f: {  	[sflag:s29] =	ssyncadd.s32 $0xFFFFFF80  }
0x90: {  	_ =	swait.ge [sflag:s30], $0x80  }
0x91: {  	[sflag:s30] =	ssyncset.done $0x0  }
0x92: {  	[sflag:s30] =	ssyncadd.s32 $0xFFFFFF80  }
0x93: {  	[tilespmem:s1], [sflag:$0x1] =	stream.indirect.gather [hbm4b:s5+s31], $0x80, s24, s31, $0xb8;
	[tilespmem:$0x1EA00] =	vst v63  }
0x94: {  	_ =	swait.ge [sflag:s11], $0x4000  }
0x95: {  	[sflag:s11] =	ssyncset.done $0x0  }
0x96: {  	s15 =	sand.u32 $0x7C00, s14;
	[sflag:s11] =	ssyncadd.s32 $0xFFFFC000  }
0x97: {  	[spmem:s3] =	stream.indirect.scatter.add.f32 [tilespmem:s9], [sflag:$0x7], $0x80, s28, s31, $0xb8;
	[tilespmem:$0x1EA00] =	vst v63  }
0x98: {  	s14 =	sand.u32 $0x380, s14;
	s15 =	sadd.s32 s12, s15;
	_ =	swait.ge [sflag:s23], $0x4000  }
0x99: {  	s15 =	sor.u32 s14, s15;
	s14 =	smov.u32 s18;
	[sflag:s23] =	ssyncset.done $0x0  }
0x9a: {  	s15 =	sshrl.u32 s15, $0x3;
	[sflag:s23] =	ssyncadd.s32 $0xFFFFC000  }
0x9b: {  	s16 =	sadd.s32 s6, s15  }
0x9c: {  	[tilespmem:s26], [sflag:$0x4] =	stream.linear.gather [hbm4b:s16+s4], $0x80, $0x38;
	[tilespmem:$0x1EA00] =	vst v63  }
0x9d: {  	s15 =	sadd.s32 s2, s15  }
0x9e: {  	[tilespmem:s28], [sflag:$0x6] =	stream.linear.gather [hbm4b:s15+s4], $0x80, $0x38;
	[tilespmem:$0x1EA00] =	vst v63  }
0x9f: {  	_ =	swait.ge [sflag:s0], $0x80  }
0xa0: {  	[sflag:s0] =	ssyncset.done $0x0  }
0xa1: {  	[sflag:s0] =	ssyncadd.s32 $0xFFFFFF80  }
0xa2: {  	_ =	swait.ge [sflag:s8], $0x80  }
.Ltmp1:
0xa3: {  	s15 =	sadd.s32 $0xFFFFFF80, s14;
	[sflag:s8] =	ssyncset.done $0x0;
	(pc) =	sbr.rel @p0 .LBB2_4-.Ltmp1, $4  }
0xa4: {  	s16 =	sand.u32 $0x7C00, s15;
	[sflag:s8] =	ssyncadd.s32 $0xFFFFFF80  }
0xa5: {  	[tilespmem:s9], [sflag:$0x2] =	stream.indirect.gather [hbm4b:s5+s31], $0x80, s26, s31, $0xb8;
	[tilespmem:$0x1EA00] =	vst v63  }
0xa6: {  	s15 =	sand.u32 $0x300, s15;
	s16 =	sadd.s32 s12, s16;
	_ =	swait.ge [sflag:s10], $0x4000  }
0xa7: {  	s16 =	sor.u32 s15, s16;
	s15 =	smov.u32 s17;
	[sflag:s10] =	ssyncset.done $0x0  }
0xa8: {  	[sflag:s10] =	ssyncadd.s32 $0xFFFFC000  }
0xa9: {  	[spmem:s3] =	stream.indirect.scatter.add.f32 [tilespmem:s1], [sflag:$0x7], $0x80, s25, s31, $0xb8;
	[tilespmem:$0x1EA00] =	vst v63  }
0xaa: {  	_ =	swait.ge [sflag:s23], $0x4000  }
0xab: {  	s15 =	sshrl.u32 s16, $0x3;
	[sflag:s23] =	ssyncset.done $0x0  }
0xac: {  	s16 =	sadd.s32 s6, s15;
	[sflag:s23] =	ssyncadd.s32 $0xFFFFC000  }
0xad: {  	[tilespmem:s24], [sflag:$0x3] =	stream.linear.gather [hbm4b:s16+s4], $0x80, $0x38;
	[tilespmem:$0x1EA00] =	vst v63  }
0xae: {  	s15 =	sadd.s32 s2, s15  }
0xaf: {  	[tilespmem:s25], [sflag:$0x5] =	stream.linear.gather [hbm4b:s15+s4], $0x80, $0x38;
	[tilespmem:$0x1EA00] =	vst v63  }
0xb0: {  	_ =	swait.ge [sflag:s29], $0x80  }
0xb1: {  	[sflag:s29] =	ssyncset.done $0x0  }
0xb2: {  	[sflag:s29] =	ssyncadd.s32 $0xFFFFFF80  }
0xb3: {  	_ =	swait.ge [sflag:s30], $0x80  }
0xb4: {  	[sflag:s30] =	ssyncset.done $0x0  }
0xb5: {  	[sflag:s30] =	ssyncadd.s32 $0xFFFFFF80  }
0xb6: {  	[tilespmem:s1], [sflag:$0x1] =	stream.indirect.gather [hbm4b:s5+s31], $0x80, s24, s31, $0xb8;
	[tilespmem:$0x1EA00] =	vst v63  }
0xb7: {  	_ =	swait.ge [sflag:s11], $0x4000  }
0xb8: {  	s17 =	sand.u32 $0x7C00, s14;
	[sflag:s11] =	ssyncset.done $0x0  }
0xb9: {  	s18 =	sand.u32 $0x380, s14;
	s15 =	sadd.s32 s12, s17;
	[sflag:s11] =	ssyncadd.s32 $0xFFFFC000  }
0xba: {  	[spmem:s3] =	stream.indirect.scatter.add.f32 [tilespmem:s9], [sflag:$0x7], $0x80, s28, s31, $0xb8;
	[tilespmem:$0x1EA00] =	vst v63  }
0xbb: {  	s14 =	sor.u32 s18, s15;
	_ =	swait.ge [sflag:s23], $0x4000  }
0xbc: {  	s14 =	sshrl.u32 s14, $0x3;
	[sflag:s23] =	ssyncset.done $0x0  }
0xbd: {  	s16 =	sadd.s32 s6, s14;
	[sflag:s23] =	ssyncadd.s32 $0xFFFFC000  }
0xbe: {  	[tilespmem:s26], [sflag:$0x4] =	stream.linear.gather [hbm4b:s16+s4], $0x80, $0x38;
	[tilespmem:$0x1EA00] =	vst v63  }
0xbf: {  	s14 =	sadd.s32 s2, s14  }
0xc0: {  	[tilespmem:s28], [sflag:$0x6] =	stream.linear.gather [hbm4b:s14+s4], $0x80, $0x38;
	[tilespmem:$0x1EA00] =	vst v63  }
0xc1: {  	_ =	swait.ge [sflag:s0], $0x80  }
0xc2: {  	[sflag:s0] =	ssyncset.done $0x0  }
0xc3: {  	[sflag:s0] =	ssyncadd.s32 $0xFFFFFF80  }
0xc4: {  	_ =	swait.ge [sflag:s8], $0x80  }
0xc5: {  	[sflag:s8] =	ssyncset.done $0x0  }
0xc6: {  	[sflag:s8] =	ssyncadd.s32 $0xFFFFFF80  }
0xc7: {  	[tilespmem:s9], [sflag:$0x2] =	stream.indirect.gather [hbm4b:s5+s31], $0x80, s26, s31, $0xb8;
	[tilespmem:$0x1EA00] =	vst v63  }
0xc8: {  	_ =	swait.ge [sflag:s10], $0x4000  }
0xc9: {  	[sflag:s10] =	ssyncset.done $0x0  }
0xca: {  	[sflag:s10] =	ssyncadd.s32 $0xFFFFC000  }
0xcb: {  	[spmem:s3] =	stream.indirect.scatter.add.f32 [tilespmem:s1], [sflag:$0x7], $0x80, s25, s31, $0xb8;
	[tilespmem:$0x1EA00] =	vst v63  }
0xcc: {  	_ =	swait.ge [sflag:s23], $0x4000  }
0xcd: {  	[sflag:s23] =	ssyncset.done $0x0  }
0xce: {  	[sflag:s23] =	ssyncadd.s32 $0xFFFFC000  }
0xcf: {  	_ =	swait.ge [sflag:s11], $0x4000  }
0xd0: {  	[sflag:s11] =	ssyncset.done $0x0  }
0xd1: {  	[sflag:s11] =	ssyncadd.s32 $0xFFFFC000  }
0xd2: {  	[spmem:s3] =	stream.indirect.scatter.add.f32 [tilespmem:s9], [sflag:$0x7], $0x80, s28, s31, $0xb8;
	[tilespmem:$0x1EA00] =	vst v63  }
0xd3: {  	s13 =	sadd.s32 $0x1, s13;
	_ =	swait.ge [sflag:s23], $0x4000  }
0xd4: {  	p0 =	sne.s32 s13, s21;
	s17 =	stileid.u32;
	[sflag:s23] =	ssyncset.done $0x0  }
0xd5: {  	s18 =	sshrl.u32 s7, $0x3;
	s14 =	sshll.u32 s17, $0x6;
	[sflag:s23] =	ssyncadd.s32 $0xFFFFC000  }
.Ltmp2:
0xd6: {  	s14 =	sor.u32 $0x1C07, s14;
	[bflag:$0x0] =	sbarrier.arrive $0xFFFF;
	(pc) =	sbr.rel @p0 .LBB2_1-.Ltmp2, $4  }
0xd7: {  	[hbm:s20], [sflag:s14] =	dma.local [spmem:s18], $0x2800  }
0xd8: {  	_ =	swait.ge [sflag:s23], $0x2800  }
0xd9: {  	[sflag:s23] =	ssyncset.done $0x0  }
0xda: {  	[sflag:s23] =	ssyncadd.s32 $0xFFFFD800  }
0xdb: {  	_ =	sfence.sel $0x180000  }
0xdc: {  	[bflag:$0x0] =	sbarrier.arrive $0xFFFF  }
0xdd: {  	_ =	strace $0x9000004D  }
0xde: {  	s0 =	stileid.u32;
	[bflag:$0x2] =	sbarrier.arrive $0xFFFF  }
0xdf: {  	p0 =	sne.s32 s0, $0x0;
	s0 =	rddreg [dreg:$0x3]  }
0xe0: {  	s0 =	sadd.s32 @!p0 $0x100000, s0  }
0xe1: {  	[sflag:s0] =	ssyncadd.tile.s32 @!p0 $0x1;
	_ =	shalt  }
.Lfunc_end2:
_tile_overlayer_lowered:
.L_overlay_start_2:
0xe2: {  	(tag) =	ssettag $0x2  }
0xe3: {  	s0 =	rddreg [dreg:$0x0];
	s2 =	stileid.u32  }
0xe4: {  	s1 =	rddreg [dreg:$0x1];
	p0 =	sne.s32 s2, $0x0  }
0xe5: {  	s3 =	rddreg [dreg:$0x2];
	[bflag:$0x3] =	sbarrier.arrive $0xFFFF;
	s2 =	simm.s32 @!p0 $0x1C07  }
0xe6: {  	[timem:s3], [sflag:s2] =	dma.local @!p0 [hbm:s0], s1  }
0xe7: {  	s0 =	simm.s32 @!p0 $0x7  }
0xe8: {  	_ =	swait.ge @!p0 [sflag:s0], s1  }
0xe9: {  	s1 =	ssub.s32 @!p0 $0x0, s1;
	[sflag:s0] =	ssyncset.done @!p0 $0x0  }
0xea: {  	[sflag:s0] =	ssyncadd.s32 @!p0 s1  }
0xeb: {  	[bflag:$0x3] =	sbarrier.arrive $0xFFFF  }
0xec: {  	_ =	shalt  }

// kernel: kernel.19.cloned.1.call-start
scs
__scs_entry_jumppad:
0x0: {  	(pc) =	sbr.rel $0x88, $3  }
0x1: {  	(tag) =	ssettag $0x0;
	lr =	simm.s32 $0x1  }
0x2: {  	[smem:$0x3F99] =	sst lr;
	_ =	strace $0xD0000000  }
0x3: {  	_ = 	snop  }
0x4: {  	_ = 	snop  }
0x5: {  	_ = 	snop  }
0x6: {  	_ = 	snop  }
0x7: {  	_ = 	snop  }
__scs_overlays_trampoline_lowered:
0x8: {  	[smem:$0x3FA8] =	sst s0  }
0x9: {  	[smem:$0x3FA9] =	sst s1  }
0xa: {  	[smem:$0x3FAA] =	sst s2  }
0xb: {  	[smem:$0x3FAB] =	sst s3  }
0xc: {  	[smem:$0x3FAC] =	sst s4  }
0xd: {  	[smem:$0x3FAD] =	sst s5  }
0xe: {  	[smem:$0x3FAE] =	sst s6  }
0xf: {  	[smem:$0x3FAF] =	sst s7  }
0x10: {  	[smem:$0x3FB0] =	sst s8  }
0x11: {  	[smem:$0x3FB1] =	sst s9;
	s0 =	simm.s32 @!p0 $0x0  }
0x12: {  	s1 =	sld [smem:$0x3F97];
	s0 =	simm.s32 @p0 $0x1  }
0x13: {  	[smem:$0x3FB2] =	sst s0;
	s0 =	simm.s32 @!p1 $0x0  }
0x14: {  	s2 =	sld [smem:$0x3F96];
	s0 =	simm.s32 @p1 $0x1  }
0x15: {  	[smem:$0x3FB3] =	sst s0;
	s0 =	simm.s32 @!p2 $0x0  }
0x16: {  	s3 =	sld [smem:$0x3FDB];
	s0 =	simm.s32 @p2 $0x1  }
0x17: {  	s4 =	simm.s32 $0x1BF5;
	[smem:$0x3FB5] =	sst s0  }
0x18: {  	s0 =	sld [smem:$0x3F98];
	_ =	swait.ge [sflag:s4], $0x0  }
0x19: {  	s7 =	sld [smem:$0x3F99]  }
0x1a: {  	s8 =	sadd.s32 $0xFFFFE003, lr  }
0x1b: {  	s9 =	sadd.s32 $0xFFFFFEF7, lr;
	s5 =	simm.s32 $0xFFFFFFFF;
	p2 =	slt.u32 s8, $0xFFFFF086  }
0x1c: {  	p1 =	slt.u32 s9, $0xF7A;
	s5 =	simm.s32 @!p2 $0x0  }
0x1d: {  	s5 =	simm.s32 @p1 $0x1;
	p0 =	seq.s32 s7, s2  }
0x1e: {  	s7 =	smul.u32 @!p0 $0xF7A, s2;
	p2 =	seq.s32 @!p0 s5, $0x0  }
0x1f: {  	s9 =	smul.u32 $0xF7A, s1;
	s8 =	simm.s32 @!p0 $0x1BF5;
	p2 =	por !p2, p0  }
0x20: {  	[sflag:s8] =	ssyncset.s32 @!p0 $0xFFFFF086;
	s6 =	sadd.s32 @!p0 s3, s7;
	s7 =	simm.s32 @!p0 $0x108  }
0x21: {  	s3 =	sadd.s32 s3, s9;
	s6 =	sadd.s32 @!p0 $0x88, s6;
	s7 =	simm.s32 @p2 $0x1082  }
0x22: {  	[simem:s7], [sflag:s8] =	dma.local @!p0 [hbm:s6], $0xF7A  }
0x23: {  	s9 =	sor.u32 $0xD0000000, s2;
	s6 =	simm.s32 $0x108;
	_ =	swait.ge @!p0 [sflag:s8], $0x0  }
0x24: {  	s3 =	sadd.s32 $0x88, s3;
	s6 =	simm.s32 @!p1 $0x1082;
	[sflag:s4] =	ssyncset.s32 $0xFFFFF086  }
0x25: {  	[simem:s6], [sflag:s4] =	dma.local [hbm:s3], $0xF7A  }
0x26: {  	[smem:$0x3F99] =	sst s1;
	(tag) =	ssettag s2;
	_ =	strace s9  }
0x27: {  	s1 =	sld [smem:$0x3FA9]  }
0x28: {  	s2 =	sld [smem:$0x3FAA]  }
0x29: {  	s4 =	sld [smem:$0x3FAC]  }
0x2a: {  	p0 =	seq.s32 s5, $0x0;
	s5 =	sld [smem:$0x3FAD]  }
0x2b: {  	s6 =	sld [smem:$0x3FAE]  }
0x2c: {  	s7 =	sld [smem:$0x3FAF]  }
0x2d: {  	s3 =	simm.s32 $0x108;
	s8 =	sld [smem:$0x3FB0]  }
0x2e: {  	s3 =	simm.s32 @!p0 $0x1082;
	s9 =	sld [smem:$0x3FB1]  }
0x2f: {  	lr =	sadd.s32 s0, s3;
	s0 =	sld [smem:$0x3FA8]  }
0x30: {  	s3 =	sld [smem:$0x3FAB]  }
0x31: {  	[smem:$0x3FB4] =	sst s10  }
0x32: {  	s10 =	sld [smem:$0x3FB2];
	_ =	sdelay $0x3  }
0x33: {  	p0 =	seq.s32 s10, $0x1;
	s10 =	sld [smem:$0x3FB4];
	_ =	sdelay $0x3  }
0x34: {  	[smem:$0x3FB4] =	sst s10  }
0x35: {  	s10 =	sld [smem:$0x3FB3];
	_ =	sdelay $0x3  }
0x36: {  	p1 =	seq.s32 s10, $0x1;
	s10 =	sld [smem:$0x3FB4];
	_ =	sdelay $0x3  }
0x37: {  	[smem:$0x3FB4] =	sst s10  }
0x38: {  	s10 =	sld [smem:$0x3FB5]  }
0x39: {  	_ = 	snop;
	(pc) =	sbr.ind lr, $3  }
0x3a: {  	_ = 	snop  }
0x3b: {  	_ = 	snop  }
0x3c: {  	p2 =	seq.s32 s10, $0x1;
	s10 =	sld [smem:$0x3FB4]  }
0x3d: {  	_ =	shalt  }
0x3e: {  	_ =	shalt  }
0x3f: {  	_ =	shalt  }
0x40: {  	_ =	shalt  }
0x41: {  	_ =	shalt  }
0x42: {  	_ =	shalt  }
0x43: {  	_ =	shalt  }
0x44: {  	_ =	shalt  }
0x45: {  	_ =	shalt  }
0x46: {  	_ =	shalt  }
0x47: {  	_ =	shalt  }
0x48: {  	_ =	shalt  }
0x49: {  	_ =	shalt  }
0x4a: {  	_ =	shalt  }
0x4b: {  	_ =	shalt  }
0x4c: {  	_ =	shalt  }
0x4d: {  	_ =	shalt  }
0x4e: {  	_ =	shalt  }
0x4f: {  	_ =	shalt  }
0x50: {  	_ =	shalt  }
0x51: {  	_ =	shalt  }
0x52: {  	_ =	shalt  }
0x53: {  	_ =	shalt  }
0x54: {  	_ =	shalt  }
0x55: {  	_ =	shalt  }
0x56: {  	_ =	shalt  }
0x57: {  	_ =	shalt  }
0x58: {  	_ =	shalt  }
0x59: {  	_ =	shalt  }
0x5a: {  	_ =	shalt  }
0x5b: {  	_ =	shalt  }
0x5c: {  	_ =	shalt  }
0x5d: {  	_ =	shalt  }
0x5e: {  	_ =	shalt  }
0x5f: {  	_ =	shalt  }
0x60: {  	_ =	shalt  }
0x61: {  	_ =	shalt  }
0x62: {  	_ =	shalt  }
0x63: {  	_ =	shalt  }
0x64: {  	_ =	shalt  }
0x65: {  	_ =	shalt  }
0x66: {  	_ =	shalt  }
0x67: {  	_ =	shalt  }
0x68: {  	_ =	shalt  }
0x69: {  	_ =	shalt  }
0x6a: {  	_ =	shalt  }
0x6b: {  	_ =	shalt  }
0x6c: {  	_ =	shalt  }
0x6d: {  	_ =	shalt  }
0x6e: {  	_ =	shalt  }
0x6f: {  	_ =	shalt  }
0x70: {  	_ =	shalt  }
0x71: {  	_ =	shalt  }
0x72: {  	_ =	shalt  }
0x73: {  	_ =	shalt  }
0x74: {  	_ =	shalt  }
0x75: {  	_ =	shalt  }
0x76: {  	_ =	shalt  }
0x77: {  	_ =	shalt  }
0x78: {  	_ =	shalt  }
0x79: {  	_ =	shalt  }
0x7a: {  	_ =	shalt  }
0x7b: {  	_ =	shalt  }
0x7c: {  	_ =	shalt  }
0x7d: {  	_ =	shalt  }
0x7e: {  	_ =	shalt  }
0x7f: {  	_ =	shalt  }
0x80: {  	_ =	shalt  }
0x81: {  	_ =	shalt  }
0x82: {  	_ =	shalt  }
0x83: {  	_ =	shalt  }
0x84: {  	_ =	shalt  }
0x85: {  	_ =	shalt  }
0x86: {  	_ =	shalt  }
0x87: {  	_ =	shalt  }
.Lfunc_end0:
.L_simem_size_0:
called_computation.3_lowered:
.L_overlay_start_0:
0x88: {  	s2 =	sld [smem:$0x3FD9]  }
0x89: {  	s3 =	sld [smem:$0x3FFE];
	_ =	sdelay $0x1  }
0x8a: {  	s1 =	srdreg.scid  }
0x8b: {  	s0 =	sand.u32 $0x1, s1  }
0x8c: {  	s17 =	sshll.u32 s0, $0xA;
	s2 =	sadd.s32 s3, s2  }
0x8d: {  	s2 =	sadd.s32 s2, s17  }
0x8e: {  	[smem:$0x3FC0] =	sst s2  }
0x8f: {  	_ = 	snop  }
0x90: {  	s2 =	sld [smem:$0x3FD0];
	(tm) =	ssettm $0x1  }
0x91: {  	s18 =	sld [smem:$0x3FFB];
	_ =	sdelay $0x3  }
0x92: {  	_ =	strace s18  }
0x93: {  	s3 =	sld [smem:$0x3FFC];
	_ =	sdelay $0x3  }
0x94: {  	_ =	strace s3  }
0x95: {  	s3 =	sld [smem:$0x3FFD];
	_ =	sdelay $0x3  }
0x96: {  	_ =	strace s3  }
0x97: {  	_ =	strace $0x8FFFFFFF  }
0x98: {  	s19 =	sld [smem:$0x3FDB];
	_ =	sdelay $0x1  }
0x99: {  	s4 =	simm.s32 $_scs_section_size  }
0x9a: {  	s5 =	simm.s32 $_size__tile_overlayer_lowered;
	s6 =	simm.s32 $_tile_overlayer_lowered  }
0x9b: {  	s22 =	simm.s32 $0x1BFF;
	s21 =	sshll.u32 s6, $0x1;
	s3 =	sadd.s32 s4, s19  }
0x9c: {  	s7 =	simm.s32 $0x0;
	s20 =	sshll.u32 s5, $0x1;
	s5 =	sadd.s32 s21, s3  }
0x9d: {  	[timem:s7], [sflag:s22] =	dma.local [hbm:s5], s20  }
0x9e: {  	_ =	swait.ge [sflag:s22], s20  }
0x9f: {  	s4 =	ssub.s32 $0x0, s20;
	[sflag:s22] =	ssyncset.done $0x0  }
0xa0: {  	[sflag:s22] =	ssyncadd.s32 s4;
	_ =	sdelay $0x1  }
0xa1: {  	s23 =	simm.s32 $0x1B8B  }
0xa2: {  	_ =	swait.ge [sflag:s23], $0x1  }
0xa3: {  	[sflag:s23] =	ssyncset.done $0x0  }
0xa4: {  	s25 =	simm.s32 $0x1B8E;
	s24 =	sld [smem:$0x3FFE];
	[sflag:s23] =	ssyncadd.s32 $0xFFFFFFFF  }
0xa5: {  	s26 =	simm.s32 $execute0_lowered;
	[smem:$0x3FD2] =	sst s25  }
0xa6: {  	s5 =	sshll.u32 s26, $0x1;
	_ =	strace $0x8000004F;
	[dreg:$0x1] =	wrdreg $0xFFFFFFFF  }
0xa7: {  	s28 =	simm.s32 $_size_execute0_lowered;
	s3 =	sadd.s32 s3, s5;
	[dreg:$0x0] =	wrdreg $0x0  }
0xa8: {  	s5 =	sshll.u32 s28, $0x1;
	[dreg:$0x2] =	wrdreg s3  }
0xa9: {  	[dreg:$0x3] =	wrdreg s5  }
0xaa: {  	[dreg:$0x4] =	wrdreg $0xC0  }
0xab: {  	_ =	task [dreg:s7], $0x5FFFF  }
0xac: {  	[dreg:$0x1] =	wrdreg $0xFFFFFFFF  }
0xad: {  	[dreg:$0x0] =	wrdreg $0x60  }
0xae: {  	[dreg:$0x2] =	wrdreg s24  }
0xaf: {  	[dreg:$0x3] =	wrdreg s2  }
0xb0: {  	[dreg:$0x4] =	wrdreg $0x0  }
0xb1: {  	[dreg:$0x5] =	wrdreg $0x9  }
0xb2: {  	_ =	task.clear_ibuf [dreg:s7], $0x6FFFF;
	_ =	strace $0x9000004F  }
0xb3: {  	s29 =	simm.s32 $0x9;
	_ =	strace $0x80000051  }
0xb4: {  	_ =	swait.ge [sflag:s29], $0x1  }
0xb5: {  	[sflag:s29] =	ssyncadd.s32 $0xFFFFFFFF  }
0xb6: {  	_ =	strace $0x90000051  }
0xb7: {  	_ =	sfence  }
0xb8: {  	s30 =	sld [smem:$0x0];
	_ =	sdelay $0x2  }
0xb9: {  	s31 =	sshll.u32 s1, $0xD;
	s1 =	sshrl.u32 s1, $0x2  }
0xba: {  	s3 =	sand.u32 $0x4000, s31;
	s1 =	sadd.s32 s1, s30  }
0xbb: {  	s0 =	sor.u32 s3, s0;
	s1 =	sshll.u32 s1, $0x11  }
0xbc: {  	s0 =	sor.u32 s1, s0  }
0xbd: {  	s0 =	sadd.s32 $0x8F2B, s0  }
0xbe: {  	[sflag:s0] =	ssyncadd.remote.s32 $0x1  }
0xbf: {  	_ =	sfence.sel $0xFFFF  }
0xc0: {  	[dreg:$0x0] =	wrdreg $0xFFFFFFFF;
	(pc) =	sbr.abs _section_cstart, $3  }
0xc1: {  	[dreg:$0x1] =	wrdreg $0xFFFFFFFF  }
0xc2: {  	_ =	task.clear_ibuf [dreg:s7], $0x2FFFF;
	_ =	strace $0x9FFFFFFF  }
0xc3: {  	(tm) =	ssettm $0x7FFFFFFF  }
tec
execute0_lowered:
.L_overlay_start_1:
0x0: {  	(tag) =	ssettag $0x1  }
0x1: {  	s0 =	rddreg [dreg:$0x0];
	s1 =	srdreg.scid  }
0x2: {  	s2 =	rddreg [dreg:$0x1];
	s10 =	stileid.u32  }
0x3: {  	s3 =	rddreg [dreg:$0x2];
	s6 =	smul.u32 $0x14000, s10  }
0x4: {  	s4 =	simm.s32 $0x0;
	s28 =	simm.s32 $0x14180;
	s8 =	smul.u32 $0x50000, s10  }
0x5: {  	s29 =	simm.s32 $0x3;
	s1 =	sand.u32 $0x1, s1;
	s10 =	smul.u32 $0x2800, s10  }
0x6: {  	s30 =	simm.s32 $0x5;
	s31 =	simm.s32 $0x80;
	s5 =	smul.u32 $0x140000, s1  }
0x7: {  	[smem:$0x7FF] =	sst s4;
	s9 =	ssub.s32 $0x2, s1;
	s1 =	smul.u32 $0x28000, s1  }
0x8: {  	s11 =	simm.s32 $0x2;
	s13 =	simm.s32 $0x0;
	_ =	strace $0x80000050  }
0x9: {  	s14 =	sshrl.u32 s8, $0x2;
	s5 =	sadd.s32 s6, s5;
	s12 =	sadd.s32 s10, s1  }
0xa: {  	s6 =	sadd.s32 $0x52800, s0;
	s7 =	sshrl.u32 s5, $0x3;
	s22 =	sshrl.u32 s12, $0x3  }
0xb: {  	s5 =	sadd.s32 $0x2800, s0;
	s0 =	sadd.s32 s7, s0;
	s24 =	sadd.s32 s6, s22  }
0xc: {  	s7 =	sadd.s32 s14, s3;
	s1 =	sadd.s32 s2, s22;
	[dreg:$0xb] =	wrdreg s24  }
0xd: {  	s15 =	sshrl.u32 s9, $0x1;
	s16 =	sadd.s32 $0x2800, s7;
	[dreg:$0xc] =	wrdreg s1  }
0xe: {  	s8 =	ssub.s32 s9, s15;
	s17 =	sadd.s32 $0x5000, s7;
	[dreg:$0x4] =	wrdreg s16  }
0xf: {  	s9 =	simm.s32 $0x18200;
	s18 =	sadd.s32 $0x7800, s7;
	[dreg:$0x5] =	wrdreg s17  }
0x10: {  	s10 =	simm.s32 $0x1;
	s19 =	sadd.s32 $0xA000, s7;
	[dreg:$0x6] =	wrdreg s18  }
0x11: {  	s25 =	sor.u32 $0x10, s22;
	s20 =	sadd.s32 $0xC800, s7;
	[dreg:$0x7] =	wrdreg s19  }
0x12: {  	s22 =	simm.s32 $0x1C200;
	s21 =	sadd.s32 $0xF000, s7;
	[dreg:$0x8] =	wrdreg s20  }
0x13: {  	s23 =	sadd.s32 $0x11800, s7;
	s26 =	sadd.s32 s6, s25;
	[dreg:$0x9] =	wrdreg s21  }
0x14: {  	s24 =	simm.s32 $0x14000;
	s1 =	simm.s32 $0x14200;
	[dreg:$0xa] =	wrdreg s23  }
0x15: {  	[dreg:$0xd] =	wrdreg s26;
	s19 =	sadd.s32 s2, s25;
	s20 =	sadd.s32 $0x5C800, s0  }
0x16: {  	s21 =	smax.u32 s8, $0x1;
	s23 =	simm.s32 $0x7;
	s25 =	simm.s32 $0x14100  }
0x17: {  	v0 =	vimm.f32 $0.0e+00;
	s26 =	simm.s32 $0x14080;
	s0 =	simm.s32 $0x4;
	s8 =	simm.s32 $0x6  }
.LBB2_1:
0x18: {  	s14 =	simm.s32 $0x0;
	s15 =	simm.s32 $0x200  }
.LBB2_2:
0x19: {  	p0 =	sne.s32 s15, $0x9E00;
	[tilespmem:s14+$0x1C270] =	vst v0  }
0x1a: {  	[tilespmem:s14+$0x1C200] =	vst v0  }
0x1b: {  	[tilespmem:s14+$0x1C210] =	vst v0  }
.Ltmp0:
0x1c: {  	[tilespmem:s14+$0x1C220] =	vst v0;
	(pc) =	sbr.rel @p0 .LBB2_2-.Ltmp0, $4  }
0x1d: {  	[tilespmem:s14+$0x1C230] =	vst v0  }
0x1e: {  	[tilespmem:s14+$0x1C240] =	vst v0  }
0x1f: {  	[tilespmem:s14+$0x1C250] =	vst v0  }
0x20: {  	[tilespmem:s14+$0x1C260] =	vst v0;
	s14 =	sshra.s32 s15, $0x2;
	s15 =	sadd.s32 $0x200, s15  }
0x21: {  	[tilespmem:s14+$0x1C270] =	vst v0  }
0x22: {  	[tilespmem:s14+$0x1C200] =	vst v0  }
0x23: {  	[tilespmem:s14+$0x1C210] =	vst v0  }
0x24: {  	[tilespmem:s14+$0x1C220] =	vst v0  }
0x25: {  	[tilespmem:s14+$0x1C230] =	vst v0  }
0x26: {  	[tilespmem:s14+$0x1C240] =	vst v0  }
0x27: {  	[tilespmem:s14+$0x1C250] =	vst v0  }
0x28: {  	[tilespmem:s14+$0x1C260] =	vst v0  }
0x29: {  	[spmem:s7] =	stream.linear.scatter [tilespmem:s22], [sflag:$0x7], $0x2800, $0x38;
	[tilespmem:$0x1EA00] =	vst v63  }
0x2a: {  	_ =	swait.ge [sflag:s23], $0x2800  }
0x2b: {  	[sflag:s23] =	ssyncset.done $0x0  }
0x2c: {  	s18 =	rddreg [dreg:$0x4];
	[sflag:s23] =	ssyncadd.s32 $0xFFFFD800  }
0x2d: {  	[spmem:s18] =	stream.linear.scatter [tilespmem:s22], [sflag:$0x7], $0x2800, $0x38;
	[tilespmem:$0x1EA00] =	vst v63  }
0x2e: {  	_ =	swait.ge [sflag:s23], $0x2800  }
0x2f: {  	[sflag:s23] =	ssyncset.done $0x0  }
0x30: {  	s15 =	rddreg [dreg:$0x5];
	[sflag:s23] =	ssyncadd.s32 $0xFFFFD800  }
0x31: {  	[spmem:s15] =	stream.linear.scatter [tilespmem:s22], [sflag:$0x7], $0x2800, $0x38;
	[tilespmem:$0x1EA00] =	vst v63  }
0x32: {  	_ =	swait.ge [sflag:s23], $0x2800  }
0x33: {  	[sflag:s23] =	ssyncset.done $0x0  }
0x34: {  	s16 =	rddreg [dreg:$0x6];
	[sflag:s23] =	ssyncadd.s32 $0xFFFFD800  }
0x35: {  	[spmem:s16] =	stream.linear.scatter [tilespmem:s22], [sflag:$0x7], $0x2800, $0x38;
	[tilespmem:$0x1EA00] =	vst v63  }
0x36: {  	_ =	swait.ge [sflag:s23], $0x2800  }
0x37: {  	[sflag:s23] =	ssyncset.done $0x0  }
0x38: {  	s17 =	rddreg [dreg:$0x7];
	[sflag:s23] =	ssyncadd.s32 $0xFFFFD800  }
0x39: {  	[spmem:s17] =	stream.linear.scatter [tilespmem:s22], [sflag:$0x7], $0x2800, $0x38;
	[tilespmem:$0x1EA00] =	vst v63  }
0x3a: {  	_ =	swait.ge [sflag:s23], $0x2800  }
0x3b: {  	[sflag:s23] =	ssyncset.done $0x0  }
0x3c: {  	s18 =	rddreg [dreg:$0x8];
	[sflag:s23] =	ssyncadd.s32 $0xFFFFD800  }
0x3d: {  	[spmem:s18] =	stream.linear.scatter [tilespmem:s22], [sflag:$0x7], $0x2800, $0x38;
	[tilespmem:$0x1EA00] =	vst v63  }
0x3e: {  	_ =	swait.ge [sflag:s23], $0x2800  }
0x3f: {  	[sflag:s23] =	ssyncset.done $0x0  }
0x40: {  	s15 =	rddreg [dreg:$0x9];
	[sflag:s23] =	ssyncadd.s32 $0xFFFFD800  }
0x41: {  	[spmem:s15] =	stream.linear.scatter [tilespmem:s22], [sflag:$0x7], $0x2800, $0x38;
	[tilespmem:$0x1EA00] =	vst v63  }
0x42: {  	_ =	swait.ge [sflag:s23], $0x2800  }
0x43: {  	[sflag:s23] =	ssyncset.done $0x0  }
0x44: {  	s16 =	rddreg [dreg:$0xa];
	[sflag:s23] =	ssyncadd.s32 $0xFFFFD800  }
0x45: {  	[spmem:s16] =	stream.linear.scatter [tilespmem:s22], [sflag:$0x7], $0x2800, $0x38;
	[tilespmem:$0x1EA00] =	vst v63  }
0x46: {  	_ =	swait.ge [sflag:s23], $0x2800  }
0x47: {  	[sflag:s23] =	ssyncset.done $0x0  }
0x48: {  	[sflag:s23] =	ssyncadd.s32 $0xFFFFD800  }
0x49: {  	[bflag:$0x0] =	sbarrier.arrive $0xFFFF  }
0x4a: {  	s17 =	rddreg [dreg:$0xb]  }
0x4b: {  	[tilespmem:s24], [sflag:$0x3] =	stream.linear.gather [hbm4b:s17+s4], $0x80, $0x38;
	[tilespmem:$0x1EA00] =	vst v63  }
0x4c: {  	s18 =	rddreg [dreg:$0xc]  }
0x4d: {  	[tilespmem:s25], [sflag:$0x5] =	stream.linear.gather [hbm4b:s18+s4], $0x80, $0x38;
	[tilespmem:$0x1EA00] =	vst v63  }
0x4e: {  	s15 =	rddreg [dreg:$0xd]  }
0x4f: {  	[tilespmem:s26], [sflag:$0x4] =	stream.linear.gather [hbm4b:s15+s4], $0x80, $0x38;
	[tilespmem:$0x1EA00] =	vst v63  }
0x50: {  	_ = 	snop  }
0x51: {  	[tilespmem:s28], [sflag:$0x6] =	stream.linear.gather [hbm4b:s19+s4], $0x80, $0x38;
	[tilespmem:$0x1EA00] =	vst v63  }
0x52: {  	_ =	swait.ge [sflag:s29], $0x80  }
0x53: {  	[sflag:s29] =	ssyncset.done $0x0  }
0x54: {  	[sflag:s29] =	ssyncadd.s32 $0xFFFFFF80  }
0x55: {  	_ =	swait.ge [sflag:s30], $0x80  }
0x56: {  	[sflag:s30] =	ssyncset.done $0x0  }
0x57: {  	[sflag:s30] =	ssyncadd.s32 $0xFFFFFF80  }
0x58: {  	[tilespmem:s1], [sflag:$0x1] =	stream.indirect.gather [hbm4b:s5+s31], $0x80, s24, s31, $0xb8;
	[tilespmem:$0x1EA00] =	vst v63  }
0x59: {  	_ =	swait.ge [sflag:s0], $0x80  }
0x5a: {  	[sflag:s0] =	ssyncset.done $0x0  }
0x5b: {  	[sflag:s0] =	ssyncadd.s32 $0xFFFFFF80  }
0x5c: {  	_ =	swait.ge [sflag:s8], $0x80  }
0x5d: {  	[sflag:s8] =	ssyncset.done $0x0  }
0x5e: {  	[sflag:s8] =	ssyncadd.s32 $0xFFFFFF80  }
0x5f: {  	[tilespmem:s9], [sflag:$0x2] =	stream.indirect.gather [hbm4b:s5+s31], $0x80, s26, s31, $0xb8;
	[tilespmem:$0x1EA00] =	vst v63  }
0x60: {  	s16 =	simm.s32 $0x100;
	_ =	swait.ge [sflag:s10], $0x4000  }
0x61: {  	s15 =	sand.u32 $0x7C00, s16;
	[sflag:s10] =	ssyncset.done $0x0  }
0x62: {  	s14 =	sand.u32 $0x300, s16;
	s15 =	sadd.s32 s12, s15;
	[sflag:s10] =	ssyncadd.s32 $0xFFFFC000  }
0x63: {  	[spmem:s3] =	stream.indirect.scatter.add.f32 [tilespmem:s1], [sflag:$0x7], $0x80, s25, s31, $0xb8;
	[tilespmem:$0x1EA00] =	vst v63  }
0x64: {  	s14 =	sor.u32 s14, s15;
	_ =	swait.ge [sflag:s23], $0x4000  }
0x65: {  	s14 =	sshrl.u32 s14, $0x3;
	[sflag:s23] =	ssyncset.done $0x0  }
0x66: {  	s17 =	sadd.s32 s6, s14;
	[sflag:s23] =	ssyncadd.s32 $0xFFFFC000  }
0x67: {  	[tilespmem:s24], [sflag:$0x3] =	stream.linear.gather [hbm4b:s17+s4], $0x80, $0x38;
	[tilespmem:$0x1EA00] =	vst v63  }
0x68: {  	s14 =	sadd.s32 s2, s14  }
0x69: {  	[tilespmem:s25], [sflag:$0x5] =	stream.linear.gather [hbm4b:s14+s4], $0x80, $0x38;
	[tilespmem:$0x1EA00] =	vst v63  }
0x6a: {  	_ =	swait.ge [sflag:s29], $0x80  }
0x6b: {  	[sflag:s29] =	ssyncset.done $0x0  }
0x6c: {  	[sflag:s29] =	ssyncadd.s32 $0xFFFFFF80  }
0x6d: {  	_ =	swait.ge [sflag:s30], $0x80  }
0x6e: {  	[sflag:s30] =	ssyncset.done $0x0  }
0x6f: {  	[sflag:s30] =	ssyncadd.s32 $0xFFFFFF80  }
0x70: {  	[tilespmem:s1], [sflag:$0x1] =	stream.indirect.gather [hbm4b:s5+s31], $0x80, s24, s31, $0xb8;
	[tilespmem:$0x1EA00] =	vst v63  }
0x71: {  	s18 =	simm.s32 $0x180;
	_ =	swait.ge [sflag:s11], $0x4000  }
0x72: {  	s16 =	sand.u32 $0x7C00, s18;
	[sflag:s11] =	ssyncset.done $0x0  }
0x73: {  	s15 =	sadd.s32 s12, s16;
	s14 =	sand.u32 $0x380, s18;
	[sflag:s11] =	ssyncadd.s32 $0xFFFFC000  }
0x74: {  	[spmem:s3] =	stream.indirect.scatter.add.f32 [tilespmem:s9], [sflag:$0x7], $0x80, s28, s31, $0xb8;
	[tilespmem:$0x1EA00] =	vst v63  }
0x75: {  	s14 =	sor.u32 s14, s15;
	_ =	swait.ge [sflag:s23], $0x4000  }
0x76: {  	s14 =	sshrl.u32 s14, $0x3;
	[sflag:s23] =	ssyncset.done $0x0  }
0x77: {  	s17 =	sadd.s32 s6, s14;
	[sflag:s23] =	ssyncadd.s32 $0xFFFFC000  }
0x78: {  	[tilespmem:s26], [sflag:$0x4] =	stream.linear.gather [hbm4b:s17+s4], $0x80, $0x38;
	[tilespmem:$0x1EA00] =	vst v63  }
0x79: {  	s14 =	sadd.s32 s2, s14  }
0x7a: {  	[tilespmem:s28], [sflag:$0x6] =	stream.linear.gather [hbm4b:s14+s4], $0x80, $0x38;
	[tilespmem:$0x1EA00] =	vst v63  }
0x7b: {  	_ =	swait.ge [sflag:s0], $0x80  }
0x7c: {  	[sflag:s0] =	ssyncset.done $0x0  }
0x7d: {  	[sflag:s0] =	ssyncadd.s32 $0xFFFFFF80  }
0x7e: {  	s18 =	simm.s32 $0x200;
	_ =	swait.ge [sflag:s8], $0x80  }
0x7f: {  	s16 =	sand.u32 $0x7C00, s18;
	[sflag:s8] =	ssyncset.done $0x0  }
0x80: {  	s15 =	sand.u32 $0x300, s18;
	s16 =	sadd.s32 s12, s16;
	[sflag:s8] =	ssyncadd.s32 $0xFFFFFF80  }
0x81: {  	[tilespmem:s9], [sflag:$0x2] =	stream.indirect.gather [hbm4b:s5+s31], $0x80, s26, s31, $0xb8;
	[tilespmem:$0x1EA00] =	vst v63  }
0x82: {  	s16 =	sor.u32 s15, s16;
	_ =	swait.ge [sflag:s10], $0x4000  }
0x83: {  	s15 =	simm.s32 $0x380;
	s14 =	simm.s32 $0x280;
	[sflag:s10] =	ssyncset.done $0x0  }
.LBB2_4:
0x84: {  	s16 =	sshrl.u32 s16, $0x3  }
0x85: {  	[sflag:s10] =	ssyncadd.s32 $0xFFFFC000;
	s18 =	smov.u32 s15;
	s17 =	sadd.s32 $0x100, s15  }
0x86: {  	[spmem:s3] =	stream.indirect.scatter.add.f32 [tilespmem:s1], [sflag:$0x7], $0x80, s25, s31, $0xb8;
	[tilespmem:$0x1EA00] =	vst v63  }
0x87: {  	p0 =	sne.s32 s15, $0x2780;
	_ =	swait.ge [sflag:s23], $0x4000  }
0x88: {  	[sflag:s23] =	ssyncset.done $0x0  }
0x89: {  	s15 =	sadd.s32 s6, s16;
	[sflag:s23] =	ssyncadd.s32 $0xFFFFC000  }
0x8a: {  	[tilespmem:s24], [sflag:$0x3] =	stream.linear.gather [hbm4b:s15+s4], $0x80, $0x38;
	[tilespmem:$0x1EA00] =	vst v63  }
0x8b: {  	s15 =	sadd.s32 s2, s16  }
0x8c: {  	[tilespmem:s25], [sflag:$0x5] =	stream.linear.gather [hbm4b:s15+s4], $0x80, $0x38;
	[tilespmem:$0x1EA00] =	vst v63  }
0x8d: {  	_ =	swait.ge [sflag:s29], $0x80  }
0x8e: {  	[sflag:s29] =	ssyncset.done $0x0  }
0x8f: {  	[sflag:s29] =	ssyncadd.s32 $0xFFFFFF80  }
0x90: {  	_ =	swait.ge [sflag:s30], $0x80  }
0x91: {  	[sflag:s30] =	ssyncset.done $0x0  }
0x92: {  	[sflag:s30] =	ssyncadd.s32 $0xFFFFFF80  }
0x93: {  	[tilespmem:s1], [sflag:$0x1] =	stream.indirect.gather [hbm4b:s5+s31], $0x80, s24, s31, $0xb8;
	[tilespmem:$0x1EA00] =	vst v63  }
0x94: {  	_ =	swait.ge [sflag:s11], $0x4000  }
0x95: {  	[sflag:s11] =	ssyncset.done $0x0  }
0x96: {  	s15 =	sand.u32 $0x7C00, s14;
	[sflag:s11] =	ssyncadd.s32 $0xFFFFC000  }
0x97: {  	[spmem:s3] =	stream.indirect.scatter.add.f32 [tilespmem:s9], [sflag:$0x7], $0x80, s28, s31, $0xb8;
	[tilespmem:$0x1EA00] =	vst v63  }
0x98: {  	s14 =	sand.u32 $0x380, s14;
	s15 =	sadd.s32 s12, s15;
	_ =	swait.ge [sflag:s23], $0x4000  }
0x99: {  	s15 =	sor.u32 s14, s15;
	s14 =	smov.u32 s18;
	[sflag:s23] =	ssyncset.done $0x0  }
0x9a: {  	s15 =	sshrl.u32 s15, $0x3;
	[sflag:s23] =	ssyncadd.s32 $0xFFFFC000  }
0x9b: {  	s16 =	sadd.s32 s6, s15  }
0x9c: {  	[tilespmem:s26], [sflag:$0x4] =	stream.linear.gather [hbm4b:s16+s4], $0x80, $0x38;
	[tilespmem:$0x1EA00] =	vst v63  }
0x9d: {  	s15 =	sadd.s32 s2, s15  }
0x9e: {  	[tilespmem:s28], [sflag:$0x6] =	stream.linear.gather [hbm4b:s15+s4], $0x80, $0x38;
	[tilespmem:$0x1EA00] =	vst v63  }
0x9f: {  	_ =	swait.ge [sflag:s0], $0x80  }
0xa0: {  	[sflag:s0] =	ssyncset.done $0x0  }
0xa1: {  	[sflag:s0] =	ssyncadd.s32 $0xFFFFFF80  }
0xa2: {  	_ =	swait.ge [sflag:s8], $0x80  }
.Ltmp1:
0xa3: {  	s15 =	sadd.s32 $0xFFFFFF80, s14;
	[sflag:s8] =	ssyncset.done $0x0;
	(pc) =	sbr.rel @p0 .LBB2_4-.Ltmp1, $4  }
0xa4: {  	s16 =	sand.u32 $0x7C00, s15;
	[sflag:s8] =	ssyncadd.s32 $0xFFFFFF80  }
0xa5: {  	[tilespmem:s9], [sflag:$0x2] =	stream.indirect.gather [hbm4b:s5+s31], $0x80, s26, s31, $0xb8;
	[tilespmem:$0x1EA00] =	vst v63  }
0xa6: {  	s15 =	sand.u32 $0x300, s15;
	s16 =	sadd.s32 s12, s16;
	_ =	swait.ge [sflag:s10], $0x4000  }
0xa7: {  	s16 =	sor.u32 s15, s16;
	s15 =	smov.u32 s17;
	[sflag:s10] =	ssyncset.done $0x0  }
0xa8: {  	[sflag:s10] =	ssyncadd.s32 $0xFFFFC000  }
0xa9: {  	[spmem:s3] =	stream.indirect.scatter.add.f32 [tilespmem:s1], [sflag:$0x7], $0x80, s25, s31, $0xb8;
	[tilespmem:$0x1EA00] =	vst v63  }
0xaa: {  	_ =	swait.ge [sflag:s23], $0x4000  }
0xab: {  	s15 =	sshrl.u32 s16, $0x3;
	[sflag:s23] =	ssyncset.done $0x0  }
0xac: {  	s16 =	sadd.s32 s6, s15;
	[sflag:s23] =	ssyncadd.s32 $0xFFFFC000  }
0xad: {  	[tilespmem:s24], [sflag:$0x3] =	stream.linear.gather [hbm4b:s16+s4], $0x80, $0x38;
	[tilespmem:$0x1EA00] =	vst v63  }
0xae: {  	s15 =	sadd.s32 s2, s15  }
0xaf: {  	[tilespmem:s25], [sflag:$0x5] =	stream.linear.gather [hbm4b:s15+s4], $0x80, $0x38;
	[tilespmem:$0x1EA00] =	vst v63  }
0xb0: {  	_ =	swait.ge [sflag:s29], $0x80  }
0xb1: {  	[sflag:s29] =	ssyncset.done $0x0  }
0xb2: {  	[sflag:s29] =	ssyncadd.s32 $0xFFFFFF80  }
0xb3: {  	_ =	swait.ge [sflag:s30], $0x80  }
0xb4: {  	[sflag:s30] =	ssyncset.done $0x0  }
0xb5: {  	[sflag:s30] =	ssyncadd.s32 $0xFFFFFF80  }
0xb6: {  	[tilespmem:s1], [sflag:$0x1] =	stream.indirect.gather [hbm4b:s5+s31], $0x80, s24, s31, $0xb8;
	[tilespmem:$0x1EA00] =	vst v63  }
0xb7: {  	_ =	swait.ge [sflag:s11], $0x4000  }
0xb8: {  	s17 =	sand.u32 $0x7C00, s14;
	[sflag:s11] =	ssyncset.done $0x0  }
0xb9: {  	s18 =	sand.u32 $0x380, s14;
	s15 =	sadd.s32 s12, s17;
	[sflag:s11] =	ssyncadd.s32 $0xFFFFC000  }
0xba: {  	[spmem:s3] =	stream.indirect.scatter.add.f32 [tilespmem:s9], [sflag:$0x7], $0x80, s28, s31, $0xb8;
	[tilespmem:$0x1EA00] =	vst v63  }
0xbb: {  	s14 =	sor.u32 s18, s15;
	_ =	swait.ge [sflag:s23], $0x4000  }
0xbc: {  	s14 =	sshrl.u32 s14, $0x3;
	[sflag:s23] =	ssyncset.done $0x0  }
0xbd: {  	s16 =	sadd.s32 s6, s14;
	[sflag:s23] =	ssyncadd.s32 $0xFFFFC000  }
0xbe: {  	[tilespmem:s26], [sflag:$0x4] =	stream.linear.gather [hbm4b:s16+s4], $0x80, $0x38;
	[tilespmem:$0x1EA00] =	vst v63  }
0xbf: {  	s14 =	sadd.s32 s2, s14  }
0xc0: {  	[tilespmem:s28], [sflag:$0x6] =	stream.linear.gather [hbm4b:s14+s4], $0x80, $0x38;
	[tilespmem:$0x1EA00] =	vst v63  }
0xc1: {  	_ =	swait.ge [sflag:s0], $0x80  }
0xc2: {  	[sflag:s0] =	ssyncset.done $0x0  }
0xc3: {  	[sflag:s0] =	ssyncadd.s32 $0xFFFFFF80  }
0xc4: {  	_ =	swait.ge [sflag:s8], $0x80  }
0xc5: {  	[sflag:s8] =	ssyncset.done $0x0  }
0xc6: {  	[sflag:s8] =	ssyncadd.s32 $0xFFFFFF80  }
0xc7: {  	[tilespmem:s9], [sflag:$0x2] =	stream.indirect.gather [hbm4b:s5+s31], $0x80, s26, s31, $0xb8;
	[tilespmem:$0x1EA00] =	vst v63  }
0xc8: {  	_ =	swait.ge [sflag:s10], $0x4000  }
0xc9: {  	[sflag:s10] =	ssyncset.done $0x0  }
0xca: {  	[sflag:s10] =	ssyncadd.s32 $0xFFFFC000  }
0xcb: {  	[spmem:s3] =	stream.indirect.scatter.add.f32 [tilespmem:s1], [sflag:$0x7], $0x80, s25, s31, $0xb8;
	[tilespmem:$0x1EA00] =	vst v63  }
0xcc: {  	_ =	swait.ge [sflag:s23], $0x4000  }
0xcd: {  	[sflag:s23] =	ssyncset.done $0x0  }
0xce: {  	[sflag:s23] =	ssyncadd.s32 $0xFFFFC000  }
0xcf: {  	_ =	swait.ge [sflag:s11], $0x4000  }
0xd0: {  	[sflag:s11] =	ssyncset.done $0x0  }
0xd1: {  	[sflag:s11] =	ssyncadd.s32 $0xFFFFC000  }
0xd2: {  	[spmem:s3] =	stream.indirect.scatter.add.f32 [tilespmem:s9], [sflag:$0x7], $0x80, s28, s31, $0xb8;
	[tilespmem:$0x1EA00] =	vst v63  }
0xd3: {  	s13 =	sadd.s32 $0x1, s13;
	_ =	swait.ge [sflag:s23], $0x4000  }
0xd4: {  	p0 =	sne.s32 s13, s21;
	s17 =	stileid.u32;
	[sflag:s23] =	ssyncset.done $0x0  }
0xd5: {  	s18 =	sshrl.u32 s7, $0x3;
	s14 =	sshll.u32 s17, $0x6;
	[sflag:s23] =	ssyncadd.s32 $0xFFFFC000  }
.Ltmp2:
0xd6: {  	s14 =	sor.u32 $0x1C07, s14;
	[bflag:$0x0] =	sbarrier.arrive $0xFFFF;
	(pc) =	sbr.rel @p0 .LBB2_1-.Ltmp2, $4  }
0xd7: {  	[hbm:s20], [sflag:s14] =	dma.local [spmem:s18], $0x2800  }
0xd8: {  	_ =	swait.ge [sflag:s23], $0x2800  }
0xd9: {  	[sflag:s23] =	ssyncset.done $0x0  }
0xda: {  	[sflag:s23] =	ssyncadd.s32 $0xFFFFD800  }
0xdb: {  	_ =	sfence.sel $0x180000  }
0xdc: {  	[bflag:$0x0] =	sbarrier.arrive $0xFFFF  }
0xdd: {  	_ =	strace $0x90000050  }
0xde: {  	s0 =	stileid.u32;
	[bflag:$0x2] =	sbarrier.arrive $0xFFFF  }
0xdf: {  	p0 =	sne.s32 s0, $0x0;
	s0 =	rddreg [dreg:$0x3]  }
0xe0: {  	s0 =	sadd.s32 @!p0 $0x100000, s0  }
0xe1: {  	[sflag:s0] =	ssyncadd.tile.s32 @!p0 $0x1;
	_ =	shalt  }
.Lfunc_end2:
_tile_overlayer_lowered:
.L_overlay_start_2:
0xe2: {  	(tag) =	ssettag $0x2  }
0xe3: {  	s0 =	rddreg [dreg:$0x0];
	s2 =	stileid.u32  }
0xe4: {  	s1 =	rddreg [dreg:$0x1];
	p0 =	sne.s32 s2, $0x0  }
0xe5: {  	s3 =	rddreg [dreg:$0x2];
	[bflag:$0x3] =	sbarrier.arrive $0xFFFF;
	s2 =	simm.s32 @!p0 $0x1C07  }
0xe6: {  	[timem:s3], [sflag:s2] =	dma.local @!p0 [hbm:s0], s1  }
0xe7: {  	s0 =	simm.s32 @!p0 $0x7  }
0xe8: {  	_ =	swait.ge @!p0 [sflag:s0], s1  }
0xe9: {  	s1 =	ssub.s32 @!p0 $0x0, s1;
	[sflag:s0] =	ssyncset.done @!p0 $0x0  }
0xea: {  	[sflag:s0] =	ssyncadd.s32 @!p0 s1  }
0xeb: {  	[bflag:$0x3] =	sbarrier.arrive $0xFFFF  }
0xec: {  	_ =	shalt  }

</sc_bundles>
